<compile_context>
chip_gen: v7x
topology: tpu7x:2x2x1
jax: 0.10.2.dev20260603
libtpu: 0.0.44.dev20260713+nightly
codegen_flags: <defaults>
</compile_context>

<pallas_src>
import functools

import jax
import jax.numpy as jnp
from jax import lax
from jax.experimental import pallas as pl
from jax.experimental.pallas import tpu as pltpu
from jax.experimental.pallas import tpu_sc as plsc

_B, _K, _D, _E, _P = 128, 36, 2048, 1024, 5
_GB = 4
_RT = _GB * _K
_N = _B * _K

_NC, _NS, _L = 2, 16, 16
_NW = _NC * _NS
_SLABW = 128
_NSLAB = _N // _SLABW
_BLKS = _SLABW // _L


def _sc_relation_weights(rng_hbm, w_hbm, buf, sem):
    f32 = jnp.float32
    i32 = jnp.int32
    wid = lax.axis_index("s") * _NC + lax.axis_index("c")
    lanes = lax.iota(i32, _L)

    def do_slab(slab):
        base = slab * _SLABW
        cp = pltpu.make_async_copy(rng_hbm.at[:, pl.ds(base, _SLABW)],
                                   buf, sem)
        cp.start()
        cp.wait()

        def blk_body(blk, carry):
            col0 = blk * _L
            run = jnp.zeros((_L,), f32)
            for j in range(_K):
                c = buf[j, pl.ds(col0, _L)]
                run = run + c
                buf[j, pl.ds(col0, _L)] = jnp.where(run <= float(_P), c, 0.0)
            deficit = jnp.maximum(float(_P) - run, 0.0)
            dcol = jnp.remainder(base + col0 + lanes, _K)
            for j in range(_K):
                wv = buf[j, pl.ds(col0, _L)]
                buf[j, pl.ds(col0, _L)] = wv + jnp.where(dcol == j,
                                                         deficit, 0.0)
            return carry

        lax.fori_loop(0, _BLKS, blk_body, 0)

        cp = pltpu.make_async_copy(buf, w_hbm.at[:, pl.ds(base, _SLABW)], sem)
        cp.start()
        cp.wait()

    do_slab(wid)

    @pl.when(wid < _NSLAB - _NW)
    def _second_slab():
        do_slab(wid + _NW)


_sc_w_kernel = functools.partial(
    pl.kernel,
    mesh=plsc.VectorSubcoreMesh(core_axis_name="c", subcore_axis_name="s"),
    out_type=jax.ShapeDtypeStruct((_K, _N), jnp.float32),
    scratch_types=[
        pltpu.VMEM((_K, _SLABW), jnp.float32),
        pltpu.SemaphoreType.DMA,
    ],
)(_sc_relation_weights)


def _tc_body(imgs_ref, s_ref, w_ref,
             gw1a_ref, gw1b_ref, gb1_ref, gw2_ref, gb2_ref,
             nw1a_ref, nw1b_ref, nb1_ref, nw2_ref, nb2_ref,
             mw1_ref, mb1_ref, mw2_ref, mb2_ref,
             out_ref):
    f32 = jnp.float32
    bf16 = jnp.bfloat16

    xb = imgs_ref[...]
    xb16 = xb.astype(bf16)
    sb16 = s_ref[...].astype(bf16)

    hg = jnp.dot(xb16, gw1a_ref[...], preferred_element_type=f32)
    hg = hg + jnp.dot(sb16, gw1b_ref[...], preferred_element_type=f32)
    hg = jnp.maximum(hg + gb1_ref[...], 0.0)
    gate = jnp.sum(hg * gw2_ref[...], axis=1, keepdims=True) + gb2_ref[...]
    m = jax.nn.sigmoid(gate)

    hn = jnp.dot(xb16, nw1a_ref[...], preferred_element_type=f32)
    hn = hn + jnp.dot(sb16, nw1b_ref[...], preferred_element_type=f32)
    hn = jnp.maximum(hn + nb1_ref[...], 0.0).astype(bf16)
    v = jnp.dot(hn, nw2_ref[...], preferred_element_type=f32) + nb2_ref[...]
    mv = m * v

    w = w_ref[...]
    outs = []
    for b in range(_GB):
        wb = w[b * _K:(b + 1) * _K, :]
        mvb = mv[b * _K:(b + 1) * _K, :]
        outs.append(jnp.dot(wb, mvb, preferred_element_type=f32))
    agg = jnp.concatenate(outs, axis=0)

    norm = jnp.sqrt(jnp.sum(agg * agg, axis=1, keepdims=True)) + 1e-8
    images2 = xb + agg / norm

    h3 = jnp.dot(images2.astype(bf16), mw1_ref[...], preferred_element_type=f32)
    h3 = jnp.maximum(h3 + mb1_ref[...], 0.0).astype(bf16)
    emb = jnp.dot(h3, mw2_ref[...], preferred_element_type=f32) + mb2_ref[...]
    n2 = jnp.sqrt(jnp.sum(emb * emb, axis=1, keepdims=True)) + 1e-8
    out_ref[...] = emb / n2


def kernel(images, bboxes, img_range, gw1, gb1, gw2, gb2,
           nw1, nb1, nw2, nb2, mw1, mb1, mw2, mb2):
    f32 = jnp.float32
    bf16 = jnp.bfloat16

    area = (bboxes[:, :, 2] - bboxes[:, :, 0]) * (bboxes[:, :, 3] - bboxes[:, :, 1])
    s = jnp.concatenate([bboxes, area[:, :, None]], axis=2) * 0.1
    s = jnp.pad(s, ((0, 0), (0, 0), (0, 3))).reshape(_N, 8)

    imgs = images.reshape(_N, _D)
    rng2d = img_range.reshape(_N, _K)

    wmat = _sc_w_kernel(rng2d.T).T

    gw1a = gw1[:, :_D].T.astype(bf16)
    gw1b = jnp.pad(gw1[:, _D:].T, ((0, 3), (0, 0))).astype(bf16)
    nw1a = nw1[:, :_D].T.astype(bf16)
    nw1b = jnp.pad(nw1[:, _D:].T, ((0, 3), (0, 0))).astype(bf16)
    nw2t = nw2.T.astype(bf16)
    mw1t = mw1.T.astype(bf16)
    mw2t = mw2.T.astype(bf16)

    gb1r = gb1.reshape(1, _D)
    gb2r = gb2.reshape(1, 1)
    nb1r = nb1.reshape(1, _D)
    nb2r = nb2.reshape(1, _D)
    mb1r = mb1.reshape(1, _D)
    mb2r = mb2.reshape(1, _E)

    row_spec = lambda cols: pl.BlockSpec((_RT, cols), lambda i: (i, 0))
    full_spec = lambda rows, cols: pl.BlockSpec((rows, cols), lambda i: (0, 0))

    out = pl.pallas_call(
        _tc_body,
        grid=(_B // _GB,),
        in_specs=[
            row_spec(_D),
            row_spec(8),
            row_spec(_K),
            full_spec(_D, _D),
            full_spec(8, _D),
            full_spec(1, _D),
            full_spec(1, _D),
            full_spec(1, 1),
            full_spec(_D, _D),
            full_spec(8, _D),
            full_spec(1, _D),
            full_spec(_D, _D),
            full_spec(1, _D),
            full_spec(_D, _D),
            full_spec(1, _D),
            full_spec(_D, _E),
            full_spec(1, _E),
        ],
        out_specs=row_spec(_E),
        out_shape=jax.ShapeDtypeStruct((_N, _E), f32),
        compiler_params=pltpu.CompilerParams(
            dimension_semantics=("arbitrary",),
        ),
    )(imgs, s, wmat, gw1a, gw1b, gb1r, gw2, gb2r,
      nw1a, nw1b, nb1r, nw2t, nb2r, mw1t, mb1r, mw2t, mb2r)

    return out.reshape(_B, _K, _E)

# --- scband reference (transcript-rebuilt; emitter-appended) ---
"""Pipeline reference for scband-encoder-image-3289944949024 (READ-ONLY COPY).

The authoritative reference and input builder live on the scoring server;
editing this copy changes nothing except your own understanding.
"""

import jax, jax.numpy as jnp
import numpy as np

B, K, D, E, P = 128, 36, 2048, 1024, 5


def l2norm(X, eps=1e-08):
    norm = jnp.sqrt(jnp.sum(jnp.power(X, 2), axis=-1, keepdims=True)) + eps
    return X / norm


def _lin_init(key, fan_in, fan_out):
    r = float(np.sqrt(6.0) / np.sqrt(fan_in + fan_out))
    w = jax.random.uniform(key, (fan_out, fan_in), jnp.float32, -r, r)
    b = jnp.zeros((fan_out,), jnp.float32)
    return w, b


def setup_inputs(seed: int = 0):
    key = jax.random.key(seed)
    ks = jax.random.split(key, 10)
    images = jax.random.normal(ks[0], (B, K, D), jnp.float32)
    bboxes = jax.random.uniform(ks[1], (B, K, 4), jnp.float32)
    img_range = jax.random.randint(ks[2], (B, K, K), 0, 2).astype(jnp.float32)
    gw1, gb1 = _lin_init(ks[3], D + 5, D)
    gw2, gb2 = _lin_init(ks[4], D, 1)
    nw1, nb1 = _lin_init(ks[5], D + 5, D)
    nw2, nb2 = _lin_init(ks[6], D, D)
    mw1, mb1 = _lin_init(ks[7], D, D)
    mw2, mb2 = _lin_init(ks[8], D, E)
    return {"images": images, "bboxes": bboxes, "img_range": img_range,
            "gw1": gw1, "gb1": gb1, "gw2": gw2, "gb2": gb2,
            "nw1": nw1, "nb1": nb1, "nw2": nw2, "nb2": nb2,
            "mw1": mw1, "mb1": mb1, "mw2": mw2, "mb2": mb2}


def reference(images, bboxes, img_range, gw1, gb1, gw2, gb2, nw1, nb1, nw2, nb2, mw1, mb1, mw2, mb2):
    area = (bboxes[:, :, 2] - bboxes[:, :, 0]) * (bboxes[:, :, 3] - bboxes[:, :, 1])
    s_infos = jnp.concatenate([bboxes, area[:, :, None]], axis=2)
    x = jnp.concatenate([images, s_infos * 0.1], axis=2)
    gate = jnp.maximum(x @ gw1.T + gb1, 0.0) @ gw2.T + gb2
    m = jax.nn.sigmoid(gate)
    v = jnp.maximum(x @ nw1.T + nb1, 0.0) @ nw2.T + nb2
    idx_background = jnp.broadcast_to(jnp.arange(K)[None, :, None], (B, K, P))
    effe_rels, topk_idx = jax.lax.top_k(img_range, P)
    effe_ids = jnp.where(effe_rels == 1.0, topk_idx, idx_background)
    b_idx = jnp.arange(B)[:, None, None]
    v_gather = v[b_idx, effe_ids]
    m_gather = m[b_idx, effe_ids]
    out = jnp.matmul(jnp.swapaxes(m_gather, 2, 3), v_gather)
    out = jnp.squeeze(out, axis=2)
    out = l2norm(out)
    images2 = images + out
    img_emb = jnp.maximum(images2 @ mw1.T + mb1, 0.0) @ mw2.T + mb2
    return l2norm(img_emb)

if __name__ == "__main__":
    import jax
    _d = setup_inputs()
    print(jax.jit(kernel)(*tuple(_d.values())))

</pallas_src>

<mosaic_0001>
#map = affine_map<(d0, d1) -> (0, 0)>
module attributes {stable_mosaic.version = 14 : i64} {
  func.func @_sc_relation_weights(%arg0: i32, %arg1: i32, %arg2: memref<36x4608xf32, #tpu.memory_space<hbm>>, %arg3: memref<36x4608xf32, #tpu.memory_space<hbm>>, %arg4: memref<36x128xf32, #tpu.memory_space<vmem>>, %arg5: memref<!tpu.dma_semaphore, #tpu.memory_space<semaphore_mem>>) attributes {dimension_semantics = [#tpu.dimension_semantics<core_parallel>, #tpu.dimension_semantics<subcore_parallel>], iteration_bounds = array<i64: 2, 16>, scalar_prefetch = 0 : i64, scratch_operands = 2 : i64, tpu.core_type = #tpu.core_type<sc_vector_subcore>, window_params = [{transform_indices = #map}, {transform_indices = #map}]} {
    %mul3A = arith.constant 2 : i32
    %mul3A_0 = arith.muli %arg1, %mul3A : i32
    %add3A = arith.addi %mul3A_0, %arg0 : i32
    %iota3A = tpu.iota {dimensions = array<i32: 0>} : vector<16xi32>
    %mul3A_1 = arith.constant 128 : i32
    %mul3A_2 = arith.muli %add3A, %mul3A_1 : i32
    %dma_start3A = arith.constant 0 : i32
    %dma_start3A_3 = tpu.memref_slice %arg2[%dma_start3A, %mul3A_2] : memref<36x4608xf32, #tpu.memory_space<hbm>> -> memref<36x128xf32, #tpu.memory_space<hbm>>
    %dma_start3A_4 = arith.constant 0 : i32
    %dma_start3A_5 = tpu.memref_slice %arg2[%dma_start3A_4, %mul3A_2] : memref<36x4608xf32, #tpu.memory_space<hbm>> -> memref<36x128xf32, #tpu.memory_space<hbm>>
    tpu.enqueue_dma source(%dma_start3A_5 : memref<36x128xf32, #tpu.memory_space<hbm>>) target(%arg4 : memref<36x128xf32, #tpu.memory_space<vmem>>) target_semaphore(%arg5 : memref<!tpu.dma_semaphore, #tpu.memory_space<semaphore_mem>>)
    %dma_wait3A = arith.constant 0 : i32
    %dma_wait3A_6 = tpu.memref_slice %arg2[%dma_wait3A, %mul3A_2] : memref<36x4608xf32, #tpu.memory_space<hbm>> -> memref<36x128xf32, #tpu.memory_space<hbm>>
    %dma_wait3A_7 = arith.constant 0 : i32
    %dma_wait3A_8 = tpu.memref_slice %arg2[%dma_wait3A_7, %mul3A_2] : memref<36x4608xf32, #tpu.memory_space<hbm>> -> memref<36x128xf32, #tpu.memory_space<hbm>>
    tpu.wait_dma2 semaphore(%arg5 : memref<!tpu.dma_semaphore, #tpu.memory_space<semaphore_mem>>) src(%dma_wait3A_8 : memref<36x128xf32, #tpu.memory_space<hbm>>) dst(%arg4 : memref<36x128xf32, #tpu.memory_space<vmem>>)
    %scan3A = arith.constant 0 : i32
    %scan3A_9 = arith.constant 0 : i32
    %scan3A_10 = arith.constant 8 : i32
    %scan3A_11 = arith.addi %scan3A_9, %scan3A_10 : i32
    %scan3A_12 = arith.constant 1 : i32
    scf.for %scan3A_24 = %scan3A_9 to %scan3A_11 step %scan3A_12  : i32 {
      %mul3A_25 = arith.constant 16 : i32
      %mul3A_26 = arith.muli %scan3A_24, %mul3A_25 : i32
      %broadcast_in_dim3A = arith.constant 0.000000e+00 : f32
      %broadcast_in_dim3A_27 = vector.broadcast %broadcast_in_dim3A : f32 to vector<16xf32>
      %get3A = arith.constant 0 : i32
      %get3A_28 = arith.index_cast %get3A : i32 to index
      %get3A_29 = arith.index_cast %mul3A_26 : i32 to index
      %get3A_30 = tpu.vector_load %arg4[%get3A_28, %get3A_29] {strides = array<i32>} : memref<36x128xf32, #tpu.memory_space<vmem>>, vector<1x16xf32>,
      %get3A_31 = vector.shape_cast %get3A_30 : vector<1x16xf32> to vector<16xf32>
      %add3A_32 = arith.addf %broadcast_in_dim3A_27, %get3A_31 : vector<16xf32>
      %le3A = arith.constant 5.000000e+00 : f32
      %le3A_33 = vector.broadcast %le3A : f32 to vector<16xf32>
      %le3A_34 = arith.cmpf ole, %add3A_32, %le3A_33 : vector<16xf32>
      %jit3A = arith.constant 0.000000e+00 : f32
      %broadcast_in_dim3A_35 = vector.broadcast %jit3A : f32 to vector<16xf32>
      %select_n3A = arith.select %le3A_34, %get3A_31, %broadcast_in_dim3A_35 : vector<16xi1>, vector<16xf32>
      %swap3A = arith.constant 0 : i32
      %swap3A_36 = arith.index_cast %swap3A : i32 to index
      %swap3A_37 = arith.index_cast %mul3A_26 : i32 to index
      %swap3A_38 = tpu.vector_load %arg4[%swap3A_36, %swap3A_37] {strides = array<i32>} : memref<36x128xf32, #tpu.memory_space<vmem>>, vector<1x16xf32>,
      %swap3A_39 = vector.shape_cast %swap3A_38 : vector<1x16xf32> to vector<16xf32>
      %swap3A_40 = vector.shape_cast %select_n3A : vector<16xf32> to vector<1x16xf32>
      tpu.vector_store %arg4[%swap3A_36, %swap3A_37], %swap3A_40 {strides = array<i32>} : memref<36x128xf32, #tpu.memory_space<vmem>>, vector<1x16xf32>,
      %get3A_41 = arith.constant 1 : i32
      %get3A_42 = arith.index_cast %get3A_41 : i32 to index
      %get3A_43 = arith.index_cast %mul3A_26 : i32 to index
      %get3A_44 = tpu.vector_load %arg4[%get3A_42, %get3A_43] {strides = array<i32>} : memref<36x128xf32, #tpu.memory_space<vmem>>, vector<1x16xf32>,
      %get3A_45 = vector.shape_cast %get3A_44 : vector<1x16xf32> to vector<16xf32>
      %add3A_46 = arith.addf %add3A_32, %get3A_45 : vector<16xf32>
      %le3A_47 = arith.constant 5.000000e+00 : f32
      %le3A_48 = vector.broadcast %le3A_47 : f32 to vector<16xf32>
      %le3A_49 = arith.cmpf ole, %add3A_46, %le3A_48 : vector<16xf32>
      %jit3A_50 = arith.constant 0.000000e+00 : f32
      %broadcast_in_dim3A_51 = vector.broadcast %jit3A_50 : f32 to vector<16xf32>
      %select_n3A_52 = arith.select %le3A_49, %get3A_45, %broadcast_in_dim3A_51 : vector<16xi1>, vector<16xf32>
      %swap3A_53 = arith.constant 1 : i32
      %swap3A_54 = arith.index_cast %swap3A_53 : i32 to index
      %swap3A_55 = arith.index_cast %mul3A_26 : i32 to index
      %swap3A_56 = tpu.vector_load %arg4[%swap3A_54, %swap3A_55] {strides = array<i32>} : memref<36x128xf32, #tpu.memory_space<vmem>>, vector<1x16xf32>,
      %swap3A_57 = vector.shape_cast %swap3A_56 : vector<1x16xf32> to vector<16xf32>
      %swap3A_58 = vector.shape_cast %select_n3A_52 : vector<16xf32> to vector<1x16xf32>
      tpu.vector_store %arg4[%swap3A_54, %swap3A_55], %swap3A_58 {strides = array<i32>} : memref<36x128xf32, #tpu.memory_space<vmem>>, vector<1x16xf32>,
      %get3A_59 = arith.constant 2 : i32
      %get3A_60 = arith.index_cast %get3A_59 : i32 to index
      %get3A_61 = arith.index_cast %mul3A_26 : i32 to index
      %get3A_62 = tpu.vector_load %arg4[%get3A_60, %get3A_61] {strides = array<i32>} : memref<36x128xf32, #tpu.memory_space<vmem>>, vector<1x16xf32>,
      %get3A_63 = vector.shape_cast %get3A_62 : vector<1x16xf32> to vector<16xf32>
      %add3A_64 = arith.addf %add3A_46, %get3A_63 : vector<16xf32>
      %le3A_65 = arith.constant 5.000000e+00 : f32
      %le3A_66 = vector.broadcast %le3A_65 : f32 to vector<16xf32>
      %le3A_67 = arith.cmpf ole, %add3A_64, %le3A_66 : vector<16xf32>
      %jit3A_68 = arith.constant 0.000000e+00 : f32
      %broadcast_in_dim3A_69 = vector.broadcast %jit3A_68 : f32 to vector<16xf32>
      %select_n3A_70 = arith.select %le3A_67, %get3A_63, %broadcast_in_dim3A_69 : vector<16xi1>, vector<16xf32>
      %swap3A_71 = arith.constant 2 : i32
      %swap3A_72 = arith.index_cast %swap3A_71 : i32 to index
      %swap3A_73 = arith.index_cast %mul3A_26 : i32 to index
      %swap3A_74 = tpu.vector_load %arg4[%swap3A_72, %swap3A_73] {strides = array<i32>} : memref<36x128xf32, #tpu.memory_space<vmem>>, vector<1x16xf32>,
      %swap3A_75 = vector.shape_cast %swap3A_74 : vector<1x16xf32> to vector<16xf32>
      %swap3A_76 = vector.shape_cast %select_n3A_70 : vector<16xf32> to vector<1x16xf32>
      tpu.vector_store %arg4[%swap3A_72, %swap3A_73], %swap3A_76 {strides = array<i32>} : memref<36x128xf32, #tpu.memory_space<vmem>>, vector<1x16xf32>,
      %get3A_77 = arith.constant 3 : i32
      %get3A_78 = arith.index_cast %get3A_77 : i32 to index
      %get3A_79 = arith.index_cast %mul3A_26 : i32 to index
      %get3A_80 = tpu.vector_load %arg4[%get3A_78, %get3A_79] {strides = array<i32>} : memref<36x128xf32, #tpu.memory_space<vmem>>, vector<1x16xf32>,
      %get3A_81 = vector.shape_cast %get3A_80 : vector<1x16xf32> to vector<16xf32>
      %add3A_82 = arith.addf %add3A_64, %get3A_81 : vector<16xf32>
      %le3A_83 = arith.constant 5.000000e+00 : f32
      %le3A_84 = vector.broadcast %le3A_83 : f32 to vector<16xf32>
      %le3A_85 = arith.cmpf ole, %add3A_82, %le3A_84 : vector<16xf32>
      %jit3A_86 = arith.constant 0.000000e+00 : f32
      %broadcast_in_dim3A_87 = vector.broadcast %jit3A_86 : f32 to vector<16xf32>
      %select_n3A_88 = arith.select %le3A_85, %get3A_81, %broadcast_in_dim3A_87 : vector<16xi1>, vector<16xf32>
      %swap3A_89 = arith.constant 3 : i32
      %swap3A_90 = arith.index_cast %swap3A_89 : i32 to index
      %swap3A_91 = arith.index_cast %mul3A_26 : i32 to index
      %swap3A_92 = tpu.vector_load %arg4[%swap3A_90, %swap3A_91] {strides = array<i32>} : memref<36x128xf32, #tpu.memory_space<vmem>>, vector<1x16xf32>,
      %swap3A_93 = vector.shape_cast %swap3A_92 : vector<1x16xf32> to vector<16xf32>
      %swap3A_94 = vector.shape_cast %select_n3A_88 : vector<16xf32> to vector<1x16xf32>
      tpu.vector_store %arg4[%swap3A_90, %swap3A_91], %swap3A_94 {strides = array<i32>} : memref<36x128xf32, #tpu.memory_space<vmem>>, vector<1x16xf32>,
      %get3A_95 = arith.constant 4 : i32
      %get3A_96 = arith.index_cast %get3A_95 : i32 to index
      %get3A_97 = arith.index_cast %mul3A_26 : i32 to index
      %get3A_98 = tpu.vector_load %arg4[%get3A_96, %get3A_97] {strides = array<i32>} : memref<36x128xf32, #tpu.memory_space<vmem>>, vector<1x16xf32>,
      %get3A_99 = vector.shape_cast %get3A_98 : vector<1x16xf32> to vector<16xf32>
      %add3A_100 = arith.addf %add3A_82, %get3A_99 : vector<16xf32>
      %le3A_101 = arith.constant 5.000000e+00 : f32
      %le3A_102 = vector.broadcast %le3A_101 : f32 to vector<16xf32>
      %le3A_103 = arith.cmpf ole, %add3A_100, %le3A_102 : vector<16xf32>
      %jit3A_104 = arith.constant 0.000000e+00 : f32
      %broadcast_in_dim3A_105 = vector.broadcast %jit3A_104 : f32 to vector<16xf32>
      %select_n3A_106 = arith.select %le3A_103, %get3A_99, %broadcast_in_dim3A_105 : vector<16xi1>, vector<16xf32>
      %swap3A_107 = arith.constant 4 : i32
      %swap3A_108 = arith.index_cast %swap3A_107 : i32 to index
      %swap3A_109 = arith.index_cast %mul3A_26 : i32 to index
      %swap3A_110 = tpu.vector_load %arg4[%swap3A_108, %swap3A_109] {strides = array<i32>} : memref<36x128xf32, #tpu.memory_space<vmem>>, vector<1x16xf32>,
      %swap3A_111 = vector.shape_cast %swap3A_110 : vector<1x16xf32> to vector<16xf32>
      %swap3A_112 = vector.shape_cast %select_n3A_106 : vector<16xf32> to vector<1x16xf32>
      tpu.vector_store %arg4[%swap3A_108, %swap3A_109], %swap3A_112 {strides = array<i32>} : memref<36x128xf32, #tpu.memory_space<vmem>>, vector<1x16xf32>,
      %get3A_113 = arith.constant 5 : i32
      %get3A_114 = arith.index_cast %get3A_113 : i32 to index
      %get3A_115 = arith.index_cast %mul3A_26 : i32 to index
      %get3A_116 = tpu.vector_load %arg4[%get3A_114, %get3A_115] {strides = array<i32>} : memref<36x128xf32, #tpu.memory_space<vmem>>, vector<1x16xf32>,
      %get3A_117 = vector.shape_cast %get3A_116 : vector<1x16xf32> to vector<16xf32>
      %add3A_118 = arith.addf %add3A_100, %get3A_117 : vector<16xf32>
      %le3A_119 = arith.constant 5.000000e+00 : f32
      %le3A_120 = vector.broadcast %le3A_119 : f32 to vector<16xf32>
      %le3A_121 = arith.cmpf ole, %add3A_118, %le3A_120 : vector<16xf32>
      %jit3A_122 = arith.constant 0.000000e+00 : f32
      %broadcast_in_dim3A_123 = vector.broadcast %jit3A_122 : f32 to vector<16xf32>
      %select_n3A_124 = arith.select %le3A_121, %get3A_117, %broadcast_in_dim3A_123 : vector<16xi1>, vector<16xf32>
      %swap3A_125 = arith.constant 5 : i32
      %swap3A_126 = arith.index_cast %swap3A_125 : i32 to index
      %swap3A_127 = arith.index_cast %mul3A_26 : i32 to index
      %swap3A_128 = tpu.vector_load %arg4[%swap3A_126, %swap3A_127] {strides = array<i32>} : memref<36x128xf32, #tpu.memory_space<vmem>>, vector<1x16xf32>,
      %swap3A_129 = vector.shape_cast %swap3A_128 : vector<1x16xf32> to vector<16xf32>
      %swap3A_130 = vector.shape_cast %select_n3A_124 : vector<16xf32> to vector<1x16xf32>
      tpu.vector_store %arg4[%swap3A_126, %swap3A_127], %swap3A_130 {strides = array<i32>} : memref<36x128xf32, #tpu.memory_space<vmem>>, vector<1x16xf32>,
      %get3A_131 = arith.constant 6 : i32
      %get3A_132 = arith.index_cast %get3A_131 : i32 to index
      %get3A_133 = arith.index_cast %mul3A_26 : i32 to index
      %get3A_134 = tpu.vector_load %arg4[%get3A_132, %get3A_133] {strides = array<i32>} : memref<36x128xf32, #tpu.memory_space<vmem>>, vector<1x16xf32>,
      %get3A_135 = vector.shape_cast %get3A_134 : vector<1x16xf32> to vector<16xf32>
      %add3A_136 = arith.addf %add3A_118, %get3A_135 : vector<16xf32>
      %le3A_137 = arith.constant 5.000000e+00 : f32
      %le3A_138 = vector.broadcast %le3A_137 : f32 to vector<16xf32>
      %le3A_139 = arith.cmpf ole, %add3A_136, %le3A_138 : vector<16xf32>
      %jit3A_140 = arith.constant 0.000000e+00 : f32
      %broadcast_in_dim3A_141 = vector.broadcast %jit3A_140 : f32 to vector<16xf32>
      %select_n3A_142 = arith.select %le3A_139, %get3A_135, %broadcast_in_dim3A_141 : vector<16xi1>, vector<16xf32>
      %swap3A_143 = arith.constant 6 : i32
      %swap3A_144 = arith.index_cast %swap3A_143 : i32 to index
      %swap3A_145 = arith.index_cast %mul3A_26 : i32 to index
      %swap3A_146 = tpu.vector_load %arg4[%swap3A_144, %swap3A_145] {strides = array<i32>} : memref<36x128xf32, #tpu.memory_space<vmem>>, vector<1x16xf32>,
      %swap3A_147 = vector.shape_cast %swap3A_146 : vector<1x16xf32> to vector<16xf32>
      %swap3A_148 = vector.shape_cast %select_n3A_142 : vector<16xf32> to vector<1x16xf32>
      tpu.vector_store %arg4[%swap3A_144, %swap3A_145], %swap3A_148 {strides = array<i32>} : memref<36x128xf32, #tpu.memory_space<vmem>>, vector<1x16xf32>,
      %get3A_149 = arith.constant 7 : i32
      %get3A_150 = arith.index_cast %get3A_149 : i32 to index
      %get3A_151 = arith.index_cast %mul3A_26 : i32 to index
      %get3A_152 = tpu.vector_load %arg4[%get3A_150, %get3A_151] {strides = array<i32>} : memref<36x128xf32, #tpu.memory_space<vmem>>, vector<1x16xf32>,
      %get3A_153 = vector.shape_cast %get3A_152 : vector<1x16xf32> to vector<16xf32>
      %add3A_154 = arith.addf %add3A_136, %get3A_153 : vector<16xf32>
      %le3A_155 = arith.constant 5.000000e+00 : f32
      %le3A_156 = vector.broadcast %le3A_155 : f32 to vector<16xf32>
      %le3A_157 = arith.cmpf ole, %add3A_154, %le3A_156 : vector<16xf32>
      %jit3A_158 = arith.constant 0.000000e+00 : f32
      %broadcast_in_dim3A_159 = vector.broadcast %jit3A_158 : f32 to vector<16xf32>
      %select_n3A_160 = arith.select %le3A_157, %get3A_153, %broadcast_in_dim3A_159 : vector<16xi1>, vector<16xf32>
      %swap3A_161 = arith.constant 7 : i32
      %swap3A_162 = arith.index_cast %swap3A_161 : i32 to index
      %swap3A_163 = arith.index_cast %mul3A_26 : i32 to index
      %swap3A_164 = tpu.vector_load %arg4[%swap3A_162, %swap3A_163] {strides = array<i32>} : memref<36x128xf32, #tpu.memory_space<vmem>>, vector<1x16xf32>,
      %swap3A_165 = vector.shape_cast %swap3A_164 : vector<1x16xf32> to vector<16xf32>
      %swap3A_166 = vector.shape_cast %select_n3A_160 : vector<16xf32> to vector<1x16xf32>
      tpu.vector_store %arg4[%swap3A_162, %swap3A_163], %swap3A_166 {strides = array<i32>} : memref<36x128xf32, #tpu.memory_space<vmem>>, vector<1x16xf32>,
      %get3A_167 = arith.constant 8 : i32
      %get3A_168 = arith.index_cast %get3A_167 : i32 to index
      %get3A_169 = arith.index_cast %mul3A_26 : i32 to index
      %get3A_170 = tpu.vector_load %arg4[%get3A_168, %get3A_169] {strides = array<i32>} : memref<36x128xf32, #tpu.memory_space<vmem>>, vector<1x16xf32>,
      %get3A_171 = vector.shape_cast %get3A_170 : vector<1x16xf32> to vector<16xf32>
      %add3A_172 = arith.addf %add3A_154, %get3A_171 : vector<16xf32>
      %le3A_173 = arith.constant 5.000000e+00 : f32
      %le3A_174 = vector.broadcast %le3A_173 : f32 to vector<16xf32>
      %le3A_175 = arith.cmpf ole, %add3A_172, %le3A_174 : vector<16xf32>
      %jit3A_176 = arith.constant 0.000000e+00 : f32
      %broadcast_in_dim3A_177 = vector.broadcast %jit3A_176 : f32 to vector<16xf32>
      %select_n3A_178 = arith.select %le3A_175, %get3A_171, %broadcast_in_dim3A_177 : vector<16xi1>, vector<16xf32>
      %swap3A_179 = arith.constant 8 : i32
      %swap3A_180 = arith.index_cast %swap3A_179 : i32 to index
      %swap3A_181 = arith.index_cast %mul3A_26 : i32 to index
      %swap3A_182 = tpu.vector_load %arg4[%swap3A_180, %swap3A_181] {strides = array<i32>} : memref<36x128xf32, #tpu.memory_space<vmem>>, vector<1x16xf32>,
      %swap3A_183 = vector.shape_cast %swap3A_182 : vector<1x16xf32> to vector<16xf32>
      %swap3A_184 = vector.shape_cast %select_n3A_178 : vector<16xf32> to vector<1x16xf32>
      tpu.vector_store %arg4[%swap3A_180, %swap3A_181], %swap3A_184 {strides = array<i32>} : memref<36x128xf32, #tpu.memory_space<vmem>>, vector<1x16xf32>,
      %get3A_185 = arith.constant 9 : i32
      %get3A_186 = arith.index_cast %get3A_185 : i32 to index
      %get3A_187 = arith.index_cast %mul3A_26 : i32 to index
      %get3A_188 = tpu.vector_load %arg4[%get3A_186, %get3A_187] {strides = array<i32>} : memref<36x128xf32, #tpu.memory_space<vmem>>, vector<1x16xf32>,
      %get3A_189 = vector.shape_cast %get3A_188 : vector<1x16xf32> to vector<16xf32>
      %add3A_190 = arith.addf %add3A_172, %get3A_189 : vector<16xf32>
      %le3A_191 = arith.constant 5.000000e+00 : f32
      %le3A_192 = vector.broadcast %le3A_191 : f32 to vector<16xf32>
      %le3A_193 = arith.cmpf ole, %add3A_190, %le3A_192 : vector<16xf32>
      %jit3A_194 = arith.constant 0.000000e+00 : f32
      %broadcast_in_dim3A_195 = vector.broadcast %jit3A_194 : f32 to vector<16xf32>
      %select_n3A_196 = arith.select %le3A_193, %get3A_189, %broadcast_in_dim3A_195 : vector<16xi1>, vector<16xf32>
      %swap3A_197 = arith.constant 9 : i32
      %swap3A_198 = arith.index_cast %swap3A_197 : i32 to index
      %swap3A_199 = arith.index_cast %mul3A_26 : i32 to index
      %swap3A_200 = tpu.vector_load %arg4[%swap3A_198, %swap3A_199] {strides = array<i32>} : memref<36x128xf32, #tpu.memory_space<vmem>>, vector<1x16xf32>,
      %swap3A_201 = vector.shape_cast %swap3A_200 : vector<1x16xf32> to vector<16xf32>
      %swap3A_202 = vector.shape_cast %select_n3A_196 : vector<16xf32> to vector<1x16xf32>
      tpu.vector_store %arg4[%swap3A_198, %swap3A_199], %swap3A_202 {strides = array<i32>} : memref<36x128xf32, #tpu.memory_space<vmem>>, vector<1x16xf32>,
      %get3A_203 = arith.constant 10 : i32
      %get3A_204 = arith.index_cast %get3A_203 : i32 to index
      %get3A_205 = arith.index_cast %mul3A_26 : i32 to index
      %get3A_206 = tpu.vector_load %arg4[%get3A_204, %get3A_205] {strides = array<i32>} : memref<36x128xf32, #tpu.memory_space<vmem>>, vector<1x16xf32>,
      %get3A_207 = vector.shape_cast %get3A_206 : vector<1x16xf32> to vector<16xf32>
      %add3A_208 = arith.addf %add3A_190, %get3A_207 : vector<16xf32>
      %le3A_209 = arith.constant 5.000000e+00 : f32
      %le3A_210 = vector.broadcast %le3A_209 : f32 to vector<16xf32>
      %le3A_211 = arith.cmpf ole, %add3A_208, %le3A_210 : vector<16xf32>
      %jit3A_212 = arith.constant 0.000000e+00 : f32
      %broadcast_in_dim3A_213 = vector.broadcast %jit3A_212 : f32 to vector<16xf32>
      %select_n3A_214 = arith.select %le3A_211, %get3A_207, %broadcast_in_dim3A_213 : vector<16xi1>, vector<16xf32>
      %swap3A_215 = arith.constant 10 : i32
      %swap3A_216 = arith.index_cast %swap3A_215 : i32 to index
      %swap3A_217 = arith.index_cast %mul3A_26 : i32 to index
      %swap3A_218 = tpu.vector_load %arg4[%swap3A_216, %swap3A_217] {strides = array<i32>} : memref<36x128xf32, #tpu.memory_space<vmem>>, vector<1x16xf32>,
      %swap3A_219 = vector.shape_cast %swap3A_218 : vector<1x16xf32> to vector<16xf32>
      %swap3A_220 = vector.shape_cast %select_n3A_214 : vector<16xf32> to vector<1x16xf32>
      tpu.vector_store %arg4[%swap3A_216, %swap3A_217], %swap3A_220 {strides = array<i32>} : memref<36x128xf32, #tpu.memory_space<vmem>>, vector<1x16xf32>,
      %get3A_221 = arith.constant 11 : i32
      %get3A_222 = arith.index_cast %get3A_221 : i32 to index
      %get3A_223 = arith.index_cast %mul3A_26 : i32 to index
      %get3A_224 = tpu.vector_load %arg4[%get3A_222, %get3A_223] {strides = array<i32>} : memref<36x128xf32, #tpu.memory_space<vmem>>, vector<1x16xf32>,
      %get3A_225 = vector.shape_cast %get3A_224 : vector<1x16xf32> to vector<16xf32>
      %add3A_226 = arith.addf %add3A_208, %get3A_225 : vector<16xf32>
      %le3A_227 = arith.constant 5.000000e+00 : f32
      %le3A_228 = vector.broadcast %le3A_227 : f32 to vector<16xf32>
      %le3A_229 = arith.cmpf ole, %add3A_226, %le3A_228 : vector<16xf32>
      %jit3A_230 = arith.constant 0.000000e+00 : f32
      %broadcast_in_dim3A_231 = vector.broadcast %jit3A_230 : f32 to vector<16xf32>
      %select_n3A_232 = arith.select %le3A_229, %get3A_225, %broadcast_in_dim3A_231 : vector<16xi1>, vector<16xf32>
      %swap3A_233 = arith.constant 11 : i32
      %swap3A_234 = arith.index_cast %swap3A_233 : i32 to index
      %swap3A_235 = arith.index_cast %mul3A_26 : i32 to index
      %swap3A_236 = tpu.vector_load %arg4[%swap3A_234, %swap3A_235] {strides = array<i32>} : memref<36x128xf32, #tpu.memory_space<vmem>>, vector<1x16xf32>,
      %swap3A_237 = vector.shape_cast %swap3A_236 : vector<1x16xf32> to vector<16xf32>
      %swap3A_238 = vector.shape_cast %select_n3A_232 : vector<16xf32> to vector<1x16xf32>
      tpu.vector_store %arg4[%swap3A_234, %swap3A_235], %swap3A_238 {strides = array<i32>} : memref<36x128xf32, #tpu.memory_space<vmem>>, vector<1x16xf32>,
      %get3A_239 = arith.constant 12 : i32
      %get3A_240 = arith.index_cast %get3A_239 : i32 to index
      %get3A_241 = arith.index_cast %mul3A_26 : i32 to index
      %get3A_242 = tpu.vector_load %arg4[%get3A_240, %get3A_241] {strides = array<i32>} : memref<36x128xf32, #tpu.memory_space<vmem>>, vector<1x16xf32>,
      %get3A_243 = vector.shape_cast %get3A_242 : vector<1x16xf32> to vector<16xf32>
      %add3A_244 = arith.addf %add3A_226, %get3A_243 : vector<16xf32>
      %le3A_245 = arith.constant 5.000000e+00 : f32
      %le3A_246 = vector.broadcast %le3A_245 : f32 to vector<16xf32>
      %le3A_247 = arith.cmpf ole, %add3A_244, %le3A_246 : vector<16xf32>
      %jit3A_248 = arith.constant 0.000000e+00 : f32
      %broadcast_in_dim3A_249 = vector.broadcast %jit3A_248 : f32 to vector<16xf32>
      %select_n3A_250 = arith.select %le3A_247, %get3A_243, %broadcast_in_dim3A_249 : vector<16xi1>, vector<16xf32>
      %swap3A_251 = arith.constant 12 : i32
      %swap3A_252 = arith.index_cast %swap3A_251 : i32 to index
      %swap3A_253 = arith.index_cast %mul3A_26 : i32 to index
      %swap3A_254 = tpu.vector_load %arg4[%swap3A_252, %swap3A_253] {strides = array<i32>} : memref<36x128xf32, #tpu.memory_space<vmem>>, vector<1x16xf32>,
      %swap3A_255 = vector.shape_cast %swap3A_254 : vector<1x16xf32> to vector<16xf32>
      %swap3A_256 = vector.shape_cast %select_n3A_250 : vector<16xf32> to vector<1x16xf32>
      tpu.vector_store %arg4[%swap3A_252, %swap3A_253], %swap3A_256 {strides = array<i32>} : memref<36x128xf32, #tpu.memory_space<vmem>>, vector<1x16xf32>,
      %get3A_257 = arith.constant 13 : i32
      %get3A_258 = arith.index_cast %get3A_257 : i32 to index
      %get3A_259 = arith.index_cast %mul3A_26 : i32 to index
      %get3A_260 = tpu.vector_load %arg4[%get3A_258, %get3A_259] {strides = array<i32>} : memref<36x128xf32, #tpu.memory_space<vmem>>, vector<1x16xf32>,
      %get3A_261 = vector.shape_cast %get3A_260 : vector<1x16xf32> to vector<16xf32>
      %add3A_262 = arith.addf %add3A_244, %get3A_261 : vector<16xf32>
      %le3A_263 = arith.constant 5.000000e+00 : f32
      %le3A_264 = vector.broadcast %le3A_263 : f32 to vector<16xf32>
      %le3A_265 = arith.cmpf ole, %add3A_262, %le3A_264 : vector<16xf32>
      %jit3A_266 = arith.constant 0.000000e+00 : f32
      %broadcast_in_dim3A_267 = vector.broadcast %jit3A_266 : f32 to vector<16xf32>
      %select_n3A_268 = arith.select %le3A_265, %get3A_261, %broadcast_in_dim3A_267 : vector<16xi1>, vector<16xf32>
      %swap3A_269 = arith.constant 13 : i32
      %swap3A_270 = arith.index_cast %swap3A_269 : i32 to index
      %swap3A_271 = arith.index_cast %mul3A_26 : i32 to index
      %swap3A_272 = tpu.vector_load %arg4[%swap3A_270, %swap3A_271] {strides = array<i32>} : memref<36x128xf32, #tpu.memory_space<vmem>>, vector<1x16xf32>,
      %swap3A_273 = vector.shape_cast %swap3A_272 : vector<1x16xf32> to vector<16xf32>
      %swap3A_274 = vector.shape_cast %select_n3A_268 : vector<16xf32> to vector<1x16xf32>
      tpu.vector_store %arg4[%swap3A_270, %swap3A_271], %swap3A_274 {strides = array<i32>} : memref<36x128xf32, #tpu.memory_space<vmem>>, vector<1x16xf32>,
      %get3A_275 = arith.constant 14 : i32
      %get3A_276 = arith.index_cast %get3A_275 : i32 to index
      %get3A_277 = arith.index_cast %mul3A_26 : i32 to index
      %get3A_278 = tpu.vector_load %arg4[%get3A_276, %get3A_277] {strides = array<i32>} : memref<36x128xf32, #tpu.memory_space<vmem>>, vector<1x16xf32>,
      %get3A_279 = vector.shape_cast %get3A_278 : vector<1x16xf32> to vector<16xf32>
      %add3A_280 = arith.addf %add3A_262, %get3A_279 : vector<16xf32>
      %le3A_281 = arith.constant 5.000000e+00 : f32
      %le3A_282 = vector.broadcast %le3A_281 : f32 to vector<16xf32>
      %le3A_283 = arith.cmpf ole, %add3A_280, %le3A_282 : vector<16xf32>
      %jit3A_284 = arith.constant 0.000000e+00 : f32
      %broadcast_in_dim3A_285 = vector.broadcast %jit3A_284 : f32 to vector<16xf32>
      %select_n3A_286 = arith.select %le3A_283, %get3A_279, %broadcast_in_dim3A_285 : vector<16xi1>, vector<16xf32>
      %swap3A_287 = arith.constant 14 : i32
      %swap3A_288 = arith.index_cast %swap3A_287 : i32 to index
      %swap3A_289 = arith.index_cast %mul3A_26 : i32 to index
      %swap3A_290 = tpu.vector_load %arg4[%swap3A_288, %swap3A_289] {strides = array<i32>} : memref<36x128xf32, #tpu.memory_space<vmem>>, vector<1x16xf32>,
      %swap3A_291 = vector.shape_cast %swap3A_290 : vector<1x16xf32> to vector<16xf32>
      %swap3A_292 = vector.shape_cast %select_n3A_286 : vector<16xf32> to vector<1x16xf32>
      tpu.vector_store %arg4[%swap3A_288, %swap3A_289], %swap3A_292 {strides = array<i32>} : memref<36x128xf32, #tpu.memory_space<vmem>>, vector<1x16xf32>,
      %get3A_293 = arith.constant 15 : i32
      %get3A_294 = arith.index_cast %get3A_293 : i32 to index
      %get3A_295 = arith.index_cast %mul3A_26 : i32 to index
      %get3A_296 = tpu.vector_load %arg4[%get3A_294, %get3A_295] {strides = array<i32>} : memref<36x128xf32, #tpu.memory_space<vmem>>, vector<1x16xf32>,
      %get3A_297 = vector.shape_cast %get3A_296 : vector<1x16xf32> to vector<16xf32>
      %add3A_298 = arith.addf %add3A_280, %get3A_297 : vector<16xf32>
      %le3A_299 = arith.constant 5.000000e+00 : f32
      %le3A_300 = vector.broadcast %le3A_299 : f32 to vector<16xf32>
      %le3A_301 = arith.cmpf ole, %add3A_298, %le3A_300 : vector<16xf32>
      %jit3A_302 = arith.constant 0.000000e+00 : f32
      %broadcast_in_dim3A_303 = vector.broadcast %jit3A_302 : f32 to vector<16xf32>
      %select_n3A_304 = arith.select %le3A_301, %get3A_297, %broadcast_in_dim3A_303 : vector<16xi1>, vector<16xf32>
      %swap3A_305 = arith.constant 15 : i32
      %swap3A_306 = arith.index_cast %swap3A_305 : i32 to index
      %swap3A_307 = arith.index_cast %mul3A_26 : i32 to index
      %swap3A_308 = tpu.vector_load %arg4[%swap3A_306, %swap3A_307] {strides = array<i32>} : memref<36x128xf32, #tpu.memory_space<vmem>>, vector<1x16xf32>,
      %swap3A_309 = vector.shape_cast %swap3A_308 : vector<1x16xf32> to vector<16xf32>
      %swap3A_310 = vector.shape_cast %select_n3A_304 : vector<16xf32> to vector<1x16xf32>
      tpu.vector_store %arg4[%swap3A_306, %swap3A_307], %swap3A_310 {strides = array<i32>} : memref<36x128xf32, #tpu.memory_space<vmem>>, vector<1x16xf32>,
      %get3A_311 = arith.constant 16 : i32
      %get3A_312 = arith.index_cast %get3A_311 : i32 to index
      %get3A_313 = arith.index_cast %mul3A_26 : i32 to index
      %get3A_314 = tpu.vector_load %arg4[%get3A_312, %get3A_313] {strides = array<i32>} : memref<36x128xf32, #tpu.memory_space<vmem>>, vector<1x16xf32>,
      %get3A_315 = vector.shape_cast %get3A_314 : vector<1x16xf32> to vector<16xf32>
      %add3A_316 = arith.addf %add3A_298, %get3A_315 : vector<16xf32>
      %le3A_317 = arith.constant 5.000000e+00 : f32
      %le3A_318 = vector.broadcast %le3A_317 : f32 to vector<16xf32>
      %le3A_319 = arith.cmpf ole, %add3A_316, %le3A_318 : vector<16xf32>
      %jit3A_320 = arith.constant 0.000000e+00 : f32
      %broadcast_in_dim3A_321 = vector.broadcast %jit3A_320 : f32 to vector<16xf32>
      %select_n3A_322 = arith.select %le3A_319, %get3A_315, %broadcast_in_dim3A_321 : vector<16xi1>, vector<16xf32>
      %swap3A_323 = arith.constant 16 : i32
      %swap3A_324 = arith.index_cast %swap3A_323 : i32 to index
      %swap3A_325 = arith.index_cast %mul3A_26 : i32 to index
      %swap3A_326 = tpu.vector_load %arg4[%swap3A_324, %swap3A_325] {strides = array<i32>} : memref<36x128xf32, #tpu.memory_space<vmem>>, vector<1x16xf32>,
      %swap3A_327 = vector.shape_cast %swap3A_326 : vector<1x16xf32> to vector<16xf32>
      %swap3A_328 = vector.shape_cast %select_n3A_322 : vector<16xf32> to vector<1x16xf32>
      tpu.vector_store %arg4[%swap3A_324, %swap3A_325], %swap3A_328 {strides = array<i32>} : memref<36x128xf32, #tpu.memory_space<vmem>>, vector<1x16xf32>,
      %get3A_329 = arith.constant 17 : i32
      %get3A_330 = arith.index_cast %get3A_329 : i32 to index
      %get3A_331 = arith.index_cast %mul3A_26 : i32 to index
      %get3A_332 = tpu.vector_load %arg4[%get3A_330, %get3A_331] {strides = array<i32>} : memref<36x128xf32, #tpu.memory_space<vmem>>, vector<1x16xf32>,
      %get3A_333 = vector.shape_cast %get3A_332 : vector<1x16xf32> to vector<16xf32>
      %add3A_334 = arith.addf %add3A_316, %get3A_333 : vector<16xf32>
      %le3A_335 = arith.constant 5.000000e+00 : f32
      %le3A_336 = vector.broadcast %le3A_335 : f32 to vector<16xf32>
      %le3A_337 = arith.cmpf ole, %add3A_334, %le3A_336 : vector<16xf32>
      %jit3A_338 = arith.constant 0.000000e+00 : f32
      %broadcast_in_dim3A_339 = vector.broadcast %jit3A_338 : f32 to vector<16xf32>
      %select_n3A_340 = arith.select %le3A_337, %get3A_333, %broadcast_in_dim3A_339 : vector<16xi1>, vector<16xf32>
      %swap3A_341 = arith.constant 17 : i32
      %swap3A_342 = arith.index_cast %swap3A_341 : i32 to index
      %swap3A_343 = arith.index_cast %mul3A_26 : i32 to index
      %swap3A_344 = tpu.vector_load %arg4[%swap3A_342, %swap3A_343] {strides = array<i32>} : memref<36x128xf32, #tpu.memory_space<vmem>>, vector<1x16xf32>,
      %swap3A_345 = vector.shape_cast %swap3A_344 : vector<1x16xf32> to vector<16xf32>
      %swap3A_346 = vector.shape_cast %select_n3A_340 : vector<16xf32> to vector<1x16xf32>
      tpu.vector_store %arg4[%swap3A_342, %swap3A_343], %swap3A_346 {strides = array<i32>} : memref<36x128xf32, #tpu.memory_space<vmem>>, vector<1x16xf32>,
      %get3A_347 = arith.constant 18 : i32
      %get3A_348 = arith.index_cast %get3A_347 : i32 to index
      %get3A_349 = arith.index_cast %mul3A_26 : i32 to index
      %get3A_350 = tpu.vector_load %arg4[%get3A_348, %get3A_349] {strides = array<i32>} : memref<36x128xf32, #tpu.memory_space<vmem>>, vector<1x16xf32>,
      %get3A_351 = vector.shape_cast %get3A_350 : vector<1x16xf32> to vector<16xf32>
      %add3A_352 = arith.addf %add3A_334, %get3A_351 : vector<16xf32>
      %le3A_353 = arith.constant 5.000000e+00 : f32
      %le3A_354 = vector.broadcast %le3A_353 : f32 to vector<16xf32>
      %le3A_355 = arith.cmpf ole, %add3A_352, %le3A_354 : vector<16xf32>
      %jit3A_356 = arith.constant 0.000000e+00 : f32
      %broadcast_in_dim3A_357 = vector.broadcast %jit3A_356 : f32 to vector<16xf32>
      %select_n3A_358 = arith.select %le3A_355, %get3A_351, %broadcast_in_dim3A_357 : vector<16xi1>, vector<16xf32>
      %swap3A_359 = arith.constant 18 : i32
      %swap3A_360 = arith.index_cast %swap3A_359 : i32 to index
      %swap3A_361 = arith.index_cast %mul3A_26 : i32 to index
      %swap3A_362 = tpu.vector_load %arg4[%swap3A_360, %swap3A_361] {strides = array<i32>} : memref<36x128xf32, #tpu.memory_space<vmem>>, vector<1x16xf32>,
      %swap3A_363 = vector.shape_cast %swap3A_362 : vector<1x16xf32> to vector<16xf32>
      %swap3A_364 = vector.shape_cast %select_n3A_358 : vector<16xf32> to vector<1x16xf32>
      tpu.vector_store %arg4[%swap3A_360, %swap3A_361], %swap3A_364 {strides = array<i32>} : memref<36x128xf32, #tpu.memory_space<vmem>>, vector<1x16xf32>,
      %get3A_365 = arith.constant 19 : i32
      %get3A_366 = arith.index_cast %get3A_365 : i32 to index
      %get3A_367 = arith.index_cast %mul3A_26 : i32 to index
      %get3A_368 = tpu.vector_load %arg4[%get3A_366, %get3A_367] {strides = array<i32>} : memref<36x128xf32, #tpu.memory_space<vmem>>, vector<1x16xf32>,
      %get3A_369 = vector.shape_cast %get3A_368 : vector<1x16xf32> to vector<16xf32>
      %add3A_370 = arith.addf %add3A_352, %get3A_369 : vector<16xf32>
      %le3A_371 = arith.constant 5.000000e+00 : f32
      %le3A_372 = vector.broadcast %le3A_371 : f32 to vector<16xf32>
      %le3A_373 = arith.cmpf ole, %add3A_370, %le3A_372 : vector<16xf32>
      %jit3A_374 = arith.constant 0.000000e+00 : f32
      %broadcast_in_dim3A_375 = vector.broadcast %jit3A_374 : f32 to vector<16xf32>
      %select_n3A_376 = arith.select %le3A_373, %get3A_369, %broadcast_in_dim3A_375 : vector<16xi1>, vector<16xf32>
      %swap3A_377 = arith.constant 19 : i32
      %swap3A_378 = arith.index_cast %swap3A_377 : i32 to index
      %swap3A_379 = arith.index_cast %mul3A_26 : i32 to index
      %swap3A_380 = tpu.vector_load %arg4[%swap3A_378, %swap3A_379] {strides = array<i32>} : memref<36x128xf32, #tpu.memory_space<vmem>>, vector<1x16xf32>,
      %swap3A_381 = vector.shape_cast %swap3A_380 : vector<1x16xf32> to vector<16xf32>
      %swap3A_382 = vector.shape_cast %select_n3A_376 : vector<16xf32> to vector<1x16xf32>
      tpu.vector_store %arg4[%swap3A_378, %swap3A_379], %swap3A_382 {strides = array<i32>} : memref<36x128xf32, #tpu.memory_space<vmem>>, vector<1x16xf32>,
      %get3A_383 = arith.constant 20 : i32
      %get3A_384 = arith.index_cast %get3A_383 : i32 to index
      %get3A_385 = arith.index_cast %mul3A_26 : i32 to index
      %get3A_386 = tpu.vector_load %arg4[%get3A_384, %get3A_385] {strides = array<i32>} : memref<36x128xf32, #tpu.memory_space<vmem>>, vector<1x16xf32>,
      %get3A_387 = vector.shape_cast %get3A_386 : vector<1x16xf32> to vector<16xf32>
      %add3A_388 = arith.addf %add3A_370, %get3A_387 : vector<16xf32>
      %le3A_389 = arith.constant 5.000000e+00 : f32
      %le3A_390 = vector.broadcast %le3A_389 : f32 to vector<16xf32>
      %le3A_391 = arith.cmpf ole, %add3A_388, %le3A_390 : vector<16xf32>
      %jit3A_392 = arith.constant 0.000000e+00 : f32
      %broadcast_in_dim3A_393 = vector.broadcast %jit3A_392 : f32 to vector<16xf32>
      %select_n3A_394 = arith.select %le3A_391, %get3A_387, %broadcast_in_dim3A_393 : vector<16xi1>, vector<16xf32>
      %swap3A_395 = arith.constant 20 : i32
      %swap3A_396 = arith.index_cast %swap3A_395 : i32 to index
      %swap3A_397 = arith.index_cast %mul3A_26 : i32 to index
      %swap3A_398 = tpu.vector_load %arg4[%swap3A_396, %swap3A_397] {strides = array<i32>} : memref<36x128xf32, #tpu.memory_space<vmem>>, vector<1x16xf32>,
      %swap3A_399 = vector.shape_cast %swap3A_398 : vector<1x16xf32> to vector<16xf32>
      %swap3A_400 = vector.shape_cast %select_n3A_394 : vector<16xf32> to vector<1x16xf32>
      tpu.vector_store %arg4[%swap3A_396, %swap3A_397], %swap3A_400 {strides = array<i32>} : memref<36x128xf32, #tpu.memory_space<vmem>>, vector<1x16xf32>,
      %get3A_401 = arith.constant 21 : i32
      %get3A_402 = arith.index_cast %get3A_401 : i32 to index
      %get3A_403 = arith.index_cast %mul3A_26 : i32 to index
      %get3A_404 = tpu.vector_load %arg4[%get3A_402, %get3A_403] {strides = array<i32>} : memref<36x128xf32, #tpu.memory_space<vmem>>, vector<1x16xf32>,
      %get3A_405 = vector.shape_cast %get3A_404 : vector<1x16xf32> to vector<16xf32>
      %add3A_406 = arith.addf %add3A_388, %get3A_405 : vector<16xf32>
      %le3A_407 = arith.constant 5.000000e+00 : f32
      %le3A_408 = vector.broadcast %le3A_407 : f32 to vector<16xf32>
      %le3A_409 = arith.cmpf ole, %add3A_406, %le3A_408 : vector<16xf32>
      %jit3A_410 = arith.constant 0.000000e+00 : f32
      %broadcast_in_dim3A_411 = vector.broadcast %jit3A_410 : f32 to vector<16xf32>
      %select_n3A_412 = arith.select %le3A_409, %get3A_405, %broadcast_in_dim3A_411 : vector<16xi1>, vector<16xf32>
      %swap3A_413 = arith.constant 21 : i32
      %swap3A_414 = arith.index_cast %swap3A_413 : i32 to index
      %swap3A_415 = arith.index_cast %mul3A_26 : i32 to index
      %swap3A_416 = tpu.vector_load %arg4[%swap3A_414, %swap3A_415] {strides = array<i32>} : memref<36x128xf32, #tpu.memory_space<vmem>>, vector<1x16xf32>,
      %swap3A_417 = vector.shape_cast %swap3A_416 : vector<1x16xf32> to vector<16xf32>
      %swap3A_418 = vector.shape_cast %select_n3A_412 : vector<16xf32> to vector<1x16xf32>
      tpu.vector_store %arg4[%swap3A_414, %swap3A_415], %swap3A_418 {strides = array<i32>} : memref<36x128xf32, #tpu.memory_space<vmem>>, vector<1x16xf32>,
      %get3A_419 = arith.constant 22 : i32
      %get3A_420 = arith.index_cast %get3A_419 : i32 to index
      %get3A_421 = arith.index_cast %mul3A_26 : i32 to index
      %get3A_422 = tpu.vector_load %arg4[%get3A_420, %get3A_421] {strides = array<i32>} : memref<36x128xf32, #tpu.memory_space<vmem>>, vector<1x16xf32>,
      %get3A_423 = vector.shape_cast %get3A_422 : vector<1x16xf32> to vector<16xf32>
      %add3A_424 = arith.addf %add3A_406, %get3A_423 : vector<16xf32>
      %le3A_425 = arith.constant 5.000000e+00 : f32
      %le3A_426 = vector.broadcast %le3A_425 : f32 to vector<16xf32>
      %le3A_427 = arith.cmpf ole, %add3A_424, %le3A_426 : vector<16xf32>
      %jit3A_428 = arith.constant 0.000000e+00 : f32
      %broadcast_in_dim3A_429 = vector.broadcast %jit3A_428 : f32 to vector<16xf32>
      %select_n3A_430 = arith.select %le3A_427, %get3A_423, %broadcast_in_dim3A_429 : vector<16xi1>, vector<16xf32>
      %swap3A_431 = arith.constant 22 : i32
      %swap3A_432 = arith.index_cast %swap3A_431 : i32 to index
      %swap3A_433 = arith.index_cast %mul3A_26 : i32 to index
      %swap3A_434 = tpu.vector_load %arg4[%swap3A_432, %swap3A_433] {strides = array<i32>} : memref<36x128xf32, #tpu.memory_space<vmem>>, vector<1x16xf32>,
      %swap3A_435 = vector.shape_cast %swap3A_434 : vector<1x16xf32> to vector<16xf32>
      %swap3A_436 = vector.shape_cast %select_n3A_430 : vector<16xf32> to vector<1x16xf32>
      tpu.vector_store %arg4[%swap3A_432, %swap3A_433], %swap3A_436 {strides = array<i32>} : memref<36x128xf32, #tpu.memory_space<vmem>>, vector<1x16xf32>,
      %get3A_437 = arith.constant 23 : i32
      %get3A_438 = arith.index_cast %get3A_437 : i32 to index
      %get3A_439 = arith.index_cast %mul3A_26 : i32 to index
      %get3A_440 = tpu.vector_load %arg4[%get3A_438, %get3A_439] {strides = array<i32>} : memref<36x128xf32, #tpu.memory_space<vmem>>, vector<1x16xf32>,
      %get3A_441 = vector.shape_cast %get3A_440 : vector<1x16xf32> to vector<16xf32>
      %add3A_442 = arith.addf %add3A_424, %get3A_441 : vector<16xf32>
      %le3A_443 = arith.constant 5.000000e+00 : f32
      %le3A_444 = vector.broadcast %le3A_443 : f32 to vector<16xf32>
      %le3A_445 = arith.cmpf ole, %add3A_442, %le3A_444 : vector<16xf32>
      %jit3A_446 = arith.constant 0.000000e+00 : f32
      %broadcast_in_dim3A_447 = vector.broadcast %jit3A_446 : f32 to vector<16xf32>
      %select_n3A_448 = arith.select %le3A_445, %get3A_441, %broadcast_in_dim3A_447 : vector<16xi1>, vector<16xf32>
      %swap3A_449 = arith.constant 23 : i32
      %swap3A_450 = arith.index_cast %swap3A_449 : i32 to index
      %swap3A_451 = arith.index_cast %mul3A_26 : i32 to index
      %swap3A_452 = tpu.vector_load %arg4[%swap3A_450, %swap3A_451] {strides = array<i32>} : memref<36x128xf32, #tpu.memory_space<vmem>>, vector<1x16xf32>,
      %swap3A_453 = vector.shape_cast %swap3A_452 : vector<1x16xf32> to vector<16xf32>
      %swap3A_454 = vector.shape_cast %select_n3A_448 : vector<16xf32> to vector<1x16xf32>
      tpu.vector_store %arg4[%swap3A_450, %swap3A_451], %swap3A_454 {strides = array<i32>} : memref<36x128xf32, #tpu.memory_space<vmem>>, vector<1x16xf32>,
      %get3A_455 = arith.constant 24 : i32
      %get3A_456 = arith.index_cast %get3A_455 : i32 to index
      %get3A_457 = arith.index_cast %mul3A_26 : i32 to index
      %get3A_458 = tpu.vector_load %arg4[%get3A_456, %get3A_457] {strides = array<i32>} : memref<36x128xf32, #tpu.memory_space<vmem>>, vector<1x16xf32>,
      %get3A_459 = vector.shape_cast %get3A_458 : vector<1x16xf32> to vector<16xf32>
      %add3A_460 = arith.addf %add3A_442, %get3A_459 : vector<16xf32>
      %le3A_461 = arith.constant 5.000000e+00 : f32
      %le3A_462 = vector.broadcast %le3A_461 : f32 to vector<16xf32>
      %le3A_463 = arith.cmpf ole, %add3A_460, %le3A_462 : vector<16xf32>
      %jit3A_464 = arith.constant 0.000000e+00 : f32
      %broadcast_in_dim3A_465 = vector.broadcast %jit3A_464 : f32 to vector<16xf32>
      %select_n3A_466 = arith.select %le3A_463, %get3A_459, %broadcast_in_dim3A_465 : vector<16xi1>, vector<16xf32>
      %swap3A_467 = arith.constant 24 : i32
      %swap3A_468 = arith.index_cast %swap3A_467 : i32 to index
      %swap3A_469 = arith.index_cast %mul3A_26 : i32 to index
      %swap3A_470 = tpu.vector_load %arg4[%swap3A_468, %swap3A_469] {strides = array<i32>} : memref<36x128xf32, #tpu.memory_space<vmem>>, vector<1x16xf32>,
      %swap3A_471 = vector.shape_cast %swap3A_470 : vector<1x16xf32> to vector<16xf32>
      %swap3A_472 = vector.shape_cast %select_n3A_466 : vector<16xf32> to vector<1x16xf32>
      tpu.vector_store %arg4[%swap3A_468, %swap3A_469], %swap3A_472 {strides = array<i32>} : memref<36x128xf32, #tpu.memory_space<vmem>>, vector<1x16xf32>,
      %get3A_473 = arith.constant 25 : i32
      %get3A_474 = arith.index_cast %get3A_473 : i32 to index
      %get3A_475 = arith.index_cast %mul3A_26 : i32 to index
      %get3A_476 = tpu.vector_load %arg4[%get3A_474, %get3A_475] {strides = array<i32>} : memref<36x128xf32, #tpu.memory_space<vmem>>, vector<1x16xf32>,
      %get3A_477 = vector.shape_cast %get3A_476 : vector<1x16xf32> to vector<16xf32>
      %add3A_478 = arith.addf %add3A_460, %get3A_477 : vector<16xf32>
      %le3A_479 = arith.constant 5.000000e+00 : f32
      %le3A_480 = vector.broadcast %le3A_479 : f32 to vector<16xf32>
      %le3A_481 = arith.cmpf ole, %add3A_478, %le3A_480 : vector<16xf32>
      %jit3A_482 = arith.constant 0.000000e+00 : f32
      %broadcast_in_dim3A_483 = vector.broadcast %jit3A_482 : f32 to vector<16xf32>
      %select_n3A_484 = arith.select %le3A_481, %get3A_477, %broadcast_in_dim3A_483 : vector<16xi1>, vector<16xf32>
      %swap3A_485 = arith.constant 25 : i32
      %swap3A_486 = arith.index_cast %swap3A_485 : i32 to index
      %swap3A_487 = arith.index_cast %mul3A_26 : i32 to index
      %swap3A_488 = tpu.vector_load %arg4[%swap3A_486, %swap3A_487] {strides = array<i32>} : memref<36x128xf32, #tpu.memory_space<vmem>>, vector<1x16xf32>,
      %swap3A_489 = vector.shape_cast %swap3A_488 : vector<1x16xf32> to vector<16xf32>
      %swap3A_490 = vector.shape_cast %select_n3A_484 : vector<16xf32> to vector<1x16xf32>
      tpu.vector_store %arg4[%swap3A_486, %swap3A_487], %swap3A_490 {strides = array<i32>} : memref<36x128xf32, #tpu.memory_space<vmem>>, vector<1x16xf32>,
      %get3A_491 = arith.constant 26 : i32
      %get3A_492 = arith.index_cast %get3A_491 : i32 to index
      %get3A_493 = arith.index_cast %mul3A_26 : i32 to index
      %get3A_494 = tpu.vector_load %arg4[%get3A_492, %get3A_493] {strides = array<i32>} : memref<36x128xf32, #tpu.memory_space<vmem>>, vector<1x16xf32>,
      %get3A_495 = vector.shape_cast %get3A_494 : vector<1x16xf32> to vector<16xf32>
      %add3A_496 = arith.addf %add3A_478, %get3A_495 : vector<16xf32>
      %le3A_497 = arith.constant 5.000000e+00 : f32
      %le3A_498 = vector.broadcast %le3A_497 : f32 to vector<16xf32>
      %le3A_499 = arith.cmpf ole, %add3A_496, %le3A_498 : vector<16xf32>
      %jit3A_500 = arith.constant 0.000000e+00 : f32
      %broadcast_in_dim3A_501 = vector.broadcast %jit3A_500 : f32 to vector<16xf32>
      %select_n3A_502 = arith.select %le3A_499, %get3A_495, %broadcast_in_dim3A_501 : vector<16xi1>, vector<16xf32>
      %swap3A_503 = arith.constant 26 : i32
      %swap3A_504 = arith.index_cast %swap3A_503 : i32 to index
      %swap3A_505 = arith.index_cast %mul3A_26 : i32 to index
      %swap3A_506 = tpu.vector_load %arg4[%swap3A_504, %swap3A_505] {strides = array<i32>} : memref<36x128xf32, #tpu.memory_space<vmem>>, vector<1x16xf32>,
      %swap3A_507 = vector.shape_cast %swap3A_506 : vector<1x16xf32> to vector<16xf32>
      %swap3A_508 = vector.shape_cast %select_n3A_502 : vector<16xf32> to vector<1x16xf32>
      tpu.vector_store %arg4[%swap3A_504, %swap3A_505], %swap3A_508 {strides = array<i32>} : memref<36x128xf32, #tpu.memory_space<vmem>>, vector<1x16xf32>,
      %get3A_509 = arith.constant 27 : i32
      %get3A_510 = arith.index_cast %get3A_509 : i32 to index
      %get3A_511 = arith.index_cast %mul3A_26 : i32 to index
      %get3A_512 = tpu.vector_load %arg4[%get3A_510, %get3A_511] {strides = array<i32>} : memref<36x128xf32, #tpu.memory_space<vmem>>, vector<1x16xf32>,
      %get3A_513 = vector.shape_cast %get3A_512 : vector<1x16xf32> to vector<16xf32>
      %add3A_514 = arith.addf %add3A_496, %get3A_513 : vector<16xf32>
      %le3A_515 = arith.constant 5.000000e+00 : f32
      %le3A_516 = vector.broadcast %le3A_515 : f32 to vector<16xf32>
      %le3A_517 = arith.cmpf ole, %add3A_514, %le3A_516 : vector<16xf32>
      %jit3A_518 = arith.constant 0.000000e+00 : f32
      %broadcast_in_dim3A_519 = vector.broadcast %jit3A_518 : f32 to vector<16xf32>
      %select_n3A_520 = arith.select %le3A_517, %get3A_513, %broadcast_in_dim3A_519 : vector<16xi1>, vector<16xf32>
      %swap3A_521 = arith.constant 27 : i32
      %swap3A_522 = arith.index_cast %swap3A_521 : i32 to index
      %swap3A_523 = arith.index_cast %mul3A_26 : i32 to index
      %swap3A_524 = tpu.vector_load %arg4[%swap3A_522, %swap3A_523] {strides = array<i32>} : memref<36x128xf32, #tpu.memory_space<vmem>>, vector<1x16xf32>,
      %swap3A_525 = vector.shape_cast %swap3A_524 : vector<1x16xf32> to vector<16xf32>
      %swap3A_526 = vector.shape_cast %select_n3A_520 : vector<16xf32> to vector<1x16xf32>
      tpu.vector_store %arg4[%swap3A_522, %swap3A_523], %swap3A_526 {strides = array<i32>} : memref<36x128xf32, #tpu.memory_space<vmem>>, vector<1x16xf32>,
      %get3A_527 = arith.constant 28 : i32
      %get3A_528 = arith.index_cast %get3A_527 : i32 to index
      %get3A_529 = arith.index_cast %mul3A_26 : i32 to index
      %get3A_530 = tpu.vector_load %arg4[%get3A_528, %get3A_529] {strides = array<i32>} : memref<36x128xf32, #tpu.memory_space<vmem>>, vector<1x16xf32>,
      %get3A_531 = vector.shape_cast %get3A_530 : vector<1x16xf32> to vector<16xf32>
      %add3A_532 = arith.addf %add3A_514, %get3A_531 : vector<16xf32>
      %le3A_533 = arith.constant 5.000000e+00 : f32
      %le3A_534 = vector.broadcast %le3A_533 : f32 to vector<16xf32>
      %le3A_535 = arith.cmpf ole, %add3A_532, %le3A_534 : vector<16xf32>
      %jit3A_536 = arith.constant 0.000000e+00 : f32
      %broadcast_in_dim3A_537 = vector.broadcast %jit3A_536 : f32 to vector<16xf32>
      %select_n3A_538 = arith.select %le3A_535, %get3A_531, %broadcast_in_dim3A_537 : vector<16xi1>, vector<16xf32>
      %swap3A_539 = arith.constant 28 : i32
      %swap3A_540 = arith.index_cast %swap3A_539 : i32 to index
      %swap3A_541 = arith.index_cast %mul3A_26 : i32 to index
      %swap3A_542 = tpu.vector_load %arg4[%swap3A_540, %swap3A_541] {strides = array<i32>} : memref<36x128xf32, #tpu.memory_space<vmem>>, vector<1x16xf32>,
      %swap3A_543 = vector.shape_cast %swap3A_542 : vector<1x16xf32> to vector<16xf32>
      %swap3A_544 = vector.shape_cast %select_n3A_538 : vector<16xf32> to vector<1x16xf32>
      tpu.vector_store %arg4[%swap3A_540, %swap3A_541], %swap3A_544 {strides = array<i32>} : memref<36x128xf32, #tpu.memory_space<vmem>>, vector<1x16xf32>,
      %get3A_545 = arith.constant 29 : i32
      %get3A_546 = arith.index_cast %get3A_545 : i32 to index
      %get3A_547 = arith.index_cast %mul3A_26 : i32 to index
      %get3A_548 = tpu.vector_load %arg4[%get3A_546, %get3A_547] {strides = array<i32>} : memref<36x128xf32, #tpu.memory_space<vmem>>, vector<1x16xf32>,
      %get3A_549 = vector.shape_cast %get3A_548 : vector<1x16xf32> to vector<16xf32>
      %add3A_550 = arith.addf %add3A_532, %get3A_549 : vector<16xf32>
      %le3A_551 = arith.constant 5.000000e+00 : f32
      %le3A_552 = vector.broadcast %le3A_551 : f32 to vector<16xf32>
      %le3A_553 = arith.cmpf ole, %add3A_550, %le3A_552 : vector<16xf32>
      %jit3A_554 = arith.constant 0.000000e+00 : f32
      %broadcast_in_dim3A_555 = vector.broadcast %jit3A_554 : f32 to vector<16xf32>
      %select_n3A_556 = arith.select %le3A_553, %get3A_549, %broadcast_in_dim3A_555 : vector<16xi1>, vector<16xf32>
      %swap3A_557 = arith.constant 29 : i32
      %swap3A_558 = arith.index_cast %swap3A_557 : i32 to index
      %swap3A_559 = arith.index_cast %mul3A_26 : i32 to index
      %swap3A_560 = tpu.vector_load %arg4[%swap3A_558, %swap3A_559] {strides = array<i32>} : memref<36x128xf32, #tpu.memory_space<vmem>>, vector<1x16xf32>,
      %swap3A_561 = vector.shape_cast %swap3A_560 : vector<1x16xf32> to vector<16xf32>
      %swap3A_562 = vector.shape_cast %select_n3A_556 : vector<16xf32> to vector<1x16xf32>
      tpu.vector_store %arg4[%swap3A_558, %swap3A_559], %swap3A_562 {strides = array<i32>} : memref<36x128xf32, #tpu.memory_space<vmem>>, vector<1x16xf32>,
      %get3A_563 = arith.constant 30 : i32
      %get3A_564 = arith.index_cast %get3A_563 : i32 to index
      %get3A_565 = arith.index_cast %mul3A_26 : i32 to index
      %get3A_566 = tpu.vector_load %arg4[%get3A_564, %get3A_565] {strides = array<i32>} : memref<36x128xf32, #tpu.memory_space<vmem>>, vector<1x16xf32>,
      %get3A_567 = vector.shape_cast %get3A_566 : vector<1x16xf32> to vector<16xf32>
      %add3A_568 = arith.addf %add3A_550, %get3A_567 : vector<16xf32>
      %le3A_569 = arith.constant 5.000000e+00 : f32
      %le3A_570 = vector.broadcast %le3A_569 : f32 to vector<16xf32>
      %le3A_571 = arith.cmpf ole, %add3A_568, %le3A_570 : vector<16xf32>
      %jit3A_572 = arith.constant 0.000000e+00 : f32
      %broadcast_in_dim3A_573 = vector.broadcast %jit3A_572 : f32 to vector<16xf32>
      %select_n3A_574 = arith.select %le3A_571, %get3A_567, %broadcast_in_dim3A_573 : vector<16xi1>, vector<16xf32>
      %swap3A_575 = arith.constant 30 : i32
      %swap3A_576 = arith.index_cast %swap3A_575 : i32 to index
      %swap3A_577 = arith.index_cast %mul3A_26 : i32 to index
      %swap3A_578 = tpu.vector_load %arg4[%swap3A_576, %swap3A_577] {strides = array<i32>} : memref<36x128xf32, #tpu.memory_space<vmem>>, vector<1x16xf32>,
      %swap3A_579 = vector.shape_cast %swap3A_578 : vector<1x16xf32> to vector<16xf32>
      %swap3A_580 = vector.shape_cast %select_n3A_574 : vector<16xf32> to vector<1x16xf32>
      tpu.vector_store %arg4[%swap3A_576, %swap3A_577], %swap3A_580 {strides = array<i32>} : memref<36x128xf32, #tpu.memory_space<vmem>>, vector<1x16xf32>,
      %get3A_581 = arith.constant 31 : i32
      %get3A_582 = arith.index_cast %get3A_581 : i32 to index
      %get3A_583 = arith.index_cast %mul3A_26 : i32 to index
      %get3A_584 = tpu.vector_load %arg4[%get3A_582, %get3A_583] {strides = array<i32>} : memref<36x128xf32, #tpu.memory_space<vmem>>, vector<1x16xf32>,
      %get3A_585 = vector.shape_cast %get3A_584 : vector<1x16xf32> to vector<16xf32>
      %add3A_586 = arith.addf %add3A_568, %get3A_585 : vector<16xf32>
      %le3A_587 = arith.constant 5.000000e+00 : f32
      %le3A_588 = vector.broadcast %le3A_587 : f32 to vector<16xf32>
      %le3A_589 = arith.cmpf ole, %add3A_586, %le3A_588 : vector<16xf32>
      %jit3A_590 = arith.constant 0.000000e+00 : f32
      %broadcast_in_dim3A_591 = vector.broadcast %jit3A_590 : f32 to vector<16xf32>
      %select_n3A_592 = arith.select %le3A_589, %get3A_585, %broadcast_in_dim3A_591 : vector<16xi1>, vector<16xf32>
      %swap3A_593 = arith.constant 31 : i32
      %swap3A_594 = arith.index_cast %swap3A_593 : i32 to index
      %swap3A_595 = arith.index_cast %mul3A_26 : i32 to index
      %swap3A_596 = tpu.vector_load %arg4[%swap3A_594, %swap3A_595] {strides = array<i32>} : memref<36x128xf32, #tpu.memory_space<vmem>>, vector<1x16xf32>,
      %swap3A_597 = vector.shape_cast %swap3A_596 : vector<1x16xf32> to vector<16xf32>
      %swap3A_598 = vector.shape_cast %select_n3A_592 : vector<16xf32> to vector<1x16xf32>
      tpu.vector_store %arg4[%swap3A_594, %swap3A_595], %swap3A_598 {strides = array<i32>} : memref<36x128xf32, #tpu.memory_space<vmem>>, vector<1x16xf32>,
      %get3A_599 = arith.constant 32 : i32
      %get3A_600 = arith.index_cast %get3A_599 : i32 to index
      %get3A_601 = arith.index_cast %mul3A_26 : i32 to index
      %get3A_602 = tpu.vector_load %arg4[%get3A_600, %get3A_601] {strides = array<i32>} : memref<36x128xf32, #tpu.memory_space<vmem>>, vector<1x16xf32>,
      %get3A_603 = vector.shape_cast %get3A_602 : vector<1x16xf32> to vector<16xf32>
      %add3A_604 = arith.addf %add3A_586, %get3A_603 : vector<16xf32>
      %le3A_605 = arith.constant 5.000000e+00 : f32
      %le3A_606 = vector.broadcast %le3A_605 : f32 to vector<16xf32>
      %le3A_607 = arith.cmpf ole, %add3A_604, %le3A_606 : vector<16xf32>
      %jit3A_608 = arith.constant 0.000000e+00 : f32
      %broadcast_in_dim3A_609 = vector.broadcast %jit3A_608 : f32 to vector<16xf32>
      %select_n3A_610 = arith.select %le3A_607, %get3A_603, %broadcast_in_dim3A_609 : vector<16xi1>, vector<16xf32>
      %swap3A_611 = arith.constant 32 : i32
      %swap3A_612 = arith.index_cast %swap3A_611 : i32 to index
      %swap3A_613 = arith.index_cast %mul3A_26 : i32 to index
      %swap3A_614 = tpu.vector_load %arg4[%swap3A_612, %swap3A_613] {strides = array<i32>} : memref<36x128xf32, #tpu.memory_space<vmem>>, vector<1x16xf32>,
      %swap3A_615 = vector.shape_cast %swap3A_614 : vector<1x16xf32> to vector<16xf32>
      %swap3A_616 = vector.shape_cast %select_n3A_610 : vector<16xf32> to vector<1x16xf32>
      tpu.vector_store %arg4[%swap3A_612, %swap3A_613], %swap3A_616 {strides = array<i32>} : memref<36x128xf32, #tpu.memory_space<vmem>>, vector<1x16xf32>,
      %get3A_617 = arith.constant 33 : i32
      %get3A_618 = arith.index_cast %get3A_617 : i32 to index
      %get3A_619 = arith.index_cast %mul3A_26 : i32 to index
      %get3A_620 = tpu.vector_load %arg4[%get3A_618, %get3A_619] {strides = array<i32>} : memref<36x128xf32, #tpu.memory_space<vmem>>, vector<1x16xf32>,
      %get3A_621 = vector.shape_cast %get3A_620 : vector<1x16xf32> to vector<16xf32>
      %add3A_622 = arith.addf %add3A_604, %get3A_621 : vector<16xf32>
      %le3A_623 = arith.constant 5.000000e+00 : f32
      %le3A_624 = vector.broadcast %le3A_623 : f32 to vector<16xf32>
      %le3A_625 = arith.cmpf ole, %add3A_622, %le3A_624 : vector<16xf32>
      %jit3A_626 = arith.constant 0.000000e+00 : f32
      %broadcast_in_dim3A_627 = vector.broadcast %jit3A_626 : f32 to vector<16xf32>
      %select_n3A_628 = arith.select %le3A_625, %get3A_621, %broadcast_in_dim3A_627 : vector<16xi1>, vector<16xf32>
      %swap3A_629 = arith.constant 33 : i32
      %swap3A_630 = arith.index_cast %swap3A_629 : i32 to index
      %swap3A_631 = arith.index_cast %mul3A_26 : i32 to index
      %swap3A_632 = tpu.vector_load %arg4[%swap3A_630, %swap3A_631] {strides = array<i32>} : memref<36x128xf32, #tpu.memory_space<vmem>>, vector<1x16xf32>,
      %swap3A_633 = vector.shape_cast %swap3A_632 : vector<1x16xf32> to vector<16xf32>
      %swap3A_634 = vector.shape_cast %select_n3A_628 : vector<16xf32> to vector<1x16xf32>
      tpu.vector_store %arg4[%swap3A_630, %swap3A_631], %swap3A_634 {strides = array<i32>} : memref<36x128xf32, #tpu.memory_space<vmem>>, vector<1x16xf32>,
      %get3A_635 = arith.constant 34 : i32
      %get3A_636 = arith.index_cast %get3A_635 : i32 to index
      %get3A_637 = arith.index_cast %mul3A_26 : i32 to index
      %get3A_638 = tpu.vector_load %arg4[%get3A_636, %get3A_637] {strides = array<i32>} : memref<36x128xf32, #tpu.memory_space<vmem>>, vector<1x16xf32>,
      %get3A_639 = vector.shape_cast %get3A_638 : vector<1x16xf32> to vector<16xf32>
      %add3A_640 = arith.addf %add3A_622, %get3A_639 : vector<16xf32>
      %le3A_641 = arith.constant 5.000000e+00 : f32
      %le3A_642 = vector.broadcast %le3A_641 : f32 to vector<16xf32>
      %le3A_643 = arith.cmpf ole, %add3A_640, %le3A_642 : vector<16xf32>
      %jit3A_644 = arith.constant 0.000000e+00 : f32
      %broadcast_in_dim3A_645 = vector.broadcast %jit3A_644 : f32 to vector<16xf32>
      %select_n3A_646 = arith.select %le3A_643, %get3A_639, %broadcast_in_dim3A_645 : vector<16xi1>, vector<16xf32>
      %swap3A_647 = arith.constant 34 : i32
      %swap3A_648 = arith.index_cast %swap3A_647 : i32 to index
      %swap3A_649 = arith.index_cast %mul3A_26 : i32 to index
      %swap3A_650 = tpu.vector_load %arg4[%swap3A_648, %swap3A_649] {strides = array<i32>} : memref<36x128xf32, #tpu.memory_space<vmem>>, vector<1x16xf32>,
      %swap3A_651 = vector.shape_cast %swap3A_650 : vector<1x16xf32> to vector<16xf32>
      %swap3A_652 = vector.shape_cast %select_n3A_646 : vector<16xf32> to vector<1x16xf32>
      tpu.vector_store %arg4[%swap3A_648, %swap3A_649], %swap3A_652 {strides = array<i32>} : memref<36x128xf32, #tpu.memory_space<vmem>>, vector<1x16xf32>,
      %get3A_653 = arith.constant 35 : i32
      %get3A_654 = arith.index_cast %get3A_653 : i32 to index
      %get3A_655 = arith.index_cast %mul3A_26 : i32 to index
      %get3A_656 = tpu.vector_load %arg4[%get3A_654, %get3A_655] {strides = array<i32>} : memref<36x128xf32, #tpu.memory_space<vmem>>, vector<1x16xf32>,
      %get3A_657 = vector.shape_cast %get3A_656 : vector<1x16xf32> to vector<16xf32>
      %add3A_658 = arith.addf %add3A_640, %get3A_657 : vector<16xf32>
      %le3A_659 = arith.constant 5.000000e+00 : f32
      %le3A_660 = vector.broadcast %le3A_659 : f32 to vector<16xf32>
      %le3A_661 = arith.cmpf ole, %add3A_658, %le3A_660 : vector<16xf32>
      %jit3A_662 = arith.constant 0.000000e+00 : f32
      %broadcast_in_dim3A_663 = vector.broadcast %jit3A_662 : f32 to vector<16xf32>
      %select_n3A_664 = arith.select %le3A_661, %get3A_657, %broadcast_in_dim3A_663 : vector<16xi1>, vector<16xf32>
      %swap3A_665 = arith.constant 35 : i32
      %swap3A_666 = arith.index_cast %swap3A_665 : i32 to index
      %swap3A_667 = arith.index_cast %mul3A_26 : i32 to index
      %swap3A_668 = tpu.vector_load %arg4[%swap3A_666, %swap3A_667] {strides = array<i32>} : memref<36x128xf32, #tpu.memory_space<vmem>>, vector<1x16xf32>,
      %swap3A_669 = vector.shape_cast %swap3A_668 : vector<1x16xf32> to vector<16xf32>
      %swap3A_670 = vector.shape_cast %select_n3A_664 : vector<16xf32> to vector<1x16xf32>
      tpu.vector_store %arg4[%swap3A_666, %swap3A_667], %swap3A_670 {strides = array<i32>} : memref<36x128xf32, #tpu.memory_space<vmem>>, vector<1x16xf32>,
      %sub3A = arith.constant 5.000000e+00 : f32
      %sub3A_671 = vector.broadcast %sub3A : f32 to vector<16xf32>
      %sub3A_672 = arith.subf %sub3A_671, %add3A_658 : vector<16xf32>
      %max3A = arith.constant 0.000000e+00 : f32
      %max3A_673 = vector.broadcast %max3A : f32 to vector<16xf32>
      %max3A_674 = arith.maximumf %sub3A_672, %max3A_673 : vector<16xf32>
      %add3A_675 = arith.addi %mul3A_2, %mul3A_26 : i32
      %add3A_676 = vector.broadcast %add3A_675 : i32 to vector<16xi32>
      %add3A_677 = arith.addi %add3A_676, %iota3A : vector<16xi32>
      %jit3A_678 = arith.constant 36 : i32
      %eq3A = arith.constant 0 : i32
      %eq3A_679 = arith.cmpi eq, %jit3A_678, %eq3A : i32
      %jit3A_680 = arith.constant 1 : i32
      %select_n3A_681 = arith.select %eq3A_679, %jit3A_680, %jit3A_678 : i32
      %rem3A = vector.broadcast %select_n3A_681 : i32 to vector<16xi32>
      %rem3A_682 = arith.remsi %add3A_677, %rem3A : vector<16xi32>
      %ne3A = arith.constant 0 : i32
      %ne3A_683 = vector.broadcast %ne3A : i32 to vector<16xi32>
      %ne3A_684 = arith.cmpi ne, %rem3A_682, %ne3A_683 : vector<16xi32>
      %lt3A_685 = arith.constant 0 : i32
      %lt3A_686 = vector.broadcast %lt3A_685 : i32 to vector<16xi32>
      %lt3A_687 = arith.cmpi slt, %rem3A_682, %lt3A_686 : vector<16xi32>
      %lt3A_688 = arith.constant 0 : i32
      %lt3A_689 = arith.cmpi slt, %select_n3A_681, %lt3A_688 : i32
      %ne3A_690 = vector.broadcast %lt3A_689 : i1 to vector<16xi1>
      %ne3A_691 = vector.broadcast %ne3A_690 : vector<16xi1> to vector<16xi1>
      %ne3A_692 = arith.xori %lt3A_687, %ne3A_691 : vector<16xi1>
      %and3A = arith.andi %ne3A_692, %ne3A_684 : vector<16xi1>
      %add3A_693 = vector.broadcast %select_n3A_681 : i32 to vector<16xi32>
      %add3A_694 = arith.addi %rem3A_682, %add3A_693 : vector<16xi32>
      %select_n3A_695 = arith.select %and3A, %add3A_694, %rem3A_682 : vector<16xi1>, vector<16xi32>
      %get3A_696 = arith.constant 0 : i32
      %get3A_697 = arith.index_cast %get3A_696 : i32 to index
      %get3A_698 = arith.index_cast %mul3A_26 : i32 to index
      %get3A_699 = tpu.vector_load %arg4[%get3A_697, %get3A_698] {strides = array<i32>} : memref<36x128xf32, #tpu.memory_space<vmem>>, vector<1x16xf32>,
      %get3A_700 = vector.shape_cast %get3A_699 : vector<1x16xf32> to vector<16xf32>
      %eq3A_701 = arith.constant 0 : i32
      %eq3A_702 = vector.broadcast %eq3A_701 : i32 to vector<16xi32>
      %eq3A_703 = arith.cmpi eq, %select_n3A_695, %eq3A_702 : vector<16xi32>
      %jit3A_704 = arith.constant 0.000000e+00 : f32
      %broadcast_in_dim3A_705 = vector.broadcast %jit3A_704 : f32 to vector<16xf32>
      %select_n3A_706 = arith.select %eq3A_703, %max3A_674, %broadcast_in_dim3A_705 : vector<16xi1>, vector<16xf32>
      %add3A_707 = arith.addf %get3A_700, %select_n3A_706 : vector<16xf32>
      %swap3A_708 = arith.constant 0 : i32
      %swap3A_709 = arith.index_cast %swap3A_708 : i32 to index
      %swap3A_710 = arith.index_cast %mul3A_26 : i32 to index
      %swap3A_711 = tpu.vector_load %arg4[%swap3A_709, %swap3A_710] {strides = array<i32>} : memref<36x128xf32, #tpu.memory_space<vmem>>, vector<1x16xf32>,
      %swap3A_712 = vector.shape_cast %swap3A_711 : vector<1x16xf32> to vector<16xf32>
      %swap3A_713 = vector.shape_cast %add3A_707 : vector<16xf32> to vector<1x16xf32>
      tpu.vector_store %arg4[%swap3A_709, %swap3A_710], %swap3A_713 {strides = array<i32>} : memref<36x128xf32, #tpu.memory_space<vmem>>, vector<1x16xf32>,
      %get3A_714 = arith.constant 1 : i32
      %get3A_715 = arith.index_cast %get3A_714 : i32 to index
      %get3A_716 = arith.index_cast %mul3A_26 : i32 to index
      %get3A_717 = tpu.vector_load %arg4[%get3A_715, %get3A_716] {strides = array<i32>} : memref<36x128xf32, #tpu.memory_space<vmem>>, vector<1x16xf32>,
      %get3A_718 = vector.shape_cast %get3A_717 : vector<1x16xf32> to vector<16xf32>
      %eq3A_719 = arith.constant 1 : i32
      %eq3A_720 = vector.broadcast %eq3A_719 : i32 to vector<16xi32>
      %eq3A_721 = arith.cmpi eq, %select_n3A_695, %eq3A_720 : vector<16xi32>
      %jit3A_722 = arith.constant 0.000000e+00 : f32
      %broadcast_in_dim3A_723 = vector.broadcast %jit3A_722 : f32 to vector<16xf32>
      %select_n3A_724 = arith.select %eq3A_721, %max3A_674, %broadcast_in_dim3A_723 : vector<16xi1>, vector<16xf32>
      %add3A_725 = arith.addf %get3A_718, %select_n3A_724 : vector<16xf32>
      %swap3A_726 = arith.constant 1 : i32
      %swap3A_727 = arith.index_cast %swap3A_726 : i32 to index
      %swap3A_728 = arith.index_cast %mul3A_26 : i32 to index
      %swap3A_729 = tpu.vector_load %arg4[%swap3A_727, %swap3A_728] {strides = array<i32>} : memref<36x128xf32, #tpu.memory_space<vmem>>, vector<1x16xf32>,
      %swap3A_730 = vector.shape_cast %swap3A_729 : vector<1x16xf32> to vector<16xf32>
      %swap3A_731 = vector.shape_cast %add3A_725 : vector<16xf32> to vector<1x16xf32>
      tpu.vector_store %arg4[%swap3A_727, %swap3A_728], %swap3A_731 {strides = array<i32>} : memref<36x128xf32, #tpu.memory_space<vmem>>, vector<1x16xf32>,
      %get3A_732 = arith.constant 2 : i32
      %get3A_733 = arith.index_cast %get3A_732 : i32 to index
      %get3A_734 = arith.index_cast %mul3A_26 : i32 to index
      %get3A_735 = tpu.vector_load %arg4[%get3A_733, %get3A_734] {strides = array<i32>} : memref<36x128xf32, #tpu.memory_space<vmem>>, vector<1x16xf32>,
      %get3A_736 = vector.shape_cast %get3A_735 : vector<1x16xf32> to vector<16xf32>
      %eq3A_737 = arith.constant 2 : i32
      %eq3A_738 = vector.broadcast %eq3A_737 : i32 to vector<16xi32>
      %eq3A_739 = arith.cmpi eq, %select_n3A_695, %eq3A_738 : vector<16xi32>
      %jit3A_740 = arith.constant 0.000000e+00 : f32
      %broadcast_in_dim3A_741 = vector.broadcast %jit3A_740 : f32 to vector<16xf32>
      %select_n3A_742 = arith.select %eq3A_739, %max3A_674, %broadcast_in_dim3A_741 : vector<16xi1>, vector<16xf32>
      %add3A_743 = arith.addf %get3A_736, %select_n3A_742 : vector<16xf32>
      %swap3A_744 = arith.constant 2 : i32
      %swap3A_745 = arith.index_cast %swap3A_744 : i32 to index
      %swap3A_746 = arith.index_cast %mul3A_26 : i32 to index
      %swap3A_747 = tpu.vector_load %arg4[%swap3A_745, %swap3A_746] {strides = array<i32>} : memref<36x128xf32, #tpu.memory_space<vmem>>, vector<1x16xf32>,
      %swap3A_748 = vector.shape_cast %swap3A_747 : vector<1x16xf32> to vector<16xf32>
      %swap3A_749 = vector.shape_cast %add3A_743 : vector<16xf32> to vector<1x16xf32>
      tpu.vector_store %arg4[%swap3A_745, %swap3A_746], %swap3A_749 {strides = array<i32>} : memref<36x128xf32, #tpu.memory_space<vmem>>, vector<1x16xf32>,
      %get3A_750 = arith.constant 3 : i32
      %get3A_751 = arith.index_cast %get3A_750 : i32 to index
      %get3A_752 = arith.index_cast %mul3A_26 : i32 to index
      %get3A_753 = tpu.vector_load %arg4[%get3A_751, %get3A_752] {strides = array<i32>} : memref<36x128xf32, #tpu.memory_space<vmem>>, vector<1x16xf32>,
      %get3A_754 = vector.shape_cast %get3A_753 : vector<1x16xf32> to vector<16xf32>
      %eq3A_755 = arith.constant 3 : i32
      %eq3A_756 = vector.broadcast %eq3A_755 : i32 to vector<16xi32>
      %eq3A_757 = arith.cmpi eq, %select_n3A_695, %eq3A_756 : vector<16xi32>
      %jit3A_758 = arith.constant 0.000000e+00 : f32
      %broadcast_in_dim3A_759 = vector.broadcast %jit3A_758 : f32 to vector<16xf32>
      %select_n3A_760 = arith.select %eq3A_757, %max3A_674, %broadcast_in_dim3A_759 : vector<16xi1>, vector<16xf32>
      %add3A_761 = arith.addf %get3A_754, %select_n3A_760 : vector<16xf32>
      %swap3A_762 = arith.constant 3 : i32
      %swap3A_763 = arith.index_cast %swap3A_762 : i32 to index
      %swap3A_764 = arith.index_cast %mul3A_26 : i32 to index
      %swap3A_765 = tpu.vector_load %arg4[%swap3A_763, %swap3A_764] {strides = array<i32>} : memref<36x128xf32, #tpu.memory_space<vmem>>, vector<1x16xf32>,
      %swap3A_766 = vector.shape_cast %swap3A_765 : vector<1x16xf32> to vector<16xf32>
      %swap3A_767 = vector.shape_cast %add3A_761 : vector<16xf32> to vector<1x16xf32>
      tpu.vector_store %arg4[%swap3A_763, %swap3A_764], %swap3A_767 {strides = array<i32>} : memref<36x128xf32, #tpu.memory_space<vmem>>, vector<1x16xf32>,
      %get3A_768 = arith.constant 4 : i32
      %get3A_769 = arith.index_cast %get3A_768 : i32 to index
      %get3A_770 = arith.index_cast %mul3A_26 : i32 to index
      %get3A_771 = tpu.vector_load %arg4[%get3A_769, %get3A_770] {strides = array<i32>} : memref<36x128xf32, #tpu.memory_space<vmem>>, vector<1x16xf32>,
      %get3A_772 = vector.shape_cast %get3A_771 : vector<1x16xf32> to vector<16xf32>
      %eq3A_773 = arith.constant 4 : i32
      %eq3A_774 = vector.broadcast %eq3A_773 : i32 to vector<16xi32>
      %eq3A_775 = arith.cmpi eq, %select_n3A_695, %eq3A_774 : vector<16xi32>
      %jit3A_776 = arith.constant 0.000000e+00 : f32
      %broadcast_in_dim3A_777 = vector.broadcast %jit3A_776 : f32 to vector<16xf32>
      %select_n3A_778 = arith.select %eq3A_775, %max3A_674, %broadcast_in_dim3A_777 : vector<16xi1>, vector<16xf32>
      %add3A_779 = arith.addf %get3A_772, %select_n3A_778 : vector<16xf32>
      %swap3A_780 = arith.constant 4 : i32
      %swap3A_781 = arith.index_cast %swap3A_780 : i32 to index
      %swap3A_782 = arith.index_cast %mul3A_26 : i32 to index
      %swap3A_783 = tpu.vector_load %arg4[%swap3A_781, %swap3A_782] {strides = array<i32>} : memref<36x128xf32, #tpu.memory_space<vmem>>, vector<1x16xf32>,
      %swap3A_784 = vector.shape_cast %swap3A_783 : vector<1x16xf32> to vector<16xf32>
      %swap3A_785 = vector.shape_cast %add3A_779 : vector<16xf32> to vector<1x16xf32>
      tpu.vector_store %arg4[%swap3A_781, %swap3A_782], %swap3A_785 {strides = array<i32>} : memref<36x128xf32, #tpu.memory_space<vmem>>, vector<1x16xf32>,
      %get3A_786 = arith.constant 5 : i32
      %get3A_787 = arith.index_cast %get3A_786 : i32 to index
      %get3A_788 = arith.index_cast %mul3A_26 : i32 to index
      %get3A_789 = tpu.vector_load %arg4[%get3A_787, %get3A_788] {strides = array<i32>} : memref<36x128xf32, #tpu.memory_space<vmem>>, vector<1x16xf32>,
      %get3A_790 = vector.shape_cast %get3A_789 : vector<1x16xf32> to vector<16xf32>
      %eq3A_791 = arith.constant 5 : i32
      %eq3A_792 = vector.broadcast %eq3A_791 : i32 to vector<16xi32>
      %eq3A_793 = arith.cmpi eq, %select_n3A_695, %eq3A_792 : vector<16xi32>
      %jit3A_794 = arith.constant 0.000000e+00 : f32
      %broadcast_in_dim3A_795 = vector.broadcast %jit3A_794 : f32 to vector<16xf32>
      %select_n3A_796 = arith.select %eq3A_793, %max3A_674, %broadcast_in_dim3A_795 : vector<16xi1>, vector<16xf32>
      %add3A_797 = arith.addf %get3A_790, %select_n3A_796 : vector<16xf32>
      %swap3A_798 = arith.constant 5 : i32
      %swap3A_799 = arith.index_cast %swap3A_798 : i32 to index
      %swap3A_800 = arith.index_cast %mul3A_26 : i32 to index
      %swap3A_801 = tpu.vector_load %arg4[%swap3A_799, %swap3A_800] {strides = array<i32>} : memref<36x128xf32, #tpu.memory_space<vmem>>, vector<1x16xf32>,
      %swap3A_802 = vector.shape_cast %swap3A_801 : vector<1x16xf32> to vector<16xf32>
      %swap3A_803 = vector.shape_cast %add3A_797 : vector<16xf32> to vector<1x16xf32>
      tpu.vector_store %arg4[%swap3A_799, %swap3A_800], %swap3A_803 {strides = array<i32>} : memref<36x128xf32, #tpu.memory_space<vmem>>, vector<1x16xf32>,
      %get3A_804 = arith.constant 6 : i32
      %get3A_805 = arith.index_cast %get3A_804 : i32 to index
      %get3A_806 = arith.index_cast %mul3A_26 : i32 to index
      %get3A_807 = tpu.vector_load %arg4[%get3A_805, %get3A_806] {strides = array<i32>} : memref<36x128xf32, #tpu.memory_space<vmem>>, vector<1x16xf32>,
      %get3A_808 = vector.shape_cast %get3A_807 : vector<1x16xf32> to vector<16xf32>
      %eq3A_809 = arith.constant 6 : i32
      %eq3A_810 = vector.broadcast %eq3A_809 : i32 to vector<16xi32>
      %eq3A_811 = arith.cmpi eq, %select_n3A_695, %eq3A_810 : vector<16xi32>
      %jit3A_812 = arith.constant 0.000000e+00 : f32
      %broadcast_in_dim3A_813 = vector.broadcast %jit3A_812 : f32 to vector<16xf32>
      %select_n3A_814 = arith.select %eq3A_811, %max3A_674, %broadcast_in_dim3A_813 : vector<16xi1>, vector<16xf32>
      %add3A_815 = arith.addf %get3A_808, %select_n3A_814 : vector<16xf32>
      %swap3A_816 = arith.constant 6 : i32
      %swap3A_817 = arith.index_cast %swap3A_816 : i32 to index
      %swap3A_818 = arith.index_cast %mul3A_26 : i32 to index
      %swap3A_819 = tpu.vector_load %arg4[%swap3A_817, %swap3A_818] {strides = array<i32>} : memref<36x128xf32, #tpu.memory_space<vmem>>, vector<1x16xf32>,
      %swap3A_820 = vector.shape_cast %swap3A_819 : vector<1x16xf32> to vector<16xf32>
      %swap3A_821 = vector.shape_cast %add3A_815 : vector<16xf32> to vector<1x16xf32>
      tpu.vector_store %arg4[%swap3A_817, %swap3A_818], %swap3A_821 {strides = array<i32>} : memref<36x128xf32, #tpu.memory_space<vmem>>, vector<1x16xf32>,
      %get3A_822 = arith.constant 7 : i32
      %get3A_823 = arith.index_cast %get3A_822 : i32 to index
      %get3A_824 = arith.index_cast %mul3A_26 : i32 to index
      %get3A_825 = tpu.vector_load %arg4[%get3A_823, %get3A_824] {strides = array<i32>} : memref<36x128xf32, #tpu.memory_space<vmem>>, vector<1x16xf32>,
      %get3A_826 = vector.shape_cast %get3A_825 : vector<1x16xf32> to vector<16xf32>
      %eq3A_827 = arith.constant 7 : i32
      %eq3A_828 = vector.broadcast %eq3A_827 : i32 to vector<16xi32>
      %eq3A_829 = arith.cmpi eq, %select_n3A_695, %eq3A_828 : vector<16xi32>
      %jit3A_830 = arith.constant 0.000000e+00 : f32
      %broadcast_in_dim3A_831 = vector.broadcast %jit3A_830 : f32 to vector<16xf32>
      %select_n3A_832 = arith.select %eq3A_829, %max3A_674, %broadcast_in_dim3A_831 : vector<16xi1>, vector<16xf32>
      %add3A_833 = arith.addf %get3A_826, %select_n3A_832 : vector<16xf32>
      %swap3A_834 = arith.constant 7 : i32
      %swap3A_835 = arith.index_cast %swap3A_834 : i32 to index
      %swap3A_836 = arith.index_cast %mul3A_26 : i32 to index
      %swap3A_837 = tpu.vector_load %arg4[%swap3A_835, %swap3A_836] {strides = array<i32>} : memref<36x128xf32, #tpu.memory_space<vmem>>, vector<1x16xf32>,
      %swap3A_838 = vector.shape_cast %swap3A_837 : vector<1x16xf32> to vector<16xf32>
      %swap3A_839 = vector.shape_cast %add3A_833 : vector<16xf32> to vector<1x16xf32>
      tpu.vector_store %arg4[%swap3A_835, %swap3A_836], %swap3A_839 {strides = array<i32>} : memref<36x128xf32, #tpu.memory_space<vmem>>, vector<1x16xf32>,
      %get3A_840 = arith.constant 8 : i32
      %get3A_841 = arith.index_cast %get3A_840 : i32 to index
      %get3A_842 = arith.index_cast %mul3A_26 : i32 to index
      %get3A_843 = tpu.vector_load %arg4[%get3A_841, %get3A_842] {strides = array<i32>} : memref<36x128xf32, #tpu.memory_space<vmem>>, vector<1x16xf32>,
      %get3A_844 = vector.shape_cast %get3A_843 : vector<1x16xf32> to vector<16xf32>
      %eq3A_845 = arith.constant 8 : i32
      %eq3A_846 = vector.broadcast %eq3A_845 : i32 to vector<16xi32>
      %eq3A_847 = arith.cmpi eq, %select_n3A_695, %eq3A_846 : vector<16xi32>
      %jit3A_848 = arith.constant 0.000000e+00 : f32
      %broadcast_in_dim3A_849 = vector.broadcast %jit3A_848 : f32 to vector<16xf32>
      %select_n3A_850 = arith.select %eq3A_847, %max3A_674, %broadcast_in_dim3A_849 : vector<16xi1>, vector<16xf32>
      %add3A_851 = arith.addf %get3A_844, %select_n3A_850 : vector<16xf32>
      %swap3A_852 = arith.constant 8 : i32
      %swap3A_853 = arith.index_cast %swap3A_852 : i32 to index
      %swap3A_854 = arith.index_cast %mul3A_26 : i32 to index
      %swap3A_855 = tpu.vector_load %arg4[%swap3A_853, %swap3A_854] {strides = array<i32>} : memref<36x128xf32, #tpu.memory_space<vmem>>, vector<1x16xf32>,
      %swap3A_856 = vector.shape_cast %swap3A_855 : vector<1x16xf32> to vector<16xf32>
      %swap3A_857 = vector.shape_cast %add3A_851 : vector<16xf32> to vector<1x16xf32>
      tpu.vector_store %arg4[%swap3A_853, %swap3A_854], %swap3A_857 {strides = array<i32>} : memref<36x128xf32, #tpu.memory_space<vmem>>, vector<1x16xf32>,
      %get3A_858 = arith.constant 9 : i32
      %get3A_859 = arith.index_cast %get3A_858 : i32 to index
      %get3A_860 = arith.index_cast %mul3A_26 : i32 to index
      %get3A_861 = tpu.vector_load %arg4[%get3A_859, %get3A_860] {strides = array<i32>} : memref<36x128xf32, #tpu.memory_space<vmem>>, vector<1x16xf32>,
      %get3A_862 = vector.shape_cast %get3A_861 : vector<1x16xf32> to vector<16xf32>
      %eq3A_863 = arith.constant 9 : i32
      %eq3A_864 = vector.broadcast %eq3A_863 : i32 to vector<16xi32>
      %eq3A_865 = arith.cmpi eq, %select_n3A_695, %eq3A_864 : vector<16xi32>
      %jit3A_866 = arith.constant 0.000000e+00 : f32
      %broadcast_in_dim3A_867 = vector.broadcast %jit3A_866 : f32 to vector<16xf32>
      %select_n3A_868 = arith.select %eq3A_865, %max3A_674, %broadcast_in_dim3A_867 : vector<16xi1>, vector<16xf32>
      %add3A_869 = arith.addf %get3A_862, %select_n3A_868 : vector<16xf32>
      %swap3A_870 = arith.constant 9 : i32
      %swap3A_871 = arith.index_cast %swap3A_870 : i32 to index
      %swap3A_872 = arith.index_cast %mul3A_26 : i32 to index
      %swap3A_873 = tpu.vector_load %arg4[%swap3A_871, %swap3A_872] {strides = array<i32>} : memref<36x128xf32, #tpu.memory_space<vmem>>, vector<1x16xf32>,
      %swap3A_874 = vector.shape_cast %swap3A_873 : vector<1x16xf32> to vector<16xf32>
      %swap3A_875 = vector.shape_cast %add3A_869 : vector<16xf32> to vector<1x16xf32>
      tpu.vector_store %arg4[%swap3A_871, %swap3A_872], %swap3A_875 {strides = array<i32>} : memref<36x128xf32, #tpu.memory_space<vmem>>, vector<1x16xf32>,
      %get3A_876 = arith.constant 10 : i32
      %get3A_877 = arith.index_cast %get3A_876 : i32 to index
      %get3A_878 = arith.index_cast %mul3A_26 : i32 to index
      %get3A_879 = tpu.vector_load %arg4[%get3A_877, %get3A_878] {strides = array<i32>} : memref<36x128xf32, #tpu.memory_space<vmem>>, vector<1x16xf32>,
      %get3A_880 = vector.shape_cast %get3A_879 : vector<1x16xf32> to vector<16xf32>
      %eq3A_881 = arith.constant 10 : i32
      %eq3A_882 = vector.broadcast %eq3A_881 : i32 to vector<16xi32>
      %eq3A_883 = arith.cmpi eq, %select_n3A_695, %eq3A_882 : vector<16xi32>
      %jit3A_884 = arith.constant 0.000000e+00 : f32
      %broadcast_in_dim3A_885 = vector.broadcast %jit3A_884 : f32 to vector<16xf32>
      %select_n3A_886 = arith.select %eq3A_883, %max3A_674, %broadcast_in_dim3A_885 : vector<16xi1>, vector<16xf32>
      %add3A_887 = arith.addf %get3A_880, %select_n3A_886 : vector<16xf32>
      %swap3A_888 = arith.constant 10 : i32
      %swap3A_889 = arith.index_cast %swap3A_888 : i32 to index
      %swap3A_890 = arith.index_cast %mul3A_26 : i32 to index
      %swap3A_891 = tpu.vector_load %arg4[%swap3A_889, %swap3A_890] {strides = array<i32>} : memref<36x128xf32, #tpu.memory_space<vmem>>, vector<1x16xf32>,
      %swap3A_892 = vector.shape_cast %swap3A_891 : vector<1x16xf32> to vector<16xf32>
      %swap3A_893 = vector.shape_cast %add3A_887 : vector<16xf32> to vector<1x16xf32>
      tpu.vector_store %arg4[%swap3A_889, %swap3A_890], %swap3A_893 {strides = array<i32>} : memref<36x128xf32, #tpu.memory_space<vmem>>, vector<1x16xf32>,
      %get3A_894 = arith.constant 11 : i32
      %get3A_895 = arith.index_cast %get3A_894 : i32 to index
      %get3A_896 = arith.index_cast %mul3A_26 : i32 to index
      %get3A_897 = tpu.vector_load %arg4[%get3A_895, %get3A_896] {strides = array<i32>} : memref<36x128xf32, #tpu.memory_space<vmem>>, vector<1x16xf32>,
      %get3A_898 = vector.shape_cast %get3A_897 : vector<1x16xf32> to vector<16xf32>
      %eq3A_899 = arith.constant 11 : i32
      %eq3A_900 = vector.broadcast %eq3A_899 : i32 to vector<16xi32>
      %eq3A_901 = arith.cmpi eq, %select_n3A_695, %eq3A_900 : vector<16xi32>
      %jit3A_902 = arith.constant 0.000000e+00 : f32
      %broadcast_in_dim3A_903 = vector.broadcast %jit3A_902 : f32 to vector<16xf32>
      %select_n3A_904 = arith.select %eq3A_901, %max3A_674, %broadcast_in_dim3A_903 : vector<16xi1>, vector<16xf32>
      %add3A_905 = arith.addf %get3A_898, %select_n3A_904 : vector<16xf32>
      %swap3A_906 = arith.constant 11 : i32
      %swap3A_907 = arith.index_cast %swap3A_906 : i32 to index
      %swap3A_908 = arith.index_cast %mul3A_26 : i32 to index
      %swap3A_909 = tpu.vector_load %arg4[%swap3A_907, %swap3A_908] {strides = array<i32>} : memref<36x128xf32, #tpu.memory_space<vmem>>, vector<1x16xf32>,
      %swap3A_910 = vector.shape_cast %swap3A_909 : vector<1x16xf32> to vector<16xf32>
      %swap3A_911 = vector.shape_cast %add3A_905 : vector<16xf32> to vector<1x16xf32>
      tpu.vector_store %arg4[%swap3A_907, %swap3A_908], %swap3A_911 {strides = array<i32>} : memref<36x128xf32, #tpu.memory_space<vmem>>, vector<1x16xf32>,
      %get3A_912 = arith.constant 12 : i32
      %get3A_913 = arith.index_cast %get3A_912 : i32 to index
      %get3A_914 = arith.index_cast %mul3A_26 : i32 to index
      %get3A_915 = tpu.vector_load %arg4[%get3A_913, %get3A_914] {strides = array<i32>} : memref<36x128xf32, #tpu.memory_space<vmem>>, vector<1x16xf32>,
      %get3A_916 = vector.shape_cast %get3A_915 : vector<1x16xf32> to vector<16xf32>
      %eq3A_917 = arith.constant 12 : i32
      %eq3A_918 = vector.broadcast %eq3A_917 : i32 to vector<16xi32>
      %eq3A_919 = arith.cmpi eq, %select_n3A_695, %eq3A_918 : vector<16xi32>
      %jit3A_920 = arith.constant 0.000000e+00 : f32
      %broadcast_in_dim3A_921 = vector.broadcast %jit3A_920 : f32 to vector<16xf32>
      %select_n3A_922 = arith.select %eq3A_919, %max3A_674, %broadcast_in_dim3A_921 : vector<16xi1>, vector<16xf32>
      %add3A_923 = arith.addf %get3A_916, %select_n3A_922 : vector<16xf32>
      %swap3A_924 = arith.constant 12 : i32
      %swap3A_925 = arith.index_cast %swap3A_924 : i32 to index
      %swap3A_926 = arith.index_cast %mul3A_26 : i32 to index
      %swap3A_927 = tpu.vector_load %arg4[%swap3A_925, %swap3A_926] {strides = array<i32>} : memref<36x128xf32, #tpu.memory_space<vmem>>, vector<1x16xf32>,
      %swap3A_928 = vector.shape_cast %swap3A_927 : vector<1x16xf32> to vector<16xf32>
      %swap3A_929 = vector.shape_cast %add3A_923 : vector<16xf32> to vector<1x16xf32>
      tpu.vector_store %arg4[%swap3A_925, %swap3A_926], %swap3A_929 {strides = array<i32>} : memref<36x128xf32, #tpu.memory_space<vmem>>, vector<1x16xf32>,
      %get3A_930 = arith.constant 13 : i32
      %get3A_931 = arith.index_cast %get3A_930 : i32 to index
      %get3A_932 = arith.index_cast %mul3A_26 : i32 to index
      %get3A_933 = tpu.vector_load %arg4[%get3A_931, %get3A_932] {strides = array<i32>} : memref<36x128xf32, #tpu.memory_space<vmem>>, vector<1x16xf32>,
      %get3A_934 = vector.shape_cast %get3A_933 : vector<1x16xf32> to vector<16xf32>
      %eq3A_935 = arith.constant 13 : i32
      %eq3A_936 = vector.broadcast %eq3A_935 : i32 to vector<16xi32>
      %eq3A_937 = arith.cmpi eq, %select_n3A_695, %eq3A_936 : vector<16xi32>
      %jit3A_938 = arith.constant 0.000000e+00 : f32
      %broadcast_in_dim3A_939 = vector.broadcast %jit3A_938 : f32 to vector<16xf32>
      %select_n3A_940 = arith.select %eq3A_937, %max3A_674, %broadcast_in_dim3A_939 : vector<16xi1>, vector<16xf32>
      %add3A_941 = arith.addf %get3A_934, %select_n3A_940 : vector<16xf32>
      %swap3A_942 = arith.constant 13 : i32
      %swap3A_943 = arith.index_cast %swap3A_942 : i32 to index
      %swap3A_944 = arith.index_cast %mul3A_26 : i32 to index
      %swap3A_945 = tpu.vector_load %arg4[%swap3A_943, %swap3A_944] {strides = array<i32>} : memref<36x128xf32, #tpu.memory_space<vmem>>, vector<1x16xf32>,
      %swap3A_946 = vector.shape_cast %swap3A_945 : vector<1x16xf32> to vector<16xf32>
      %swap3A_947 = vector.shape_cast %add3A_941 : vector<16xf32> to vector<1x16xf32>
      tpu.vector_store %arg4[%swap3A_943, %swap3A_944], %swap3A_947 {strides = array<i32>} : memref<36x128xf32, #tpu.memory_space<vmem>>, vector<1x16xf32>,
      %get3A_948 = arith.constant 14 : i32
      %get3A_949 = arith.index_cast %get3A_948 : i32 to index
      %get3A_950 = arith.index_cast %mul3A_26 : i32 to index
      %get3A_951 = tpu.vector_load %arg4[%get3A_949, %get3A_950] {strides = array<i32>} : memref<36x128xf32, #tpu.memory_space<vmem>>, vector<1x16xf32>,
      %get3A_952 = vector.shape_cast %get3A_951 : vector<1x16xf32> to vector<16xf32>
      %eq3A_953 = arith.constant 14 : i32
      %eq3A_954 = vector.broadcast %eq3A_953 : i32 to vector<16xi32>
      %eq3A_955 = arith.cmpi eq, %select_n3A_695, %eq3A_954 : vector<16xi32>
      %jit3A_956 = arith.constant 0.000000e+00 : f32
      %broadcast_in_dim3A_957 = vector.broadcast %jit3A_956 : f32 to vector<16xf32>
      %select_n3A_958 = arith.select %eq3A_955, %max3A_674, %broadcast_in_dim3A_957 : vector<16xi1>, vector<16xf32>
      %add3A_959 = arith.addf %get3A_952, %select_n3A_958 : vector<16xf32>
      %swap3A_960 = arith.constant 14 : i32
      %swap3A_961 = arith.index_cast %swap3A_960 : i32 to index
      %swap3A_962 = arith.index_cast %mul3A_26 : i32 to index
      %swap3A_963 = tpu.vector_load %arg4[%swap3A_961, %swap3A_962] {strides = array<i32>} : memref<36x128xf32, #tpu.memory_space<vmem>>, vector<1x16xf32>,
      %swap3A_964 = vector.shape_cast %swap3A_963 : vector<1x16xf32> to vector<16xf32>
      %swap3A_965 = vector.shape_cast %add3A_959 : vector<16xf32> to vector<1x16xf32>
      tpu.vector_store %arg4[%swap3A_961, %swap3A_962], %swap3A_965 {strides = array<i32>} : memref<36x128xf32, #tpu.memory_space<vmem>>, vector<1x16xf32>,
      %get3A_966 = arith.constant 15 : i32
      %get3A_967 = arith.index_cast %get3A_966 : i32 to index
      %get3A_968 = arith.index_cast %mul3A_26 : i32 to index
      %get3A_969 = tpu.vector_load %arg4[%get3A_967, %get3A_968] {strides = array<i32>} : memref<36x128xf32, #tpu.memory_space<vmem>>, vector<1x16xf32>,
      %get3A_970 = vector.shape_cast %get3A_969 : vector<1x16xf32> to vector<16xf32>
      %eq3A_971 = arith.constant 15 : i32
      %eq3A_972 = vector.broadcast %eq3A_971 : i32 to vector<16xi32>
      %eq3A_973 = arith.cmpi eq, %select_n3A_695, %eq3A_972 : vector<16xi32>
      %jit3A_974 = arith.constant 0.000000e+00 : f32
      %broadcast_in_dim3A_975 = vector.broadcast %jit3A_974 : f32 to vector<16xf32>
      %select_n3A_976 = arith.select %eq3A_973, %max3A_674, %broadcast_in_dim3A_975 : vector<16xi1>, vector<16xf32>
      %add3A_977 = arith.addf %get3A_970, %select_n3A_976 : vector<16xf32>
      %swap3A_978 = arith.constant 15 : i32
      %swap3A_979 = arith.index_cast %swap3A_978 : i32 to index
      %swap3A_980 = arith.index_cast %mul3A_26 : i32 to index
      %swap3A_981 = tpu.vector_load %arg4[%swap3A_979, %swap3A_980] {strides = array<i32>} : memref<36x128xf32, #tpu.memory_space<vmem>>, vector<1x16xf32>,
      %swap3A_982 = vector.shape_cast %swap3A_981 : vector<1x16xf32> to vector<16xf32>
      %swap3A_983 = vector.shape_cast %add3A_977 : vector<16xf32> to vector<1x16xf32>
      tpu.vector_store %arg4[%swap3A_979, %swap3A_980], %swap3A_983 {strides = array<i32>} : memref<36x128xf32, #tpu.memory_space<vmem>>, vector<1x16xf32>,
      %get3A_984 = arith.constant 16 : i32
      %get3A_985 = arith.index_cast %get3A_984 : i32 to index
      %get3A_986 = arith.index_cast %mul3A_26 : i32 to index
      %get3A_987 = tpu.vector_load %arg4[%get3A_985, %get3A_986] {strides = array<i32>} : memref<36x128xf32, #tpu.memory_space<vmem>>, vector<1x16xf32>,
      %get3A_988 = vector.shape_cast %get3A_987 : vector<1x16xf32> to vector<16xf32>
      %eq3A_989 = arith.constant 16 : i32
      %eq3A_990 = vector.broadcast %eq3A_989 : i32 to vector<16xi32>
      %eq3A_991 = arith.cmpi eq, %select_n3A_695, %eq3A_990 : vector<16xi32>
      %jit3A_992 = arith.constant 0.000000e+00 : f32
      %broadcast_in_dim3A_993 = vector.broadcast %jit3A_992 : f32 to vector<16xf32>
      %select_n3A_994 = arith.select %eq3A_991, %max3A_674, %broadcast_in_dim3A_993 : vector<16xi1>, vector<16xf32>
      %add3A_995 = arith.addf %get3A_988, %select_n3A_994 : vector<16xf32>
      %swap3A_996 = arith.constant 16 : i32
      %swap3A_997 = arith.index_cast %swap3A_996 : i32 to index
      %swap3A_998 = arith.index_cast %mul3A_26 : i32 to index
      %swap3A_999 = tpu.vector_load %arg4[%swap3A_997, %swap3A_998] {strides = array<i32>} : memref<36x128xf32, #tpu.memory_space<vmem>>, vector<1x16xf32>,
      %swap3A_1000 = vector.shape_cast %swap3A_999 : vector<1x16xf32> to vector<16xf32>
      %swap3A_1001 = vector.shape_cast %add3A_995 : vector<16xf32> to vector<1x16xf32>
      tpu.vector_store %arg4[%swap3A_997, %swap3A_998], %swap3A_1001 {strides = array<i32>} : memref<36x128xf32, #tpu.memory_space<vmem>>, vector<1x16xf32>,
      %get3A_1002 = arith.constant 17 : i32
      %get3A_1003 = arith.index_cast %get3A_1002 : i32 to index
      %get3A_1004 = arith.index_cast %mul3A_26 : i32 to index
      %get3A_1005 = tpu.vector_load %arg4[%get3A_1003, %get3A_1004] {strides = array<i32>} : memref<36x128xf32, #tpu.memory_space<vmem>>, vector<1x16xf32>,
      %get3A_1006 = vector.shape_cast %get3A_1005 : vector<1x16xf32> to vector<16xf32>
      %eq3A_1007 = arith.constant 17 : i32
      %eq3A_1008 = vector.broadcast %eq3A_1007 : i32 to vector<16xi32>
      %eq3A_1009 = arith.cmpi eq, %select_n3A_695, %eq3A_1008 : vector<16xi32>
      %jit3A_1010 = arith.constant 0.000000e+00 : f32
      %broadcast_in_dim3A_1011 = vector.broadcast %jit3A_1010 : f32 to vector<16xf32>
      %select_n3A_1012 = arith.select %eq3A_1009, %max3A_674, %broadcast_in_dim3A_1011 : vector<16xi1>, vector<16xf32>
      %add3A_1013 = arith.addf %get3A_1006, %select_n3A_1012 : vector<16xf32>
      %swap3A_1014 = arith.constant 17 : i32
      %swap3A_1015 = arith.index_cast %swap3A_1014 : i32 to index
      %swap3A_1016 = arith.index_cast %mul3A_26 : i32 to index
      %swap3A_1017 = tpu.vector_load %arg4[%swap3A_1015, %swap3A_1016] {strides = array<i32>} : memref<36x128xf32, #tpu.memory_space<vmem>>, vector<1x16xf32>,
      %swap3A_1018 = vector.shape_cast %swap3A_1017 : vector<1x16xf32> to vector<16xf32>
      %swap3A_1019 = vector.shape_cast %add3A_1013 : vector<16xf32> to vector<1x16xf32>
      tpu.vector_store %arg4[%swap3A_1015, %swap3A_1016], %swap3A_1019 {strides = array<i32>} : memref<36x128xf32, #tpu.memory_space<vmem>>, vector<1x16xf32>,
      %get3A_1020 = arith.constant 18 : i32
      %get3A_1021 = arith.index_cast %get3A_1020 : i32 to index
      %get3A_1022 = arith.index_cast %mul3A_26 : i32 to index
      %get3A_1023 = tpu.vector_load %arg4[%get3A_1021, %get3A_1022] {strides = array<i32>} : memref<36x128xf32, #tpu.memory_space<vmem>>, vector<1x16xf32>,
      %get3A_1024 = vector.shape_cast %get3A_1023 : vector<1x16xf32> to vector<16xf32>
      %eq3A_1025 = arith.constant 18 : i32
      %eq3A_1026 = vector.broadcast %eq3A_1025 : i32 to vector<16xi32>
      %eq3A_1027 = arith.cmpi eq, %select_n3A_695, %eq3A_1026 : vector<16xi32>
      %jit3A_1028 = arith.constant 0.000000e+00 : f32
      %broadcast_in_dim3A_1029 = vector.broadcast %jit3A_1028 : f32 to vector<16xf32>
      %select_n3A_1030 = arith.select %eq3A_1027, %max3A_674, %broadcast_in_dim3A_1029 : vector<16xi1>, vector<16xf32>
      %add3A_1031 = arith.addf %get3A_1024, %select_n3A_1030 : vector<16xf32>
      %swap3A_1032 = arith.constant 18 : i32
      %swap3A_1033 = arith.index_cast %swap3A_1032 : i32 to index
      %swap3A_1034 = arith.index_cast %mul3A_26 : i32 to index
      %swap3A_1035 = tpu.vector_load %arg4[%swap3A_1033, %swap3A_1034] {strides = array<i32>} : memref<36x128xf32, #tpu.memory_space<vmem>>, vector<1x16xf32>,
      %swap3A_1036 = vector.shape_cast %swap3A_1035 : vector<1x16xf32> to vector<16xf32>
      %swap3A_1037 = vector.shape_cast %add3A_1031 : vector<16xf32> to vector<1x16xf32>
      tpu.vector_store %arg4[%swap3A_1033, %swap3A_1034], %swap3A_1037 {strides = array<i32>} : memref<36x128xf32, #tpu.memory_space<vmem>>, vector<1x16xf32>,
      %get3A_1038 = arith.constant 19 : i32
      %get3A_1039 = arith.index_cast %get3A_1038 : i32 to index
      %get3A_1040 = arith.index_cast %mul3A_26 : i32 to index
      %get3A_1041 = tpu.vector_load %arg4[%get3A_1039, %get3A_1040] {strides = array<i32>} : memref<36x128xf32, #tpu.memory_space<vmem>>, vector<1x16xf32>,
      %get3A_1042 = vector.shape_cast %get3A_1041 : vector<1x16xf32> to vector<16xf32>
      %eq3A_1043 = arith.constant 19 : i32
      %eq3A_1044 = vector.broadcast %eq3A_1043 : i32 to vector<16xi32>
      %eq3A_1045 = arith.cmpi eq, %select_n3A_695, %eq3A_1044 : vector<16xi32>
      %jit3A_1046 = arith.constant 0.000000e+00 : f32
      %broadcast_in_dim3A_1047 = vector.broadcast %jit3A_1046 : f32 to vector<16xf32>
      %select_n3A_1048 = arith.select %eq3A_1045, %max3A_674, %broadcast_in_dim3A_1047 : vector<16xi1>, vector<16xf32>
      %add3A_1049 = arith.addf %get3A_1042, %select_n3A_1048 : vector<16xf32>
      %swap3A_1050 = arith.constant 19 : i32
      %swap3A_1051 = arith.index_cast %swap3A_1050 : i32 to index
      %swap3A_1052 = arith.index_cast %mul3A_26 : i32 to index
      %swap3A_1053 = tpu.vector_load %arg4[%swap3A_1051, %swap3A_1052] {strides = array<i32>} : memref<36x128xf32, #tpu.memory_space<vmem>>, vector<1x16xf32>,
      %swap3A_1054 = vector.shape_cast %swap3A_1053 : vector<1x16xf32> to vector<16xf32>
      %swap3A_1055 = vector.shape_cast %add3A_1049 : vector<16xf32> to vector<1x16xf32>
      tpu.vector_store %arg4[%swap3A_1051, %swap3A_1052], %swap3A_1055 {strides = array<i32>} : memref<36x128xf32, #tpu.memory_space<vmem>>, vector<1x16xf32>,
      %get3A_1056 = arith.constant 20 : i32
      %get3A_1057 = arith.index_cast %get3A_1056 : i32 to index
      %get3A_1058 = arith.index_cast %mul3A_26 : i32 to index
      %get3A_1059 = tpu.vector_load %arg4[%get3A_1057, %get3A_1058] {strides = array<i32>} : memref<36x128xf32, #tpu.memory_space<vmem>>, vector<1x16xf32>,
      %get3A_1060 = vector.shape_cast %get3A_1059 : vector<1x16xf32> to vector<16xf32>
      %eq3A_1061 = arith.constant 20 : i32
      %eq3A_1062 = vector.broadcast %eq3A_1061 : i32 to vector<16xi32>
      %eq3A_1063 = arith.cmpi eq, %select_n3A_695, %eq3A_1062 : vector<16xi32>
      %jit3A_1064 = arith.constant 0.000000e+00 : f32
      %broadcast_in_dim3A_1065 = vector.broadcast %jit3A_1064 : f32 to vector<16xf32>
      %select_n3A_1066 = arith.select %eq3A_1063, %max3A_674, %broadcast_in_dim3A_1065 : vector<16xi1>, vector<16xf32>
      %add3A_1067 = arith.addf %get3A_1060, %select_n3A_1066 : vector<16xf32>
      %swap3A_1068 = arith.constant 20 : i32
      %swap3A_1069 = arith.index_cast %swap3A_1068 : i32 to index
      %swap3A_1070 = arith.index_cast %mul3A_26 : i32 to index
      %swap3A_1071 = tpu.vector_load %arg4[%swap3A_1069, %swap3A_1070] {strides = array<i32>} : memref<36x128xf32, #tpu.memory_space<vmem>>, vector<1x16xf32>,
      %swap3A_1072 = vector.shape_cast %swap3A_1071 : vector<1x16xf32> to vector<16xf32>
      %swap3A_1073 = vector.shape_cast %add3A_1067 : vector<16xf32> to vector<1x16xf32>
      tpu.vector_store %arg4[%swap3A_1069, %swap3A_1070], %swap3A_1073 {strides = array<i32>} : memref<36x128xf32, #tpu.memory_space<vmem>>, vector<1x16xf32>,
      %get3A_1074 = arith.constant 21 : i32
      %get3A_1075 = arith.index_cast %get3A_1074 : i32 to index
      %get3A_1076 = arith.index_cast %mul3A_26 : i32 to index
      %get3A_1077 = tpu.vector_load %arg4[%get3A_1075, %get3A_1076] {strides = array<i32>} : memref<36x128xf32, #tpu.memory_space<vmem>>, vector<1x16xf32>,
      %get3A_1078 = vector.shape_cast %get3A_1077 : vector<1x16xf32> to vector<16xf32>
      %eq3A_1079 = arith.constant 21 : i32
      %eq3A_1080 = vector.broadcast %eq3A_1079 : i32 to vector<16xi32>
      %eq3A_1081 = arith.cmpi eq, %select_n3A_695, %eq3A_1080 : vector<16xi32>
      %jit3A_1082 = arith.constant 0.000000e+00 : f32
      %broadcast_in_dim3A_1083 = vector.broadcast %jit3A_1082 : f32 to vector<16xf32>
      %select_n3A_1084 = arith.select %eq3A_1081, %max3A_674, %broadcast_in_dim3A_1083 : vector<16xi1>, vector<16xf32>
      %add3A_1085 = arith.addf %get3A_1078, %select_n3A_1084 : vector<16xf32>
      %swap3A_1086 = arith.constant 21 : i32
      %swap3A_1087 = arith.index_cast %swap3A_1086 : i32 to index
      %swap3A_1088 = arith.index_cast %mul3A_26 : i32 to index
      %swap3A_1089 = tpu.vector_load %arg4[%swap3A_1087, %swap3A_1088] {strides = array<i32>} : memref<36x128xf32, #tpu.memory_space<vmem>>, vector<1x16xf32>,
      %swap3A_1090 = vector.shape_cast %swap3A_1089 : vector<1x16xf32> to vector<16xf32>
      %swap3A_1091 = vector.shape_cast %add3A_1085 : vector<16xf32> to vector<1x16xf32>
      tpu.vector_store %arg4[%swap3A_1087, %swap3A_1088], %swap3A_1091 {strides = array<i32>} : memref<36x128xf32, #tpu.memory_space<vmem>>, vector<1x16xf32>,
      %get3A_1092 = arith.constant 22 : i32
      %get3A_1093 = arith.index_cast %get3A_1092 : i32 to index
      %get3A_1094 = arith.index_cast %mul3A_26 : i32 to index
      %get3A_1095 = tpu.vector_load %arg4[%get3A_1093, %get3A_1094] {strides = array<i32>} : memref<36x128xf32, #tpu.memory_space<vmem>>, vector<1x16xf32>,
      %get3A_1096 = vector.shape_cast %get3A_1095 : vector<1x16xf32> to vector<16xf32>
      %eq3A_1097 = arith.constant 22 : i32
      %eq3A_1098 = vector.broadcast %eq3A_1097 : i32 to vector<16xi32>
      %eq3A_1099 = arith.cmpi eq, %select_n3A_695, %eq3A_1098 : vector<16xi32>
      %jit3A_1100 = arith.constant 0.000000e+00 : f32
      %broadcast_in_dim3A_1101 = vector.broadcast %jit3A_1100 : f32 to vector<16xf32>
      %select_n3A_1102 = arith.select %eq3A_1099, %max3A_674, %broadcast_in_dim3A_1101 : vector<16xi1>, vector<16xf32>
      %add3A_1103 = arith.addf %get3A_1096, %select_n3A_1102 : vector<16xf32>
      %swap3A_1104 = arith.constant 22 : i32
      %swap3A_1105 = arith.index_cast %swap3A_1104 : i32 to index
      %swap3A_1106 = arith.index_cast %mul3A_26 : i32 to index
      %swap3A_1107 = tpu.vector_load %arg4[%swap3A_1105, %swap3A_1106] {strides = array<i32>} : memref<36x128xf32, #tpu.memory_space<vmem>>, vector<1x16xf32>,
      %swap3A_1108 = vector.shape_cast %swap3A_1107 : vector<1x16xf32> to vector<16xf32>
      %swap3A_1109 = vector.shape_cast %add3A_1103 : vector<16xf32> to vector<1x16xf32>
      tpu.vector_store %arg4[%swap3A_1105, %swap3A_1106], %swap3A_1109 {strides = array<i32>} : memref<36x128xf32, #tpu.memory_space<vmem>>, vector<1x16xf32>,
      %get3A_1110 = arith.constant 23 : i32
      %get3A_1111 = arith.index_cast %get3A_1110 : i32 to index
      %get3A_1112 = arith.index_cast %mul3A_26 : i32 to index
      %get3A_1113 = tpu.vector_load %arg4[%get3A_1111, %get3A_1112] {strides = array<i32>} : memref<36x128xf32, #tpu.memory_space<vmem>>, vector<1x16xf32>,
      %get3A_1114 = vector.shape_cast %get3A_1113 : vector<1x16xf32> to vector<16xf32>
      %eq3A_1115 = arith.constant 23 : i32
      %eq3A_1116 = vector.broadcast %eq3A_1115 : i32 to vector<16xi32>
      %eq3A_1117 = arith.cmpi eq, %select_n3A_695, %eq3A_1116 : vector<16xi32>
      %jit3A_1118 = arith.constant 0.000000e+00 : f32
      %broadcast_in_dim3A_1119 = vector.broadcast %jit3A_1118 : f32 to vector<16xf32>
      %select_n3A_1120 = arith.select %eq3A_1117, %max3A_674, %broadcast_in_dim3A_1119 : vector<16xi1>, vector<16xf32>
      %add3A_1121 = arith.addf %get3A_1114, %select_n3A_1120 : vector<16xf32>
      %swap3A_1122 = arith.constant 23 : i32
      %swap3A_1123 = arith.index_cast %swap3A_1122 : i32 to index
      %swap3A_1124 = arith.index_cast %mul3A_26 : i32 to index
      %swap3A_1125 = tpu.vector_load %arg4[%swap3A_1123, %swap3A_1124] {strides = array<i32>} : memref<36x128xf32, #tpu.memory_space<vmem>>, vector<1x16xf32>,
      %swap3A_1126 = vector.shape_cast %swap3A_1125 : vector<1x16xf32> to vector<16xf32>
      %swap3A_1127 = vector.shape_cast %add3A_1121 : vector<16xf32> to vector<1x16xf32>
      tpu.vector_store %arg4[%swap3A_1123, %swap3A_1124], %swap3A_1127 {strides = array<i32>} : memref<36x128xf32, #tpu.memory_space<vmem>>, vector<1x16xf32>,
      %get3A_1128 = arith.constant 24 : i32
      %get3A_1129 = arith.index_cast %get3A_1128 : i32 to index
      %get3A_1130 = arith.index_cast %mul3A_26 : i32 to index
      %get3A_1131 = tpu.vector_load %arg4[%get3A_1129, %get3A_1130] {strides = array<i32>} : memref<36x128xf32, #tpu.memory_space<vmem>>, vector<1x16xf32>,
      %get3A_1132 = vector.shape_cast %get3A_1131 : vector<1x16xf32> to vector<16xf32>
      %eq3A_1133 = arith.constant 24 : i32
      %eq3A_1134 = vector.broadcast %eq3A_1133 : i32 to vector<16xi32>
      %eq3A_1135 = arith.cmpi eq, %select_n3A_695, %eq3A_1134 : vector<16xi32>
      %jit3A_1136 = arith.constant 0.000000e+00 : f32
      %broadcast_in_dim3A_1137 = vector.broadcast %jit3A_1136 : f32 to vector<16xf32>
      %select_n3A_1138 = arith.select %eq3A_1135, %max3A_674, %broadcast_in_dim3A_1137 : vector<16xi1>, vector<16xf32>
      %add3A_1139 = arith.addf %get3A_1132, %select_n3A_1138 : vector<16xf32>
      %swap3A_1140 = arith.constant 24 : i32
      %swap3A_1141 = arith.index_cast %swap3A_1140 : i32 to index
      %swap3A_1142 = arith.index_cast %mul3A_26 : i32 to index
      %swap3A_1143 = tpu.vector_load %arg4[%swap3A_1141, %swap3A_1142] {strides = array<i32>} : memref<36x128xf32, #tpu.memory_space<vmem>>, vector<1x16xf32>,
      %swap3A_1144 = vector.shape_cast %swap3A_1143 : vector<1x16xf32> to vector<16xf32>
      %swap3A_1145 = vector.shape_cast %add3A_1139 : vector<16xf32> to vector<1x16xf32>
      tpu.vector_store %arg4[%swap3A_1141, %swap3A_1142], %swap3A_1145 {strides = array<i32>} : memref<36x128xf32, #tpu.memory_space<vmem>>, vector<1x16xf32>,
      %get3A_1146 = arith.constant 25 : i32
      %get3A_1147 = arith.index_cast %get3A_1146 : i32 to index
      %get3A_1148 = arith.index_cast %mul3A_26 : i32 to index
      %get3A_1149 = tpu.vector_load %arg4[%get3A_1147, %get3A_1148] {strides = array<i32>} : memref<36x128xf32, #tpu.memory_space<vmem>>, vector<1x16xf32>,
      %get3A_1150 = vector.shape_cast %get3A_1149 : vector<1x16xf32> to vector<16xf32>
      %eq3A_1151 = arith.constant 25 : i32
      %eq3A_1152 = vector.broadcast %eq3A_1151 : i32 to vector<16xi32>
      %eq3A_1153 = arith.cmpi eq, %select_n3A_695, %eq3A_1152 : vector<16xi32>
      %jit3A_1154 = arith.constant 0.000000e+00 : f32
      %broadcast_in_dim3A_1155 = vector.broadcast %jit3A_1154 : f32 to vector<16xf32>
      %select_n3A_1156 = arith.select %eq3A_1153, %max3A_674, %broadcast_in_dim3A_1155 : vector<16xi1>, vector<16xf32>
      %add3A_1157 = arith.addf %get3A_1150, %select_n3A_1156 : vector<16xf32>
      %swap3A_1158 = arith.constant 25 : i32
      %swap3A_1159 = arith.index_cast %swap3A_1158 : i32 to index
      %swap3A_1160 = arith.index_cast %mul3A_26 : i32 to index
      %swap3A_1161 = tpu.vector_load %arg4[%swap3A_1159, %swap3A_1160] {strides = array<i32>} : memref<36x128xf32, #tpu.memory_space<vmem>>, vector<1x16xf32>,
      %swap3A_1162 = vector.shape_cast %swap3A_1161 : vector<1x16xf32> to vector<16xf32>
      %swap3A_1163 = vector.shape_cast %add3A_1157 : vector<16xf32> to vector<1x16xf32>
      tpu.vector_store %arg4[%swap3A_1159, %swap3A_1160], %swap3A_1163 {strides = array<i32>} : memref<36x128xf32, #tpu.memory_space<vmem>>, vector<1x16xf32>,
      %get3A_1164 = arith.constant 26 : i32
      %get3A_1165 = arith.index_cast %get3A_1164 : i32 to index
      %get3A_1166 = arith.index_cast %mul3A_26 : i32 to index
      %get3A_1167 = tpu.vector_load %arg4[%get3A_1165, %get3A_1166] {strides = array<i32>} : memref<36x128xf32, #tpu.memory_space<vmem>>, vector<1x16xf32>,
      %get3A_1168 = vector.shape_cast %get3A_1167 : vector<1x16xf32> to vector<16xf32>
      %eq3A_1169 = arith.constant 26 : i32
      %eq3A_1170 = vector.broadcast %eq3A_1169 : i32 to vector<16xi32>
      %eq3A_1171 = arith.cmpi eq, %select_n3A_695, %eq3A_1170 : vector<16xi32>
      %jit3A_1172 = arith.constant 0.000000e+00 : f32
      %broadcast_in_dim3A_1173 = vector.broadcast %jit3A_1172 : f32 to vector<16xf32>
      %select_n3A_1174 = arith.select %eq3A_1171, %max3A_674, %broadcast_in_dim3A_1173 : vector<16xi1>, vector<16xf32>
      %add3A_1175 = arith.addf %get3A_1168, %select_n3A_1174 : vector<16xf32>
      %swap3A_1176 = arith.constant 26 : i32
      %swap3A_1177 = arith.index_cast %swap3A_1176 : i32 to index
      %swap3A_1178 = arith.index_cast %mul3A_26 : i32 to index
      %swap3A_1179 = tpu.vector_load %arg4[%swap3A_1177, %swap3A_1178] {strides = array<i32>} : memref<36x128xf32, #tpu.memory_space<vmem>>, vector<1x16xf32>,
      %swap3A_1180 = vector.shape_cast %swap3A_1179 : vector<1x16xf32> to vector<16xf32>
      %swap3A_1181 = vector.shape_cast %add3A_1175 : vector<16xf32> to vector<1x16xf32>
      tpu.vector_store %arg4[%swap3A_1177, %swap3A_1178], %swap3A_1181 {strides = array<i32>} : memref<36x128xf32, #tpu.memory_space<vmem>>, vector<1x16xf32>,
      %get3A_1182 = arith.constant 27 : i32
      %get3A_1183 = arith.index_cast %get3A_1182 : i32 to index
      %get3A_1184 = arith.index_cast %mul3A_26 : i32 to index
      %get3A_1185 = tpu.vector_load %arg4[%get3A_1183, %get3A_1184] {strides = array<i32>} : memref<36x128xf32, #tpu.memory_space<vmem>>, vector<1x16xf32>,
      %get3A_1186 = vector.shape_cast %get3A_1185 : vector<1x16xf32> to vector<16xf32>
      %eq3A_1187 = arith.constant 27 : i32
      %eq3A_1188 = vector.broadcast %eq3A_1187 : i32 to vector<16xi32>
      %eq3A_1189 = arith.cmpi eq, %select_n3A_695, %eq3A_1188 : vector<16xi32>
      %jit3A_1190 = arith.constant 0.000000e+00 : f32
      %broadcast_in_dim3A_1191 = vector.broadcast %jit3A_1190 : f32 to vector<16xf32>
      %select_n3A_1192 = arith.select %eq3A_1189, %max3A_674, %broadcast_in_dim3A_1191 : vector<16xi1>, vector<16xf32>
      %add3A_1193 = arith.addf %get3A_1186, %select_n3A_1192 : vector<16xf32>
      %swap3A_1194 = arith.constant 27 : i32
      %swap3A_1195 = arith.index_cast %swap3A_1194 : i32 to index
      %swap3A_1196 = arith.index_cast %mul3A_26 : i32 to index
      %swap3A_1197 = tpu.vector_load %arg4[%swap3A_1195, %swap3A_1196] {strides = array<i32>} : memref<36x128xf32, #tpu.memory_space<vmem>>, vector<1x16xf32>,
      %swap3A_1198 = vector.shape_cast %swap3A_1197 : vector<1x16xf32> to vector<16xf32>
      %swap3A_1199 = vector.shape_cast %add3A_1193 : vector<16xf32> to vector<1x16xf32>
      tpu.vector_store %arg4[%swap3A_1195, %swap3A_1196], %swap3A_1199 {strides = array<i32>} : memref<36x128xf32, #tpu.memory_space<vmem>>, vector<1x16xf32>,
      %get3A_1200 = arith.constant 28 : i32
      %get3A_1201 = arith.index_cast %get3A_1200 : i32 to index
      %get3A_1202 = arith.index_cast %mul3A_26 : i32 to index
      %get3A_1203 = tpu.vector_load %arg4[%get3A_1201, %get3A_1202] {strides = array<i32>} : memref<36x128xf32, #tpu.memory_space<vmem>>, vector<1x16xf32>,
      %get3A_1204 = vector.shape_cast %get3A_1203 : vector<1x16xf32> to vector<16xf32>
      %eq3A_1205 = arith.constant 28 : i32
      %eq3A_1206 = vector.broadcast %eq3A_1205 : i32 to vector<16xi32>
      %eq3A_1207 = arith.cmpi eq, %select_n3A_695, %eq3A_1206 : vector<16xi32>
      %jit3A_1208 = arith.constant 0.000000e+00 : f32
      %broadcast_in_dim3A_1209 = vector.broadcast %jit3A_1208 : f32 to vector<16xf32>
      %select_n3A_1210 = arith.select %eq3A_1207, %max3A_674, %broadcast_in_dim3A_1209 : vector<16xi1>, vector<16xf32>
      %add3A_1211 = arith.addf %get3A_1204, %select_n3A_1210 : vector<16xf32>
      %swap3A_1212 = arith.constant 28 : i32
      %swap3A_1213 = arith.index_cast %swap3A_1212 : i32 to index
      %swap3A_1214 = arith.index_cast %mul3A_26 : i32 to index
      %swap3A_1215 = tpu.vector_load %arg4[%swap3A_1213, %swap3A_1214] {strides = array<i32>} : memref<36x128xf32, #tpu.memory_space<vmem>>, vector<1x16xf32>,
      %swap3A_1216 = vector.shape_cast %swap3A_1215 : vector<1x16xf32> to vector<16xf32>
      %swap3A_1217 = vector.shape_cast %add3A_1211 : vector<16xf32> to vector<1x16xf32>
      tpu.vector_store %arg4[%swap3A_1213, %swap3A_1214], %swap3A_1217 {strides = array<i32>} : memref<36x128xf32, #tpu.memory_space<vmem>>, vector<1x16xf32>,
      %get3A_1218 = arith.constant 29 : i32
      %get3A_1219 = arith.index_cast %get3A_1218 : i32 to index
      %get3A_1220 = arith.index_cast %mul3A_26 : i32 to index
      %get3A_1221 = tpu.vector_load %arg4[%get3A_1219, %get3A_1220] {strides = array<i32>} : memref<36x128xf32, #tpu.memory_space<vmem>>, vector<1x16xf32>,
      %get3A_1222 = vector.shape_cast %get3A_1221 : vector<1x16xf32> to vector<16xf32>
      %eq3A_1223 = arith.constant 29 : i32
      %eq3A_1224 = vector.broadcast %eq3A_1223 : i32 to vector<16xi32>
      %eq3A_1225 = arith.cmpi eq, %select_n3A_695, %eq3A_1224 : vector<16xi32>
      %jit3A_1226 = arith.constant 0.000000e+00 : f32
      %broadcast_in_dim3A_1227 = vector.broadcast %jit3A_1226 : f32 to vector<16xf32>
      %select_n3A_1228 = arith.select %eq3A_1225, %max3A_674, %broadcast_in_dim3A_1227 : vector<16xi1>, vector<16xf32>
      %add3A_1229 = arith.addf %get3A_1222, %select_n3A_1228 : vector<16xf32>
      %swap3A_1230 = arith.constant 29 : i32
      %swap3A_1231 = arith.index_cast %swap3A_1230 : i32 to index
      %swap3A_1232 = arith.index_cast %mul3A_26 : i32 to index
      %swap3A_1233 = tpu.vector_load %arg4[%swap3A_1231, %swap3A_1232] {strides = array<i32>} : memref<36x128xf32, #tpu.memory_space<vmem>>, vector<1x16xf32>,
      %swap3A_1234 = vector.shape_cast %swap3A_1233 : vector<1x16xf32> to vector<16xf32>
      %swap3A_1235 = vector.shape_cast %add3A_1229 : vector<16xf32> to vector<1x16xf32>
      tpu.vector_store %arg4[%swap3A_1231, %swap3A_1232], %swap3A_1235 {strides = array<i32>} : memref<36x128xf32, #tpu.memory_space<vmem>>, vector<1x16xf32>,
      %get3A_1236 = arith.constant 30 : i32
      %get3A_1237 = arith.index_cast %get3A_1236 : i32 to index
      %get3A_1238 = arith.index_cast %mul3A_26 : i32 to index
      %get3A_1239 = tpu.vector_load %arg4[%get3A_1237, %get3A_1238] {strides = array<i32>} : memref<36x128xf32, #tpu.memory_space<vmem>>, vector<1x16xf32>,
      %get3A_1240 = vector.shape_cast %get3A_1239 : vector<1x16xf32> to vector<16xf32>
      %eq3A_1241 = arith.constant 30 : i32
      %eq3A_1242 = vector.broadcast %eq3A_1241 : i32 to vector<16xi32>
      %eq3A_1243 = arith.cmpi eq, %select_n3A_695, %eq3A_1242 : vector<16xi32>
      %jit3A_1244 = arith.constant 0.000000e+00 : f32
      %broadcast_in_dim3A_1245 = vector.broadcast %jit3A_1244 : f32 to vector<16xf32>
      %select_n3A_1246 = arith.select %eq3A_1243, %max3A_674, %broadcast_in_dim3A_1245 : vector<16xi1>, vector<16xf32>
      %add3A_1247 = arith.addf %get3A_1240, %select_n3A_1246 : vector<16xf32>
      %swap3A_1248 = arith.constant 30 : i32
      %swap3A_1249 = arith.index_cast %swap3A_1248 : i32 to index
      %swap3A_1250 = arith.index_cast %mul3A_26 : i32 to index
      %swap3A_1251 = tpu.vector_load %arg4[%swap3A_1249, %swap3A_1250] {strides = array<i32>} : memref<36x128xf32, #tpu.memory_space<vmem>>, vector<1x16xf32>,
      %swap3A_1252 = vector.shape_cast %swap3A_1251 : vector<1x16xf32> to vector<16xf32>
      %swap3A_1253 = vector.shape_cast %add3A_1247 : vector<16xf32> to vector<1x16xf32>
      tpu.vector_store %arg4[%swap3A_1249, %swap3A_1250], %swap3A_1253 {strides = array<i32>} : memref<36x128xf32, #tpu.memory_space<vmem>>, vector<1x16xf32>,
      %get3A_1254 = arith.constant 31 : i32
      %get3A_1255 = arith.index_cast %get3A_1254 : i32 to index
      %get3A_1256 = arith.index_cast %mul3A_26 : i32 to index
      %get3A_1257 = tpu.vector_load %arg4[%get3A_1255, %get3A_1256] {strides = array<i32>} : memref<36x128xf32, #tpu.memory_space<vmem>>, vector<1x16xf32>,
      %get3A_1258 = vector.shape_cast %get3A_1257 : vector<1x16xf32> to vector<16xf32>
      %eq3A_1259 = arith.constant 31 : i32
      %eq3A_1260 = vector.broadcast %eq3A_1259 : i32 to vector<16xi32>
      %eq3A_1261 = arith.cmpi eq, %select_n3A_695, %eq3A_1260 : vector<16xi32>
      %jit3A_1262 = arith.constant 0.000000e+00 : f32
      %broadcast_in_dim3A_1263 = vector.broadcast %jit3A_1262 : f32 to vector<16xf32>
      %select_n3A_1264 = arith.select %eq3A_1261, %max3A_674, %broadcast_in_dim3A_1263 : vector<16xi1>, vector<16xf32>
      %add3A_1265 = arith.addf %get3A_1258, %select_n3A_1264 : vector<16xf32>
      %swap3A_1266 = arith.constant 31 : i32
      %swap3A_1267 = arith.index_cast %swap3A_1266 : i32 to index
      %swap3A_1268 = arith.index_cast %mul3A_26 : i32 to index
      %swap3A_1269 = tpu.vector_load %arg4[%swap3A_1267, %swap3A_1268] {strides = array<i32>} : memref<36x128xf32, #tpu.memory_space<vmem>>, vector<1x16xf32>,
      %swap3A_1270 = vector.shape_cast %swap3A_1269 : vector<1x16xf32> to vector<16xf32>
      %swap3A_1271 = vector.shape_cast %add3A_1265 : vector<16xf32> to vector<1x16xf32>
      tpu.vector_store %arg4[%swap3A_1267, %swap3A_1268], %swap3A_1271 {strides = array<i32>} : memref<36x128xf32, #tpu.memory_space<vmem>>, vector<1x16xf32>,
      %get3A_1272 = arith.constant 32 : i32
      %get3A_1273 = arith.index_cast %get3A_1272 : i32 to index
      %get3A_1274 = arith.index_cast %mul3A_26 : i32 to index
      %get3A_1275 = tpu.vector_load %arg4[%get3A_1273, %get3A_1274] {strides = array<i32>} : memref<36x128xf32, #tpu.memory_space<vmem>>, vector<1x16xf32>,
      %get3A_1276 = vector.shape_cast %get3A_1275 : vector<1x16xf32> to vector<16xf32>
      %eq3A_1277 = arith.constant 32 : i32
      %eq3A_1278 = vector.broadcast %eq3A_1277 : i32 to vector<16xi32>
      %eq3A_1279 = arith.cmpi eq, %select_n3A_695, %eq3A_1278 : vector<16xi32>
      %jit3A_1280 = arith.constant 0.000000e+00 : f32
      %broadcast_in_dim3A_1281 = vector.broadcast %jit3A_1280 : f32 to vector<16xf32>
      %select_n3A_1282 = arith.select %eq3A_1279, %max3A_674, %broadcast_in_dim3A_1281 : vector<16xi1>, vector<16xf32>
      %add3A_1283 = arith.addf %get3A_1276, %select_n3A_1282 : vector<16xf32>
      %swap3A_1284 = arith.constant 32 : i32
      %swap3A_1285 = arith.index_cast %swap3A_1284 : i32 to index
      %swap3A_1286 = arith.index_cast %mul3A_26 : i32 to index
      %swap3A_1287 = tpu.vector_load %arg4[%swap3A_1285, %swap3A_1286] {strides = array<i32>} : memref<36x128xf32, #tpu.memory_space<vmem>>, vector<1x16xf32>,
      %swap3A_1288 = vector.shape_cast %swap3A_1287 : vector<1x16xf32> to vector<16xf32>
      %swap3A_1289 = vector.shape_cast %add3A_1283 : vector<16xf32> to vector<1x16xf32>
      tpu.vector_store %arg4[%swap3A_1285, %swap3A_1286], %swap3A_1289 {strides = array<i32>} : memref<36x128xf32, #tpu.memory_space<vmem>>, vector<1x16xf32>,
      %get3A_1290 = arith.constant 33 : i32
      %get3A_1291 = arith.index_cast %get3A_1290 : i32 to index
      %get3A_1292 = arith.index_cast %mul3A_26 : i32 to index
      %get3A_1293 = tpu.vector_load %arg4[%get3A_1291, %get3A_1292] {strides = array<i32>} : memref<36x128xf32, #tpu.memory_space<vmem>>, vector<1x16xf32>,
      %get3A_1294 = vector.shape_cast %get3A_1293 : vector<1x16xf32> to vector<16xf32>
      %eq3A_1295 = arith.constant 33 : i32
      %eq3A_1296 = vector.broadcast %eq3A_1295 : i32 to vector<16xi32>
      %eq3A_1297 = arith.cmpi eq, %select_n3A_695, %eq3A_1296 : vector<16xi32>
      %jit3A_1298 = arith.constant 0.000000e+00 : f32
      %broadcast_in_dim3A_1299 = vector.broadcast %jit3A_1298 : f32 to vector<16xf32>
      %select_n3A_1300 = arith.select %eq3A_1297, %max3A_674, %broadcast_in_dim3A_1299 : vector<16xi1>, vector<16xf32>
      %add3A_1301 = arith.addf %get3A_1294, %select_n3A_1300 : vector<16xf32>
      %swap3A_1302 = arith.constant 33 : i32
      %swap3A_1303 = arith.index_cast %swap3A_1302 : i32 to index
      %swap3A_1304 = arith.index_cast %mul3A_26 : i32 to index
      %swap3A_1305 = tpu.vector_load %arg4[%swap3A_1303, %swap3A_1304] {strides = array<i32>} : memref<36x128xf32, #tpu.memory_space<vmem>>, vector<1x16xf32>,
      %swap3A_1306 = vector.shape_cast %swap3A_1305 : vector<1x16xf32> to vector<16xf32>
      %swap3A_1307 = vector.shape_cast %add3A_1301 : vector<16xf32> to vector<1x16xf32>
      tpu.vector_store %arg4[%swap3A_1303, %swap3A_1304], %swap3A_1307 {strides = array<i32>} : memref<36x128xf32, #tpu.memory_space<vmem>>, vector<1x16xf32>,
      %get3A_1308 = arith.constant 34 : i32
      %get3A_1309 = arith.index_cast %get3A_1308 : i32 to index
      %get3A_1310 = arith.index_cast %mul3A_26 : i32 to index
      %get3A_1311 = tpu.vector_load %arg4[%get3A_1309, %get3A_1310] {strides = array<i32>} : memref<36x128xf32, #tpu.memory_space<vmem>>, vector<1x16xf32>,
      %get3A_1312 = vector.shape_cast %get3A_1311 : vector<1x16xf32> to vector<16xf32>
      %eq3A_1313 = arith.constant 34 : i32
      %eq3A_1314 = vector.broadcast %eq3A_1313 : i32 to vector<16xi32>
      %eq3A_1315 = arith.cmpi eq, %select_n3A_695, %eq3A_1314 : vector<16xi32>
      %jit3A_1316 = arith.constant 0.000000e+00 : f32
      %broadcast_in_dim3A_1317 = vector.broadcast %jit3A_1316 : f32 to vector<16xf32>
      %select_n3A_1318 = arith.select %eq3A_1315, %max3A_674, %broadcast_in_dim3A_1317 : vector<16xi1>, vector<16xf32>
      %add3A_1319 = arith.addf %get3A_1312, %select_n3A_1318 : vector<16xf32>
      %swap3A_1320 = arith.constant 34 : i32
      %swap3A_1321 = arith.index_cast %swap3A_1320 : i32 to index
      %swap3A_1322 = arith.index_cast %mul3A_26 : i32 to index
      %swap3A_1323 = tpu.vector_load %arg4[%swap3A_1321, %swap3A_1322] {strides = array<i32>} : memref<36x128xf32, #tpu.memory_space<vmem>>, vector<1x16xf32>,
      %swap3A_1324 = vector.shape_cast %swap3A_1323 : vector<1x16xf32> to vector<16xf32>
      %swap3A_1325 = vector.shape_cast %add3A_1319 : vector<16xf32> to vector<1x16xf32>
      tpu.vector_store %arg4[%swap3A_1321, %swap3A_1322], %swap3A_1325 {strides = array<i32>} : memref<36x128xf32, #tpu.memory_space<vmem>>, vector<1x16xf32>,
      %get3A_1326 = arith.constant 35 : i32
      %get3A_1327 = arith.index_cast %get3A_1326 : i32 to index
      %get3A_1328 = arith.index_cast %mul3A_26 : i32 to index
      %get3A_1329 = tpu.vector_load %arg4[%get3A_1327, %get3A_1328] {strides = array<i32>} : memref<36x128xf32, #tpu.memory_space<vmem>>, vector<1x16xf32>,
      %get3A_1330 = vector.shape_cast %get3A_1329 : vector<1x16xf32> to vector<16xf32>
      %eq3A_1331 = arith.constant 35 : i32
      %eq3A_1332 = vector.broadcast %eq3A_1331 : i32 to vector<16xi32>
      %eq3A_1333 = arith.cmpi eq, %select_n3A_695, %eq3A_1332 : vector<16xi32>
      %jit3A_1334 = arith.constant 0.000000e+00 : f32
      %broadcast_in_dim3A_1335 = vector.broadcast %jit3A_1334 : f32 to vector<16xf32>
      %select_n3A_1336 = arith.select %eq3A_1333, %max3A_674, %broadcast_in_dim3A_1335 : vector<16xi1>, vector<16xf32>
      %add3A_1337 = arith.addf %get3A_1330, %select_n3A_1336 : vector<16xf32>
      %swap3A_1338 = arith.constant 35 : i32
      %swap3A_1339 = arith.index_cast %swap3A_1338 : i32 to index
      %swap3A_1340 = arith.index_cast %mul3A_26 : i32 to index
      %swap3A_1341 = tpu.vector_load %arg4[%swap3A_1339, %swap3A_1340] {strides = array<i32>} : memref<36x128xf32, #tpu.memory_space<vmem>>, vector<1x16xf32>,
      %swap3A_1342 = vector.shape_cast %swap3A_1341 : vector<1x16xf32> to vector<16xf32>
      %swap3A_1343 = vector.shape_cast %add3A_1337 : vector<16xf32> to vector<1x16xf32>
      tpu.vector_store %arg4[%swap3A_1339, %swap3A_1340], %swap3A_1343 {strides = array<i32>} : memref<36x128xf32, #tpu.memory_space<vmem>>, vector<1x16xf32>,
    }
    %scan3A_13 = arith.constant 8 : i32
    %dma_start3A_14 = arith.constant 0 : i32
    %dma_start3A_15 = tpu.memref_slice %arg3[%dma_start3A_14, %mul3A_2] : memref<36x4608xf32, #tpu.memory_space<hbm>> -> memref<36x128xf32, #tpu.memory_space<hbm>>
    %dma_start3A_16 = arith.constant 0 : i32
    %dma_start3A_17 = tpu.memref_slice %arg3[%dma_start3A_16, %mul3A_2] : memref<36x4608xf32, #tpu.memory_space<hbm>> -> memref<36x128xf32, #tpu.memory_space<hbm>>
    tpu.enqueue_dma source(%arg4 : memref<36x128xf32, #tpu.memory_space<vmem>>) target(%dma_start3A_17 : memref<36x128xf32, #tpu.memory_space<hbm>>) target_semaphore(%arg5 : memref<!tpu.dma_semaphore, #tpu.memory_space<semaphore_mem>>)
    %dma_wait3A_18 = arith.constant 0 : i32
    %dma_wait3A_19 = tpu.memref_slice %arg3[%dma_wait3A_18, %mul3A_2] : memref<36x4608xf32, #tpu.memory_space<hbm>> -> memref<36x128xf32, #tpu.memory_space<hbm>>
    %dma_wait3A_20 = arith.constant 0 : i32
    %dma_wait3A_21 = tpu.memref_slice %arg3[%dma_wait3A_20, %mul3A_2] : memref<36x4608xf32, #tpu.memory_space<hbm>> -> memref<36x128xf32, #tpu.memory_space<hbm>>
    tpu.wait_dma2 semaphore(%arg5 : memref<!tpu.dma_semaphore, #tpu.memory_space<semaphore_mem>>) src(%arg4 : memref<36x128xf32, #tpu.memory_space<vmem>>) dst(%dma_wait3A_21 : memref<36x128xf32, #tpu.memory_space<hbm>>)
    %lt3A = arith.constant 4 : i32
    %lt3A_22 = arith.cmpi slt, %add3A, %lt3A : i32
    %convert_element_type3A = arith.extui %lt3A_22 : i1 to i32
    %cond3A = arith.constant 0 : i32
    %cond3A_23 = arith.cmpi ne, %convert_element_type3A, %cond3A : i32
    scf.if %cond3A_23 {
      %add3A_24 = arith.constant 32 : i32
      %add3A_25 = arith.addi %add3A, %add3A_24 : i32
      %mul3A_26 = arith.constant 128 : i32
      %mul3A_27 = arith.muli %add3A_25, %mul3A_26 : i32
      %dma_start3A_28 = arith.constant 0 : i32
      %dma_start3A_29 = tpu.memref_slice %arg2[%dma_start3A_28, %mul3A_27] : memref<36x4608xf32, #tpu.memory_space<hbm>> -> memref<36x128xf32, #tpu.memory_space<hbm>>
      %dma_start3A_30 = arith.constant 0 : i32
      %dma_start3A_31 = tpu.memref_slice %arg2[%dma_start3A_30, %mul3A_27] : memref<36x4608xf32, #tpu.memory_space<hbm>> -> memref<36x128xf32, #tpu.memory_space<hbm>>
      tpu.enqueue_dma source(%dma_start3A_31 : memref<36x128xf32, #tpu.memory_space<hbm>>) target(%arg4 : memref<36x128xf32, #tpu.memory_space<vmem>>) target_semaphore(%arg5 : memref<!tpu.dma_semaphore, #tpu.memory_space<semaphore_mem>>)
      %dma_wait3A_32 = arith.constant 0 : i32
      %dma_wait3A_33 = tpu.memref_slice %arg2[%dma_wait3A_32, %mul3A_27] : memref<36x4608xf32, #tpu.memory_space<hbm>> -> memref<36x128xf32, #tpu.memory_space<hbm>>
      %dma_wait3A_34 = arith.constant 0 : i32
      %dma_wait3A_35 = tpu.memref_slice %arg2[%dma_wait3A_34, %mul3A_27] : memref<36x4608xf32, #tpu.memory_space<hbm>> -> memref<36x128xf32, #tpu.memory_space<hbm>>
      tpu.wait_dma2 semaphore(%arg5 : memref<!tpu.dma_semaphore, #tpu.memory_space<semaphore_mem>>) src(%dma_wait3A_35 : memref<36x128xf32, #tpu.memory_space<hbm>>) dst(%arg4 : memref<36x128xf32, #tpu.memory_space<vmem>>)
      %scan3A_36 = arith.constant 0 : i32
      %scan3A_37 = arith.constant 0 : i32
      %scan3A_38 = arith.constant 8 : i32
      %scan3A_39 = arith.addi %scan3A_37, %scan3A_38 : i32
      %scan3A_40 = arith.constant 1 : i32
      scf.for %scan3A_50 = %scan3A_37 to %scan3A_39 step %scan3A_40  : i32 {
        %mul3A_51 = arith.constant 16 : i32
        %mul3A_52 = arith.muli %scan3A_50, %mul3A_51 : i32
        %broadcast_in_dim3A = arith.constant 0.000000e+00 : f32
        %broadcast_in_dim3A_53 = vector.broadcast %broadcast_in_dim3A : f32 to vector<16xf32>
        %get3A = arith.constant 0 : i32
        %get3A_54 = arith.index_cast %get3A : i32 to index
        %get3A_55 = arith.index_cast %mul3A_52 : i32 to index
        %get3A_56 = tpu.vector_load %arg4[%get3A_54, %get3A_55] {strides = array<i32>} : memref<36x128xf32, #tpu.memory_space<vmem>>, vector<1x16xf32>,
        %get3A_57 = vector.shape_cast %get3A_56 : vector<1x16xf32> to vector<16xf32>
        %add3A_58 = arith.addf %broadcast_in_dim3A_53, %get3A_57 : vector<16xf32>
        %le3A = arith.constant 5.000000e+00 : f32
        %le3A_59 = vector.broadcast %le3A : f32 to vector<16xf32>
        %le3A_60 = arith.cmpf ole, %add3A_58, %le3A_59 : vector<16xf32>
        %jit3A = arith.constant 0.000000e+00 : f32
        %broadcast_in_dim3A_61 = vector.broadcast %jit3A : f32 to vector<16xf32>
        %select_n3A = arith.select %le3A_60, %get3A_57, %broadcast_in_dim3A_61 : vector<16xi1>, vector<16xf32>
        %swap3A = arith.constant 0 : i32
        %swap3A_62 = arith.index_cast %swap3A : i32 to index
        %swap3A_63 = arith.index_cast %mul3A_52 : i32 to index
        %swap3A_64 = tpu.vector_load %arg4[%swap3A_62, %swap3A_63] {strides = array<i32>} : memref<36x128xf32, #tpu.memory_space<vmem>>, vector<1x16xf32>,
        %swap3A_65 = vector.shape_cast %swap3A_64 : vector<1x16xf32> to vector<16xf32>
        %swap3A_66 = vector.shape_cast %select_n3A : vector<16xf32> to vector<1x16xf32>
        tpu.vector_store %arg4[%swap3A_62, %swap3A_63], %swap3A_66 {strides = array<i32>} : memref<36x128xf32, #tpu.memory_space<vmem>>, vector<1x16xf32>,
        %get3A_67 = arith.constant 1 : i32
        %get3A_68 = arith.index_cast %get3A_67 : i32 to index
        %get3A_69 = arith.index_cast %mul3A_52 : i32 to index
        %get3A_70 = tpu.vector_load %arg4[%get3A_68, %get3A_69] {strides = array<i32>} : memref<36x128xf32, #tpu.memory_space<vmem>>, vector<1x16xf32>,
        %get3A_71 = vector.shape_cast %get3A_70 : vector<1x16xf32> to vector<16xf32>
        %add3A_72 = arith.addf %add3A_58, %get3A_71 : vector<16xf32>
        %le3A_73 = arith.constant 5.000000e+00 : f32
        %le3A_74 = vector.broadcast %le3A_73 : f32 to vector<16xf32>
        %le3A_75 = arith.cmpf ole, %add3A_72, %le3A_74 : vector<16xf32>
        %jit3A_76 = arith.constant 0.000000e+00 : f32
        %broadcast_in_dim3A_77 = vector.broadcast %jit3A_76 : f32 to vector<16xf32>
        %select_n3A_78 = arith.select %le3A_75, %get3A_71, %broadcast_in_dim3A_77 : vector<16xi1>, vector<16xf32>
        %swap3A_79 = arith.constant 1 : i32
        %swap3A_80 = arith.index_cast %swap3A_79 : i32 to index
        %swap3A_81 = arith.index_cast %mul3A_52 : i32 to index
        %swap3A_82 = tpu.vector_load %arg4[%swap3A_80, %swap3A_81] {strides = array<i32>} : memref<36x128xf32, #tpu.memory_space<vmem>>, vector<1x16xf32>,
        %swap3A_83 = vector.shape_cast %swap3A_82 : vector<1x16xf32> to vector<16xf32>
        %swap3A_84 = vector.shape_cast %select_n3A_78 : vector<16xf32> to vector<1x16xf32>
        tpu.vector_store %arg4[%swap3A_80, %swap3A_81], %swap3A_84 {strides = array<i32>} : memref<36x128xf32, #tpu.memory_space<vmem>>, vector<1x16xf32>,
        %get3A_85 = arith.constant 2 : i32
        %get3A_86 = arith.index_cast %get3A_85 : i32 to index
        %get3A_87 = arith.index_cast %mul3A_52 : i32 to index
        %get3A_88 = tpu.vector_load %arg4[%get3A_86, %get3A_87] {strides = array<i32>} : memref<36x128xf32, #tpu.memory_space<vmem>>, vector<1x16xf32>,
        %get3A_89 = vector.shape_cast %get3A_88 : vector<1x16xf32> to vector<16xf32>
        %add3A_90 = arith.addf %add3A_72, %get3A_89 : vector<16xf32>
        %le3A_91 = arith.constant 5.000000e+00 : f32
        %le3A_92 = vector.broadcast %le3A_91 : f32 to vector<16xf32>
        %le3A_93 = arith.cmpf ole, %add3A_90, %le3A_92 : vector<16xf32>
        %jit3A_94 = arith.constant 0.000000e+00 : f32
        %broadcast_in_dim3A_95 = vector.broadcast %jit3A_94 : f32 to vector<16xf32>
        %select_n3A_96 = arith.select %le3A_93, %get3A_89, %broadcast_in_dim3A_95 : vector<16xi1>, vector<16xf32>
        %swap3A_97 = arith.constant 2 : i32
        %swap3A_98 = arith.index_cast %swap3A_97 : i32 to index
        %swap3A_99 = arith.index_cast %mul3A_52 : i32 to index
        %swap3A_100 = tpu.vector_load %arg4[%swap3A_98, %swap3A_99] {strides = array<i32>} : memref<36x128xf32, #tpu.memory_space<vmem>>, vector<1x16xf32>,
        %swap3A_101 = vector.shape_cast %swap3A_100 : vector<1x16xf32> to vector<16xf32>
        %swap3A_102 = vector.shape_cast %select_n3A_96 : vector<16xf32> to vector<1x16xf32>
        tpu.vector_store %arg4[%swap3A_98, %swap3A_99], %swap3A_102 {strides = array<i32>} : memref<36x128xf32, #tpu.memory_space<vmem>>, vector<1x16xf32>,
        %get3A_103 = arith.constant 3 : i32
        %get3A_104 = arith.index_cast %get3A_103 : i32 to index
        %get3A_105 = arith.index_cast %mul3A_52 : i32 to index
        %get3A_106 = tpu.vector_load %arg4[%get3A_104, %get3A_105] {strides = array<i32>} : memref<36x128xf32, #tpu.memory_space<vmem>>, vector<1x16xf32>,
        %get3A_107 = vector.shape_cast %get3A_106 : vector<1x16xf32> to vector<16xf32>
        %add3A_108 = arith.addf %add3A_90, %get3A_107 : vector<16xf32>
        %le3A_109 = arith.constant 5.000000e+00 : f32
        %le3A_110 = vector.broadcast %le3A_109 : f32 to vector<16xf32>
        %le3A_111 = arith.cmpf ole, %add3A_108, %le3A_110 : vector<16xf32>
        %jit3A_112 = arith.constant 0.000000e+00 : f32
        %broadcast_in_dim3A_113 = vector.broadcast %jit3A_112 : f32 to vector<16xf32>
        %select_n3A_114 = arith.select %le3A_111, %get3A_107, %broadcast_in_dim3A_113 : vector<16xi1>, vector<16xf32>
        %swap3A_115 = arith.constant 3 : i32
        %swap3A_116 = arith.index_cast %swap3A_115 : i32 to index
        %swap3A_117 = arith.index_cast %mul3A_52 : i32 to index
        %swap3A_118 = tpu.vector_load %arg4[%swap3A_116, %swap3A_117] {strides = array<i32>} : memref<36x128xf32, #tpu.memory_space<vmem>>, vector<1x16xf32>,
        %swap3A_119 = vector.shape_cast %swap3A_118 : vector<1x16xf32> to vector<16xf32>
        %swap3A_120 = vector.shape_cast %select_n3A_114 : vector<16xf32> to vector<1x16xf32>
        tpu.vector_store %arg4[%swap3A_116, %swap3A_117], %swap3A_120 {strides = array<i32>} : memref<36x128xf32, #tpu.memory_space<vmem>>, vector<1x16xf32>,
        %get3A_121 = arith.constant 4 : i32
        %get3A_122 = arith.index_cast %get3A_121 : i32 to index
        %get3A_123 = arith.index_cast %mul3A_52 : i32 to index
        %get3A_124 = tpu.vector_load %arg4[%get3A_122, %get3A_123] {strides = array<i32>} : memref<36x128xf32, #tpu.memory_space<vmem>>, vector<1x16xf32>,
        %get3A_125 = vector.shape_cast %get3A_124 : vector<1x16xf32> to vector<16xf32>
        %add3A_126 = arith.addf %add3A_108, %get3A_125 : vector<16xf32>
        %le3A_127 = arith.constant 5.000000e+00 : f32
        %le3A_128 = vector.broadcast %le3A_127 : f32 to vector<16xf32>
        %le3A_129 = arith.cmpf ole, %add3A_126, %le3A_128 : vector<16xf32>
        %jit3A_130 = arith.constant 0.000000e+00 : f32
        %broadcast_in_dim3A_131 = vector.broadcast %jit3A_130 : f32 to vector<16xf32>
        %select_n3A_132 = arith.select %le3A_129, %get3A_125, %broadcast_in_dim3A_131 : vector<16xi1>, vector<16xf32>
        %swap3A_133 = arith.constant 4 : i32
        %swap3A_134 = arith.index_cast %swap3A_133 : i32 to index
        %swap3A_135 = arith.index_cast %mul3A_52 : i32 to index
        %swap3A_136 = tpu.vector_load %arg4[%swap3A_134, %swap3A_135] {strides = array<i32>} : memref<36x128xf32, #tpu.memory_space<vmem>>, vector<1x16xf32>,
        %swap3A_137 = vector.shape_cast %swap3A_136 : vector<1x16xf32> to vector<16xf32>
        %swap3A_138 = vector.shape_cast %select_n3A_132 : vector<16xf32> to vector<1x16xf32>
        tpu.vector_store %arg4[%swap3A_134, %swap3A_135], %swap3A_138 {strides = array<i32>} : memref<36x128xf32, #tpu.memory_space<vmem>>, vector<1x16xf32>,
        %get3A_139 = arith.constant 5 : i32
        %get3A_140 = arith.index_cast %get3A_139 : i32 to index
        %get3A_141 = arith.index_cast %mul3A_52 : i32 to index
        %get3A_142 = tpu.vector_load %arg4[%get3A_140, %get3A_141] {strides = array<i32>} : memref<36x128xf32, #tpu.memory_space<vmem>>, vector<1x16xf32>,
        %get3A_143 = vector.shape_cast %get3A_142 : vector<1x16xf32> to vector<16xf32>
        %add3A_144 = arith.addf %add3A_126, %get3A_143 : vector<16xf32>
        %le3A_145 = arith.constant 5.000000e+00 : f32
        %le3A_146 = vector.broadcast %le3A_145 : f32 to vector<16xf32>
        %le3A_147 = arith.cmpf ole, %add3A_144, %le3A_146 : vector<16xf32>
        %jit3A_148 = arith.constant 0.000000e+00 : f32
        %broadcast_in_dim3A_149 = vector.broadcast %jit3A_148 : f32 to vector<16xf32>
        %select_n3A_150 = arith.select %le3A_147, %get3A_143, %broadcast_in_dim3A_149 : vector<16xi1>, vector<16xf32>
        %swap3A_151 = arith.constant 5 : i32
        %swap3A_152 = arith.index_cast %swap3A_151 : i32 to index
        %swap3A_153 = arith.index_cast %mul3A_52 : i32 to index
        %swap3A_154 = tpu.vector_load %arg4[%swap3A_152, %swap3A_153] {strides = array<i32>} : memref<36x128xf32, #tpu.memory_space<vmem>>, vector<1x16xf32>,
        %swap3A_155 = vector.shape_cast %swap3A_154 : vector<1x16xf32> to vector<16xf32>
        %swap3A_156 = vector.shape_cast %select_n3A_150 : vector<16xf32> to vector<1x16xf32>
        tpu.vector_store %arg4[%swap3A_152, %swap3A_153], %swap3A_156 {strides = array<i32>} : memref<36x128xf32, #tpu.memory_space<vmem>>, vector<1x16xf32>,
        %get3A_157 = arith.constant 6 : i32
        %get3A_158 = arith.index_cast %get3A_157 : i32 to index
        %get3A_159 = arith.index_cast %mul3A_52 : i32 to index
        %get3A_160 = tpu.vector_load %arg4[%get3A_158, %get3A_159] {strides = array<i32>} : memref<36x128xf32, #tpu.memory_space<vmem>>, vector<1x16xf32>,
        %get3A_161 = vector.shape_cast %get3A_160 : vector<1x16xf32> to vector<16xf32>
        %add3A_162 = arith.addf %add3A_144, %get3A_161 : vector<16xf32>
        %le3A_163 = arith.constant 5.000000e+00 : f32
        %le3A_164 = vector.broadcast %le3A_163 : f32 to vector<16xf32>
        %le3A_165 = arith.cmpf ole, %add3A_162, %le3A_164 : vector<16xf32>
        %jit3A_166 = arith.constant 0.000000e+00 : f32
        %broadcast_in_dim3A_167 = vector.broadcast %jit3A_166 : f32 to vector<16xf32>
        %select_n3A_168 = arith.select %le3A_165, %get3A_161, %broadcast_in_dim3A_167 : vector<16xi1>, vector<16xf32>
        %swap3A_169 = arith.constant 6 : i32
        %swap3A_170 = arith.index_cast %swap3A_169 : i32 to index
        %swap3A_171 = arith.index_cast %mul3A_52 : i32 to index
        %swap3A_172 = tpu.vector_load %arg4[%swap3A_170, %swap3A_171] {strides = array<i32>} : memref<36x128xf32, #tpu.memory_space<vmem>>, vector<1x16xf32>,
        %swap3A_173 = vector.shape_cast %swap3A_172 : vector<1x16xf32> to vector<16xf32>
        %swap3A_174 = vector.shape_cast %select_n3A_168 : vector<16xf32> to vector<1x16xf32>
        tpu.vector_store %arg4[%swap3A_170, %swap3A_171], %swap3A_174 {strides = array<i32>} : memref<36x128xf32, #tpu.memory_space<vmem>>, vector<1x16xf32>,
        %get3A_175 = arith.constant 7 : i32
        %get3A_176 = arith.index_cast %get3A_175 : i32 to index
        %get3A_177 = arith.index_cast %mul3A_52 : i32 to index
        %get3A_178 = tpu.vector_load %arg4[%get3A_176, %get3A_177] {strides = array<i32>} : memref<36x128xf32, #tpu.memory_space<vmem>>, vector<1x16xf32>,
        %get3A_179 = vector.shape_cast %get3A_178 : vector<1x16xf32> to vector<16xf32>
        %add3A_180 = arith.addf %add3A_162, %get3A_179 : vector<16xf32>
        %le3A_181 = arith.constant 5.000000e+00 : f32
        %le3A_182 = vector.broadcast %le3A_181 : f32 to vector<16xf32>
        %le3A_183 = arith.cmpf ole, %add3A_180, %le3A_182 : vector<16xf32>
        %jit3A_184 = arith.constant 0.000000e+00 : f32
        %broadcast_in_dim3A_185 = vector.broadcast %jit3A_184 : f32 to vector<16xf32>
        %select_n3A_186 = arith.select %le3A_183, %get3A_179, %broadcast_in_dim3A_185 : vector<16xi1>, vector<16xf32>
        %swap3A_187 = arith.constant 7 : i32
        %swap3A_188 = arith.index_cast %swap3A_187 : i32 to index
        %swap3A_189 = arith.index_cast %mul3A_52 : i32 to index
        %swap3A_190 = tpu.vector_load %arg4[%swap3A_188, %swap3A_189] {strides = array<i32>} : memref<36x128xf32, #tpu.memory_space<vmem>>, vector<1x16xf32>,
        %swap3A_191 = vector.shape_cast %swap3A_190 : vector<1x16xf32> to vector<16xf32>
        %swap3A_192 = vector.shape_cast %select_n3A_186 : vector<16xf32> to vector<1x16xf32>
        tpu.vector_store %arg4[%swap3A_188, %swap3A_189], %swap3A_192 {strides = array<i32>} : memref<36x128xf32, #tpu.memory_space<vmem>>, vector<1x16xf32>,
        %get3A_193 = arith.constant 8 : i32
        %get3A_194 = arith.index_cast %get3A_193 : i32 to index
        %get3A_195 = arith.index_cast %mul3A_52 : i32 to index
        %get3A_196 = tpu.vector_load %arg4[%get3A_194, %get3A_195] {strides = array<i32>} : memref<36x128xf32, #tpu.memory_space<vmem>>, vector<1x16xf32>,
        %get3A_197 = vector.shape_cast %get3A_196 : vector<1x16xf32> to vector<16xf32>
        %add3A_198 = arith.addf %add3A_180, %get3A_197 : vector<16xf32>
        %le3A_199 = arith.constant 5.000000e+00 : f32
        %le3A_200 = vector.broadcast %le3A_199 : f32 to vector<16xf32>
        %le3A_201 = arith.cmpf ole, %add3A_198, %le3A_200 : vector<16xf32>
        %jit3A_202 = arith.constant 0.000000e+00 : f32
        %broadcast_in_dim3A_203 = vector.broadcast %jit3A_202 : f32 to vector<16xf32>
        %select_n3A_204 = arith.select %le3A_201, %get3A_197, %broadcast_in_dim3A_203 : vector<16xi1>, vector<16xf32>
        %swap3A_205 = arith.constant 8 : i32
        %swap3A_206 = arith.index_cast %swap3A_205 : i32 to index
        %swap3A_207 = arith.index_cast %mul3A_52 : i32 to index
        %swap3A_208 = tpu.vector_load %arg4[%swap3A_206, %swap3A_207] {strides = array<i32>} : memref<36x128xf32, #tpu.memory_space<vmem>>, vector<1x16xf32>,
        %swap3A_209 = vector.shape_cast %swap3A_208 : vector<1x16xf32> to vector<16xf32>
        %swap3A_210 = vector.shape_cast %select_n3A_204 : vector<16xf32> to vector<1x16xf32>
        tpu.vector_store %arg4[%swap3A_206, %swap3A_207], %swap3A_210 {strides = array<i32>} : memref<36x128xf32, #tpu.memory_space<vmem>>, vector<1x16xf32>,
        %get3A_211 = arith.constant 9 : i32
        %get3A_212 = arith.index_cast %get3A_211 : i32 to index
        %get3A_213 = arith.index_cast %mul3A_52 : i32 to index
        %get3A_214 = tpu.vector_load %arg4[%get3A_212, %get3A_213] {strides = array<i32>} : memref<36x128xf32, #tpu.memory_space<vmem>>, vector<1x16xf32>,
        %get3A_215 = vector.shape_cast %get3A_214 : vector<1x16xf32> to vector<16xf32>
        %add3A_216 = arith.addf %add3A_198, %get3A_215 : vector<16xf32>
        %le3A_217 = arith.constant 5.000000e+00 : f32
        %le3A_218 = vector.broadcast %le3A_217 : f32 to vector<16xf32>
        %le3A_219 = arith.cmpf ole, %add3A_216, %le3A_218 : vector<16xf32>
        %jit3A_220 = arith.constant 0.000000e+00 : f32
        %broadcast_in_dim3A_221 = vector.broadcast %jit3A_220 : f32 to vector<16xf32>
        %select_n3A_222 = arith.select %le3A_219, %get3A_215, %broadcast_in_dim3A_221 : vector<16xi1>, vector<16xf32>
        %swap3A_223 = arith.constant 9 : i32
        %swap3A_224 = arith.index_cast %swap3A_223 : i32 to index
        %swap3A_225 = arith.index_cast %mul3A_52 : i32 to index
        %swap3A_226 = tpu.vector_load %arg4[%swap3A_224, %swap3A_225] {strides = array<i32>} : memref<36x128xf32, #tpu.memory_space<vmem>>, vector<1x16xf32>,
        %swap3A_227 = vector.shape_cast %swap3A_226 : vector<1x16xf32> to vector<16xf32>
        %swap3A_228 = vector.shape_cast %select_n3A_222 : vector<16xf32> to vector<1x16xf32>
        tpu.vector_store %arg4[%swap3A_224, %swap3A_225], %swap3A_228 {strides = array<i32>} : memref<36x128xf32, #tpu.memory_space<vmem>>, vector<1x16xf32>,
        %get3A_229 = arith.constant 10 : i32
        %get3A_230 = arith.index_cast %get3A_229 : i32 to index
        %get3A_231 = arith.index_cast %mul3A_52 : i32 to index
        %get3A_232 = tpu.vector_load %arg4[%get3A_230, %get3A_231] {strides = array<i32>} : memref<36x128xf32, #tpu.memory_space<vmem>>, vector<1x16xf32>,
        %get3A_233 = vector.shape_cast %get3A_232 : vector<1x16xf32> to vector<16xf32>
        %add3A_234 = arith.addf %add3A_216, %get3A_233 : vector<16xf32>
        %le3A_235 = arith.constant 5.000000e+00 : f32
        %le3A_236 = vector.broadcast %le3A_235 : f32 to vector<16xf32>
        %le3A_237 = arith.cmpf ole, %add3A_234, %le3A_236 : vector<16xf32>
        %jit3A_238 = arith.constant 0.000000e+00 : f32
        %broadcast_in_dim3A_239 = vector.broadcast %jit3A_238 : f32 to vector<16xf32>
        %select_n3A_240 = arith.select %le3A_237, %get3A_233, %broadcast_in_dim3A_239 : vector<16xi1>, vector<16xf32>
        %swap3A_241 = arith.constant 10 : i32
        %swap3A_242 = arith.index_cast %swap3A_241 : i32 to index
        %swap3A_243 = arith.index_cast %mul3A_52 : i32 to index
        %swap3A_244 = tpu.vector_load %arg4[%swap3A_242, %swap3A_243] {strides = array<i32>} : memref<36x128xf32, #tpu.memory_space<vmem>>, vector<1x16xf32>,
        %swap3A_245 = vector.shape_cast %swap3A_244 : vector<1x16xf32> to vector<16xf32>
        %swap3A_246 = vector.shape_cast %select_n3A_240 : vector<16xf32> to vector<1x16xf32>
        tpu.vector_store %arg4[%swap3A_242, %swap3A_243], %swap3A_246 {strides = array<i32>} : memref<36x128xf32, #tpu.memory_space<vmem>>, vector<1x16xf32>,
        %get3A_247 = arith.constant 11 : i32
        %get3A_248 = arith.index_cast %get3A_247 : i32 to index
        %get3A_249 = arith.index_cast %mul3A_52 : i32 to index
        %get3A_250 = tpu.vector_load %arg4[%get3A_248, %get3A_249] {strides = array<i32>} : memref<36x128xf32, #tpu.memory_space<vmem>>, vector<1x16xf32>,
        %get3A_251 = vector.shape_cast %get3A_250 : vector<1x16xf32> to vector<16xf32>
        %add3A_252 = arith.addf %add3A_234, %get3A_251 : vector<16xf32>
        %le3A_253 = arith.constant 5.000000e+00 : f32
        %le3A_254 = vector.broadcast %le3A_253 : f32 to vector<16xf32>
        %le3A_255 = arith.cmpf ole, %add3A_252, %le3A_254 : vector<16xf32>
        %jit3A_256 = arith.constant 0.000000e+00 : f32
        %broadcast_in_dim3A_257 = vector.broadcast %jit3A_256 : f32 to vector<16xf32>
        %select_n3A_258 = arith.select %le3A_255, %get3A_251, %broadcast_in_dim3A_257 : vector<16xi1>, vector<16xf32>
        %swap3A_259 = arith.constant 11 : i32
        %swap3A_260 = arith.index_cast %swap3A_259 : i32 to index
        %swap3A_261 = arith.index_cast %mul3A_52 : i32 to index
        %swap3A_262 = tpu.vector_load %arg4[%swap3A_260, %swap3A_261] {strides = array<i32>} : memref<36x128xf32, #tpu.memory_space<vmem>>, vector<1x16xf32>,
        %swap3A_263 = vector.shape_cast %swap3A_262 : vector<1x16xf32> to vector<16xf32>
        %swap3A_264 = vector.shape_cast %select_n3A_258 : vector<16xf32> to vector<1x16xf32>
        tpu.vector_store %arg4[%swap3A_260, %swap3A_261], %swap3A_264 {strides = array<i32>} : memref<36x128xf32, #tpu.memory_space<vmem>>, vector<1x16xf32>,
        %get3A_265 = arith.constant 12 : i32
        %get3A_266 = arith.index_cast %get3A_265 : i32 to index
        %get3A_267 = arith.index_cast %mul3A_52 : i32 to index
        %get3A_268 = tpu.vector_load %arg4[%get3A_266, %get3A_267] {strides = array<i32>} : memref<36x128xf32, #tpu.memory_space<vmem>>, vector<1x16xf32>,
        %get3A_269 = vector.shape_cast %get3A_268 : vector<1x16xf32> to vector<16xf32>
        %add3A_270 = arith.addf %add3A_252, %get3A_269 : vector<16xf32>
        %le3A_271 = arith.constant 5.000000e+00 : f32
        %le3A_272 = vector.broadcast %le3A_271 : f32 to vector<16xf32>
        %le3A_273 = arith.cmpf ole, %add3A_270, %le3A_272 : vector<16xf32>
        %jit3A_274 = arith.constant 0.000000e+00 : f32
        %broadcast_in_dim3A_275 = vector.broadcast %jit3A_274 : f32 to vector<16xf32>
        %select_n3A_276 = arith.select %le3A_273, %get3A_269, %broadcast_in_dim3A_275 : vector<16xi1>, vector<16xf32>
        %swap3A_277 = arith.constant 12 : i32
        %swap3A_278 = arith.index_cast %swap3A_277 : i32 to index
        %swap3A_279 = arith.index_cast %mul3A_52 : i32 to index
        %swap3A_280 = tpu.vector_load %arg4[%swap3A_278, %swap3A_279] {strides = array<i32>} : memref<36x128xf32, #tpu.memory_space<vmem>>, vector<1x16xf32>,
        %swap3A_281 = vector.shape_cast %swap3A_280 : vector<1x16xf32> to vector<16xf32>
        %swap3A_282 = vector.shape_cast %select_n3A_276 : vector<16xf32> to vector<1x16xf32>
        tpu.vector_store %arg4[%swap3A_278, %swap3A_279], %swap3A_282 {strides = array<i32>} : memref<36x128xf32, #tpu.memory_space<vmem>>, vector<1x16xf32>,
        %get3A_283 = arith.constant 13 : i32
        %get3A_284 = arith.index_cast %get3A_283 : i32 to index
        %get3A_285 = arith.index_cast %mul3A_52 : i32 to index
        %get3A_286 = tpu.vector_load %arg4[%get3A_284, %get3A_285] {strides = array<i32>} : memref<36x128xf32, #tpu.memory_space<vmem>>, vector<1x16xf32>,
        %get3A_287 = vector.shape_cast %get3A_286 : vector<1x16xf32> to vector<16xf32>
        %add3A_288 = arith.addf %add3A_270, %get3A_287 : vector<16xf32>
        %le3A_289 = arith.constant 5.000000e+00 : f32
        %le3A_290 = vector.broadcast %le3A_289 : f32 to vector<16xf32>
        %le3A_291 = arith.cmpf ole, %add3A_288, %le3A_290 : vector<16xf32>
        %jit3A_292 = arith.constant 0.000000e+00 : f32
        %broadcast_in_dim3A_293 = vector.broadcast %jit3A_292 : f32 to vector<16xf32>
        %select_n3A_294 = arith.select %le3A_291, %get3A_287, %broadcast_in_dim3A_293 : vector<16xi1>, vector<16xf32>
        %swap3A_295 = arith.constant 13 : i32
        %swap3A_296 = arith.index_cast %swap3A_295 : i32 to index
        %swap3A_297 = arith.index_cast %mul3A_52 : i32 to index
        %swap3A_298 = tpu.vector_load %arg4[%swap3A_296, %swap3A_297] {strides = array<i32>} : memref<36x128xf32, #tpu.memory_space<vmem>>, vector<1x16xf32>,
        %swap3A_299 = vector.shape_cast %swap3A_298 : vector<1x16xf32> to vector<16xf32>
        %swap3A_300 = vector.shape_cast %select_n3A_294 : vector<16xf32> to vector<1x16xf32>
        tpu.vector_store %arg4[%swap3A_296, %swap3A_297], %swap3A_300 {strides = array<i32>} : memref<36x128xf32, #tpu.memory_space<vmem>>, vector<1x16xf32>,
        %get3A_301 = arith.constant 14 : i32
        %get3A_302 = arith.index_cast %get3A_301 : i32 to index
        %get3A_303 = arith.index_cast %mul3A_52 : i32 to index
        %get3A_304 = tpu.vector_load %arg4[%get3A_302, %get3A_303] {strides = array<i32>} : memref<36x128xf32, #tpu.memory_space<vmem>>, vector<1x16xf32>,
        %get3A_305 = vector.shape_cast %get3A_304 : vector<1x16xf32> to vector<16xf32>
        %add3A_306 = arith.addf %add3A_288, %get3A_305 : vector<16xf32>
        %le3A_307 = arith.constant 5.000000e+00 : f32
        %le3A_308 = vector.broadcast %le3A_307 : f32 to vector<16xf32>
        %le3A_309 = arith.cmpf ole, %add3A_306, %le3A_308 : vector<16xf32>
        %jit3A_310 = arith.constant 0.000000e+00 : f32
        %broadcast_in_dim3A_311 = vector.broadcast %jit3A_310 : f32 to vector<16xf32>
        %select_n3A_312 = arith.select %le3A_309, %get3A_305, %broadcast_in_dim3A_311 : vector<16xi1>, vector<16xf32>
        %swap3A_313 = arith.constant 14 : i32
        %swap3A_314 = arith.index_cast %swap3A_313 : i32 to index
        %swap3A_315 = arith.index_cast %mul3A_52 : i32 to index
        %swap3A_316 = tpu.vector_load %arg4[%swap3A_314, %swap3A_315] {strides = array<i32>} : memref<36x128xf32, #tpu.memory_space<vmem>>, vector<1x16xf32>,
        %swap3A_317 = vector.shape_cast %swap3A_316 : vector<1x16xf32> to vector<16xf32>
        %swap3A_318 = vector.shape_cast %select_n3A_312 : vector<16xf32> to vector<1x16xf32>
        tpu.vector_store %arg4[%swap3A_314, %swap3A_315], %swap3A_318 {strides = array<i32>} : memref<36x128xf32, #tpu.memory_space<vmem>>, vector<1x16xf32>,
        %get3A_319 = arith.constant 15 : i32
        %get3A_320 = arith.index_cast %get3A_319 : i32 to index
        %get3A_321 = arith.index_cast %mul3A_52 : i32 to index
        %get3A_322 = tpu.vector_load %arg4[%get3A_320, %get3A_321] {strides = array<i32>} : memref<36x128xf32, #tpu.memory_space<vmem>>, vector<1x16xf32>,
        %get3A_323 = vector.shape_cast %get3A_322 : vector<1x16xf32> to vector<16xf32>
        %add3A_324 = arith.addf %add3A_306, %get3A_323 : vector<16xf32>
        %le3A_325 = arith.constant 5.000000e+00 : f32
        %le3A_326 = vector.broadcast %le3A_325 : f32 to vector<16xf32>
        %le3A_327 = arith.cmpf ole, %add3A_324, %le3A_326 : vector<16xf32>
        %jit3A_328 = arith.constant 0.000000e+00 : f32
        %broadcast_in_dim3A_329 = vector.broadcast %jit3A_328 : f32 to vector<16xf32>
        %select_n3A_330 = arith.select %le3A_327, %get3A_323, %broadcast_in_dim3A_329 : vector<16xi1>, vector<16xf32>
        %swap3A_331 = arith.constant 15 : i32
        %swap3A_332 = arith.index_cast %swap3A_331 : i32 to index
        %swap3A_333 = arith.index_cast %mul3A_52 : i32 to index
        %swap3A_334 = tpu.vector_load %arg4[%swap3A_332, %swap3A_333] {strides = array<i32>} : memref<36x128xf32, #tpu.memory_space<vmem>>, vector<1x16xf32>,
        %swap3A_335 = vector.shape_cast %swap3A_334 : vector<1x16xf32> to vector<16xf32>
        %swap3A_336 = vector.shape_cast %select_n3A_330 : vector<16xf32> to vector<1x16xf32>
        tpu.vector_store %arg4[%swap3A_332, %swap3A_333], %swap3A_336 {strides = array<i32>} : memref<36x128xf32, #tpu.memory_space<vmem>>, vector<1x16xf32>,
        %get3A_337 = arith.constant 16 : i32
        %get3A_338 = arith.index_cast %get3A_337 : i32 to index
        %get3A_339 = arith.index_cast %mul3A_52 : i32 to index
        %get3A_340 = tpu.vector_load %arg4[%get3A_338, %get3A_339] {strides = array<i32>} : memref<36x128xf32, #tpu.memory_space<vmem>>, vector<1x16xf32>,
        %get3A_341 = vector.shape_cast %get3A_340 : vector<1x16xf32> to vector<16xf32>
        %add3A_342 = arith.addf %add3A_324, %get3A_341 : vector<16xf32>
        %le3A_343 = arith.constant 5.000000e+00 : f32
        %le3A_344 = vector.broadcast %le3A_343 : f32 to vector<16xf32>
        %le3A_345 = arith.cmpf ole, %add3A_342, %le3A_344 : vector<16xf32>
        %jit3A_346 = arith.constant 0.000000e+00 : f32
        %broadcast_in_dim3A_347 = vector.broadcast %jit3A_346 : f32 to vector<16xf32>
        %select_n3A_348 = arith.select %le3A_345, %get3A_341, %broadcast_in_dim3A_347 : vector<16xi1>, vector<16xf32>
        %swap3A_349 = arith.constant 16 : i32
        %swap3A_350 = arith.index_cast %swap3A_349 : i32 to index
        %swap3A_351 = arith.index_cast %mul3A_52 : i32 to index
        %swap3A_352 = tpu.vector_load %arg4[%swap3A_350, %swap3A_351] {strides = array<i32>} : memref<36x128xf32, #tpu.memory_space<vmem>>, vector<1x16xf32>,
        %swap3A_353 = vector.shape_cast %swap3A_352 : vector<1x16xf32> to vector<16xf32>
        %swap3A_354 = vector.shape_cast %select_n3A_348 : vector<16xf32> to vector<1x16xf32>
        tpu.vector_store %arg4[%swap3A_350, %swap3A_351], %swap3A_354 {strides = array<i32>} : memref<36x128xf32, #tpu.memory_space<vmem>>, vector<1x16xf32>,
        %get3A_355 = arith.constant 17 : i32
        %get3A_356 = arith.index_cast %get3A_355 : i32 to index
        %get3A_357 = arith.index_cast %mul3A_52 : i32 to index
        %get3A_358 = tpu.vector_load %arg4[%get3A_356, %get3A_357] {strides = array<i32>} : memref<36x128xf32, #tpu.memory_space<vmem>>, vector<1x16xf32>,
        %get3A_359 = vector.shape_cast %get3A_358 : vector<1x16xf32> to vector<16xf32>
        %add3A_360 = arith.addf %add3A_342, %get3A_359 : vector<16xf32>
        %le3A_361 = arith.constant 5.000000e+00 : f32
        %le3A_362 = vector.broadcast %le3A_361 : f32 to vector<16xf32>
        %le3A_363 = arith.cmpf ole, %add3A_360, %le3A_362 : vector<16xf32>
        %jit3A_364 = arith.constant 0.000000e+00 : f32
        %broadcast_in_dim3A_365 = vector.broadcast %jit3A_364 : f32 to vector<16xf32>
        %select_n3A_366 = arith.select %le3A_363, %get3A_359, %broadcast_in_dim3A_365 : vector<16xi1>, vector<16xf32>
        %swap3A_367 = arith.constant 17 : i32
        %swap3A_368 = arith.index_cast %swap3A_367 : i32 to index
        %swap3A_369 = arith.index_cast %mul3A_52 : i32 to index
        %swap3A_370 = tpu.vector_load %arg4[%swap3A_368, %swap3A_369] {strides = array<i32>} : memref<36x128xf32, #tpu.memory_space<vmem>>, vector<1x16xf32>,
        %swap3A_371 = vector.shape_cast %swap3A_370 : vector<1x16xf32> to vector<16xf32>
        %swap3A_372 = vector.shape_cast %select_n3A_366 : vector<16xf32> to vector<1x16xf32>
        tpu.vector_store %arg4[%swap3A_368, %swap3A_369], %swap3A_372 {strides = array<i32>} : memref<36x128xf32, #tpu.memory_space<vmem>>, vector<1x16xf32>,
        %get3A_373 = arith.constant 18 : i32
        %get3A_374 = arith.index_cast %get3A_373 : i32 to index
        %get3A_375 = arith.index_cast %mul3A_52 : i32 to index
        %get3A_376 = tpu.vector_load %arg4[%get3A_374, %get3A_375] {strides = array<i32>} : memref<36x128xf32, #tpu.memory_space<vmem>>, vector<1x16xf32>,
        %get3A_377 = vector.shape_cast %get3A_376 : vector<1x16xf32> to vector<16xf32>
        %add3A_378 = arith.addf %add3A_360, %get3A_377 : vector<16xf32>
        %le3A_379 = arith.constant 5.000000e+00 : f32
        %le3A_380 = vector.broadcast %le3A_379 : f32 to vector<16xf32>
        %le3A_381 = arith.cmpf ole, %add3A_378, %le3A_380 : vector<16xf32>
        %jit3A_382 = arith.constant 0.000000e+00 : f32
        %broadcast_in_dim3A_383 = vector.broadcast %jit3A_382 : f32 to vector<16xf32>
        %select_n3A_384 = arith.select %le3A_381, %get3A_377, %broadcast_in_dim3A_383 : vector<16xi1>, vector<16xf32>
        %swap3A_385 = arith.constant 18 : i32
        %swap3A_386 = arith.index_cast %swap3A_385 : i32 to index
        %swap3A_387 = arith.index_cast %mul3A_52 : i32 to index
        %swap3A_388 = tpu.vector_load %arg4[%swap3A_386, %swap3A_387] {strides = array<i32>} : memref<36x128xf32, #tpu.memory_space<vmem>>, vector<1x16xf32>,
        %swap3A_389 = vector.shape_cast %swap3A_388 : vector<1x16xf32> to vector<16xf32>
        %swap3A_390 = vector.shape_cast %select_n3A_384 : vector<16xf32> to vector<1x16xf32>
        tpu.vector_store %arg4[%swap3A_386, %swap3A_387], %swap3A_390 {strides = array<i32>} : memref<36x128xf32, #tpu.memory_space<vmem>>, vector<1x16xf32>,
        %get3A_391 = arith.constant 19 : i32
        %get3A_392 = arith.index_cast %get3A_391 : i32 to index
        %get3A_393 = arith.index_cast %mul3A_52 : i32 to index
        %get3A_394 = tpu.vector_load %arg4[%get3A_392, %get3A_393] {strides = array<i32>} : memref<36x128xf32, #tpu.memory_space<vmem>>, vector<1x16xf32>,
        %get3A_395 = vector.shape_cast %get3A_394 : vector<1x16xf32> to vector<16xf32>
        %add3A_396 = arith.addf %add3A_378, %get3A_395 : vector<16xf32>
        %le3A_397 = arith.constant 5.000000e+00 : f32
        %le3A_398 = vector.broadcast %le3A_397 : f32 to vector<16xf32>
        %le3A_399 = arith.cmpf ole, %add3A_396, %le3A_398 : vector<16xf32>
        %jit3A_400 = arith.constant 0.000000e+00 : f32
        %broadcast_in_dim3A_401 = vector.broadcast %jit3A_400 : f32 to vector<16xf32>
        %select_n3A_402 = arith.select %le3A_399, %get3A_395, %broadcast_in_dim3A_401 : vector<16xi1>, vector<16xf32>
        %swap3A_403 = arith.constant 19 : i32
        %swap3A_404 = arith.index_cast %swap3A_403 : i32 to index
        %swap3A_405 = arith.index_cast %mul3A_52 : i32 to index
        %swap3A_406 = tpu.vector_load %arg4[%swap3A_404, %swap3A_405] {strides = array<i32>} : memref<36x128xf32, #tpu.memory_space<vmem>>, vector<1x16xf32>,
        %swap3A_407 = vector.shape_cast %swap3A_406 : vector<1x16xf32> to vector<16xf32>
        %swap3A_408 = vector.shape_cast %select_n3A_402 : vector<16xf32> to vector<1x16xf32>
        tpu.vector_store %arg4[%swap3A_404, %swap3A_405], %swap3A_408 {strides = array<i32>} : memref<36x128xf32, #tpu.memory_space<vmem>>, vector<1x16xf32>,
        %get3A_409 = arith.constant 20 : i32
        %get3A_410 = arith.index_cast %get3A_409 : i32 to index
        %get3A_411 = arith.index_cast %mul3A_52 : i32 to index
        %get3A_412 = tpu.vector_load %arg4[%get3A_410, %get3A_411] {strides = array<i32>} : memref<36x128xf32, #tpu.memory_space<vmem>>, vector<1x16xf32>,
        %get3A_413 = vector.shape_cast %get3A_412 : vector<1x16xf32> to vector<16xf32>
        %add3A_414 = arith.addf %add3A_396, %get3A_413 : vector<16xf32>
        %le3A_415 = arith.constant 5.000000e+00 : f32
        %le3A_416 = vector.broadcast %le3A_415 : f32 to vector<16xf32>
        %le3A_417 = arith.cmpf ole, %add3A_414, %le3A_416 : vector<16xf32>
        %jit3A_418 = arith.constant 0.000000e+00 : f32
        %broadcast_in_dim3A_419 = vector.broadcast %jit3A_418 : f32 to vector<16xf32>
        %select_n3A_420 = arith.select %le3A_417, %get3A_413, %broadcast_in_dim3A_419 : vector<16xi1>, vector<16xf32>
        %swap3A_421 = arith.constant 20 : i32
        %swap3A_422 = arith.index_cast %swap3A_421 : i32 to index
        %swap3A_423 = arith.index_cast %mul3A_52 : i32 to index
        %swap3A_424 = tpu.vector_load %arg4[%swap3A_422, %swap3A_423] {strides = array<i32>} : memref<36x128xf32, #tpu.memory_space<vmem>>, vector<1x16xf32>,
        %swap3A_425 = vector.shape_cast %swap3A_424 : vector<1x16xf32> to vector<16xf32>
        %swap3A_426 = vector.shape_cast %select_n3A_420 : vector<16xf32> to vector<1x16xf32>
        tpu.vector_store %arg4[%swap3A_422, %swap3A_423], %swap3A_426 {strides = array<i32>} : memref<36x128xf32, #tpu.memory_space<vmem>>, vector<1x16xf32>,
        %get3A_427 = arith.constant 21 : i32
        %get3A_428 = arith.index_cast %get3A_427 : i32 to index
        %get3A_429 = arith.index_cast %mul3A_52 : i32 to index
        %get3A_430 = tpu.vector_load %arg4[%get3A_428, %get3A_429] {strides = array<i32>} : memref<36x128xf32, #tpu.memory_space<vmem>>, vector<1x16xf32>,
        %get3A_431 = vector.shape_cast %get3A_430 : vector<1x16xf32> to vector<16xf32>
        %add3A_432 = arith.addf %add3A_414, %get3A_431 : vector<16xf32>
        %le3A_433 = arith.constant 5.000000e+00 : f32
        %le3A_434 = vector.broadcast %le3A_433 : f32 to vector<16xf32>
        %le3A_435 = arith.cmpf ole, %add3A_432, %le3A_434 : vector<16xf32>
        %jit3A_436 = arith.constant 0.000000e+00 : f32
        %broadcast_in_dim3A_437 = vector.broadcast %jit3A_436 : f32 to vector<16xf32>
        %select_n3A_438 = arith.select %le3A_435, %get3A_431, %broadcast_in_dim3A_437 : vector<16xi1>, vector<16xf32>
        %swap3A_439 = arith.constant 21 : i32
        %swap3A_440 = arith.index_cast %swap3A_439 : i32 to index
        %swap3A_441 = arith.index_cast %mul3A_52 : i32 to index
        %swap3A_442 = tpu.vector_load %arg4[%swap3A_440, %swap3A_441] {strides = array<i32>} : memref<36x128xf32, #tpu.memory_space<vmem>>, vector<1x16xf32>,
        %swap3A_443 = vector.shape_cast %swap3A_442 : vector<1x16xf32> to vector<16xf32>
        %swap3A_444 = vector.shape_cast %select_n3A_438 : vector<16xf32> to vector<1x16xf32>
        tpu.vector_store %arg4[%swap3A_440, %swap3A_441], %swap3A_444 {strides = array<i32>} : memref<36x128xf32, #tpu.memory_space<vmem>>, vector<1x16xf32>,
        %get3A_445 = arith.constant 22 : i32
        %get3A_446 = arith.index_cast %get3A_445 : i32 to index
        %get3A_447 = arith.index_cast %mul3A_52 : i32 to index
        %get3A_448 = tpu.vector_load %arg4[%get3A_446, %get3A_447] {strides = array<i32>} : memref<36x128xf32, #tpu.memory_space<vmem>>, vector<1x16xf32>,
        %get3A_449 = vector.shape_cast %get3A_448 : vector<1x16xf32> to vector<16xf32>
        %add3A_450 = arith.addf %add3A_432, %get3A_449 : vector<16xf32>
        %le3A_451 = arith.constant 5.000000e+00 : f32
        %le3A_452 = vector.broadcast %le3A_451 : f32 to vector<16xf32>
        %le3A_453 = arith.cmpf ole, %add3A_450, %le3A_452 : vector<16xf32>
        %jit3A_454 = arith.constant 0.000000e+00 : f32
        %broadcast_in_dim3A_455 = vector.broadcast %jit3A_454 : f32 to vector<16xf32>
        %select_n3A_456 = arith.select %le3A_453, %get3A_449, %broadcast_in_dim3A_455 : vector<16xi1>, vector<16xf32>
        %swap3A_457 = arith.constant 22 : i32
        %swap3A_458 = arith.index_cast %swap3A_457 : i32 to index
        %swap3A_459 = arith.index_cast %mul3A_52 : i32 to index
        %swap3A_460 = tpu.vector_load %arg4[%swap3A_458, %swap3A_459] {strides = array<i32>} : memref<36x128xf32, #tpu.memory_space<vmem>>, vector<1x16xf32>,
        %swap3A_461 = vector.shape_cast %swap3A_460 : vector<1x16xf32> to vector<16xf32>
        %swap3A_462 = vector.shape_cast %select_n3A_456 : vector<16xf32> to vector<1x16xf32>
        tpu.vector_store %arg4[%swap3A_458, %swap3A_459], %swap3A_462 {strides = array<i32>} : memref<36x128xf32, #tpu.memory_space<vmem>>, vector<1x16xf32>,
        %get3A_463 = arith.constant 23 : i32
        %get3A_464 = arith.index_cast %get3A_463 : i32 to index
        %get3A_465 = arith.index_cast %mul3A_52 : i32 to index
        %get3A_466 = tpu.vector_load %arg4[%get3A_464, %get3A_465] {strides = array<i32>} : memref<36x128xf32, #tpu.memory_space<vmem>>, vector<1x16xf32>,
        %get3A_467 = vector.shape_cast %get3A_466 : vector<1x16xf32> to vector<16xf32>
        %add3A_468 = arith.addf %add3A_450, %get3A_467 : vector<16xf32>
        %le3A_469 = arith.constant 5.000000e+00 : f32
        %le3A_470 = vector.broadcast %le3A_469 : f32 to vector<16xf32>
        %le3A_471 = arith.cmpf ole, %add3A_468, %le3A_470 : vector<16xf32>
        %jit3A_472 = arith.constant 0.000000e+00 : f32
        %broadcast_in_dim3A_473 = vector.broadcast %jit3A_472 : f32 to vector<16xf32>
        %select_n3A_474 = arith.select %le3A_471, %get3A_467, %broadcast_in_dim3A_473 : vector<16xi1>, vector<16xf32>
        %swap3A_475 = arith.constant 23 : i32
        %swap3A_476 = arith.index_cast %swap3A_475 : i32 to index
        %swap3A_477 = arith.index_cast %mul3A_52 : i32 to index
        %swap3A_478 = tpu.vector_load %arg4[%swap3A_476, %swap3A_477] {strides = array<i32>} : memref<36x128xf32, #tpu.memory_space<vmem>>, vector<1x16xf32>,
        %swap3A_479 = vector.shape_cast %swap3A_478 : vector<1x16xf32> to vector<16xf32>
        %swap3A_480 = vector.shape_cast %select_n3A_474 : vector<16xf32> to vector<1x16xf32>
        tpu.vector_store %arg4[%swap3A_476, %swap3A_477], %swap3A_480 {strides = array<i32>} : memref<36x128xf32, #tpu.memory_space<vmem>>, vector<1x16xf32>,
        %get3A_481 = arith.constant 24 : i32
        %get3A_482 = arith.index_cast %get3A_481 : i32 to index
        %get3A_483 = arith.index_cast %mul3A_52 : i32 to index
        %get3A_484 = tpu.vector_load %arg4[%get3A_482, %get3A_483] {strides = array<i32>} : memref<36x128xf32, #tpu.memory_space<vmem>>, vector<1x16xf32>,
        %get3A_485 = vector.shape_cast %get3A_484 : vector<1x16xf32> to vector<16xf32>
        %add3A_486 = arith.addf %add3A_468, %get3A_485 : vector<16xf32>
        %le3A_487 = arith.constant 5.000000e+00 : f32
        %le3A_488 = vector.broadcast %le3A_487 : f32 to vector<16xf32>
        %le3A_489 = arith.cmpf ole, %add3A_486, %le3A_488 : vector<16xf32>
        %jit3A_490 = arith.constant 0.000000e+00 : f32
        %broadcast_in_dim3A_491 = vector.broadcast %jit3A_490 : f32 to vector<16xf32>
        %select_n3A_492 = arith.select %le3A_489, %get3A_485, %broadcast_in_dim3A_491 : vector<16xi1>, vector<16xf32>
        %swap3A_493 = arith.constant 24 : i32
        %swap3A_494 = arith.index_cast %swap3A_493 : i32 to index
        %swap3A_495 = arith.index_cast %mul3A_52 : i32 to index
        %swap3A_496 = tpu.vector_load %arg4[%swap3A_494, %swap3A_495] {strides = array<i32>} : memref<36x128xf32, #tpu.memory_space<vmem>>, vector<1x16xf32>,
        %swap3A_497 = vector.shape_cast %swap3A_496 : vector<1x16xf32> to vector<16xf32>
        %swap3A_498 = vector.shape_cast %select_n3A_492 : vector<16xf32> to vector<1x16xf32>
        tpu.vector_store %arg4[%swap3A_494, %swap3A_495], %swap3A_498 {strides = array<i32>} : memref<36x128xf32, #tpu.memory_space<vmem>>, vector<1x16xf32>,
        %get3A_499 = arith.constant 25 : i32
        %get3A_500 = arith.index_cast %get3A_499 : i32 to index
        %get3A_501 = arith.index_cast %mul3A_52 : i32 to index
        %get3A_502 = tpu.vector_load %arg4[%get3A_500, %get3A_501] {strides = array<i32>} : memref<36x128xf32, #tpu.memory_space<vmem>>, vector<1x16xf32>,
        %get3A_503 = vector.shape_cast %get3A_502 : vector<1x16xf32> to vector<16xf32>
        %add3A_504 = arith.addf %add3A_486, %get3A_503 : vector<16xf32>
        %le3A_505 = arith.constant 5.000000e+00 : f32
        %le3A_506 = vector.broadcast %le3A_505 : f32 to vector<16xf32>
        %le3A_507 = arith.cmpf ole, %add3A_504, %le3A_506 : vector<16xf32>
        %jit3A_508 = arith.constant 0.000000e+00 : f32
        %broadcast_in_dim3A_509 = vector.broadcast %jit3A_508 : f32 to vector<16xf32>
        %select_n3A_510 = arith.select %le3A_507, %get3A_503, %broadcast_in_dim3A_509 : vector<16xi1>, vector<16xf32>
        %swap3A_511 = arith.constant 25 : i32
        %swap3A_512 = arith.index_cast %swap3A_511 : i32 to index
        %swap3A_513 = arith.index_cast %mul3A_52 : i32 to index
        %swap3A_514 = tpu.vector_load %arg4[%swap3A_512, %swap3A_513] {strides = array<i32>} : memref<36x128xf32, #tpu.memory_space<vmem>>, vector<1x16xf32>,
        %swap3A_515 = vector.shape_cast %swap3A_514 : vector<1x16xf32> to vector<16xf32>
        %swap3A_516 = vector.shape_cast %select_n3A_510 : vector<16xf32> to vector<1x16xf32>
        tpu.vector_store %arg4[%swap3A_512, %swap3A_513], %swap3A_516 {strides = array<i32>} : memref<36x128xf32, #tpu.memory_space<vmem>>, vector<1x16xf32>,
        %get3A_517 = arith.constant 26 : i32
        %get3A_518 = arith.index_cast %get3A_517 : i32 to index
        %get3A_519 = arith.index_cast %mul3A_52 : i32 to index
        %get3A_520 = tpu.vector_load %arg4[%get3A_518, %get3A_519] {strides = array<i32>} : memref<36x128xf32, #tpu.memory_space<vmem>>, vector<1x16xf32>,
        %get3A_521 = vector.shape_cast %get3A_520 : vector<1x16xf32> to vector<16xf32>
        %add3A_522 = arith.addf %add3A_504, %get3A_521 : vector<16xf32>
        %le3A_523 = arith.constant 5.000000e+00 : f32
        %le3A_524 = vector.broadcast %le3A_523 : f32 to vector<16xf32>
        %le3A_525 = arith.cmpf ole, %add3A_522, %le3A_524 : vector<16xf32>
        %jit3A_526 = arith.constant 0.000000e+00 : f32
        %broadcast_in_dim3A_527 = vector.broadcast %jit3A_526 : f32 to vector<16xf32>
        %select_n3A_528 = arith.select %le3A_525, %get3A_521, %broadcast_in_dim3A_527 : vector<16xi1>, vector<16xf32>
        %swap3A_529 = arith.constant 26 : i32
        %swap3A_530 = arith.index_cast %swap3A_529 : i32 to index
        %swap3A_531 = arith.index_cast %mul3A_52 : i32 to index
        %swap3A_532 = tpu.vector_load %arg4[%swap3A_530, %swap3A_531] {strides = array<i32>} : memref<36x128xf32, #tpu.memory_space<vmem>>, vector<1x16xf32>,
        %swap3A_533 = vector.shape_cast %swap3A_532 : vector<1x16xf32> to vector<16xf32>
        %swap3A_534 = vector.shape_cast %select_n3A_528 : vector<16xf32> to vector<1x16xf32>
        tpu.vector_store %arg4[%swap3A_530, %swap3A_531], %swap3A_534 {strides = array<i32>} : memref<36x128xf32, #tpu.memory_space<vmem>>, vector<1x16xf32>,
        %get3A_535 = arith.constant 27 : i32
        %get3A_536 = arith.index_cast %get3A_535 : i32 to index
        %get3A_537 = arith.index_cast %mul3A_52 : i32 to index
        %get3A_538 = tpu.vector_load %arg4[%get3A_536, %get3A_537] {strides = array<i32>} : memref<36x128xf32, #tpu.memory_space<vmem>>, vector<1x16xf32>,
        %get3A_539 = vector.shape_cast %get3A_538 : vector<1x16xf32> to vector<16xf32>
        %add3A_540 = arith.addf %add3A_522, %get3A_539 : vector<16xf32>
        %le3A_541 = arith.constant 5.000000e+00 : f32
        %le3A_542 = vector.broadcast %le3A_541 : f32 to vector<16xf32>
        %le3A_543 = arith.cmpf ole, %add3A_540, %le3A_542 : vector<16xf32>
        %jit3A_544 = arith.constant 0.000000e+00 : f32
        %broadcast_in_dim3A_545 = vector.broadcast %jit3A_544 : f32 to vector<16xf32>
        %select_n3A_546 = arith.select %le3A_543, %get3A_539, %broadcast_in_dim3A_545 : vector<16xi1>, vector<16xf32>
        %swap3A_547 = arith.constant 27 : i32
        %swap3A_548 = arith.index_cast %swap3A_547 : i32 to index
        %swap3A_549 = arith.index_cast %mul3A_52 : i32 to index
        %swap3A_550 = tpu.vector_load %arg4[%swap3A_548, %swap3A_549] {strides = array<i32>} : memref<36x128xf32, #tpu.memory_space<vmem>>, vector<1x16xf32>,
        %swap3A_551 = vector.shape_cast %swap3A_550 : vector<1x16xf32> to vector<16xf32>
        %swap3A_552 = vector.shape_cast %select_n3A_546 : vector<16xf32> to vector<1x16xf32>
        tpu.vector_store %arg4[%swap3A_548, %swap3A_549], %swap3A_552 {strides = array<i32>} : memref<36x128xf32, #tpu.memory_space<vmem>>, vector<1x16xf32>,
        %get3A_553 = arith.constant 28 : i32
        %get3A_554 = arith.index_cast %get3A_553 : i32 to index
        %get3A_555 = arith.index_cast %mul3A_52 : i32 to index
        %get3A_556 = tpu.vector_load %arg4[%get3A_554, %get3A_555] {strides = array<i32>} : memref<36x128xf32, #tpu.memory_space<vmem>>, vector<1x16xf32>,
        %get3A_557 = vector.shape_cast %get3A_556 : vector<1x16xf32> to vector<16xf32>
        %add3A_558 = arith.addf %add3A_540, %get3A_557 : vector<16xf32>
        %le3A_559 = arith.constant 5.000000e+00 : f32
        %le3A_560 = vector.broadcast %le3A_559 : f32 to vector<16xf32>
        %le3A_561 = arith.cmpf ole, %add3A_558, %le3A_560 : vector<16xf32>
        %jit3A_562 = arith.constant 0.000000e+00 : f32
        %broadcast_in_dim3A_563 = vector.broadcast %jit3A_562 : f32 to vector<16xf32>
        %select_n3A_564 = arith.select %le3A_561, %get3A_557, %broadcast_in_dim3A_563 : vector<16xi1>, vector<16xf32>
        %swap3A_565 = arith.constant 28 : i32
        %swap3A_566 = arith.index_cast %swap3A_565 : i32 to index
        %swap3A_567 = arith.index_cast %mul3A_52 : i32 to index
        %swap3A_568 = tpu.vector_load %arg4[%swap3A_566, %swap3A_567] {strides = array<i32>} : memref<36x128xf32, #tpu.memory_space<vmem>>, vector<1x16xf32>,
        %swap3A_569 = vector.shape_cast %swap3A_568 : vector<1x16xf32> to vector<16xf32>
        %swap3A_570 = vector.shape_cast %select_n3A_564 : vector<16xf32> to vector<1x16xf32>
        tpu.vector_store %arg4[%swap3A_566, %swap3A_567], %swap3A_570 {strides = array<i32>} : memref<36x128xf32, #tpu.memory_space<vmem>>, vector<1x16xf32>,
        %get3A_571 = arith.constant 29 : i32
        %get3A_572 = arith.index_cast %get3A_571 : i32 to index
        %get3A_573 = arith.index_cast %mul3A_52 : i32 to index
        %get3A_574 = tpu.vector_load %arg4[%get3A_572, %get3A_573] {strides = array<i32>} : memref<36x128xf32, #tpu.memory_space<vmem>>, vector<1x16xf32>,
        %get3A_575 = vector.shape_cast %get3A_574 : vector<1x16xf32> to vector<16xf32>
        %add3A_576 = arith.addf %add3A_558, %get3A_575 : vector<16xf32>
        %le3A_577 = arith.constant 5.000000e+00 : f32
        %le3A_578 = vector.broadcast %le3A_577 : f32 to vector<16xf32>
        %le3A_579 = arith.cmpf ole, %add3A_576, %le3A_578 : vector<16xf32>
        %jit3A_580 = arith.constant 0.000000e+00 : f32
        %broadcast_in_dim3A_581 = vector.broadcast %jit3A_580 : f32 to vector<16xf32>
        %select_n3A_582 = arith.select %le3A_579, %get3A_575, %broadcast_in_dim3A_581 : vector<16xi1>, vector<16xf32>
        %swap3A_583 = arith.constant 29 : i32
        %swap3A_584 = arith.index_cast %swap3A_583 : i32 to index
        %swap3A_585 = arith.index_cast %mul3A_52 : i32 to index
        %swap3A_586 = tpu.vector_load %arg4[%swap3A_584, %swap3A_585] {strides = array<i32>} : memref<36x128xf32, #tpu.memory_space<vmem>>, vector<1x16xf32>,
        %swap3A_587 = vector.shape_cast %swap3A_586 : vector<1x16xf32> to vector<16xf32>
        %swap3A_588 = vector.shape_cast %select_n3A_582 : vector<16xf32> to vector<1x16xf32>
        tpu.vector_store %arg4[%swap3A_584, %swap3A_585], %swap3A_588 {strides = array<i32>} : memref<36x128xf32, #tpu.memory_space<vmem>>, vector<1x16xf32>,
        %get3A_589 = arith.constant 30 : i32
        %get3A_590 = arith.index_cast %get3A_589 : i32 to index
        %get3A_591 = arith.index_cast %mul3A_52 : i32 to index
        %get3A_592 = tpu.vector_load %arg4[%get3A_590, %get3A_591] {strides = array<i32>} : memref<36x128xf32, #tpu.memory_space<vmem>>, vector<1x16xf32>,
        %get3A_593 = vector.shape_cast %get3A_592 : vector<1x16xf32> to vector<16xf32>
        %add3A_594 = arith.addf %add3A_576, %get3A_593 : vector<16xf32>
        %le3A_595 = arith.constant 5.000000e+00 : f32
        %le3A_596 = vector.broadcast %le3A_595 : f32 to vector<16xf32>
        %le3A_597 = arith.cmpf ole, %add3A_594, %le3A_596 : vector<16xf32>
        %jit3A_598 = arith.constant 0.000000e+00 : f32
        %broadcast_in_dim3A_599 = vector.broadcast %jit3A_598 : f32 to vector<16xf32>
        %select_n3A_600 = arith.select %le3A_597, %get3A_593, %broadcast_in_dim3A_599 : vector<16xi1>, vector<16xf32>
        %swap3A_601 = arith.constant 30 : i32
        %swap3A_602 = arith.index_cast %swap3A_601 : i32 to index
        %swap3A_603 = arith.index_cast %mul3A_52 : i32 to index
        %swap3A_604 = tpu.vector_load %arg4[%swap3A_602, %swap3A_603] {strides = array<i32>} : memref<36x128xf32, #tpu.memory_space<vmem>>, vector<1x16xf32>,
        %swap3A_605 = vector.shape_cast %swap3A_604 : vector<1x16xf32> to vector<16xf32>
        %swap3A_606 = vector.shape_cast %select_n3A_600 : vector<16xf32> to vector<1x16xf32>
        tpu.vector_store %arg4[%swap3A_602, %swap3A_603], %swap3A_606 {strides = array<i32>} : memref<36x128xf32, #tpu.memory_space<vmem>>, vector<1x16xf32>,
        %get3A_607 = arith.constant 31 : i32
        %get3A_608 = arith.index_cast %get3A_607 : i32 to index
        %get3A_609 = arith.index_cast %mul3A_52 : i32 to index
        %get3A_610 = tpu.vector_load %arg4[%get3A_608, %get3A_609] {strides = array<i32>} : memref<36x128xf32, #tpu.memory_space<vmem>>, vector<1x16xf32>,
        %get3A_611 = vector.shape_cast %get3A_610 : vector<1x16xf32> to vector<16xf32>
        %add3A_612 = arith.addf %add3A_594, %get3A_611 : vector<16xf32>
        %le3A_613 = arith.constant 5.000000e+00 : f32
        %le3A_614 = vector.broadcast %le3A_613 : f32 to vector<16xf32>
        %le3A_615 = arith.cmpf ole, %add3A_612, %le3A_614 : vector<16xf32>
        %jit3A_616 = arith.constant 0.000000e+00 : f32
        %broadcast_in_dim3A_617 = vector.broadcast %jit3A_616 : f32 to vector<16xf32>
        %select_n3A_618 = arith.select %le3A_615, %get3A_611, %broadcast_in_dim3A_617 : vector<16xi1>, vector<16xf32>
        %swap3A_619 = arith.constant 31 : i32
        %swap3A_620 = arith.index_cast %swap3A_619 : i32 to index
        %swap3A_621 = arith.index_cast %mul3A_52 : i32 to index
        %swap3A_622 = tpu.vector_load %arg4[%swap3A_620, %swap3A_621] {strides = array<i32>} : memref<36x128xf32, #tpu.memory_space<vmem>>, vector<1x16xf32>,
        %swap3A_623 = vector.shape_cast %swap3A_622 : vector<1x16xf32> to vector<16xf32>
        %swap3A_624 = vector.shape_cast %select_n3A_618 : vector<16xf32> to vector<1x16xf32>
        tpu.vector_store %arg4[%swap3A_620, %swap3A_621], %swap3A_624 {strides = array<i32>} : memref<36x128xf32, #tpu.memory_space<vmem>>, vector<1x16xf32>,
        %get3A_625 = arith.constant 32 : i32
        %get3A_626 = arith.index_cast %get3A_625 : i32 to index
        %get3A_627 = arith.index_cast %mul3A_52 : i32 to index
        %get3A_628 = tpu.vector_load %arg4[%get3A_626, %get3A_627] {strides = array<i32>} : memref<36x128xf32, #tpu.memory_space<vmem>>, vector<1x16xf32>,
        %get3A_629 = vector.shape_cast %get3A_628 : vector<1x16xf32> to vector<16xf32>
        %add3A_630 = arith.addf %add3A_612, %get3A_629 : vector<16xf32>
        %le3A_631 = arith.constant 5.000000e+00 : f32
        %le3A_632 = vector.broadcast %le3A_631 : f32 to vector<16xf32>
        %le3A_633 = arith.cmpf ole, %add3A_630, %le3A_632 : vector<16xf32>
        %jit3A_634 = arith.constant 0.000000e+00 : f32
        %broadcast_in_dim3A_635 = vector.broadcast %jit3A_634 : f32 to vector<16xf32>
        %select_n3A_636 = arith.select %le3A_633, %get3A_629, %broadcast_in_dim3A_635 : vector<16xi1>, vector<16xf32>
        %swap3A_637 = arith.constant 32 : i32
        %swap3A_638 = arith.index_cast %swap3A_637 : i32 to index
        %swap3A_639 = arith.index_cast %mul3A_52 : i32 to index
        %swap3A_640 = tpu.vector_load %arg4[%swap3A_638, %swap3A_639] {strides = array<i32>} : memref<36x128xf32, #tpu.memory_space<vmem>>, vector<1x16xf32>,
        %swap3A_641 = vector.shape_cast %swap3A_640 : vector<1x16xf32> to vector<16xf32>
        %swap3A_642 = vector.shape_cast %select_n3A_636 : vector<16xf32> to vector<1x16xf32>
        tpu.vector_store %arg4[%swap3A_638, %swap3A_639], %swap3A_642 {strides = array<i32>} : memref<36x128xf32, #tpu.memory_space<vmem>>, vector<1x16xf32>,
        %get3A_643 = arith.constant 33 : i32
        %get3A_644 = arith.index_cast %get3A_643 : i32 to index
        %get3A_645 = arith.index_cast %mul3A_52 : i32 to index
        %get3A_646 = tpu.vector_load %arg4[%get3A_644, %get3A_645] {strides = array<i32>} : memref<36x128xf32, #tpu.memory_space<vmem>>, vector<1x16xf32>,
        %get3A_647 = vector.shape_cast %get3A_646 : vector<1x16xf32> to vector<16xf32>
        %add3A_648 = arith.addf %add3A_630, %get3A_647 : vector<16xf32>
        %le3A_649 = arith.constant 5.000000e+00 : f32
        %le3A_650 = vector.broadcast %le3A_649 : f32 to vector<16xf32>
        %le3A_651 = arith.cmpf ole, %add3A_648, %le3A_650 : vector<16xf32>
        %jit3A_652 = arith.constant 0.000000e+00 : f32
        %broadcast_in_dim3A_653 = vector.broadcast %jit3A_652 : f32 to vector<16xf32>
        %select_n3A_654 = arith.select %le3A_651, %get3A_647, %broadcast_in_dim3A_653 : vector<16xi1>, vector<16xf32>
        %swap3A_655 = arith.constant 33 : i32
        %swap3A_656 = arith.index_cast %swap3A_655 : i32 to index
        %swap3A_657 = arith.index_cast %mul3A_52 : i32 to index
        %swap3A_658 = tpu.vector_load %arg4[%swap3A_656, %swap3A_657] {strides = array<i32>} : memref<36x128xf32, #tpu.memory_space<vmem>>, vector<1x16xf32>,
        %swap3A_659 = vector.shape_cast %swap3A_658 : vector<1x16xf32> to vector<16xf32>
        %swap3A_660 = vector.shape_cast %select_n3A_654 : vector<16xf32> to vector<1x16xf32>
        tpu.vector_store %arg4[%swap3A_656, %swap3A_657], %swap3A_660 {strides = array<i32>} : memref<36x128xf32, #tpu.memory_space<vmem>>, vector<1x16xf32>,
        %get3A_661 = arith.constant 34 : i32
        %get3A_662 = arith.index_cast %get3A_661 : i32 to index
        %get3A_663 = arith.index_cast %mul3A_52 : i32 to index
        %get3A_664 = tpu.vector_load %arg4[%get3A_662, %get3A_663] {strides = array<i32>} : memref<36x128xf32, #tpu.memory_space<vmem>>, vector<1x16xf32>,
        %get3A_665 = vector.shape_cast %get3A_664 : vector<1x16xf32> to vector<16xf32>
        %add3A_666 = arith.addf %add3A_648, %get3A_665 : vector<16xf32>
        %le3A_667 = arith.constant 5.000000e+00 : f32
        %le3A_668 = vector.broadcast %le3A_667 : f32 to vector<16xf32>
        %le3A_669 = arith.cmpf ole, %add3A_666, %le3A_668 : vector<16xf32>
        %jit3A_670 = arith.constant 0.000000e+00 : f32
        %broadcast_in_dim3A_671 = vector.broadcast %jit3A_670 : f32 to vector<16xf32>
        %select_n3A_672 = arith.select %le3A_669, %get3A_665, %broadcast_in_dim3A_671 : vector<16xi1>, vector<16xf32>
        %swap3A_673 = arith.constant 34 : i32
        %swap3A_674 = arith.index_cast %swap3A_673 : i32 to index
        %swap3A_675 = arith.index_cast %mul3A_52 : i32 to index
        %swap3A_676 = tpu.vector_load %arg4[%swap3A_674, %swap3A_675] {strides = array<i32>} : memref<36x128xf32, #tpu.memory_space<vmem>>, vector<1x16xf32>,
        %swap3A_677 = vector.shape_cast %swap3A_676 : vector<1x16xf32> to vector<16xf32>
        %swap3A_678 = vector.shape_cast %select_n3A_672 : vector<16xf32> to vector<1x16xf32>
        tpu.vector_store %arg4[%swap3A_674, %swap3A_675], %swap3A_678 {strides = array<i32>} : memref<36x128xf32, #tpu.memory_space<vmem>>, vector<1x16xf32>,
        %get3A_679 = arith.constant 35 : i32
        %get3A_680 = arith.index_cast %get3A_679 : i32 to index
        %get3A_681 = arith.index_cast %mul3A_52 : i32 to index
        %get3A_682 = tpu.vector_load %arg4[%get3A_680, %get3A_681] {strides = array<i32>} : memref<36x128xf32, #tpu.memory_space<vmem>>, vector<1x16xf32>,
        %get3A_683 = vector.shape_cast %get3A_682 : vector<1x16xf32> to vector<16xf32>
        %add3A_684 = arith.addf %add3A_666, %get3A_683 : vector<16xf32>
        %le3A_685 = arith.constant 5.000000e+00 : f32
        %le3A_686 = vector.broadcast %le3A_685 : f32 to vector<16xf32>
        %le3A_687 = arith.cmpf ole, %add3A_684, %le3A_686 : vector<16xf32>
        %jit3A_688 = arith.constant 0.000000e+00 : f32
        %broadcast_in_dim3A_689 = vector.broadcast %jit3A_688 : f32 to vector<16xf32>
        %select_n3A_690 = arith.select %le3A_687, %get3A_683, %broadcast_in_dim3A_689 : vector<16xi1>, vector<16xf32>
        %swap3A_691 = arith.constant 35 : i32
        %swap3A_692 = arith.index_cast %swap3A_691 : i32 to index
        %swap3A_693 = arith.index_cast %mul3A_52 : i32 to index
        %swap3A_694 = tpu.vector_load %arg4[%swap3A_692, %swap3A_693] {strides = array<i32>} : memref<36x128xf32, #tpu.memory_space<vmem>>, vector<1x16xf32>,
        %swap3A_695 = vector.shape_cast %swap3A_694 : vector<1x16xf32> to vector<16xf32>
        %swap3A_696 = vector.shape_cast %select_n3A_690 : vector<16xf32> to vector<1x16xf32>
        tpu.vector_store %arg4[%swap3A_692, %swap3A_693], %swap3A_696 {strides = array<i32>} : memref<36x128xf32, #tpu.memory_space<vmem>>, vector<1x16xf32>,
        %sub3A = arith.constant 5.000000e+00 : f32
        %sub3A_697 = vector.broadcast %sub3A : f32 to vector<16xf32>
        %sub3A_698 = arith.subf %sub3A_697, %add3A_684 : vector<16xf32>
        %max3A = arith.constant 0.000000e+00 : f32
        %max3A_699 = vector.broadcast %max3A : f32 to vector<16xf32>
        %max3A_700 = arith.maximumf %sub3A_698, %max3A_699 : vector<16xf32>
        %add3A_701 = arith.addi %mul3A_27, %mul3A_52 : i32
        %add3A_702 = vector.broadcast %add3A_701 : i32 to vector<16xi32>
        %add3A_703 = arith.addi %add3A_702, %iota3A : vector<16xi32>
        %jit3A_704 = arith.constant 36 : i32
        %eq3A = arith.constant 0 : i32
        %eq3A_705 = arith.cmpi eq, %jit3A_704, %eq3A : i32
        %jit3A_706 = arith.constant 1 : i32
        %select_n3A_707 = arith.select %eq3A_705, %jit3A_706, %jit3A_704 : i32
        %rem3A = vector.broadcast %select_n3A_707 : i32 to vector<16xi32>
        %rem3A_708 = arith.remsi %add3A_703, %rem3A : vector<16xi32>
        %ne3A = arith.constant 0 : i32
        %ne3A_709 = vector.broadcast %ne3A : i32 to vector<16xi32>
        %ne3A_710 = arith.cmpi ne, %rem3A_708, %ne3A_709 : vector<16xi32>
        %lt3A_711 = arith.constant 0 : i32
        %lt3A_712 = vector.broadcast %lt3A_711 : i32 to vector<16xi32>
        %lt3A_713 = arith.cmpi slt, %rem3A_708, %lt3A_712 : vector<16xi32>
        %lt3A_714 = arith.constant 0 : i32
        %lt3A_715 = arith.cmpi slt, %select_n3A_707, %lt3A_714 : i32
        %ne3A_716 = vector.broadcast %lt3A_715 : i1 to vector<16xi1>
        %ne3A_717 = vector.broadcast %ne3A_716 : vector<16xi1> to vector<16xi1>
        %ne3A_718 = arith.xori %lt3A_713, %ne3A_717 : vector<16xi1>
        %and3A = arith.andi %ne3A_718, %ne3A_710 : vector<16xi1>
        %add3A_719 = vector.broadcast %select_n3A_707 : i32 to vector<16xi32>
        %add3A_720 = arith.addi %rem3A_708, %add3A_719 : vector<16xi32>
        %select_n3A_721 = arith.select %and3A, %add3A_720, %rem3A_708 : vector<16xi1>, vector<16xi32>
        %get3A_722 = arith.constant 0 : i32
        %get3A_723 = arith.index_cast %get3A_722 : i32 to index
        %get3A_724 = arith.index_cast %mul3A_52 : i32 to index
        %get3A_725 = tpu.vector_load %arg4[%get3A_723, %get3A_724] {strides = array<i32>} : memref<36x128xf32, #tpu.memory_space<vmem>>, vector<1x16xf32>,
        %get3A_726 = vector.shape_cast %get3A_725 : vector<1x16xf32> to vector<16xf32>
        %eq3A_727 = arith.constant 0 : i32
        %eq3A_728 = vector.broadcast %eq3A_727 : i32 to vector<16xi32>
        %eq3A_729 = arith.cmpi eq, %select_n3A_721, %eq3A_728 : vector<16xi32>
        %jit3A_730 = arith.constant 0.000000e+00 : f32
        %broadcast_in_dim3A_731 = vector.broadcast %jit3A_730 : f32 to vector<16xf32>
        %select_n3A_732 = arith.select %eq3A_729, %max3A_700, %broadcast_in_dim3A_731 : vector<16xi1>, vector<16xf32>
        %add3A_733 = arith.addf %get3A_726, %select_n3A_732 : vector<16xf32>
        %swap3A_734 = arith.constant 0 : i32
        %swap3A_735 = arith.index_cast %swap3A_734 : i32 to index
        %swap3A_736 = arith.index_cast %mul3A_52 : i32 to index
        %swap3A_737 = tpu.vector_load %arg4[%swap3A_735, %swap3A_736] {strides = array<i32>} : memref<36x128xf32, #tpu.memory_space<vmem>>, vector<1x16xf32>,
        %swap3A_738 = vector.shape_cast %swap3A_737 : vector<1x16xf32> to vector<16xf32>
        %swap3A_739 = vector.shape_cast %add3A_733 : vector<16xf32> to vector<1x16xf32>
        tpu.vector_store %arg4[%swap3A_735, %swap3A_736], %swap3A_739 {strides = array<i32>} : memref<36x128xf32, #tpu.memory_space<vmem>>, vector<1x16xf32>,
        %get3A_740 = arith.constant 1 : i32
        %get3A_741 = arith.index_cast %get3A_740 : i32 to index
        %get3A_742 = arith.index_cast %mul3A_52 : i32 to index
        %get3A_743 = tpu.vector_load %arg4[%get3A_741, %get3A_742] {strides = array<i32>} : memref<36x128xf32, #tpu.memory_space<vmem>>, vector<1x16xf32>,
        %get3A_744 = vector.shape_cast %get3A_743 : vector<1x16xf32> to vector<16xf32>
        %eq3A_745 = arith.constant 1 : i32
        %eq3A_746 = vector.broadcast %eq3A_745 : i32 to vector<16xi32>
        %eq3A_747 = arith.cmpi eq, %select_n3A_721, %eq3A_746 : vector<16xi32>
        %jit3A_748 = arith.constant 0.000000e+00 : f32
        %broadcast_in_dim3A_749 = vector.broadcast %jit3A_748 : f32 to vector<16xf32>
        %select_n3A_750 = arith.select %eq3A_747, %max3A_700, %broadcast_in_dim3A_749 : vector<16xi1>, vector<16xf32>
        %add3A_751 = arith.addf %get3A_744, %select_n3A_750 : vector<16xf32>
        %swap3A_752 = arith.constant 1 : i32
        %swap3A_753 = arith.index_cast %swap3A_752 : i32 to index
        %swap3A_754 = arith.index_cast %mul3A_52 : i32 to index
        %swap3A_755 = tpu.vector_load %arg4[%swap3A_753, %swap3A_754] {strides = array<i32>} : memref<36x128xf32, #tpu.memory_space<vmem>>, vector<1x16xf32>,
        %swap3A_756 = vector.shape_cast %swap3A_755 : vector<1x16xf32> to vector<16xf32>
        %swap3A_757 = vector.shape_cast %add3A_751 : vector<16xf32> to vector<1x16xf32>
        tpu.vector_store %arg4[%swap3A_753, %swap3A_754], %swap3A_757 {strides = array<i32>} : memref<36x128xf32, #tpu.memory_space<vmem>>, vector<1x16xf32>,
        %get3A_758 = arith.constant 2 : i32
        %get3A_759 = arith.index_cast %get3A_758 : i32 to index
        %get3A_760 = arith.index_cast %mul3A_52 : i32 to index
        %get3A_761 = tpu.vector_load %arg4[%get3A_759, %get3A_760] {strides = array<i32>} : memref<36x128xf32, #tpu.memory_space<vmem>>, vector<1x16xf32>,
        %get3A_762 = vector.shape_cast %get3A_761 : vector<1x16xf32> to vector<16xf32>
        %eq3A_763 = arith.constant 2 : i32
        %eq3A_764 = vector.broadcast %eq3A_763 : i32 to vector<16xi32>
        %eq3A_765 = arith.cmpi eq, %select_n3A_721, %eq3A_764 : vector<16xi32>
        %jit3A_766 = arith.constant 0.000000e+00 : f32
        %broadcast_in_dim3A_767 = vector.broadcast %jit3A_766 : f32 to vector<16xf32>
        %select_n3A_768 = arith.select %eq3A_765, %max3A_700, %broadcast_in_dim3A_767 : vector<16xi1>, vector<16xf32>
        %add3A_769 = arith.addf %get3A_762, %select_n3A_768 : vector<16xf32>
        %swap3A_770 = arith.constant 2 : i32
        %swap3A_771 = arith.index_cast %swap3A_770 : i32 to index
        %swap3A_772 = arith.index_cast %mul3A_52 : i32 to index
        %swap3A_773 = tpu.vector_load %arg4[%swap3A_771, %swap3A_772] {strides = array<i32>} : memref<36x128xf32, #tpu.memory_space<vmem>>, vector<1x16xf32>,
        %swap3A_774 = vector.shape_cast %swap3A_773 : vector<1x16xf32> to vector<16xf32>
        %swap3A_775 = vector.shape_cast %add3A_769 : vector<16xf32> to vector<1x16xf32>
        tpu.vector_store %arg4[%swap3A_771, %swap3A_772], %swap3A_775 {strides = array<i32>} : memref<36x128xf32, #tpu.memory_space<vmem>>, vector<1x16xf32>,
        %get3A_776 = arith.constant 3 : i32
        %get3A_777 = arith.index_cast %get3A_776 : i32 to index
        %get3A_778 = arith.index_cast %mul3A_52 : i32 to index
        %get3A_779 = tpu.vector_load %arg4[%get3A_777, %get3A_778] {strides = array<i32>} : memref<36x128xf32, #tpu.memory_space<vmem>>, vector<1x16xf32>,
        %get3A_780 = vector.shape_cast %get3A_779 : vector<1x16xf32> to vector<16xf32>
        %eq3A_781 = arith.constant 3 : i32
        %eq3A_782 = vector.broadcast %eq3A_781 : i32 to vector<16xi32>
        %eq3A_783 = arith.cmpi eq, %select_n3A_721, %eq3A_782 : vector<16xi32>
        %jit3A_784 = arith.constant 0.000000e+00 : f32
        %broadcast_in_dim3A_785 = vector.broadcast %jit3A_784 : f32 to vector<16xf32>
        %select_n3A_786 = arith.select %eq3A_783, %max3A_700, %broadcast_in_dim3A_785 : vector<16xi1>, vector<16xf32>
        %add3A_787 = arith.addf %get3A_780, %select_n3A_786 : vector<16xf32>
        %swap3A_788 = arith.constant 3 : i32
        %swap3A_789 = arith.index_cast %swap3A_788 : i32 to index
        %swap3A_790 = arith.index_cast %mul3A_52 : i32 to index
        %swap3A_791 = tpu.vector_load %arg4[%swap3A_789, %swap3A_790] {strides = array<i32>} : memref<36x128xf32, #tpu.memory_space<vmem>>, vector<1x16xf32>,
        %swap3A_792 = vector.shape_cast %swap3A_791 : vector<1x16xf32> to vector<16xf32>
        %swap3A_793 = vector.shape_cast %add3A_787 : vector<16xf32> to vector<1x16xf32>
        tpu.vector_store %arg4[%swap3A_789, %swap3A_790], %swap3A_793 {strides = array<i32>} : memref<36x128xf32, #tpu.memory_space<vmem>>, vector<1x16xf32>,
        %get3A_794 = arith.constant 4 : i32
        %get3A_795 = arith.index_cast %get3A_794 : i32 to index
        %get3A_796 = arith.index_cast %mul3A_52 : i32 to index
        %get3A_797 = tpu.vector_load %arg4[%get3A_795, %get3A_796] {strides = array<i32>} : memref<36x128xf32, #tpu.memory_space<vmem>>, vector<1x16xf32>,
        %get3A_798 = vector.shape_cast %get3A_797 : vector<1x16xf32> to vector<16xf32>
        %eq3A_799 = arith.constant 4 : i32
        %eq3A_800 = vector.broadcast %eq3A_799 : i32 to vector<16xi32>
        %eq3A_801 = arith.cmpi eq, %select_n3A_721, %eq3A_800 : vector<16xi32>
        %jit3A_802 = arith.constant 0.000000e+00 : f32
        %broadcast_in_dim3A_803 = vector.broadcast %jit3A_802 : f32 to vector<16xf32>
        %select_n3A_804 = arith.select %eq3A_801, %max3A_700, %broadcast_in_dim3A_803 : vector<16xi1>, vector<16xf32>
        %add3A_805 = arith.addf %get3A_798, %select_n3A_804 : vector<16xf32>
        %swap3A_806 = arith.constant 4 : i32
        %swap3A_807 = arith.index_cast %swap3A_806 : i32 to index
        %swap3A_808 = arith.index_cast %mul3A_52 : i32 to index
        %swap3A_809 = tpu.vector_load %arg4[%swap3A_807, %swap3A_808] {strides = array<i32>} : memref<36x128xf32, #tpu.memory_space<vmem>>, vector<1x16xf32>,
        %swap3A_810 = vector.shape_cast %swap3A_809 : vector<1x16xf32> to vector<16xf32>
        %swap3A_811 = vector.shape_cast %add3A_805 : vector<16xf32> to vector<1x16xf32>
        tpu.vector_store %arg4[%swap3A_807, %swap3A_808], %swap3A_811 {strides = array<i32>} : memref<36x128xf32, #tpu.memory_space<vmem>>, vector<1x16xf32>,
        %get3A_812 = arith.constant 5 : i32
        %get3A_813 = arith.index_cast %get3A_812 : i32 to index
        %get3A_814 = arith.index_cast %mul3A_52 : i32 to index
        %get3A_815 = tpu.vector_load %arg4[%get3A_813, %get3A_814] {strides = array<i32>} : memref<36x128xf32, #tpu.memory_space<vmem>>, vector<1x16xf32>,
        %get3A_816 = vector.shape_cast %get3A_815 : vector<1x16xf32> to vector<16xf32>
        %eq3A_817 = arith.constant 5 : i32
        %eq3A_818 = vector.broadcast %eq3A_817 : i32 to vector<16xi32>
        %eq3A_819 = arith.cmpi eq, %select_n3A_721, %eq3A_818 : vector<16xi32>
        %jit3A_820 = arith.constant 0.000000e+00 : f32
        %broadcast_in_dim3A_821 = vector.broadcast %jit3A_820 : f32 to vector<16xf32>
        %select_n3A_822 = arith.select %eq3A_819, %max3A_700, %broadcast_in_dim3A_821 : vector<16xi1>, vector<16xf32>
        %add3A_823 = arith.addf %get3A_816, %select_n3A_822 : vector<16xf32>
        %swap3A_824 = arith.constant 5 : i32
        %swap3A_825 = arith.index_cast %swap3A_824 : i32 to index
        %swap3A_826 = arith.index_cast %mul3A_52 : i32 to index
        %swap3A_827 = tpu.vector_load %arg4[%swap3A_825, %swap3A_826] {strides = array<i32>} : memref<36x128xf32, #tpu.memory_space<vmem>>, vector<1x16xf32>,
        %swap3A_828 = vector.shape_cast %swap3A_827 : vector<1x16xf32> to vector<16xf32>
        %swap3A_829 = vector.shape_cast %add3A_823 : vector<16xf32> to vector<1x16xf32>
        tpu.vector_store %arg4[%swap3A_825, %swap3A_826], %swap3A_829 {strides = array<i32>} : memref<36x128xf32, #tpu.memory_space<vmem>>, vector<1x16xf32>,
        %get3A_830 = arith.constant 6 : i32
        %get3A_831 = arith.index_cast %get3A_830 : i32 to index
        %get3A_832 = arith.index_cast %mul3A_52 : i32 to index
        %get3A_833 = tpu.vector_load %arg4[%get3A_831, %get3A_832] {strides = array<i32>} : memref<36x128xf32, #tpu.memory_space<vmem>>, vector<1x16xf32>,
        %get3A_834 = vector.shape_cast %get3A_833 : vector<1x16xf32> to vector<16xf32>
        %eq3A_835 = arith.constant 6 : i32
        %eq3A_836 = vector.broadcast %eq3A_835 : i32 to vector<16xi32>
        %eq3A_837 = arith.cmpi eq, %select_n3A_721, %eq3A_836 : vector<16xi32>
        %jit3A_838 = arith.constant 0.000000e+00 : f32
        %broadcast_in_dim3A_839 = vector.broadcast %jit3A_838 : f32 to vector<16xf32>
        %select_n3A_840 = arith.select %eq3A_837, %max3A_700, %broadcast_in_dim3A_839 : vector<16xi1>, vector<16xf32>
        %add3A_841 = arith.addf %get3A_834, %select_n3A_840 : vector<16xf32>
        %swap3A_842 = arith.constant 6 : i32
        %swap3A_843 = arith.index_cast %swap3A_842 : i32 to index
        %swap3A_844 = arith.index_cast %mul3A_52 : i32 to index
        %swap3A_845 = tpu.vector_load %arg4[%swap3A_843, %swap3A_844] {strides = array<i32>} : memref<36x128xf32, #tpu.memory_space<vmem>>, vector<1x16xf32>,
        %swap3A_846 = vector.shape_cast %swap3A_845 : vector<1x16xf32> to vector<16xf32>
        %swap3A_847 = vector.shape_cast %add3A_841 : vector<16xf32> to vector<1x16xf32>
        tpu.vector_store %arg4[%swap3A_843, %swap3A_844], %swap3A_847 {strides = array<i32>} : memref<36x128xf32, #tpu.memory_space<vmem>>, vector<1x16xf32>,
        %get3A_848 = arith.constant 7 : i32
        %get3A_849 = arith.index_cast %get3A_848 : i32 to index
        %get3A_850 = arith.index_cast %mul3A_52 : i32 to index
        %get3A_851 = tpu.vector_load %arg4[%get3A_849, %get3A_850] {strides = array<i32>} : memref<36x128xf32, #tpu.memory_space<vmem>>, vector<1x16xf32>,
        %get3A_852 = vector.shape_cast %get3A_851 : vector<1x16xf32> to vector<16xf32>
        %eq3A_853 = arith.constant 7 : i32
        %eq3A_854 = vector.broadcast %eq3A_853 : i32 to vector<16xi32>
        %eq3A_855 = arith.cmpi eq, %select_n3A_721, %eq3A_854 : vector<16xi32>
        %jit3A_856 = arith.constant 0.000000e+00 : f32
        %broadcast_in_dim3A_857 = vector.broadcast %jit3A_856 : f32 to vector<16xf32>
        %select_n3A_858 = arith.select %eq3A_855, %max3A_700, %broadcast_in_dim3A_857 : vector<16xi1>, vector<16xf32>
        %add3A_859 = arith.addf %get3A_852, %select_n3A_858 : vector<16xf32>
        %swap3A_860 = arith.constant 7 : i32
        %swap3A_861 = arith.index_cast %swap3A_860 : i32 to index
        %swap3A_862 = arith.index_cast %mul3A_52 : i32 to index
        %swap3A_863 = tpu.vector_load %arg4[%swap3A_861, %swap3A_862] {strides = array<i32>} : memref<36x128xf32, #tpu.memory_space<vmem>>, vector<1x16xf32>,
        %swap3A_864 = vector.shape_cast %swap3A_863 : vector<1x16xf32> to vector<16xf32>
        %swap3A_865 = vector.shape_cast %add3A_859 : vector<16xf32> to vector<1x16xf32>
        tpu.vector_store %arg4[%swap3A_861, %swap3A_862], %swap3A_865 {strides = array<i32>} : memref<36x128xf32, #tpu.memory_space<vmem>>, vector<1x16xf32>,
        %get3A_866 = arith.constant 8 : i32
        %get3A_867 = arith.index_cast %get3A_866 : i32 to index
        %get3A_868 = arith.index_cast %mul3A_52 : i32 to index
        %get3A_869 = tpu.vector_load %arg4[%get3A_867, %get3A_868] {strides = array<i32>} : memref<36x128xf32, #tpu.memory_space<vmem>>, vector<1x16xf32>,
        %get3A_870 = vector.shape_cast %get3A_869 : vector<1x16xf32> to vector<16xf32>
        %eq3A_871 = arith.constant 8 : i32
        %eq3A_872 = vector.broadcast %eq3A_871 : i32 to vector<16xi32>
        %eq3A_873 = arith.cmpi eq, %select_n3A_721, %eq3A_872 : vector<16xi32>
        %jit3A_874 = arith.constant 0.000000e+00 : f32
        %broadcast_in_dim3A_875 = vector.broadcast %jit3A_874 : f32 to vector<16xf32>
        %select_n3A_876 = arith.select %eq3A_873, %max3A_700, %broadcast_in_dim3A_875 : vector<16xi1>, vector<16xf32>
        %add3A_877 = arith.addf %get3A_870, %select_n3A_876 : vector<16xf32>
        %swap3A_878 = arith.constant 8 : i32
        %swap3A_879 = arith.index_cast %swap3A_878 : i32 to index
        %swap3A_880 = arith.index_cast %mul3A_52 : i32 to index
        %swap3A_881 = tpu.vector_load %arg4[%swap3A_879, %swap3A_880] {strides = array<i32>} : memref<36x128xf32, #tpu.memory_space<vmem>>, vector<1x16xf32>,
        %swap3A_882 = vector.shape_cast %swap3A_881 : vector<1x16xf32> to vector<16xf32>
        %swap3A_883 = vector.shape_cast %add3A_877 : vector<16xf32> to vector<1x16xf32>
        tpu.vector_store %arg4[%swap3A_879, %swap3A_880], %swap3A_883 {strides = array<i32>} : memref<36x128xf32, #tpu.memory_space<vmem>>, vector<1x16xf32>,
        %get3A_884 = arith.constant 9 : i32
        %get3A_885 = arith.index_cast %get3A_884 : i32 to index
        %get3A_886 = arith.index_cast %mul3A_52 : i32 to index
        %get3A_887 = tpu.vector_load %arg4[%get3A_885, %get3A_886] {strides = array<i32>} : memref<36x128xf32, #tpu.memory_space<vmem>>, vector<1x16xf32>,
        %get3A_888 = vector.shape_cast %get3A_887 : vector<1x16xf32> to vector<16xf32>
        %eq3A_889 = arith.constant 9 : i32
        %eq3A_890 = vector.broadcast %eq3A_889 : i32 to vector<16xi32>
        %eq3A_891 = arith.cmpi eq, %select_n3A_721, %eq3A_890 : vector<16xi32>
        %jit3A_892 = arith.constant 0.000000e+00 : f32
        %broadcast_in_dim3A_893 = vector.broadcast %jit3A_892 : f32 to vector<16xf32>
        %select_n3A_894 = arith.select %eq3A_891, %max3A_700, %broadcast_in_dim3A_893 : vector<16xi1>, vector<16xf32>
        %add3A_895 = arith.addf %get3A_888, %select_n3A_894 : vector<16xf32>
        %swap3A_896 = arith.constant 9 : i32
        %swap3A_897 = arith.index_cast %swap3A_896 : i32 to index
        %swap3A_898 = arith.index_cast %mul3A_52 : i32 to index
        %swap3A_899 = tpu.vector_load %arg4[%swap3A_897, %swap3A_898] {strides = array<i32>} : memref<36x128xf32, #tpu.memory_space<vmem>>, vector<1x16xf32>,
        %swap3A_900 = vector.shape_cast %swap3A_899 : vector<1x16xf32> to vector<16xf32>
        %swap3A_901 = vector.shape_cast %add3A_895 : vector<16xf32> to vector<1x16xf32>
        tpu.vector_store %arg4[%swap3A_897, %swap3A_898], %swap3A_901 {strides = array<i32>} : memref<36x128xf32, #tpu.memory_space<vmem>>, vector<1x16xf32>,
        %get3A_902 = arith.constant 10 : i32
        %get3A_903 = arith.index_cast %get3A_902 : i32 to index
        %get3A_904 = arith.index_cast %mul3A_52 : i32 to index
        %get3A_905 = tpu.vector_load %arg4[%get3A_903, %get3A_904] {strides = array<i32>} : memref<36x128xf32, #tpu.memory_space<vmem>>, vector<1x16xf32>,
        %get3A_906 = vector.shape_cast %get3A_905 : vector<1x16xf32> to vector<16xf32>
        %eq3A_907 = arith.constant 10 : i32
        %eq3A_908 = vector.broadcast %eq3A_907 : i32 to vector<16xi32>
        %eq3A_909 = arith.cmpi eq, %select_n3A_721, %eq3A_908 : vector<16xi32>
        %jit3A_910 = arith.constant 0.000000e+00 : f32
        %broadcast_in_dim3A_911 = vector.broadcast %jit3A_910 : f32 to vector<16xf32>
        %select_n3A_912 = arith.select %eq3A_909, %max3A_700, %broadcast_in_dim3A_911 : vector<16xi1>, vector<16xf32>
        %add3A_913 = arith.addf %get3A_906, %select_n3A_912 : vector<16xf32>
        %swap3A_914 = arith.constant 10 : i32
        %swap3A_915 = arith.index_cast %swap3A_914 : i32 to index
        %swap3A_916 = arith.index_cast %mul3A_52 : i32 to index
        %swap3A_917 = tpu.vector_load %arg4[%swap3A_915, %swap3A_916] {strides = array<i32>} : memref<36x128xf32, #tpu.memory_space<vmem>>, vector<1x16xf32>,
        %swap3A_918 = vector.shape_cast %swap3A_917 : vector<1x16xf32> to vector<16xf32>
        %swap3A_919 = vector.shape_cast %add3A_913 : vector<16xf32> to vector<1x16xf32>
        tpu.vector_store %arg4[%swap3A_915, %swap3A_916], %swap3A_919 {strides = array<i32>} : memref<36x128xf32, #tpu.memory_space<vmem>>, vector<1x16xf32>,
        %get3A_920 = arith.constant 11 : i32
        %get3A_921 = arith.index_cast %get3A_920 : i32 to index
        %get3A_922 = arith.index_cast %mul3A_52 : i32 to index
        %get3A_923 = tpu.vector_load %arg4[%get3A_921, %get3A_922] {strides = array<i32>} : memref<36x128xf32, #tpu.memory_space<vmem>>, vector<1x16xf32>,
        %get3A_924 = vector.shape_cast %get3A_923 : vector<1x16xf32> to vector<16xf32>
        %eq3A_925 = arith.constant 11 : i32
        %eq3A_926 = vector.broadcast %eq3A_925 : i32 to vector<16xi32>
        %eq3A_927 = arith.cmpi eq, %select_n3A_721, %eq3A_926 : vector<16xi32>
        %jit3A_928 = arith.constant 0.000000e+00 : f32
        %broadcast_in_dim3A_929 = vector.broadcast %jit3A_928 : f32 to vector<16xf32>
        %select_n3A_930 = arith.select %eq3A_927, %max3A_700, %broadcast_in_dim3A_929 : vector<16xi1>, vector<16xf32>
        %add3A_931 = arith.addf %get3A_924, %select_n3A_930 : vector<16xf32>
        %swap3A_932 = arith.constant 11 : i32
        %swap3A_933 = arith.index_cast %swap3A_932 : i32 to index
        %swap3A_934 = arith.index_cast %mul3A_52 : i32 to index
        %swap3A_935 = tpu.vector_load %arg4[%swap3A_933, %swap3A_934] {strides = array<i32>} : memref<36x128xf32, #tpu.memory_space<vmem>>, vector<1x16xf32>,
        %swap3A_936 = vector.shape_cast %swap3A_935 : vector<1x16xf32> to vector<16xf32>
        %swap3A_937 = vector.shape_cast %add3A_931 : vector<16xf32> to vector<1x16xf32>
        tpu.vector_store %arg4[%swap3A_933, %swap3A_934], %swap3A_937 {strides = array<i32>} : memref<36x128xf32, #tpu.memory_space<vmem>>, vector<1x16xf32>,
        %get3A_938 = arith.constant 12 : i32
        %get3A_939 = arith.index_cast %get3A_938 : i32 to index
        %get3A_940 = arith.index_cast %mul3A_52 : i32 to index
        %get3A_941 = tpu.vector_load %arg4[%get3A_939, %get3A_940] {strides = array<i32>} : memref<36x128xf32, #tpu.memory_space<vmem>>, vector<1x16xf32>,
        %get3A_942 = vector.shape_cast %get3A_941 : vector<1x16xf32> to vector<16xf32>
        %eq3A_943 = arith.constant 12 : i32
        %eq3A_944 = vector.broadcast %eq3A_943 : i32 to vector<16xi32>
        %eq3A_945 = arith.cmpi eq, %select_n3A_721, %eq3A_944 : vector<16xi32>
        %jit3A_946 = arith.constant 0.000000e+00 : f32
        %broadcast_in_dim3A_947 = vector.broadcast %jit3A_946 : f32 to vector<16xf32>
        %select_n3A_948 = arith.select %eq3A_945, %max3A_700, %broadcast_in_dim3A_947 : vector<16xi1>, vector<16xf32>
        %add3A_949 = arith.addf %get3A_942, %select_n3A_948 : vector<16xf32>
        %swap3A_950 = arith.constant 12 : i32
        %swap3A_951 = arith.index_cast %swap3A_950 : i32 to index
        %swap3A_952 = arith.index_cast %mul3A_52 : i32 to index
        %swap3A_953 = tpu.vector_load %arg4[%swap3A_951, %swap3A_952] {strides = array<i32>} : memref<36x128xf32, #tpu.memory_space<vmem>>, vector<1x16xf32>,
        %swap3A_954 = vector.shape_cast %swap3A_953 : vector<1x16xf32> to vector<16xf32>
        %swap3A_955 = vector.shape_cast %add3A_949 : vector<16xf32> to vector<1x16xf32>
        tpu.vector_store %arg4[%swap3A_951, %swap3A_952], %swap3A_955 {strides = array<i32>} : memref<36x128xf32, #tpu.memory_space<vmem>>, vector<1x16xf32>,
        %get3A_956 = arith.constant 13 : i32
        %get3A_957 = arith.index_cast %get3A_956 : i32 to index
        %get3A_958 = arith.index_cast %mul3A_52 : i32 to index
        %get3A_959 = tpu.vector_load %arg4[%get3A_957, %get3A_958] {strides = array<i32>} : memref<36x128xf32, #tpu.memory_space<vmem>>, vector<1x16xf32>,
        %get3A_960 = vector.shape_cast %get3A_959 : vector<1x16xf32> to vector<16xf32>
        %eq3A_961 = arith.constant 13 : i32
        %eq3A_962 = vector.broadcast %eq3A_961 : i32 to vector<16xi32>
        %eq3A_963 = arith.cmpi eq, %select_n3A_721, %eq3A_962 : vector<16xi32>
        %jit3A_964 = arith.constant 0.000000e+00 : f32
        %broadcast_in_dim3A_965 = vector.broadcast %jit3A_964 : f32 to vector<16xf32>
        %select_n3A_966 = arith.select %eq3A_963, %max3A_700, %broadcast_in_dim3A_965 : vector<16xi1>, vector<16xf32>
        %add3A_967 = arith.addf %get3A_960, %select_n3A_966 : vector<16xf32>
        %swap3A_968 = arith.constant 13 : i32
        %swap3A_969 = arith.index_cast %swap3A_968 : i32 to index
        %swap3A_970 = arith.index_cast %mul3A_52 : i32 to index
        %swap3A_971 = tpu.vector_load %arg4[%swap3A_969, %swap3A_970] {strides = array<i32>} : memref<36x128xf32, #tpu.memory_space<vmem>>, vector<1x16xf32>,
        %swap3A_972 = vector.shape_cast %swap3A_971 : vector<1x16xf32> to vector<16xf32>
        %swap3A_973 = vector.shape_cast %add3A_967 : vector<16xf32> to vector<1x16xf32>
        tpu.vector_store %arg4[%swap3A_969, %swap3A_970], %swap3A_973 {strides = array<i32>} : memref<36x128xf32, #tpu.memory_space<vmem>>, vector<1x16xf32>,
        %get3A_974 = arith.constant 14 : i32
        %get3A_975 = arith.index_cast %get3A_974 : i32 to index
        %get3A_976 = arith.index_cast %mul3A_52 : i32 to index
        %get3A_977 = tpu.vector_load %arg4[%get3A_975, %get3A_976] {strides = array<i32>} : memref<36x128xf32, #tpu.memory_space<vmem>>, vector<1x16xf32>,
        %get3A_978 = vector.shape_cast %get3A_977 : vector<1x16xf32> to vector<16xf32>
        %eq3A_979 = arith.constant 14 : i32
        %eq3A_980 = vector.broadcast %eq3A_979 : i32 to vector<16xi32>
        %eq3A_981 = arith.cmpi eq, %select_n3A_721, %eq3A_980 : vector<16xi32>
        %jit3A_982 = arith.constant 0.000000e+00 : f32
        %broadcast_in_dim3A_983 = vector.broadcast %jit3A_982 : f32 to vector<16xf32>
        %select_n3A_984 = arith.select %eq3A_981, %max3A_700, %broadcast_in_dim3A_983 : vector<16xi1>, vector<16xf32>
        %add3A_985 = arith.addf %get3A_978, %select_n3A_984 : vector<16xf32>
        %swap3A_986 = arith.constant 14 : i32
        %swap3A_987 = arith.index_cast %swap3A_986 : i32 to index
        %swap3A_988 = arith.index_cast %mul3A_52 : i32 to index
        %swap3A_989 = tpu.vector_load %arg4[%swap3A_987, %swap3A_988] {strides = array<i32>} : memref<36x128xf32, #tpu.memory_space<vmem>>, vector<1x16xf32>,
        %swap3A_990 = vector.shape_cast %swap3A_989 : vector<1x16xf32> to vector<16xf32>
        %swap3A_991 = vector.shape_cast %add3A_985 : vector<16xf32> to vector<1x16xf32>
        tpu.vector_store %arg4[%swap3A_987, %swap3A_988], %swap3A_991 {strides = array<i32>} : memref<36x128xf32, #tpu.memory_space<vmem>>, vector<1x16xf32>,
        %get3A_992 = arith.constant 15 : i32
        %get3A_993 = arith.index_cast %get3A_992 : i32 to index
        %get3A_994 = arith.index_cast %mul3A_52 : i32 to index
        %get3A_995 = tpu.vector_load %arg4[%get3A_993, %get3A_994] {strides = array<i32>} : memref<36x128xf32, #tpu.memory_space<vmem>>, vector<1x16xf32>,
        %get3A_996 = vector.shape_cast %get3A_995 : vector<1x16xf32> to vector<16xf32>
        %eq3A_997 = arith.constant 15 : i32
        %eq3A_998 = vector.broadcast %eq3A_997 : i32 to vector<16xi32>
        %eq3A_999 = arith.cmpi eq, %select_n3A_721, %eq3A_998 : vector<16xi32>
        %jit3A_1000 = arith.constant 0.000000e+00 : f32
        %broadcast_in_dim3A_1001 = vector.broadcast %jit3A_1000 : f32 to vector<16xf32>
        %select_n3A_1002 = arith.select %eq3A_999, %max3A_700, %broadcast_in_dim3A_1001 : vector<16xi1>, vector<16xf32>
        %add3A_1003 = arith.addf %get3A_996, %select_n3A_1002 : vector<16xf32>
        %swap3A_1004 = arith.constant 15 : i32
        %swap3A_1005 = arith.index_cast %swap3A_1004 : i32 to index
        %swap3A_1006 = arith.index_cast %mul3A_52 : i32 to index
        %swap3A_1007 = tpu.vector_load %arg4[%swap3A_1005, %swap3A_1006] {strides = array<i32>} : memref<36x128xf32, #tpu.memory_space<vmem>>, vector<1x16xf32>,
        %swap3A_1008 = vector.shape_cast %swap3A_1007 : vector<1x16xf32> to vector<16xf32>
        %swap3A_1009 = vector.shape_cast %add3A_1003 : vector<16xf32> to vector<1x16xf32>
        tpu.vector_store %arg4[%swap3A_1005, %swap3A_1006], %swap3A_1009 {strides = array<i32>} : memref<36x128xf32, #tpu.memory_space<vmem>>, vector<1x16xf32>,
        %get3A_1010 = arith.constant 16 : i32
        %get3A_1011 = arith.index_cast %get3A_1010 : i32 to index
        %get3A_1012 = arith.index_cast %mul3A_52 : i32 to index
        %get3A_1013 = tpu.vector_load %arg4[%get3A_1011, %get3A_1012] {strides = array<i32>} : memref<36x128xf32, #tpu.memory_space<vmem>>, vector<1x16xf32>,
        %get3A_1014 = vector.shape_cast %get3A_1013 : vector<1x16xf32> to vector<16xf32>
        %eq3A_1015 = arith.constant 16 : i32
        %eq3A_1016 = vector.broadcast %eq3A_1015 : i32 to vector<16xi32>
        %eq3A_1017 = arith.cmpi eq, %select_n3A_721, %eq3A_1016 : vector<16xi32>
        %jit3A_1018 = arith.constant 0.000000e+00 : f32
        %broadcast_in_dim3A_1019 = vector.broadcast %jit3A_1018 : f32 to vector<16xf32>
        %select_n3A_1020 = arith.select %eq3A_1017, %max3A_700, %broadcast_in_dim3A_1019 : vector<16xi1>, vector<16xf32>
        %add3A_1021 = arith.addf %get3A_1014, %select_n3A_1020 : vector<16xf32>
        %swap3A_1022 = arith.constant 16 : i32
        %swap3A_1023 = arith.index_cast %swap3A_1022 : i32 to index
        %swap3A_1024 = arith.index_cast %mul3A_52 : i32 to index
        %swap3A_1025 = tpu.vector_load %arg4[%swap3A_1023, %swap3A_1024] {strides = array<i32>} : memref<36x128xf32, #tpu.memory_space<vmem>>, vector<1x16xf32>,
        %swap3A_1026 = vector.shape_cast %swap3A_1025 : vector<1x16xf32> to vector<16xf32>
        %swap3A_1027 = vector.shape_cast %add3A_1021 : vector<16xf32> to vector<1x16xf32>
        tpu.vector_store %arg4[%swap3A_1023, %swap3A_1024], %swap3A_1027 {strides = array<i32>} : memref<36x128xf32, #tpu.memory_space<vmem>>, vector<1x16xf32>,
        %get3A_1028 = arith.constant 17 : i32
        %get3A_1029 = arith.index_cast %get3A_1028 : i32 to index
        %get3A_1030 = arith.index_cast %mul3A_52 : i32 to index
        %get3A_1031 = tpu.vector_load %arg4[%get3A_1029, %get3A_1030] {strides = array<i32>} : memref<36x128xf32, #tpu.memory_space<vmem>>, vector<1x16xf32>,
        %get3A_1032 = vector.shape_cast %get3A_1031 : vector<1x16xf32> to vector<16xf32>
        %eq3A_1033 = arith.constant 17 : i32
        %eq3A_1034 = vector.broadcast %eq3A_1033 : i32 to vector<16xi32>
        %eq3A_1035 = arith.cmpi eq, %select_n3A_721, %eq3A_1034 : vector<16xi32>
        %jit3A_1036 = arith.constant 0.000000e+00 : f32
        %broadcast_in_dim3A_1037 = vector.broadcast %jit3A_1036 : f32 to vector<16xf32>
        %select_n3A_1038 = arith.select %eq3A_1035, %max3A_700, %broadcast_in_dim3A_1037 : vector<16xi1>, vector<16xf32>
        %add3A_1039 = arith.addf %get3A_1032, %select_n3A_1038 : vector<16xf32>
        %swap3A_1040 = arith.constant 17 : i32
        %swap3A_1041 = arith.index_cast %swap3A_1040 : i32 to index
        %swap3A_1042 = arith.index_cast %mul3A_52 : i32 to index
        %swap3A_1043 = tpu.vector_load %arg4[%swap3A_1041, %swap3A_1042] {strides = array<i32>} : memref<36x128xf32, #tpu.memory_space<vmem>>, vector<1x16xf32>,
        %swap3A_1044 = vector.shape_cast %swap3A_1043 : vector<1x16xf32> to vector<16xf32>
        %swap3A_1045 = vector.shape_cast %add3A_1039 : vector<16xf32> to vector<1x16xf32>
        tpu.vector_store %arg4[%swap3A_1041, %swap3A_1042], %swap3A_1045 {strides = array<i32>} : memref<36x128xf32, #tpu.memory_space<vmem>>, vector<1x16xf32>,
        %get3A_1046 = arith.constant 18 : i32
        %get3A_1047 = arith.index_cast %get3A_1046 : i32 to index
        %get3A_1048 = arith.index_cast %mul3A_52 : i32 to index
        %get3A_1049 = tpu.vector_load %arg4[%get3A_1047, %get3A_1048] {strides = array<i32>} : memref<36x128xf32, #tpu.memory_space<vmem>>, vector<1x16xf32>,
        %get3A_1050 = vector.shape_cast %get3A_1049 : vector<1x16xf32> to vector<16xf32>
        %eq3A_1051 = arith.constant 18 : i32
        %eq3A_1052 = vector.broadcast %eq3A_1051 : i32 to vector<16xi32>
        %eq3A_1053 = arith.cmpi eq, %select_n3A_721, %eq3A_1052 : vector<16xi32>
        %jit3A_1054 = arith.constant 0.000000e+00 : f32
        %broadcast_in_dim3A_1055 = vector.broadcast %jit3A_1054 : f32 to vector<16xf32>
        %select_n3A_1056 = arith.select %eq3A_1053, %max3A_700, %broadcast_in_dim3A_1055 : vector<16xi1>, vector<16xf32>
        %add3A_1057 = arith.addf %get3A_1050, %select_n3A_1056 : vector<16xf32>
        %swap3A_1058 = arith.constant 18 : i32
        %swap3A_1059 = arith.index_cast %swap3A_1058 : i32 to index
        %swap3A_1060 = arith.index_cast %mul3A_52 : i32 to index
        %swap3A_1061 = tpu.vector_load %arg4[%swap3A_1059, %swap3A_1060] {strides = array<i32>} : memref<36x128xf32, #tpu.memory_space<vmem>>, vector<1x16xf32>,
        %swap3A_1062 = vector.shape_cast %swap3A_1061 : vector<1x16xf32> to vector<16xf32>
        %swap3A_1063 = vector.shape_cast %add3A_1057 : vector<16xf32> to vector<1x16xf32>
        tpu.vector_store %arg4[%swap3A_1059, %swap3A_1060], %swap3A_1063 {strides = array<i32>} : memref<36x128xf32, #tpu.memory_space<vmem>>, vector<1x16xf32>,
        %get3A_1064 = arith.constant 19 : i32
        %get3A_1065 = arith.index_cast %get3A_1064 : i32 to index
        %get3A_1066 = arith.index_cast %mul3A_52 : i32 to index
        %get3A_1067 = tpu.vector_load %arg4[%get3A_1065, %get3A_1066] {strides = array<i32>} : memref<36x128xf32, #tpu.memory_space<vmem>>, vector<1x16xf32>,
        %get3A_1068 = vector.shape_cast %get3A_1067 : vector<1x16xf32> to vector<16xf32>
        %eq3A_1069 = arith.constant 19 : i32
        %eq3A_1070 = vector.broadcast %eq3A_1069 : i32 to vector<16xi32>
        %eq3A_1071 = arith.cmpi eq, %select_n3A_721, %eq3A_1070 : vector<16xi32>
        %jit3A_1072 = arith.constant 0.000000e+00 : f32
        %broadcast_in_dim3A_1073 = vector.broadcast %jit3A_1072 : f32 to vector<16xf32>
        %select_n3A_1074 = arith.select %eq3A_1071, %max3A_700, %broadcast_in_dim3A_1073 : vector<16xi1>, vector<16xf32>
        %add3A_1075 = arith.addf %get3A_1068, %select_n3A_1074 : vector<16xf32>
        %swap3A_1076 = arith.constant 19 : i32
        %swap3A_1077 = arith.index_cast %swap3A_1076 : i32 to index
        %swap3A_1078 = arith.index_cast %mul3A_52 : i32 to index
        %swap3A_1079 = tpu.vector_load %arg4[%swap3A_1077, %swap3A_1078] {strides = array<i32>} : memref<36x128xf32, #tpu.memory_space<vmem>>, vector<1x16xf32>,
        %swap3A_1080 = vector.shape_cast %swap3A_1079 : vector<1x16xf32> to vector<16xf32>
        %swap3A_1081 = vector.shape_cast %add3A_1075 : vector<16xf32> to vector<1x16xf32>
        tpu.vector_store %arg4[%swap3A_1077, %swap3A_1078], %swap3A_1081 {strides = array<i32>} : memref<36x128xf32, #tpu.memory_space<vmem>>, vector<1x16xf32>,
        %get3A_1082 = arith.constant 20 : i32
        %get3A_1083 = arith.index_cast %get3A_1082 : i32 to index
        %get3A_1084 = arith.index_cast %mul3A_52 : i32 to index
        %get3A_1085 = tpu.vector_load %arg4[%get3A_1083, %get3A_1084] {strides = array<i32>} : memref<36x128xf32, #tpu.memory_space<vmem>>, vector<1x16xf32>,
        %get3A_1086 = vector.shape_cast %get3A_1085 : vector<1x16xf32> to vector<16xf32>
        %eq3A_1087 = arith.constant 20 : i32
        %eq3A_1088 = vector.broadcast %eq3A_1087 : i32 to vector<16xi32>
        %eq3A_1089 = arith.cmpi eq, %select_n3A_721, %eq3A_1088 : vector<16xi32>
        %jit3A_1090 = arith.constant 0.000000e+00 : f32
        %broadcast_in_dim3A_1091 = vector.broadcast %jit3A_1090 : f32 to vector<16xf32>
        %select_n3A_1092 = arith.select %eq3A_1089, %max3A_700, %broadcast_in_dim3A_1091 : vector<16xi1>, vector<16xf32>
        %add3A_1093 = arith.addf %get3A_1086, %select_n3A_1092 : vector<16xf32>
        %swap3A_1094 = arith.constant 20 : i32
        %swap3A_1095 = arith.index_cast %swap3A_1094 : i32 to index
        %swap3A_1096 = arith.index_cast %mul3A_52 : i32 to index
        %swap3A_1097 = tpu.vector_load %arg4[%swap3A_1095, %swap3A_1096] {strides = array<i32>} : memref<36x128xf32, #tpu.memory_space<vmem>>, vector<1x16xf32>,
        %swap3A_1098 = vector.shape_cast %swap3A_1097 : vector<1x16xf32> to vector<16xf32>
        %swap3A_1099 = vector.shape_cast %add3A_1093 : vector<16xf32> to vector<1x16xf32>
        tpu.vector_store %arg4[%swap3A_1095, %swap3A_1096], %swap3A_1099 {strides = array<i32>} : memref<36x128xf32, #tpu.memory_space<vmem>>, vector<1x16xf32>,
        %get3A_1100 = arith.constant 21 : i32
        %get3A_1101 = arith.index_cast %get3A_1100 : i32 to index
        %get3A_1102 = arith.index_cast %mul3A_52 : i32 to index
        %get3A_1103 = tpu.vector_load %arg4[%get3A_1101, %get3A_1102] {strides = array<i32>} : memref<36x128xf32, #tpu.memory_space<vmem>>, vector<1x16xf32>,
        %get3A_1104 = vector.shape_cast %get3A_1103 : vector<1x16xf32> to vector<16xf32>
        %eq3A_1105 = arith.constant 21 : i32
        %eq3A_1106 = vector.broadcast %eq3A_1105 : i32 to vector<16xi32>
        %eq3A_1107 = arith.cmpi eq, %select_n3A_721, %eq3A_1106 : vector<16xi32>
        %jit3A_1108 = arith.constant 0.000000e+00 : f32
        %broadcast_in_dim3A_1109 = vector.broadcast %jit3A_1108 : f32 to vector<16xf32>
        %select_n3A_1110 = arith.select %eq3A_1107, %max3A_700, %broadcast_in_dim3A_1109 : vector<16xi1>, vector<16xf32>
        %add3A_1111 = arith.addf %get3A_1104, %select_n3A_1110 : vector<16xf32>
        %swap3A_1112 = arith.constant 21 : i32
        %swap3A_1113 = arith.index_cast %swap3A_1112 : i32 to index
        %swap3A_1114 = arith.index_cast %mul3A_52 : i32 to index
        %swap3A_1115 = tpu.vector_load %arg4[%swap3A_1113, %swap3A_1114] {strides = array<i32>} : memref<36x128xf32, #tpu.memory_space<vmem>>, vector<1x16xf32>,
        %swap3A_1116 = vector.shape_cast %swap3A_1115 : vector<1x16xf32> to vector<16xf32>
        %swap3A_1117 = vector.shape_cast %add3A_1111 : vector<16xf32> to vector<1x16xf32>
        tpu.vector_store %arg4[%swap3A_1113, %swap3A_1114], %swap3A_1117 {strides = array<i32>} : memref<36x128xf32, #tpu.memory_space<vmem>>, vector<1x16xf32>,
        %get3A_1118 = arith.constant 22 : i32
        %get3A_1119 = arith.index_cast %get3A_1118 : i32 to index
        %get3A_1120 = arith.index_cast %mul3A_52 : i32 to index
        %get3A_1121 = tpu.vector_load %arg4[%get3A_1119, %get3A_1120] {strides = array<i32>} : memref<36x128xf32, #tpu.memory_space<vmem>>, vector<1x16xf32>,
        %get3A_1122 = vector.shape_cast %get3A_1121 : vector<1x16xf32> to vector<16xf32>
        %eq3A_1123 = arith.constant 22 : i32
        %eq3A_1124 = vector.broadcast %eq3A_1123 : i32 to vector<16xi32>
        %eq3A_1125 = arith.cmpi eq, %select_n3A_721, %eq3A_1124 : vector<16xi32>
        %jit3A_1126 = arith.constant 0.000000e+00 : f32
        %broadcast_in_dim3A_1127 = vector.broadcast %jit3A_1126 : f32 to vector<16xf32>
        %select_n3A_1128 = arith.select %eq3A_1125, %max3A_700, %broadcast_in_dim3A_1127 : vector<16xi1>, vector<16xf32>
        %add3A_1129 = arith.addf %get3A_1122, %select_n3A_1128 : vector<16xf32>
        %swap3A_1130 = arith.constant 22 : i32
        %swap3A_1131 = arith.index_cast %swap3A_1130 : i32 to index
        %swap3A_1132 = arith.index_cast %mul3A_52 : i32 to index
        %swap3A_1133 = tpu.vector_load %arg4[%swap3A_1131, %swap3A_1132] {strides = array<i32>} : memref<36x128xf32, #tpu.memory_space<vmem>>, vector<1x16xf32>,
        %swap3A_1134 = vector.shape_cast %swap3A_1133 : vector<1x16xf32> to vector<16xf32>
        %swap3A_1135 = vector.shape_cast %add3A_1129 : vector<16xf32> to vector<1x16xf32>
        tpu.vector_store %arg4[%swap3A_1131, %swap3A_1132], %swap3A_1135 {strides = array<i32>} : memref<36x128xf32, #tpu.memory_space<vmem>>, vector<1x16xf32>,
        %get3A_1136 = arith.constant 23 : i32
        %get3A_1137 = arith.index_cast %get3A_1136 : i32 to index
        %get3A_1138 = arith.index_cast %mul3A_52 : i32 to index
        %get3A_1139 = tpu.vector_load %arg4[%get3A_1137, %get3A_1138] {strides = array<i32>} : memref<36x128xf32, #tpu.memory_space<vmem>>, vector<1x16xf32>,
        %get3A_1140 = vector.shape_cast %get3A_1139 : vector<1x16xf32> to vector<16xf32>
        %eq3A_1141 = arith.constant 23 : i32
        %eq3A_1142 = vector.broadcast %eq3A_1141 : i32 to vector<16xi32>
        %eq3A_1143 = arith.cmpi eq, %select_n3A_721, %eq3A_1142 : vector<16xi32>
        %jit3A_1144 = arith.constant 0.000000e+00 : f32
        %broadcast_in_dim3A_1145 = vector.broadcast %jit3A_1144 : f32 to vector<16xf32>
        %select_n3A_1146 = arith.select %eq3A_1143, %max3A_700, %broadcast_in_dim3A_1145 : vector<16xi1>, vector<16xf32>
        %add3A_1147 = arith.addf %get3A_1140, %select_n3A_1146 : vector<16xf32>
        %swap3A_1148 = arith.constant 23 : i32
        %swap3A_1149 = arith.index_cast %swap3A_1148 : i32 to index
        %swap3A_1150 = arith.index_cast %mul3A_52 : i32 to index
        %swap3A_1151 = tpu.vector_load %arg4[%swap3A_1149, %swap3A_1150] {strides = array<i32>} : memref<36x128xf32, #tpu.memory_space<vmem>>, vector<1x16xf32>,
        %swap3A_1152 = vector.shape_cast %swap3A_1151 : vector<1x16xf32> to vector<16xf32>
        %swap3A_1153 = vector.shape_cast %add3A_1147 : vector<16xf32> to vector<1x16xf32>
        tpu.vector_store %arg4[%swap3A_1149, %swap3A_1150], %swap3A_1153 {strides = array<i32>} : memref<36x128xf32, #tpu.memory_space<vmem>>, vector<1x16xf32>,
        %get3A_1154 = arith.constant 24 : i32
        %get3A_1155 = arith.index_cast %get3A_1154 : i32 to index
        %get3A_1156 = arith.index_cast %mul3A_52 : i32 to index
        %get3A_1157 = tpu.vector_load %arg4[%get3A_1155, %get3A_1156] {strides = array<i32>} : memref<36x128xf32, #tpu.memory_space<vmem>>, vector<1x16xf32>,
        %get3A_1158 = vector.shape_cast %get3A_1157 : vector<1x16xf32> to vector<16xf32>
        %eq3A_1159 = arith.constant 24 : i32
        %eq3A_1160 = vector.broadcast %eq3A_1159 : i32 to vector<16xi32>
        %eq3A_1161 = arith.cmpi eq, %select_n3A_721, %eq3A_1160 : vector<16xi32>
        %jit3A_1162 = arith.constant 0.000000e+00 : f32
        %broadcast_in_dim3A_1163 = vector.broadcast %jit3A_1162 : f32 to vector<16xf32>
        %select_n3A_1164 = arith.select %eq3A_1161, %max3A_700, %broadcast_in_dim3A_1163 : vector<16xi1>, vector<16xf32>
        %add3A_1165 = arith.addf %get3A_1158, %select_n3A_1164 : vector<16xf32>
        %swap3A_1166 = arith.constant 24 : i32
        %swap3A_1167 = arith.index_cast %swap3A_1166 : i32 to index
        %swap3A_1168 = arith.index_cast %mul3A_52 : i32 to index
        %swap3A_1169 = tpu.vector_load %arg4[%swap3A_1167, %swap3A_1168] {strides = array<i32>} : memref<36x128xf32, #tpu.memory_space<vmem>>, vector<1x16xf32>,
        %swap3A_1170 = vector.shape_cast %swap3A_1169 : vector<1x16xf32> to vector<16xf32>
        %swap3A_1171 = vector.shape_cast %add3A_1165 : vector<16xf32> to vector<1x16xf32>
        tpu.vector_store %arg4[%swap3A_1167, %swap3A_1168], %swap3A_1171 {strides = array<i32>} : memref<36x128xf32, #tpu.memory_space<vmem>>, vector<1x16xf32>,
        %get3A_1172 = arith.constant 25 : i32
        %get3A_1173 = arith.index_cast %get3A_1172 : i32 to index
        %get3A_1174 = arith.index_cast %mul3A_52 : i32 to index
        %get3A_1175 = tpu.vector_load %arg4[%get3A_1173, %get3A_1174] {strides = array<i32>} : memref<36x128xf32, #tpu.memory_space<vmem>>, vector<1x16xf32>,
        %get3A_1176 = vector.shape_cast %get3A_1175 : vector<1x16xf32> to vector<16xf32>
        %eq3A_1177 = arith.constant 25 : i32
        %eq3A_1178 = vector.broadcast %eq3A_1177 : i32 to vector<16xi32>
        %eq3A_1179 = arith.cmpi eq, %select_n3A_721, %eq3A_1178 : vector<16xi32>
        %jit3A_1180 = arith.constant 0.000000e+00 : f32
        %broadcast_in_dim3A_1181 = vector.broadcast %jit3A_1180 : f32 to vector<16xf32>
        %select_n3A_1182 = arith.select %eq3A_1179, %max3A_700, %broadcast_in_dim3A_1181 : vector<16xi1>, vector<16xf32>
        %add3A_1183 = arith.addf %get3A_1176, %select_n3A_1182 : vector<16xf32>
        %swap3A_1184 = arith.constant 25 : i32
        %swap3A_1185 = arith.index_cast %swap3A_1184 : i32 to index
        %swap3A_1186 = arith.index_cast %mul3A_52 : i32 to index
        %swap3A_1187 = tpu.vector_load %arg4[%swap3A_1185, %swap3A_1186] {strides = array<i32>} : memref<36x128xf32, #tpu.memory_space<vmem>>, vector<1x16xf32>,
        %swap3A_1188 = vector.shape_cast %swap3A_1187 : vector<1x16xf32> to vector<16xf32>
        %swap3A_1189 = vector.shape_cast %add3A_1183 : vector<16xf32> to vector<1x16xf32>
        tpu.vector_store %arg4[%swap3A_1185, %swap3A_1186], %swap3A_1189 {strides = array<i32>} : memref<36x128xf32, #tpu.memory_space<vmem>>, vector<1x16xf32>,
        %get3A_1190 = arith.constant 26 : i32
        %get3A_1191 = arith.index_cast %get3A_1190 : i32 to index
        %get3A_1192 = arith.index_cast %mul3A_52 : i32 to index
        %get3A_1193 = tpu.vector_load %arg4[%get3A_1191, %get3A_1192] {strides = array<i32>} : memref<36x128xf32, #tpu.memory_space<vmem>>, vector<1x16xf32>,
        %get3A_1194 = vector.shape_cast %get3A_1193 : vector<1x16xf32> to vector<16xf32>
        %eq3A_1195 = arith.constant 26 : i32
        %eq3A_1196 = vector.broadcast %eq3A_1195 : i32 to vector<16xi32>
        %eq3A_1197 = arith.cmpi eq, %select_n3A_721, %eq3A_1196 : vector<16xi32>
        %jit3A_1198 = arith.constant 0.000000e+00 : f32
        %broadcast_in_dim3A_1199 = vector.broadcast %jit3A_1198 : f32 to vector<16xf32>
        %select_n3A_1200 = arith.select %eq3A_1197, %max3A_700, %broadcast_in_dim3A_1199 : vector<16xi1>, vector<16xf32>
        %add3A_1201 = arith.addf %get3A_1194, %select_n3A_1200 : vector<16xf32>
        %swap3A_1202 = arith.constant 26 : i32
        %swap3A_1203 = arith.index_cast %swap3A_1202 : i32 to index
        %swap3A_1204 = arith.index_cast %mul3A_52 : i32 to index
        %swap3A_1205 = tpu.vector_load %arg4[%swap3A_1203, %swap3A_1204] {strides = array<i32>} : memref<36x128xf32, #tpu.memory_space<vmem>>, vector<1x16xf32>,
        %swap3A_1206 = vector.shape_cast %swap3A_1205 : vector<1x16xf32> to vector<16xf32>
        %swap3A_1207 = vector.shape_cast %add3A_1201 : vector<16xf32> to vector<1x16xf32>
        tpu.vector_store %arg4[%swap3A_1203, %swap3A_1204], %swap3A_1207 {strides = array<i32>} : memref<36x128xf32, #tpu.memory_space<vmem>>, vector<1x16xf32>,
        %get3A_1208 = arith.constant 27 : i32
        %get3A_1209 = arith.index_cast %get3A_1208 : i32 to index
        %get3A_1210 = arith.index_cast %mul3A_52 : i32 to index
        %get3A_1211 = tpu.vector_load %arg4[%get3A_1209, %get3A_1210] {strides = array<i32>} : memref<36x128xf32, #tpu.memory_space<vmem>>, vector<1x16xf32>,
        %get3A_1212 = vector.shape_cast %get3A_1211 : vector<1x16xf32> to vector<16xf32>
        %eq3A_1213 = arith.constant 27 : i32
        %eq3A_1214 = vector.broadcast %eq3A_1213 : i32 to vector<16xi32>
        %eq3A_1215 = arith.cmpi eq, %select_n3A_721, %eq3A_1214 : vector<16xi32>
        %jit3A_1216 = arith.constant 0.000000e+00 : f32
        %broadcast_in_dim3A_1217 = vector.broadcast %jit3A_1216 : f32 to vector<16xf32>
        %select_n3A_1218 = arith.select %eq3A_1215, %max3A_700, %broadcast_in_dim3A_1217 : vector<16xi1>, vector<16xf32>
        %add3A_1219 = arith.addf %get3A_1212, %select_n3A_1218 : vector<16xf32>
        %swap3A_1220 = arith.constant 27 : i32
        %swap3A_1221 = arith.index_cast %swap3A_1220 : i32 to index
        %swap3A_1222 = arith.index_cast %mul3A_52 : i32 to index
        %swap3A_1223 = tpu.vector_load %arg4[%swap3A_1221, %swap3A_1222] {strides = array<i32>} : memref<36x128xf32, #tpu.memory_space<vmem>>, vector<1x16xf32>,
        %swap3A_1224 = vector.shape_cast %swap3A_1223 : vector<1x16xf32> to vector<16xf32>
        %swap3A_1225 = vector.shape_cast %add3A_1219 : vector<16xf32> to vector<1x16xf32>
        tpu.vector_store %arg4[%swap3A_1221, %swap3A_1222], %swap3A_1225 {strides = array<i32>} : memref<36x128xf32, #tpu.memory_space<vmem>>, vector<1x16xf32>,
        %get3A_1226 = arith.constant 28 : i32
        %get3A_1227 = arith.index_cast %get3A_1226 : i32 to index
        %get3A_1228 = arith.index_cast %mul3A_52 : i32 to index
        %get3A_1229 = tpu.vector_load %arg4[%get3A_1227, %get3A_1228] {strides = array<i32>} : memref<36x128xf32, #tpu.memory_space<vmem>>, vector<1x16xf32>,
        %get3A_1230 = vector.shape_cast %get3A_1229 : vector<1x16xf32> to vector<16xf32>
        %eq3A_1231 = arith.constant 28 : i32
        %eq3A_1232 = vector.broadcast %eq3A_1231 : i32 to vector<16xi32>
        %eq3A_1233 = arith.cmpi eq, %select_n3A_721, %eq3A_1232 : vector<16xi32>
        %jit3A_1234 = arith.constant 0.000000e+00 : f32
        %broadcast_in_dim3A_1235 = vector.broadcast %jit3A_1234 : f32 to vector<16xf32>
        %select_n3A_1236 = arith.select %eq3A_1233, %max3A_700, %broadcast_in_dim3A_1235 : vector<16xi1>, vector<16xf32>
        %add3A_1237 = arith.addf %get3A_1230, %select_n3A_1236 : vector<16xf32>
        %swap3A_1238 = arith.constant 28 : i32
        %swap3A_1239 = arith.index_cast %swap3A_1238 : i32 to index
        %swap3A_1240 = arith.index_cast %mul3A_52 : i32 to index
        %swap3A_1241 = tpu.vector_load %arg4[%swap3A_1239, %swap3A_1240] {strides = array<i32>} : memref<36x128xf32, #tpu.memory_space<vmem>>, vector<1x16xf32>,
        %swap3A_1242 = vector.shape_cast %swap3A_1241 : vector<1x16xf32> to vector<16xf32>
        %swap3A_1243 = vector.shape_cast %add3A_1237 : vector<16xf32> to vector<1x16xf32>
        tpu.vector_store %arg4[%swap3A_1239, %swap3A_1240], %swap3A_1243 {strides = array<i32>} : memref<36x128xf32, #tpu.memory_space<vmem>>, vector<1x16xf32>,
        %get3A_1244 = arith.constant 29 : i32
        %get3A_1245 = arith.index_cast %get3A_1244 : i32 to index
        %get3A_1246 = arith.index_cast %mul3A_52 : i32 to index
        %get3A_1247 = tpu.vector_load %arg4[%get3A_1245, %get3A_1246] {strides = array<i32>} : memref<36x128xf32, #tpu.memory_space<vmem>>, vector<1x16xf32>,
        %get3A_1248 = vector.shape_cast %get3A_1247 : vector<1x16xf32> to vector<16xf32>
        %eq3A_1249 = arith.constant 29 : i32
        %eq3A_1250 = vector.broadcast %eq3A_1249 : i32 to vector<16xi32>
        %eq3A_1251 = arith.cmpi eq, %select_n3A_721, %eq3A_1250 : vector<16xi32>
        %jit3A_1252 = arith.constant 0.000000e+00 : f32
        %broadcast_in_dim3A_1253 = vector.broadcast %jit3A_1252 : f32 to vector<16xf32>
        %select_n3A_1254 = arith.select %eq3A_1251, %max3A_700, %broadcast_in_dim3A_1253 : vector<16xi1>, vector<16xf32>
        %add3A_1255 = arith.addf %get3A_1248, %select_n3A_1254 : vector<16xf32>
        %swap3A_1256 = arith.constant 29 : i32
        %swap3A_1257 = arith.index_cast %swap3A_1256 : i32 to index
        %swap3A_1258 = arith.index_cast %mul3A_52 : i32 to index
        %swap3A_1259 = tpu.vector_load %arg4[%swap3A_1257, %swap3A_1258] {strides = array<i32>} : memref<36x128xf32, #tpu.memory_space<vmem>>, vector<1x16xf32>,
        %swap3A_1260 = vector.shape_cast %swap3A_1259 : vector<1x16xf32> to vector<16xf32>
        %swap3A_1261 = vector.shape_cast %add3A_1255 : vector<16xf32> to vector<1x16xf32>
        tpu.vector_store %arg4[%swap3A_1257, %swap3A_1258], %swap3A_1261 {strides = array<i32>} : memref<36x128xf32, #tpu.memory_space<vmem>>, vector<1x16xf32>,
        %get3A_1262 = arith.constant 30 : i32
        %get3A_1263 = arith.index_cast %get3A_1262 : i32 to index
        %get3A_1264 = arith.index_cast %mul3A_52 : i32 to index
        %get3A_1265 = tpu.vector_load %arg4[%get3A_1263, %get3A_1264] {strides = array<i32>} : memref<36x128xf32, #tpu.memory_space<vmem>>, vector<1x16xf32>,
        %get3A_1266 = vector.shape_cast %get3A_1265 : vector<1x16xf32> to vector<16xf32>
        %eq3A_1267 = arith.constant 30 : i32
        %eq3A_1268 = vector.broadcast %eq3A_1267 : i32 to vector<16xi32>
        %eq3A_1269 = arith.cmpi eq, %select_n3A_721, %eq3A_1268 : vector<16xi32>
        %jit3A_1270 = arith.constant 0.000000e+00 : f32
        %broadcast_in_dim3A_1271 = vector.broadcast %jit3A_1270 : f32 to vector<16xf32>
        %select_n3A_1272 = arith.select %eq3A_1269, %max3A_700, %broadcast_in_dim3A_1271 : vector<16xi1>, vector<16xf32>
        %add3A_1273 = arith.addf %get3A_1266, %select_n3A_1272 : vector<16xf32>
        %swap3A_1274 = arith.constant 30 : i32
        %swap3A_1275 = arith.index_cast %swap3A_1274 : i32 to index
        %swap3A_1276 = arith.index_cast %mul3A_52 : i32 to index
        %swap3A_1277 = tpu.vector_load %arg4[%swap3A_1275, %swap3A_1276] {strides = array<i32>} : memref<36x128xf32, #tpu.memory_space<vmem>>, vector<1x16xf32>,
        %swap3A_1278 = vector.shape_cast %swap3A_1277 : vector<1x16xf32> to vector<16xf32>
        %swap3A_1279 = vector.shape_cast %add3A_1273 : vector<16xf32> to vector<1x16xf32>
        tpu.vector_store %arg4[%swap3A_1275, %swap3A_1276], %swap3A_1279 {strides = array<i32>} : memref<36x128xf32, #tpu.memory_space<vmem>>, vector<1x16xf32>,
        %get3A_1280 = arith.constant 31 : i32
        %get3A_1281 = arith.index_cast %get3A_1280 : i32 to index
        %get3A_1282 = arith.index_cast %mul3A_52 : i32 to index
        %get3A_1283 = tpu.vector_load %arg4[%get3A_1281, %get3A_1282] {strides = array<i32>} : memref<36x128xf32, #tpu.memory_space<vmem>>, vector<1x16xf32>,
        %get3A_1284 = vector.shape_cast %get3A_1283 : vector<1x16xf32> to vector<16xf32>
        %eq3A_1285 = arith.constant 31 : i32
        %eq3A_1286 = vector.broadcast %eq3A_1285 : i32 to vector<16xi32>
        %eq3A_1287 = arith.cmpi eq, %select_n3A_721, %eq3A_1286 : vector<16xi32>
        %jit3A_1288 = arith.constant 0.000000e+00 : f32
        %broadcast_in_dim3A_1289 = vector.broadcast %jit3A_1288 : f32 to vector<16xf32>
        %select_n3A_1290 = arith.select %eq3A_1287, %max3A_700, %broadcast_in_dim3A_1289 : vector<16xi1>, vector<16xf32>
        %add3A_1291 = arith.addf %get3A_1284, %select_n3A_1290 : vector<16xf32>
        %swap3A_1292 = arith.constant 31 : i32
        %swap3A_1293 = arith.index_cast %swap3A_1292 : i32 to index
        %swap3A_1294 = arith.index_cast %mul3A_52 : i32 to index
        %swap3A_1295 = tpu.vector_load %arg4[%swap3A_1293, %swap3A_1294] {strides = array<i32>} : memref<36x128xf32, #tpu.memory_space<vmem>>, vector<1x16xf32>,
        %swap3A_1296 = vector.shape_cast %swap3A_1295 : vector<1x16xf32> to vector<16xf32>
        %swap3A_1297 = vector.shape_cast %add3A_1291 : vector<16xf32> to vector<1x16xf32>
        tpu.vector_store %arg4[%swap3A_1293, %swap3A_1294], %swap3A_1297 {strides = array<i32>} : memref<36x128xf32, #tpu.memory_space<vmem>>, vector<1x16xf32>,
        %get3A_1298 = arith.constant 32 : i32
        %get3A_1299 = arith.index_cast %get3A_1298 : i32 to index
        %get3A_1300 = arith.index_cast %mul3A_52 : i32 to index
        %get3A_1301 = tpu.vector_load %arg4[%get3A_1299, %get3A_1300] {strides = array<i32>} : memref<36x128xf32, #tpu.memory_space<vmem>>, vector<1x16xf32>,
        %get3A_1302 = vector.shape_cast %get3A_1301 : vector<1x16xf32> to vector<16xf32>
        %eq3A_1303 = arith.constant 32 : i32
        %eq3A_1304 = vector.broadcast %eq3A_1303 : i32 to vector<16xi32>
        %eq3A_1305 = arith.cmpi eq, %select_n3A_721, %eq3A_1304 : vector<16xi32>
        %jit3A_1306 = arith.constant 0.000000e+00 : f32
        %broadcast_in_dim3A_1307 = vector.broadcast %jit3A_1306 : f32 to vector<16xf32>
        %select_n3A_1308 = arith.select %eq3A_1305, %max3A_700, %broadcast_in_dim3A_1307 : vector<16xi1>, vector<16xf32>
        %add3A_1309 = arith.addf %get3A_1302, %select_n3A_1308 : vector<16xf32>
        %swap3A_1310 = arith.constant 32 : i32
        %swap3A_1311 = arith.index_cast %swap3A_1310 : i32 to index
        %swap3A_1312 = arith.index_cast %mul3A_52 : i32 to index
        %swap3A_1313 = tpu.vector_load %arg4[%swap3A_1311, %swap3A_1312] {strides = array<i32>} : memref<36x128xf32, #tpu.memory_space<vmem>>, vector<1x16xf32>,
        %swap3A_1314 = vector.shape_cast %swap3A_1313 : vector<1x16xf32> to vector<16xf32>
        %swap3A_1315 = vector.shape_cast %add3A_1309 : vector<16xf32> to vector<1x16xf32>
        tpu.vector_store %arg4[%swap3A_1311, %swap3A_1312], %swap3A_1315 {strides = array<i32>} : memref<36x128xf32, #tpu.memory_space<vmem>>, vector<1x16xf32>,
        %get3A_1316 = arith.constant 33 : i32
        %get3A_1317 = arith.index_cast %get3A_1316 : i32 to index
        %get3A_1318 = arith.index_cast %mul3A_52 : i32 to index
        %get3A_1319 = tpu.vector_load %arg4[%get3A_1317, %get3A_1318] {strides = array<i32>} : memref<36x128xf32, #tpu.memory_space<vmem>>, vector<1x16xf32>,
        %get3A_1320 = vector.shape_cast %get3A_1319 : vector<1x16xf32> to vector<16xf32>
        %eq3A_1321 = arith.constant 33 : i32
        %eq3A_1322 = vector.broadcast %eq3A_1321 : i32 to vector<16xi32>
        %eq3A_1323 = arith.cmpi eq, %select_n3A_721, %eq3A_1322 : vector<16xi32>
        %jit3A_1324 = arith.constant 0.000000e+00 : f32
        %broadcast_in_dim3A_1325 = vector.broadcast %jit3A_1324 : f32 to vector<16xf32>
        %select_n3A_1326 = arith.select %eq3A_1323, %max3A_700, %broadcast_in_dim3A_1325 : vector<16xi1>, vector<16xf32>
        %add3A_1327 = arith.addf %get3A_1320, %select_n3A_1326 : vector<16xf32>
        %swap3A_1328 = arith.constant 33 : i32
        %swap3A_1329 = arith.index_cast %swap3A_1328 : i32 to index
        %swap3A_1330 = arith.index_cast %mul3A_52 : i32 to index
        %swap3A_1331 = tpu.vector_load %arg4[%swap3A_1329, %swap3A_1330] {strides = array<i32>} : memref<36x128xf32, #tpu.memory_space<vmem>>, vector<1x16xf32>,
        %swap3A_1332 = vector.shape_cast %swap3A_1331 : vector<1x16xf32> to vector<16xf32>
        %swap3A_1333 = vector.shape_cast %add3A_1327 : vector<16xf32> to vector<1x16xf32>
        tpu.vector_store %arg4[%swap3A_1329, %swap3A_1330], %swap3A_1333 {strides = array<i32>} : memref<36x128xf32, #tpu.memory_space<vmem>>, vector<1x16xf32>,
        %get3A_1334 = arith.constant 34 : i32
        %get3A_1335 = arith.index_cast %get3A_1334 : i32 to index
        %get3A_1336 = arith.index_cast %mul3A_52 : i32 to index
        %get3A_1337 = tpu.vector_load %arg4[%get3A_1335, %get3A_1336] {strides = array<i32>} : memref<36x128xf32, #tpu.memory_space<vmem>>, vector<1x16xf32>,
        %get3A_1338 = vector.shape_cast %get3A_1337 : vector<1x16xf32> to vector<16xf32>
        %eq3A_1339 = arith.constant 34 : i32
        %eq3A_1340 = vector.broadcast %eq3A_1339 : i32 to vector<16xi32>
        %eq3A_1341 = arith.cmpi eq, %select_n3A_721, %eq3A_1340 : vector<16xi32>
        %jit3A_1342 = arith.constant 0.000000e+00 : f32
        %broadcast_in_dim3A_1343 = vector.broadcast %jit3A_1342 : f32 to vector<16xf32>
        %select_n3A_1344 = arith.select %eq3A_1341, %max3A_700, %broadcast_in_dim3A_1343 : vector<16xi1>, vector<16xf32>
        %add3A_1345 = arith.addf %get3A_1338, %select_n3A_1344 : vector<16xf32>
        %swap3A_1346 = arith.constant 34 : i32
        %swap3A_1347 = arith.index_cast %swap3A_1346 : i32 to index
        %swap3A_1348 = arith.index_cast %mul3A_52 : i32 to index
        %swap3A_1349 = tpu.vector_load %arg4[%swap3A_1347, %swap3A_1348] {strides = array<i32>} : memref<36x128xf32, #tpu.memory_space<vmem>>, vector<1x16xf32>,
        %swap3A_1350 = vector.shape_cast %swap3A_1349 : vector<1x16xf32> to vector<16xf32>
        %swap3A_1351 = vector.shape_cast %add3A_1345 : vector<16xf32> to vector<1x16xf32>
        tpu.vector_store %arg4[%swap3A_1347, %swap3A_1348], %swap3A_1351 {strides = array<i32>} : memref<36x128xf32, #tpu.memory_space<vmem>>, vector<1x16xf32>,
        %get3A_1352 = arith.constant 35 : i32
        %get3A_1353 = arith.index_cast %get3A_1352 : i32 to index
        %get3A_1354 = arith.index_cast %mul3A_52 : i32 to index
        %get3A_1355 = tpu.vector_load %arg4[%get3A_1353, %get3A_1354] {strides = array<i32>} : memref<36x128xf32, #tpu.memory_space<vmem>>, vector<1x16xf32>,
        %get3A_1356 = vector.shape_cast %get3A_1355 : vector<1x16xf32> to vector<16xf32>
        %eq3A_1357 = arith.constant 35 : i32
        %eq3A_1358 = vector.broadcast %eq3A_1357 : i32 to vector<16xi32>
        %eq3A_1359 = arith.cmpi eq, %select_n3A_721, %eq3A_1358 : vector<16xi32>
        %jit3A_1360 = arith.constant 0.000000e+00 : f32
        %broadcast_in_dim3A_1361 = vector.broadcast %jit3A_1360 : f32 to vector<16xf32>
        %select_n3A_1362 = arith.select %eq3A_1359, %max3A_700, %broadcast_in_dim3A_1361 : vector<16xi1>, vector<16xf32>
        %add3A_1363 = arith.addf %get3A_1356, %select_n3A_1362 : vector<16xf32>
        %swap3A_1364 = arith.constant 35 : i32
        %swap3A_1365 = arith.index_cast %swap3A_1364 : i32 to index
        %swap3A_1366 = arith.index_cast %mul3A_52 : i32 to index
        %swap3A_1367 = tpu.vector_load %arg4[%swap3A_1365, %swap3A_1366] {strides = array<i32>} : memref<36x128xf32, #tpu.memory_space<vmem>>, vector<1x16xf32>,
        %swap3A_1368 = vector.shape_cast %swap3A_1367 : vector<1x16xf32> to vector<16xf32>
        %swap3A_1369 = vector.shape_cast %add3A_1363 : vector<16xf32> to vector<1x16xf32>
        tpu.vector_store %arg4[%swap3A_1365, %swap3A_1366], %swap3A_1369 {strides = array<i32>} : memref<36x128xf32, #tpu.memory_space<vmem>>, vector<1x16xf32>,
      }
      %scan3A_41 = arith.constant 8 : i32
      %dma_start3A_42 = arith.constant 0 : i32
      %dma_start3A_43 = tpu.memref_slice %arg3[%dma_start3A_42, %mul3A_27] : memref<36x4608xf32, #tpu.memory_space<hbm>> -> memref<36x128xf32, #tpu.memory_space<hbm>>
      %dma_start3A_44 = arith.constant 0 : i32
      %dma_start3A_45 = tpu.memref_slice %arg3[%dma_start3A_44, %mul3A_27] : memref<36x4608xf32, #tpu.memory_space<hbm>> -> memref<36x128xf32, #tpu.memory_space<hbm>>
      tpu.enqueue_dma source(%arg4 : memref<36x128xf32, #tpu.memory_space<vmem>>) target(%dma_start3A_45 : memref<36x128xf32, #tpu.memory_space<hbm>>) target_semaphore(%arg5 : memref<!tpu.dma_semaphore, #tpu.memory_space<semaphore_mem>>)
      %dma_wait3A_46 = arith.constant 0 : i32
      %dma_wait3A_47 = tpu.memref_slice %arg3[%dma_wait3A_46, %mul3A_27] : memref<36x4608xf32, #tpu.memory_space<hbm>> -> memref<36x128xf32, #tpu.memory_space<hbm>>
      %dma_wait3A_48 = arith.constant 0 : i32
      %dma_wait3A_49 = tpu.memref_slice %arg3[%dma_wait3A_48, %mul3A_27] : memref<36x4608xf32, #tpu.memory_space<hbm>> -> memref<36x128xf32, #tpu.memory_space<hbm>>
      tpu.wait_dma2 semaphore(%arg5 : memref<!tpu.dma_semaphore, #tpu.memory_space<semaphore_mem>>) src(%arg4 : memref<36x128xf32, #tpu.memory_space<vmem>>) dst(%dma_wait3A_49 : memref<36x128xf32, #tpu.memory_space<hbm>>)
    } else {
    }
    return
  }
}

module attributes {stable_mosaic.version = 14 : i64} {
  func.func @_tc_body(%arg0: i32, %arg1: memref<144x2048xf32, #tpu.memory_space<vmem>>, %arg2: memref<144x8xf32, #tpu.memory_space<vmem>>, %arg3: memref<144x36xf32, #tpu.memory_space<vmem>>, %arg4: memref<2048x2048xbf16, #tpu.memory_space<vmem>>, %arg5: memref<8x2048xbf16, #tpu.memory_space<vmem>>, %arg6: memref<1x2048xf32, #tpu.memory_space<vmem>>, %arg7: memref<1x2048xf32, #tpu.memory_space<vmem>>, %arg8: memref<1x1xf32, #tpu.memory_space<vmem>>, %arg9: memref<2048x2048xbf16, #tpu.memory_space<vmem>>, %arg10: memref<8x2048xbf16, #tpu.memory_space<vmem>>, %arg11: memref<1x2048xf32, #tpu.memory_space<vmem>>, %arg12: memref<2048x2048xbf16, #tpu.memory_space<vmem>>, %arg13: memref<1x2048xf32, #tpu.memory_space<vmem>>, %arg14: memref<2048x2048xbf16, #tpu.memory_space<vmem>>, %arg15: memref<1x2048xf32, #tpu.memory_space<vmem>>, %arg16: memref<2048x1024xbf16, #tpu.memory_space<vmem>>, %arg17: memref<1x1024xf32, #tpu.memory_space<vmem>>, %arg18: memref<144x1024xf32, #tpu.memory_space<vmem>>) attributes {dimension_semantics = [#tpu.dimension_semantics<arbitrary>], iteration_bounds = array<i64: 32>, scalar_prefetch = 0 : i64, scratch_operands = 0 : i64, tpu.core_type = #tpu.core_type<tc>, window_params = [{transform_indices = @transform_0, window_bounds = array<i64: 144, 2048>}, {transform_indices = @transform_1, window_bounds = array<i64: 144, 8>}, {transform_indices = @transform_2, window_bounds = array<i64: 144, 36>}, {pipeline_mode = #tpu.pipeline_mode<synchronous>, transform_indices = @transform_3, window_bounds = array<i64: 2048, 2048>}, {pipeline_mode = #tpu.pipeline_mode<synchronous>, transform_indices = @transform_4, window_bounds = array<i64: 8, 2048>}, {pipeline_mode = #tpu.pipeline_mode<synchronous>, transform_indices = @transform_5, window_bounds = array<i64: 1, 2048>}, {pipeline_mode = #tpu.pipeline_mode<synchronous>, transform_indices = @transform_6, window_bounds = array<i64: 1, 2048>}, {pipeline_mode = #tpu.pipeline_mode<synchronous>, transform_indices = @transform_7, window_bounds = array<i64: 1, 1>}, {pipeline_mode = #tpu.pipeline_mode<synchronous>, transform_indices = @transform_8, window_bounds = array<i64: 2048, 2048>}, {pipeline_mode = #tpu.pipeline_mode<synchronous>, transform_indices = @transform_9, window_bounds = array<i64: 8, 2048>}, {pipeline_mode = #tpu.pipeline_mode<synchronous>, transform_indices = @transform_10, window_bounds = array<i64: 1, 2048>}, {pipeline_mode = #tpu.pipeline_mode<synchronous>, transform_indices = @transform_11, window_bounds = array<i64: 2048, 2048>}, {pipeline_mode = #tpu.pipeline_mode<synchronous>, transform_indices = @transform_12, window_bounds = array<i64: 1, 2048>}, {pipeline_mode = #tpu.pipeline_mode<synchronous>, transform_indices = @transform_13, window_bounds = array<i64: 2048, 2048>}, {pipeline_mode = #tpu.pipeline_mode<synchronous>, transform_indices = @transform_14, window_bounds = array<i64: 1, 2048>}, {pipeline_mode = #tpu.pipeline_mode<synchronous>, transform_indices = @transform_15, window_bounds = array<i64: 2048, 1024>}, {pipeline_mode = #tpu.pipeline_mode<synchronous>, transform_indices = @transform_16, window_bounds = array<i64: 1, 1024>}, {transform_indices = @transform_17, window_bounds = array<i64: 144, 1024>}]} {
    %get3A = arith.constant 0 : index
    %get3A_0 = arith.constant 0 : index
    %get3A_1 = vector.load %arg1[%get3A, %get3A_0] : memref<144x2048xf32, #tpu.memory_space<vmem>>, vector<144x2048xf32>
    %convert_element_type3A = arith.truncf %get3A_1 : vector<144x2048xf32> to vector<144x2048xbf16>
    %get3A_2 = arith.constant 0 : index
    %get3A_3 = arith.constant 0 : index
    %get3A_4 = vector.load %arg2[%get3A_2, %get3A_3] : memref<144x8xf32, #tpu.memory_space<vmem>>, vector<144x8xf32>
    %convert_element_type3A_5 = arith.truncf %get3A_4 : vector<144x8xf32> to vector<144x8xbf16>
    %get3A_6 = arith.constant 0 : index
    %get3A_7 = arith.constant 0 : index
    %get3A_8 = vector.load %arg4[%get3A_6, %get3A_7] : memref<2048x2048xbf16, #tpu.memory_space<vmem>>, vector<2048x2048xbf16>
    %dot_general3A = arith.constant dense<0.000000e+00> : vector<144x2048xf32>
    %dot_general3A_9 = tpu.matmul %convert_element_type3A, %get3A_8, %dot_general3A {dimension_numbers = #tpu.dot_dimension_numbers<[1], [0], [0], [1], [0, 0, 1, 1], [], []>, transpose_lhs_hint = false} : vector<144x2048xbf16>, vector<2048x2048xbf16>, vector<144x2048xf32> -> vector<144x2048xf32>
    %get3A_10 = arith.constant 0 : index
    %get3A_11 = arith.constant 0 : index
    %get3A_12 = vector.load %arg5[%get3A_10, %get3A_11] : memref<8x2048xbf16, #tpu.memory_space<vmem>>, vector<8x2048xbf16>
    %dot_general3A_13 = arith.constant dense<0.000000e+00> : vector<144x2048xf32>
    %dot_general3A_14 = tpu.matmul %convert_element_type3A_5, %get3A_12, %dot_general3A_13 {dimension_numbers = #tpu.dot_dimension_numbers<[1], [0], [0], [1], [0, 0, 1, 1], [], []>, transpose_lhs_hint = false} : vector<144x8xbf16>, vector<8x2048xbf16>, vector<144x2048xf32> -> vector<144x2048xf32>
    %add3A = arith.addf %dot_general3A_9, %dot_general3A_14 : vector<144x2048xf32>
    %get3A_15 = arith.constant 0 : index
    %get3A_16 = arith.constant 0 : index
    %get3A_17 = vector.load %arg6[%get3A_15, %get3A_16] : memref<1x2048xf32, #tpu.memory_space<vmem>>, vector<1x2048xf32>
    %add3A_18 = vector.broadcast %get3A_17 : vector<1x2048xf32> to vector<144x2048xf32>
    %add3A_19 = arith.addf %add3A, %add3A_18 : vector<144x2048xf32>
    %max3A = arith.constant 0.000000e+00 : f32
    %max3A_20 = vector.broadcast %max3A : f32 to vector<144x2048xf32>
    %max3A_21 = arith.maximumf %add3A_19, %max3A_20 : vector<144x2048xf32>
    %get3A_22 = arith.constant 0 : index
    %get3A_23 = arith.constant 0 : index
    %get3A_24 = vector.load %arg7[%get3A_22, %get3A_23] : memref<1x2048xf32, #tpu.memory_space<vmem>>, vector<1x2048xf32>
    %mul3A = vector.broadcast %get3A_24 : vector<1x2048xf32> to vector<144x2048xf32>
    %mul3A_25 = arith.mulf %max3A_21, %mul3A : vector<144x2048xf32>
    %reduce_sum3A = arith.constant dense<0.000000e+00> : vector<144xf32>
    %reduce_sum3A_26 = vector.multi_reduction <add>, %mul3A_25, %reduce_sum3A [1] : vector<144x2048xf32> to vector<144xf32>
    %broadcast_in_dim3A = vector.shape_cast %reduce_sum3A_26 : vector<144xf32> to vector<144x1xf32>
    %get3A_27 = arith.constant 0 : index
    %get3A_28 = arith.constant 0 : index
    %get3A_29 = vector.load %arg8[%get3A_27, %get3A_28] : memref<1x1xf32, #tpu.memory_space<vmem>>, vector<1x1xf32>
    %add3A_30 = vector.broadcast %get3A_29 : vector<1x1xf32> to vector<144x1xf32>
    %add3A_31 = arith.addf %broadcast_in_dim3A, %add3A_30 : vector<144x1xf32>
    %logistic3A = arith.negf %add3A_31 : vector<144x1xf32>
    %logistic3A_32 = math.exp %logistic3A : vector<144x1xf32>
    %logistic3A_33 = arith.constant 1.000000e+00 : f32
    %logistic3A_34 = vector.broadcast %logistic3A_33 : f32 to vector<144x1xf32>
    %logistic3A_35 = arith.addf %logistic3A_34, %logistic3A_32 : vector<144x1xf32>
    %logistic3A_36 = arith.divf %logistic3A_34, %logistic3A_35 : vector<144x1xf32>
    %get3A_37 = arith.constant 0 : index
    %get3A_38 = arith.constant 0 : index
    %get3A_39 = vector.load %arg9[%get3A_37, %get3A_38] : memref<2048x2048xbf16, #tpu.memory_space<vmem>>, vector<2048x2048xbf16>
    %dot_general3A_40 = arith.constant dense<0.000000e+00> : vector<144x2048xf32>
    %dot_general3A_41 = tpu.matmul %convert_element_type3A, %get3A_39, %dot_general3A_40 {dimension_numbers = #tpu.dot_dimension_numbers<[1], [0], [0], [1], [0, 0, 1, 1], [], []>, transpose_lhs_hint = false} : vector<144x2048xbf16>, vector<2048x2048xbf16>, vector<144x2048xf32> -> vector<144x2048xf32>
    %get3A_42 = arith.constant 0 : index
    %get3A_43 = arith.constant 0 : index
    %get3A_44 = vector.load %arg10[%get3A_42, %get3A_43] : memref<8x2048xbf16, #tpu.memory_space<vmem>>, vector<8x2048xbf16>
    %dot_general3A_45 = arith.constant dense<0.000000e+00> : vector<144x2048xf32>
    %dot_general3A_46 = tpu.matmul %convert_element_type3A_5, %get3A_44, %dot_general3A_45 {dimension_numbers = #tpu.dot_dimension_numbers<[1], [0], [0], [1], [0, 0, 1, 1], [], []>, transpose_lhs_hint = false} : vector<144x8xbf16>, vector<8x2048xbf16>, vector<144x2048xf32> -> vector<144x2048xf32>
    %add3A_47 = arith.addf %dot_general3A_41, %dot_general3A_46 : vector<144x2048xf32>
    %get3A_48 = arith.constant 0 : index
    %get3A_49 = arith.constant 0 : index
    %get3A_50 = vector.load %arg11[%get3A_48, %get3A_49] : memref<1x2048xf32, #tpu.memory_space<vmem>>, vector<1x2048xf32>
    %add3A_51 = vector.broadcast %get3A_50 : vector<1x2048xf32> to vector<144x2048xf32>
    %add3A_52 = arith.addf %add3A_47, %add3A_51 : vector<144x2048xf32>
    %max3A_53 = arith.constant 0.000000e+00 : f32
    %max3A_54 = vector.broadcast %max3A_53 : f32 to vector<144x2048xf32>
    %max3A_55 = arith.maximumf %add3A_52, %max3A_54 : vector<144x2048xf32>
    %convert_element_type3A_56 = arith.truncf %max3A_55 : vector<144x2048xf32> to vector<144x2048xbf16>
    %get3A_57 = arith.constant 0 : index
    %get3A_58 = arith.constant 0 : index
    %get3A_59 = vector.load %arg12[%get3A_57, %get3A_58] : memref<2048x2048xbf16, #tpu.memory_space<vmem>>, vector<2048x2048xbf16>
    %dot_general3A_60 = arith.constant dense<0.000000e+00> : vector<144x2048xf32>
    %dot_general3A_61 = tpu.matmul %convert_element_type3A_56, %get3A_59, %dot_general3A_60 {dimension_numbers = #tpu.dot_dimension_numbers<[1], [0], [0], [1], [0, 0, 1, 1], [], []>, transpose_lhs_hint = false} : vector<144x2048xbf16>, vector<2048x2048xbf16>, vector<144x2048xf32> -> vector<144x2048xf32>
    %get3A_62 = arith.constant 0 : index
    %get3A_63 = arith.constant 0 : index
    %get3A_64 = vector.load %arg13[%get3A_62, %get3A_63] : memref<1x2048xf32, #tpu.memory_space<vmem>>, vector<1x2048xf32>
    %add3A_65 = vector.broadcast %get3A_64 : vector<1x2048xf32> to vector<144x2048xf32>
    %add3A_66 = arith.addf %dot_general3A_61, %add3A_65 : vector<144x2048xf32>
    %mul3A_67 = vector.broadcast %logistic3A_36 : vector<144x1xf32> to vector<144x2048xf32>
    %mul3A_68 = arith.mulf %mul3A_67, %add3A_66 : vector<144x2048xf32>
    %get3A_69 = arith.constant 0 : index
    %get3A_70 = arith.constant 0 : index
    %get3A_71 = vector.load %arg3[%get3A_69, %get3A_70] : memref<144x36xf32, #tpu.memory_space<vmem>>, vector<144x36xf32>
    %slice3A = vector.extract_strided_slice %get3A_71 {offsets = [0, 0], sizes = [36, 36], strides = [1, 1]} : vector<144x36xf32> to vector<36x36xf32>
    %slice3A_72 = vector.extract_strided_slice %mul3A_68 {offsets = [0, 0], sizes = [36, 2048], strides = [1, 1]} : vector<144x2048xf32> to vector<36x2048xf32>
    %dot_general3A_73 = arith.constant dense<0.000000e+00> : vector<36x2048xf32>
    %dot_general3A_74 = tpu.matmul %slice3A, %slice3A_72, %dot_general3A_73 {dimension_numbers = #tpu.dot_dimension_numbers<[1], [0], [0], [1], [0, 0, 1, 1], [], []>, transpose_lhs_hint = false} : vector<36x36xf32>, vector<36x2048xf32>, vector<36x2048xf32> -> vector<36x2048xf32>
    %slice3A_75 = vector.extract_strided_slice %get3A_71 {offsets = [36, 0], sizes = [36, 36], strides = [1, 1]} : vector<144x36xf32> to vector<36x36xf32>
    %slice3A_76 = vector.extract_strided_slice %mul3A_68 {offsets = [36, 0], sizes = [36, 2048], strides = [1, 1]} : vector<144x2048xf32> to vector<36x2048xf32>
    %dot_general3A_77 = arith.constant dense<0.000000e+00> : vector<36x2048xf32>
    %dot_general3A_78 = tpu.matmul %slice3A_75, %slice3A_76, %dot_general3A_77 {dimension_numbers = #tpu.dot_dimension_numbers<[1], [0], [0], [1], [0, 0, 1, 1], [], []>, transpose_lhs_hint = false} : vector<36x36xf32>, vector<36x2048xf32>, vector<36x2048xf32> -> vector<36x2048xf32>
    %slice3A_79 = vector.extract_strided_slice %get3A_71 {offsets = [72, 0], sizes = [36, 36], strides = [1, 1]} : vector<144x36xf32> to vector<36x36xf32>
    %slice3A_80 = vector.extract_strided_slice %mul3A_68 {offsets = [72, 0], sizes = [36, 2048], strides = [1, 1]} : vector<144x2048xf32> to vector<36x2048xf32>
    %dot_general3A_81 = arith.constant dense<0.000000e+00> : vector<36x2048xf32>
    %dot_general3A_82 = tpu.matmul %slice3A_79, %slice3A_80, %dot_general3A_81 {dimension_numbers = #tpu.dot_dimension_numbers<[1], [0], [0], [1], [0, 0, 1, 1], [], []>, transpose_lhs_hint = false} : vector<36x36xf32>, vector<36x2048xf32>, vector<36x2048xf32> -> vector<36x2048xf32>
    %slice3A_83 = vector.extract_strided_slice %get3A_71 {offsets = [108, 0], sizes = [36, 36], strides = [1, 1]} : vector<144x36xf32> to vector<36x36xf32>
    %slice3A_84 = vector.extract_strided_slice %mul3A_68 {offsets = [108, 0], sizes = [36, 2048], strides = [1, 1]} : vector<144x2048xf32> to vector<36x2048xf32>
    %dot_general3A_85 = arith.constant dense<0.000000e+00> : vector<36x2048xf32>
    %dot_general3A_86 = tpu.matmul %slice3A_83, %slice3A_84, %dot_general3A_85 {dimension_numbers = #tpu.dot_dimension_numbers<[1], [0], [0], [1], [0, 0, 1, 1], [], []>, transpose_lhs_hint = false} : vector<36x36xf32>, vector<36x2048xf32>, vector<36x2048xf32> -> vector<36x2048xf32>
    %concatenate3A = tpu.concatenate %dot_general3A_74, %dot_general3A_78, %dot_general3A_82, %dot_general3A_86 in 0 : vector<36x2048xf32>, vector<36x2048xf32>, vector<36x2048xf32>, vector<36x2048xf32> -> vector<144x2048xf32>
    %mul3A_87 = arith.mulf %concatenate3A, %concatenate3A : vector<144x2048xf32>
    %reduce_sum3A_88 = arith.constant dense<0.000000e+00> : vector<144xf32>
    %reduce_sum3A_89 = vector.multi_reduction <add>, %mul3A_87, %reduce_sum3A_88 [1] : vector<144x2048xf32> to vector<144xf32>
    %broadcast_in_dim3A_90 = vector.shape_cast %reduce_sum3A_89 : vector<144xf32> to vector<144x1xf32>
    %sqrt3A = math.sqrt %broadcast_in_dim3A_90 : vector<144x1xf32>
    %add3A_91 = arith.constant 9.99999993E-9 : f32
    %add3A_92 = vector.broadcast %add3A_91 : f32 to vector<144x1xf32>
    %add3A_93 = arith.addf %sqrt3A, %add3A_92 : vector<144x1xf32>
    %div3A = vector.broadcast %add3A_93 : vector<144x1xf32> to vector<144x2048xf32>
    %div3A_94 = arith.divf %concatenate3A, %div3A : vector<144x2048xf32>
    %add3A_95 = arith.addf %get3A_1, %div3A_94 : vector<144x2048xf32>
    %convert_element_type3A_96 = arith.truncf %add3A_95 : vector<144x2048xf32> to vector<144x2048xbf16>
    %get3A_97 = arith.constant 0 : index
    %get3A_98 = arith.constant 0 : index
    %get3A_99 = vector.load %arg14[%get3A_97, %get3A_98] : memref<2048x2048xbf16, #tpu.memory_space<vmem>>, vector<2048x2048xbf16>
    %dot_general3A_100 = arith.constant dense<0.000000e+00> : vector<144x2048xf32>
    %dot_general3A_101 = tpu.matmul %convert_element_type3A_96, %get3A_99, %dot_general3A_100 {dimension_numbers = #tpu.dot_dimension_numbers<[1], [0], [0], [1], [0, 0, 1, 1], [], []>, transpose_lhs_hint = false} : vector<144x2048xbf16>, vector<2048x2048xbf16>, vector<144x2048xf32> -> vector<144x2048xf32>
    %get3A_102 = arith.constant 0 : index
    %get3A_103 = arith.constant 0 : index
    %get3A_104 = vector.load %arg15[%get3A_102, %get3A_103] : memref<1x2048xf32, #tpu.memory_space<vmem>>, vector<1x2048xf32>
    %add3A_105 = vector.broadcast %get3A_104 : vector<1x2048xf32> to vector<144x2048xf32>
    %add3A_106 = arith.addf %dot_general3A_101, %add3A_105 : vector<144x2048xf32>
    %max3A_107 = arith.constant 0.000000e+00 : f32
    %max3A_108 = vector.broadcast %max3A_107 : f32 to vector<144x2048xf32>
    %max3A_109 = arith.maximumf %add3A_106, %max3A_108 : vector<144x2048xf32>
    %convert_element_type3A_110 = arith.truncf %max3A_109 : vector<144x2048xf32> to vector<144x2048xbf16>
    %get3A_111 = arith.constant 0 : index
    %get3A_112 = arith.constant 0 : index
    %get3A_113 = vector.load %arg16[%get3A_111, %get3A_112] : memref<2048x1024xbf16, #tpu.memory_space<vmem>>, vector<2048x1024xbf16>
    %dot_general3A_114 = arith.constant dense<0.000000e+00> : vector<144x1024xf32>
    %dot_general3A_115 = tpu.matmul %convert_element_type3A_110, %get3A_113, %dot_general3A_114 {dimension_numbers = #tpu.dot_dimension_numbers<[1], [0], [0], [1], [0, 0, 1, 1], [], []>, transpose_lhs_hint = false} : vector<144x2048xbf16>, vector<2048x1024xbf16>, vector<144x1024xf32> -> vector<144x1024xf32>
    %get3A_116 = arith.constant 0 : index
    %get3A_117 = arith.constant 0 : index
    %get3A_118 = vector.load %arg17[%get3A_116, %get3A_117] : memref<1x1024xf32, #tpu.memory_space<vmem>>, vector<1x1024xf32>
    %add3A_119 = vector.broadcast %get3A_118 : vector<1x1024xf32> to vector<144x1024xf32>
    %add3A_120 = arith.addf %dot_general3A_115, %add3A_119 : vector<144x1024xf32>
    %mul3A_121 = arith.mulf %add3A_120, %add3A_120 : vector<144x1024xf32>
    %reduce_sum3A_122 = arith.constant dense<0.000000e+00> : vector<144xf32>
    %reduce_sum3A_123 = vector.multi_reduction <add>, %mul3A_121, %reduce_sum3A_122 [1] : vector<144x1024xf32> to vector<144xf32>
    %broadcast_in_dim3A_124 = vector.shape_cast %reduce_sum3A_123 : vector<144xf32> to vector<144x1xf32>
    %sqrt3A_125 = math.sqrt %broadcast_in_dim3A_124 : vector<144x1xf32>
    %add3A_126 = arith.constant 9.99999993E-9 : f32
    %add3A_127 = vector.broadcast %add3A_126 : f32 to vector<144x1xf32>
    %add3A_128 = arith.addf %sqrt3A_125, %add3A_127 : vector<144x1xf32>
    %div3A_129 = vector.broadcast %add3A_128 : vector<144x1xf32> to vector<144x1024xf32>
    %div3A_130 = arith.divf %add3A_120, %div3A_129 : vector<144x1024xf32>
    %swap3A = arith.constant 0 : index
    %swap3A_131 = arith.constant 0 : index
    %swap3A_132 = vector.load %arg18[%swap3A, %swap3A_131] : memref<144x1024xf32, #tpu.memory_space<vmem>>, vector<144x1024xf32>
    tpu.vector_store %arg18[%swap3A, %swap3A_131], %div3A_130 {strides = array<i32>} : memref<144x1024xf32, #tpu.memory_space<vmem>>, vector<144x1024xf32>,
    return
  }
  func.func @transform_0(%arg0: i32) -> (i32, i32) {
    %c0_i32 = arith.constant 0 : i32
    %c0_i32_0 = arith.constant 0 : i32
    return %arg0, %c0_i32 : i32, i32
  }
  func.func @transform_1(%arg0: i32) -> (i32, i32) {
    %c0_i32 = arith.constant 0 : i32
    %c0_i32_0 = arith.constant 0 : i32
    return %arg0, %c0_i32 : i32, i32
  }
  func.func @transform_2(%arg0: i32) -> (i32, i32) {
    %c0_i32 = arith.constant 0 : i32
    %c0_i32_0 = arith.constant 0 : i32
    return %arg0, %c0_i32 : i32, i32
  }
  func.func @transform_3(%arg0: i32) -> (i32, i32) {
    %c0_i32 = arith.constant 0 : i32
    %c0_i32_0 = arith.constant 0 : i32
    %c0_i32_1 = arith.constant 0 : i32
    return %c0_i32, %c0_i32_0 : i32, i32
  }
  func.func @transform_4(%arg0: i32) -> (i32, i32) {
    %c0_i32 = arith.constant 0 : i32
    %c0_i32_0 = arith.constant 0 : i32
    %c0_i32_1 = arith.constant 0 : i32
    return %c0_i32, %c0_i32_0 : i32, i32
  }
  func.func @transform_5(%arg0: i32) -> (i32, i32) {
    %c0_i32 = arith.constant 0 : i32
    %c0_i32_0 = arith.constant 0 : i32
    %c0_i32_1 = arith.constant 0 : i32
    return %c0_i32, %c0_i32_0 : i32, i32
  }
  func.func @transform_6(%arg0: i32) -> (i32, i32) {
    %c0_i32 = arith.constant 0 : i32
    %c0_i32_0 = arith.constant 0 : i32
    %c0_i32_1 = arith.constant 0 : i32
    return %c0_i32, %c0_i32_0 : i32, i32
  }
  func.func @transform_7(%arg0: i32) -> (i32, i32) {
    %c0_i32 = arith.constant 0 : i32
    %c0_i32_0 = arith.constant 0 : i32
    %c0_i32_1 = arith.constant 0 : i32
    return %c0_i32, %c0_i32_0 : i32, i32
  }
  func.func @transform_8(%arg0: i32) -> (i32, i32) {
    %c0_i32 = arith.constant 0 : i32
    %c0_i32_0 = arith.constant 0 : i32
    %c0_i32_1 = arith.constant 0 : i32
    return %c0_i32, %c0_i32_0 : i32, i32
  }
  func.func @transform_9(%arg0: i32) -> (i32, i32) {
    %c0_i32 = arith.constant 0 : i32
    %c0_i32_0 = arith.constant 0 : i32
    %c0_i32_1 = arith.constant 0 : i32
    return %c0_i32, %c0_i32_0 : i32, i32
  }
  func.func @transform_10(%arg0: i32) -> (i32, i32) {
    %c0_i32 = arith.constant 0 : i32
    %c0_i32_0 = arith.constant 0 : i32
    %c0_i32_1 = arith.constant 0 : i32
    return %c0_i32, %c0_i32_0 : i32, i32
  }
  func.func @transform_11(%arg0: i32) -> (i32, i32) {
    %c0_i32 = arith.constant 0 : i32
    %c0_i32_0 = arith.constant 0 : i32
    %c0_i32_1 = arith.constant 0 : i32
    return %c0_i32, %c0_i32_0 : i32, i32
  }
  func.func @transform_12(%arg0: i32) -> (i32, i32) {
    %c0_i32 = arith.constant 0 : i32
    %c0_i32_0 = arith.constant 0 : i32
    %c0_i32_1 = arith.constant 0 : i32
    return %c0_i32, %c0_i32_0 : i32, i32
  }
  func.func @transform_13(%arg0: i32) -> (i32, i32) {
    %c0_i32 = arith.constant 0 : i32
    %c0_i32_0 = arith.constant 0 : i32
    %c0_i32_1 = arith.constant 0 : i32
    return %c0_i32, %c0_i32_0 : i32, i32
  }
  func.func @transform_14(%arg0: i32) -> (i32, i32) {
    %c0_i32 = arith.constant 0 : i32
    %c0_i32_0 = arith.constant 0 : i32
    %c0_i32_1 = arith.constant 0 : i32
    return %c0_i32, %c0_i32_0 : i32, i32
  }
  func.func @transform_15(%arg0: i32) -> (i32, i32) {
    %c0_i32 = arith.constant 0 : i32
    %c0_i32_0 = arith.constant 0 : i32
    %c0_i32_1 = arith.constant 0 : i32
    return %c0_i32, %c0_i32_0 : i32, i32
  }
  func.func @transform_16(%arg0: i32) -> (i32, i32) {
    %c0_i32 = arith.constant 0 : i32
    %c0_i32_0 = arith.constant 0 : i32
    %c0_i32_1 = arith.constant 0 : i32
    return %c0_i32, %c0_i32_0 : i32, i32
  }
  func.func @transform_17(%arg0: i32) -> (i32, i32) {
    %c0_i32 = arith.constant 0 : i32
    %c0_i32_0 = arith.constant 0 : i32
    return %arg0, %c0_i32 : i32, i32
  }
}

</mosaic_0001>

<sc_bundles>
// kernel: kernel.4.cloned.1.call-start
scs
__scs_entry_jumppad:
0x0: {  	(pc) =	sbr.rel $0x88, $3  }
0x1: {  	(tag) =	ssettag $0x0;
	lr =	simm.s32 $0x1  }
0x2: {  	[smem:$0x3F92] =	sst lr;
	_ =	strace $0xD0000000  }
0x3: {  	_ = 	snop  }
0x4: {  	_ = 	snop  }
0x5: {  	_ = 	snop  }
0x6: {  	_ = 	snop  }
0x7: {  	_ = 	snop  }
__scs_overlays_trampoline_lowered:
0x8: {  	[smem:$0x3FA1] =	sst s0  }
0x9: {  	[smem:$0x3FA2] =	sst s1  }
0xa: {  	[smem:$0x3FA3] =	sst s2  }
0xb: {  	[smem:$0x3FA4] =	sst s3  }
0xc: {  	[smem:$0x3FA5] =	sst s4  }
0xd: {  	[smem:$0x3FA6] =	sst s5  }
0xe: {  	[smem:$0x3FA7] =	sst s6  }
0xf: {  	[smem:$0x3FA8] =	sst s7  }
0x10: {  	[smem:$0x3FA9] =	sst s8  }
0x11: {  	[smem:$0x3FAA] =	sst s9;
	s0 =	simm.s32 @!p0 $0x0  }
0x12: {  	s1 =	sld [smem:$0x3F90];
	s0 =	simm.s32 @p0 $0x1  }
0x13: {  	[smem:$0x3FAB] =	sst s0;
	s0 =	simm.s32 @!p1 $0x0  }
0x14: {  	s2 =	sld [smem:$0x3F8F];
	s0 =	simm.s32 @p1 $0x1  }
0x15: {  	[smem:$0x3FAC] =	sst s0;
	s0 =	simm.s32 @!p2 $0x0  }
0x16: {  	s3 =	sld [smem:$0x3FDB];
	s0 =	simm.s32 @p2 $0x1  }
0x17: {  	s4 =	simm.s32 $0x1BF5;
	[smem:$0x3FAE] =	sst s0  }
0x18: {  	s0 =	sld [smem:$0x3F91];
	_ =	swait.ge [sflag:s4], $0x0  }
0x19: {  	s7 =	sld [smem:$0x3F92]  }
0x1a: {  	s8 =	sadd.s32 $0xFFFFE003, lr  }
0x1b: {  	s9 =	sadd.s32 $0xFFFFFEF7, lr;
	s5 =	simm.s32 $0xFFFFFFFF;
	p2 =	slt.u32 s8, $0xFFFFF086  }
0x1c: {  	p1 =	slt.u32 s9, $0xF7A;
	s5 =	simm.s32 @!p2 $0x0  }
0x1d: {  	s5 =	simm.s32 @p1 $0x1;
	p0 =	seq.s32 s7, s2  }
0x1e: {  	s7 =	smul.u32 @!p0 $0xF7A, s2;
	p2 =	seq.s32 @!p0 s5, $0x0  }
0x1f: {  	s9 =	smul.u32 $0xF7A, s1;
	s8 =	simm.s32 @!p0 $0x1BF5;
	p2 =	por !p2, p0  }
0x20: {  	[sflag:s8] =	ssyncset.s32 @!p0 $0xFFFFF086;
	s6 =	sadd.s32 @!p0 s3, s7;
	s7 =	simm.s32 @!p0 $0x108  }
0x21: {  	s3 =	sadd.s32 s3, s9;
	s6 =	sadd.s32 @!p0 $0x88, s6;
	s7 =	simm.s32 @p2 $0x1082  }
0x22: {  	[simem:s7], [sflag:s8] =	dma.local @!p0 [hbm:s6], $0xF7A  }
0x23: {  	s9 =	sor.u32 $0xD0000000, s2;
	s6 =	simm.s32 $0x108;
	_ =	swait.ge @!p0 [sflag:s8], $0x0  }
0x24: {  	s3 =	sadd.s32 $0x88, s3;
	s6 =	simm.s32 @!p1 $0x1082;
	[sflag:s4] =	ssyncset.s32 $0xFFFFF086  }
0x25: {  	[simem:s6], [sflag:s4] =	dma.local [hbm:s3], $0xF7A  }
0x26: {  	[smem:$0x3F92] =	sst s1;
	(tag) =	ssettag s2;
	_ =	strace s9  }
0x27: {  	s1 =	sld [smem:$0x3FA2]  }
0x28: {  	s2 =	sld [smem:$0x3FA3]  }
0x29: {  	s4 =	sld [smem:$0x3FA5]  }
0x2a: {  	p0 =	seq.s32 s5, $0x0;
	s5 =	sld [smem:$0x3FA6]  }
0x2b: {  	s6 =	sld [smem:$0x3FA7]  }
0x2c: {  	s7 =	sld [smem:$0x3FA8]  }
0x2d: {  	s3 =	simm.s32 $0x108;
	s8 =	sld [smem:$0x3FA9]  }
0x2e: {  	s3 =	simm.s32 @!p0 $0x1082;
	s9 =	sld [smem:$0x3FAA]  }
0x2f: {  	lr =	sadd.s32 s0, s3;
	s0 =	sld [smem:$0x3FA1]  }
0x30: {  	s3 =	sld [smem:$0x3FA4]  }
0x31: {  	[smem:$0x3FAD] =	sst s10  }
0x32: {  	s10 =	sld [smem:$0x3FAB];
	_ =	sdelay $0x3  }
0x33: {  	p0 =	seq.s32 s10, $0x1;
	s10 =	sld [smem:$0x3FAD];
	_ =	sdelay $0x3  }
0x34: {  	[smem:$0x3FAD] =	sst s10  }
0x35: {  	s10 =	sld [smem:$0x3FAC];
	_ =	sdelay $0x3  }
0x36: {  	p1 =	seq.s32 s10, $0x1;
	s10 =	sld [smem:$0x3FAD];
	_ =	sdelay $0x3  }
0x37: {  	[smem:$0x3FAD] =	sst s10  }
0x38: {  	s10 =	sld [smem:$0x3FAE]  }
0x39: {  	_ = 	snop;
	(pc) =	sbr.ind lr, $3  }
0x3a: {  	_ = 	snop  }
0x3b: {  	_ = 	snop  }
0x3c: {  	p2 =	seq.s32 s10, $0x1;
	s10 =	sld [smem:$0x3FAD]  }
0x3d: {  	_ =	shalt  }
0x3e: {  	_ =	shalt  }
0x3f: {  	_ =	shalt  }
0x40: {  	_ =	shalt  }
0x41: {  	_ =	shalt  }
0x42: {  	_ =	shalt  }
0x43: {  	_ =	shalt  }
0x44: {  	_ =	shalt  }
0x45: {  	_ =	shalt  }
0x46: {  	_ =	shalt  }
0x47: {  	_ =	shalt  }
0x48: {  	_ =	shalt  }
0x49: {  	_ =	shalt  }
0x4a: {  	_ =	shalt  }
0x4b: {  	_ =	shalt  }
0x4c: {  	_ =	shalt  }
0x4d: {  	_ =	shalt  }
0x4e: {  	_ =	shalt  }
0x4f: {  	_ =	shalt  }
0x50: {  	_ =	shalt  }
0x51: {  	_ =	shalt  }
0x52: {  	_ =	shalt  }
0x53: {  	_ =	shalt  }
0x54: {  	_ =	shalt  }
0x55: {  	_ =	shalt  }
0x56: {  	_ =	shalt  }
0x57: {  	_ =	shalt  }
0x58: {  	_ =	shalt  }
0x59: {  	_ =	shalt  }
0x5a: {  	_ =	shalt  }
0x5b: {  	_ =	shalt  }
0x5c: {  	_ =	shalt  }
0x5d: {  	_ =	shalt  }
0x5e: {  	_ =	shalt  }
0x5f: {  	_ =	shalt  }
0x60: {  	_ =	shalt  }
0x61: {  	_ =	shalt  }
0x62: {  	_ =	shalt  }
0x63: {  	_ =	shalt  }
0x64: {  	_ =	shalt  }
0x65: {  	_ =	shalt  }
0x66: {  	_ =	shalt  }
0x67: {  	_ =	shalt  }
0x68: {  	_ =	shalt  }
0x69: {  	_ =	shalt  }
0x6a: {  	_ =	shalt  }
0x6b: {  	_ =	shalt  }
0x6c: {  	_ =	shalt  }
0x6d: {  	_ =	shalt  }
0x6e: {  	_ =	shalt  }
0x6f: {  	_ =	shalt  }
0x70: {  	_ =	shalt  }
0x71: {  	_ =	shalt  }
0x72: {  	_ =	shalt  }
0x73: {  	_ =	shalt  }
0x74: {  	_ =	shalt  }
0x75: {  	_ =	shalt  }
0x76: {  	_ =	shalt  }
0x77: {  	_ =	shalt  }
0x78: {  	_ =	shalt  }
0x79: {  	_ =	shalt  }
0x7a: {  	_ =	shalt  }
0x7b: {  	_ =	shalt  }
0x7c: {  	_ =	shalt  }
0x7d: {  	_ =	shalt  }
0x7e: {  	_ =	shalt  }
0x7f: {  	_ =	shalt  }
0x80: {  	_ =	shalt  }
0x81: {  	_ =	shalt  }
0x82: {  	_ =	shalt  }
0x83: {  	_ =	shalt  }
0x84: {  	_ =	shalt  }
0x85: {  	_ =	shalt  }
0x86: {  	_ =	shalt  }
0x87: {  	_ =	shalt  }
.Lfunc_end0:
.L_simem_size_0:
called_computation_lowered:
.L_overlay_start_0:
0x88: {  	s2 =	sld [smem:$0x3FD9]  }
0x89: {  	s3 =	sld [smem:$0x3FFE];
	_ =	sdelay $0x1  }
0x8a: {  	s1 =	srdreg.scid  }
0x8b: {  	s0 =	sand.u32 $0x1, s1  }
0x8c: {  	s17 =	sshll.u32 s0, $0xA;
	s2 =	sadd.s32 s3, s2  }
0x8d: {  	s2 =	sadd.s32 s2, s17  }
0x8e: {  	[smem:$0x3FB9] =	sst s2  }
0x8f: {  	_ = 	snop  }
0x90: {  	s2 =	sld [smem:$0x3FD0];
	(tm) =	ssettm $0x1  }
0x91: {  	s18 =	sld [smem:$0x3FFB];
	_ =	sdelay $0x3  }
0x92: {  	_ =	strace s18  }
0x93: {  	s3 =	sld [smem:$0x3FFC];
	_ =	sdelay $0x3  }
0x94: {  	_ =	strace s3  }
0x95: {  	s3 =	sld [smem:$0x3FFD];
	_ =	sdelay $0x3  }
0x96: {  	_ =	strace s3  }
0x97: {  	_ =	strace $0x8FFFFFFF  }
0x98: {  	s19 =	sld [smem:$0x3FDB];
	_ =	sdelay $0x1  }
0x99: {  	s4 =	simm.s32 $_scs_section_size  }
0x9a: {  	s5 =	simm.s32 $_size__tile_overlayer_lowered;
	s6 =	simm.s32 $_tile_overlayer_lowered  }
0x9b: {  	s22 =	simm.s32 $0x1BFF;
	s21 =	sshll.u32 s6, $0x1;
	s3 =	sadd.s32 s4, s19  }
0x9c: {  	s7 =	simm.s32 $0x0;
	s20 =	sshll.u32 s5, $0x1;
	s5 =	sadd.s32 s21, s3  }
0x9d: {  	[timem:s7], [sflag:s22] =	dma.local [hbm:s5], s20  }
0x9e: {  	_ =	swait.ge [sflag:s22], s20  }
0x9f: {  	s4 =	ssub.s32 $0x0, s20;
	[sflag:s22] =	ssyncset.done $0x0  }
0xa0: {  	[sflag:s22] =	ssyncadd.s32 s4;
	_ =	sdelay $0x1  }
0xa1: {  	s23 =	simm.s32 $0x1B8B  }
0xa2: {  	_ =	swait.ge [sflag:s23], $0x1  }
0xa3: {  	[sflag:s23] =	ssyncset.done $0x0  }
0xa4: {  	s25 =	simm.s32 $0x1B8E;
	s24 =	sld [smem:$0x3FFE];
	[sflag:s23] =	ssyncadd.s32 $0xFFFFFFFF  }
0xa5: {  	s26 =	simm.s32 $execute0_lowered;
	[smem:$0x3FD2] =	sst s25  }
0xa6: {  	s5 =	sshll.u32 s26, $0x1;
	_ =	strace $0x80000046;
	[dreg:$0x1] =	wrdreg $0xFFFFFFFF  }
0xa7: {  	s28 =	simm.s32 $_size_execute0_lowered;
	s3 =	sadd.s32 s3, s5;
	[dreg:$0x0] =	wrdreg $0x0  }
0xa8: {  	s5 =	sshll.u32 s28, $0x1;
	[dreg:$0x2] =	wrdreg s3  }
0xa9: {  	[dreg:$0x3] =	wrdreg s5  }
0xaa: {  	[dreg:$0x4] =	wrdreg $0xC0  }
0xab: {  	_ =	task [dreg:s7], $0x5FFFF  }
0xac: {  	[dreg:$0x1] =	wrdreg $0xFFFFFFFF  }
0xad: {  	[dreg:$0x0] =	wrdreg $0x60  }
0xae: {  	[dreg:$0x2] =	wrdreg s2  }
0xaf: {  	[dreg:$0x3] =	wrdreg s24  }
0xb0: {  	[dreg:$0x4] =	wrdreg $0x9  }
0xb1: {  	_ =	task.clear_ibuf [dreg:s7], $0x5FFFF;
	_ =	strace $0x90000046  }
0xb2: {  	s29 =	simm.s32 $0x9;
	_ =	strace $0x80000048  }
0xb3: {  	_ =	swait.ge [sflag:s29], $0x1  }
0xb4: {  	[sflag:s29] =	ssyncadd.s32 $0xFFFFFFFF  }
0xb5: {  	_ =	strace $0x90000048  }
0xb6: {  	_ =	sfence  }
0xb7: {  	s30 =	sld [smem:$0x0];
	_ =	sdelay $0x2  }
0xb8: {  	s31 =	sshll.u32 s1, $0xD;
	s1 =	sshrl.u32 s1, $0x2  }
0xb9: {  	s3 =	sand.u32 $0x4000, s31;
	s1 =	sadd.s32 s1, s30  }
0xba: {  	s0 =	sor.u32 s3, s0;
	s1 =	sshll.u32 s1, $0x11  }
0xbb: {  	s0 =	sor.u32 s1, s0  }
0xbc: {  	s0 =	sadd.s32 $0x8F2B, s0  }
0xbd: {  	[sflag:s0] =	ssyncadd.remote.s32 $0x1  }
0xbe: {  	_ =	sfence.sel $0xFFFF  }
0xbf: {  	[dreg:$0x0] =	wrdreg $0xFFFFFFFF;
	(pc) =	sbr.abs _section_cstart, $3  }
0xc0: {  	[dreg:$0x1] =	wrdreg $0xFFFFFFFF  }
0xc1: {  	_ =	task.clear_ibuf [dreg:s7], $0x2FFFF;
	_ =	strace $0x9FFFFFFF  }
0xc2: {  	(tm) =	ssettm $0x7FFFFFFF  }
0xc3: {  	_ =	shalt  }
tec
execute0_lowered:
.L_overlay_start_1:
0x0: {  	(tag) =	ssettag $0x1  }
0x1: {  	s8 =	rddreg [dreg:$0x0]  }
0x2: {  	s4 =	rddreg [dreg:$0x1]  }
0x3: {  	s0 =	rddreg [dreg:$0x2]  }
0x4: {  	s2 =	simm.s32 $0x0;
	s3 =	srdreg.scid;
	s1 =	stileid.u32  }
0x5: {  	s11 =	simm.s32 $0x400;
	s12 =	simm.s32 $0x9000;
	s13 =	simm.s32 $0x1000  }
0x6: {  	s14 =	simm.s32 $0x1;
	s18 =	simm.s32 $0x0;
	[smem:$0x7FF] =	sst s2  }
0x7: {  	s3 =	sand.u32 $0x1, s3;
	s6 =	sshll.u32 s1, $0x8;
	s9 =	sadd.s32 $0x3000, s4  }
0x8: {  	p0 =	sgt.u32 s1, $0x1;
	s5 =	ssub.s32 $0x2, s3;
	s3 =	sshll.u32 s3, $0x7  }
.Ltmp0:
0x9: {  	s7 =	sshrl.u32 s5, $0x1;
	s3 =	sor.u32 s3, s6;
	(pc) =	sbr.rel .LBB2_1-.Ltmp0, $4  }
0xa: {  	_ =	strace $0x80000047;
	s10 =	ssub.s32 s5, s7;
	s4 =	sadd.s32 s8, s3  }
0xb: {  	s6 =	sadd.s32 s9, s3;
	s7 =	sor.u32 $0x1000, s3;
	s5 =	sadd.s32 $0x4800, s4  }
0xc: {  	s8 =	sadd.s32 s8, s7;
	s9 =	sadd.s32 s9, s7;
	s10 =	smax.u32 s10, $0x1  }
0xd: {  	v0 =	vlaneseq.u32;
	s15 =	sadd.s32 $0x4800, s6;
	s16 =	sadd.s32 $0x4800, s8;
	s17 =	sadd.s32 $0x4800, s9  }
.LBB2_6:
0xe: {  	v37 =	vld [tilespmem:s20+$0xFFFFF780]  }
0xf: {  	[tilespmem:s19+$0xFFFFF800] =	vst v38  }
0x10: {  	v38 =	vld [tilespmem:s20+$0xFFFFF800]  }
0x11: {  	[tilespmem:s19+$0xFFFFF880] =	vst v35;
	v49 =	vadd.f32 $0.0e+00, v1  }
0x12: {  	v40 =	vld [tilespmem:s20+$0xFFFFF880]  }
0x13: {  	[tilespmem:s19+$0xFFFFF900] =	vst v33;
	v33 =	vadd.f32 v37, v49  }
0x14: {  	v35 =	vld [tilespmem:s20+$0xFFFFF900]  }
0x15: {  	v2 =	vadd.f32 v39, v2;
	[tilespmem:s19+$0xFFFFF980] =	vst v34;
	v34 =	vadd.f32 v38, v33  }
0x16: {  	v39 =	vld [tilespmem:s20+$0xFFFFF980]  }
0x17: {  	v4 =	vadd.f32 v36, v4;
	[tilespmem:s19+$0xFFFFFA00] =	vst v2;
	v2 =	vadd.f32 v40, v34  }
0x18: {  	v50 =	vnsel vm10, $0x0, v23;
	v41 =	vld [tilespmem:s20+$0xFFFFFA00]  }
0x19: {  	v51 =	vnsel vm11, $0x0, v23;
	v5 =	vadd.f32 v50, v5;
	[tilespmem:s19+$0xFFFFFA80] =	vst v4;
	v36 =	vadd.f32 v35, v2  }
0x1a: {  	v4 =	vadd.f32 v51, v6;
	v42 =	vld [tilespmem:s20+$0xFFFFFA80]  }
0x1b: {  	v53 =	vnsel vm8, $0x0, v23;
	[tilespmem:s19+$0xFFFFFB00] =	vst v5;
	v43 =	vadd.f32 v39, v36  }
0x1c: {  	v52 =	vnsel vm9, $0x0, v23;
	v44 =	vld [tilespmem:s20+$0xFFFFFB00];
	[tilespmem:s19+$0xFFFFFB80] =	vst v4;
	v4 =	vadd.f32 v53, v22  }
0x1d: {  	v55 =	vnsel vm4, $0x0, v23;
	v61 =	vld [tilespmem:$0x1FDC0];
	v5 =	vadd.f32 v52, v21;
	v21 =	vadd.f32 v41, v43  }
0x1e: {  	v54 =	vnsel vm5, $0x0, v23;
	v45 =	vld [tilespmem:s20+$0xFFFFFB80];
	[tilespmem:s19+$0xFFFFFC80] =	vst v4;
	v4 =	vadd.f32 v55, v29  }
0x1f: {  	v57 =	vnsel vm7, $0x0, v23;
	v62 =	vld [tilespmem:$0x1FDE0];
	[tilespmem:s19+$0xFFFFFC00] =	vst v5;
	v5 =	vadd.f32 v54, v24;
	v22 =	vadd.f32 v42, v21  }
0x20: {  	v56 =	vnsel vm6, $0x0, v23;
	v46 =	vld [tilespmem:s20+$0xFFFFFC00];
	[tilespmem:s19+$0xFFFFFD80] =	vst v4;
	v4 =	vadd.f32 v57, v32  }
0x21: {  	v59 =	vnsel vm1, $0x0, v23;
	v63 =	vld [tilespmem:$0x1FDF0];
	[tilespmem:s19+$0xFFFFFD00] =	vst v5;
	v5 =	vadd.f32 v56, v31;
	v24 =	vadd.f32 v44, v22  }
0x22: {  	v47 =	vld [tilespmem:s20+$0xFFFFFC80];
	[tilespmem:s19+$0xFFFFFE80] =	vst v4;
	v4 =	vadd.f32 v59, v26  }
0x23: {  	v58 =	vnsel vm3, $0x0, v23;
	vm0 =	vnez.u8 v61;
	v48 =	vld [tilespmem:s20+$0xFFFFFD00];
	[tilespmem:s19+$0xFFFFFE00] =	vst v5;
	v29 =	vadd.f32 v45, v24  }
0x24: {  	v49 =	vld [tilespmem:s20+$0xFFFFFD80];
	v5 =	vadd.f32 v58, v30;
	[tilespmem:s19+$0xFFFFFF80] =	vst v4;
	v4 =	vnsel vm0, $0x0, v23  }
0x25: {  	v58 =	vld [tilespmem:$0x1FE40];
	v4 =	vadd.f32 v4, v27;
	v31 =	vadd.f32 v46, v29  }
0x26: {  	v60 =	vnsel vm2, $0x0, v23;
	vm7 =	vnez.u8 v63;
	v50 =	vld [tilespmem:s20+$0xFFFFFE00]  }
0x27: {  	vm8 =	vle.f32 v33, $5.000000000e+00;
	v59 =	vld [tilespmem:$0x1FE50];
	[tilespmem:s19+$0x80] =	vst v4;
	v4 =	vnsel vm7, $0x0, v23;
	v32 =	vadd.f32 v47, v31  }
0x28: {  	[tilespmem:s19+$0xFFFFFF00] =	vst v5;
	v5 =	vadd.f32 v60, v28;
	v28 =	vadd.f32 v4, v25;
	v4 =	vnsel vm8, $0x0, v37;
	v37 =	vld [tilespmem:$0x1FE00]  }
0x29: {  	v51 =	vld [tilespmem:s20+$0xFFFFFE80];
	v30 =	vadd.f32 v48, v32  }
0x2a: {  	vm6 =	vnez.u8 v62;
	v52 =	vld [tilespmem:s20+$0xFFFFFF00]  }
0x2b: {  	v54 =	vld [tilespmem:s20+$0xFFFFFF80];
	[tilespmem:s19+$0x0] =	vst v5;
	v5 =	vnsel vm6, $0x0, v23;
	v26 =	vadd.f32 v49, v30  }
0x2c: {  	v5 =	vadd.f32 v5, v20;
	vm7 =	vle.f32 v43, $5.000000000e+00;
	v43 =	vld [tilespmem:$0x1FE30]  }
0x2d: {  	vm9 =	vle.f32 v34, $5.000000000e+00;
	v55 =	vld [tilespmem:s20+$0x0];
	vm10 =	vnez.u8 v37;
	v53 =	vadd.f32 v50, v26  }
0x2e: {  	vm11 =	vle.f32 v2, $5.000000000e+00;
	[tilespmem:s19+$0x100] =	vst v5;
	v5 =	vnsel vm10, $0x0, v23;
	vm10 =	vnez.u8 v58;
	v58 =	vld [tilespmem:$0x1FE80]  }
0x2f: {  	v2 =	vadd.f32 v5, v19;
	v19 =	vnsel vm9, $0x0, v38;
	v38 =	vld [tilespmem:$0x1FE10];
	v27 =	vadd.f32 v51, v53  }
0x30: {  	vm5 =	vle.f32 v36, $5.000000000e+00;
	vm8 =	vle.f32 v21, $5.000000000e+00;
	v5 =	vnsel vm11, $0x0, v40;
	v40 =	vld [tilespmem:$0x1FE20]  }
0x31: {  	[tilespmem:s19+$0x180] =	vst v28;
	vm9 =	vnez.u8 v43;
	v28 =	vnsel vm10, $0x0, v23;
	v20 =	vadd.f32 v52, v27  }
0x32: {  	v56 =	vld [tilespmem:s20+$0x80];
	vm11 =	vnez.u8 v59;
	v57 =	vnsel vm9, $0x0, v23;
	v61 =	vadd.f32 v28, v9  }
0x33: {  	v62 =	vld [tilespmem:$0x1FE60];
	v60 =	vnsel vm11, $0x0, v23;
	v21 =	vadd.f32 v57, v8;
	v33 =	vadd.f32 v54, v20  }
0x34: {  	v34 =	vld [tilespmem:s20+$0x100];
	vm11 =	vle.f32 v31, $5.000000000e+00;
	[tilespmem:s19+$0x400] =	vst v61;
	v61 =	vnsel vm15, $0x0, v23;
	vm9 =	vnez.u8 v58  }
0x35: {  	vm4 =	vnez.u8 v38;
	vm6 =	vnez.u8 v40;
	v37 =	vadd.f32 v55, v33  }
0x36: {  	v38 =	vld [tilespmem:s20+$0x180];
	v59 =	vnsel vm9, $0x0, v23;
	v6 =	vnsel vm4, $0x0, v23;
	v25 =	vnsel vm6, $0x0, v23  }
0x37: {  	[tilespmem:s19+$0x200] =	vst v2;
	vm4 =	vle.f32 v22, $5.000000000e+00;
	v11 =	vadd.f32 v6, v11;
	v2 =	vadd.f32 v56, v37  }
0x38: {  	vm6 =	vnez.u8 v62;
	v12 =	vadd.f32 v59, v12;
	v6 =	vnsel vm5, $0x0, v35;
	v35 =	vld [tilespmem:s20+$0x200]  }
0x39: {  	vm15 =	vle.f32 v30, $5.000000000e+00;
	v25 =	vadd.f32 v25, v7;
	[tilespmem:s19+$0x280] =	vst v11;
	v36 =	vadd.f32 v34, v2  }
0x3a: {  	v7 =	vnsel vm8, $0x0, v41;
	vm5 =	vle.f32 v24, $5.000000000e+00;
	v11 =	vnsel vm7, $0x0, v39;
	v39 =	vld [tilespmem:s20+$0x280]  }
0x3b: {  	v8 =	vnsel vm4, $0x0, v42;
	v9 =	vnsel vm5, $0x0, v44;
	v44 =	vld [tilespmem:$0x1FE70];
	[tilespmem:s19+$0x300] =	vst v25;
	v40 =	vadd.f32 v38, v36  }
0x3c: {  	v63 =	vnsel vm6, $0x0, v23;
	vm8 =	vle.f32 v29, $5.000000000e+00;
	v28 =	vnsel vm15, $0x0, v48;
	v41 =	vld [tilespmem:s20+$0x300]  }
0x3d: {  	[tilespmem:s19+$0x380] =	vst v21;
	v62 =	vld [tilespmem:$0x1FE90];
	v21 =	vadd.f32 v63, v16;
	v16 =	vnsel vm11, $0x0, v46;
	v24 =	vadd.f32 v35, v40  }
0x3e: {  	v42 =	vld [tilespmem:s20+$0x380];
	vm4 =	vle.f32 v26, $5.000000000e+00;
	v26 =	vnsel vm12, $0x0, v23;
	v25 =	vadd.f32 v60, v15  }
0x3f: {  	v15 =	vnsel vm8, $0x0, v45;
	v60 =	vnsel vm14, $0x0, v23;
	v43 =	vadd.f32 v39, v24  }
0x40: {  	vm14 =	vle.f32 v32, $5.000000000e+00;
	v3 =	vadd.f32 v26, v3;
	vm7 =	vnez.u8 v44;
	v44 =	vld [tilespmem:s20+$0x400]  }
0x41: {  	v29 =	vnsel vm4, $0x0, v49;
	v13 =	vadd.f32 v60, v13;
	[tilespmem:s19+$0x480] =	vst v25;
	v45 =	vadd.f32 v41, v43  }
0x42: {  	vm5 =	vle.f32 v53, $5.000000000e+00;
	vm10 =	vnez.u8 v62;
	v46 =	vld [tilespmem:s20+$0x480];
	v57 =	vnsel vm7, $0x0, v23  }
0x43: {  	[tilespmem:s19+$0x500] =	vst v21;
	v63 =	vnsel vm10, $0x0, v23;
	v10 =	vadd.f32 v57, v10;
	v57 =	vadd.f32 v42, v45  }
0x44: {  	v62 =	vnsel vm13, $0x0, v23;
	v58 =	vld [tilespmem:s20+$0x500];
	v25 =	vnsel vm14, $0x0, v47;
	v17 =	vadd.f32 v63, v17  }
0x45: {  	s21 =	sadd.s32 s21, s7;
	v30 =	vnsel vm5, $0x0, v50;
	v63 =	vadd.f32 v61, v14;
	[tilespmem:s19+$0x580] =	vst v10;
	v14 =	vadd.f32 v44, v57  }
0x46: {  	v18 =	vadd.f32 v62, v18;
	vm6 =	vle.f32 v27, $5.000000000e+00;
	v62 =	vor.u32 s21, v0;
	v47 =	vld [tilespmem:s20+$0x580]  }
0x47: {  	[tilespmem:s19+$0x600] =	vst v12;
	v31 =	vnsel vm6, $0x0, v51;
	vm7 =	vle.f32 v20, $5.000000000e+00;
	v12 =	vadd.f32 v46, v14  }
0x48: {  	v48 =	vld [tilespmem:s20+$0x600];
	v32 =	vnsel vm7, $0x0, v52;
	vm10 =	vle.f32 v2, $5.000000000e+00;
	v2 =	vmulhi.u32 $0x38E38E39, v62  }
0x49: {  	[tilespmem:s19+$0x680] =	vst v17;
	vm8 =	vle.f32 v33, $5.000000000e+00;
	vm9 =	vle.f32 v37, $5.000000000e+00;
	v53 =	vadd.f32 v58, v12  }
0x4a: {  	[tilespmem:s19+$0x880] =	vst v3;
	v49 =	vld [tilespmem:s20+$0x680];
	v33 =	vnsel vm8, $0x0, v54;
	v21 =	vnsel vm9, $0x0, v55;
	v3 =	vshrl.u32 v2, $0x3  }
0x4b: {  	[tilespmem:s19+$0x700] =	vst v13;
	vm11 =	vle.f32 v36, $5.000000000e+00;
	v3 =	vmul.u32 $0x24, v3;
	v13 =	vadd.f32 v47, v53  }
0x4c: {  	v59 =	vld [tilespmem:s20+$0x700];
	v26 =	vnsel vm10, $0x0, v56;
	v20 =	vnsel vm11, $0x0, v34;
	vm12 =	vle.f32 v40, $5.000000000e+00  }
0x4d: {  	[tilespmem:s19+$0x780] =	vst v63;
	v3 =	vsub.s32 v62, v3;
	vm13 =	vle.f32 v24, $5.000000000e+00;
	v60 =	vadd.f32 v48, v13  }
0x4e: {  	v61 =	vld [tilespmem:s20+$0x780];
	v22 =	vnsel vm12, $0x0, v38;
	vm12 =	veq.s32 v3, $0x0;
	v35 =	vnsel vm13, $0x0, v35  }
0x4f: {  	[tilespmem:s19+$0x800] =	vst v18;
	vm13 =	vle.f32 v1, $5.000000000e+00;
	vm14 =	vle.f32 v43, $5.000000000e+00;
	v63 =	vadd.f32 v49, v60  }
0x50: {  	v50 =	vld [tilespmem:s20+$0x800];
	v55 =	vnsel vm13, $0x0, v1;
	vm13 =	veq.s32 v3, $0xA;
	v39 =	vnsel vm14, $0x0, v39  }
0x51: {  	vm14 =	veq.s32 v3, $0x1;
	vm15 =	vle.f32 v45, $5.000000000e+00;
	v51 =	vadd.f32 v59, v63  }
0x52: {  	v2 =	vld [tilespmem:s20+$0x880];
	v34 =	vnsel vm15, $0x0, v41;
	vm15 =	veq.s32 v3, $0x2;
	vm4 =	vle.f32 v57, $5.000000000e+00  }
0x53: {  	vm5 =	vle.f32 v14, $5.000000000e+00;
	vm6 =	vle.f32 v12, $5.000000000e+00;
	v52 =	vadd.f32 v61, v51  }
0x54: {  	v27 =	vnsel vm4, $0x0, v42;
	v23 =	vnsel vm5, $0x0, v44;
	v24 =	vnsel vm6, $0x0, v46  }
0x55: {  	vm6 =	veq.s32 v3, $0x3;
	vm7 =	vle.f32 v53, $5.000000000e+00;
	v53 =	vadd.f32 v50, v52  }
0x56: {  	v14 =	vnsel vm7, $0x0, v58;
	vm7 =	veq.s32 v3, $0x4;
	vm8 =	vle.f32 v13, $5.000000000e+00  }
0x57: {  	v17 =	vnsel vm8, $0x0, v47;
	vm9 =	vle.f32 v60, $5.000000000e+00;
	v18 =	vadd.f32 v2, v53  }
0x58: {  	vm8 =	veq.s32 v3, $0x5;
	v13 =	vnsel vm9, $0x0, v48;
	vm9 =	veq.s32 v3, $0x6  }
0x59: {  	vm10 =	vle.f32 v63, $5.000000000e+00;
	vm11 =	vle.f32 v51, $5.000000000e+00;
	v54 =	vsub.f32 $5.000000000e+00, v18  }
0x5a: {  	v12 =	vnsel vm10, $0x0, v49;
	vm10 =	veq.s32 v3, $0x7;
	v10 =	vnsel vm11, $0x0, v59  }
0x5b: {  	vm11 =	veq.s32 v3, $0x8;
	vm4 =	vle.f32 v52, $5.000000000e+00;
	v1 =	vmax.f32 v54, $0.0e+00  }
0x5c: {  	vm5 =	vle.f32 v53, $5.000000000e+00;
	v38 =	vnsel vm12, $0x0, v1;
	v56 =	vnsel vm14, $0x0, v1  }
0x5d: {  	v57 =	vnsel vm15, $0x0, v1;
	v59 =	vnsel vm6, $0x0, v1;
	v60 =	vnsel vm7, $0x0, v1  }
0x5e: {  	v62 =	vnsel vm9, $0x0, v1;
	v63 =	vnsel vm10, $0x0, v1;
	vm12 =	veq.s32 v3, $0x9  }
0x5f: {  	v36 =	vnsel vm11, $0x0, v1;
	vm14 =	veq.s32 v3, $0xB;
	vm15 =	veq.s32 v3, $0xC  }
0x60: {  	vm6 =	veq.s32 v3, $0xF;
	vm7 =	veq.s32 v3, $0x10;
	vm9 =	veq.s32 v3, $0x12  }
0x61: {  	vm10 =	veq.s32 v3, $0x13;
	vm11 =	veq.s32 v3, $0x14;
	v37 =	vadd.f32 v38, v55  }
0x62: {  	v58 =	vadd.f32 v56, v4;
	v38 =	vadd.f32 v57, v19;
	v19 =	vnsel vm4, $0x0, v61  }
0x63: {  	v4 =	vnsel vm5, $0x0, v50;
	v5 =	vadd.f32 v59, v5;
	v61 =	vnsel vm8, $0x0, v1  }
0x64: {  	v6 =	vadd.f32 v60, v6;
	v7 =	vadd.f32 v62, v7;
	v40 =	vnsel vm14, $0x0, v1  }
0x65: {  	vm4 =	veq.s32 v3, $0xD;
	v41 =	vnsel vm15, $0x0, v1;
	vm5 =	veq.s32 v3, $0xE  }
0x66: {  	v44 =	vnsel vm6, $0x0, v1;
	vm8 =	veq.s32 v3, $0x11;
	v45 =	vnsel vm7, $0x0, v1  }
0x67: {  	v47 =	vnsel vm9, $0x0, v1;
	v48 =	vnsel vm10, $0x0, v1;
	v49 =	vnsel vm11, $0x0, v1  }
0x68: {  	vm14 =	veq.s32 v3, $0x17;
	vm15 =	veq.s32 v3, $0x18;
	vm6 =	veq.s32 v3, $0x1B  }
0x69: {  	vm7 =	veq.s32 v3, $0x1C;
	vm9 =	veq.s32 v3, $0x1E;
	vm10 =	veq.s32 v3, $0x1F;
	[tilespmem:s20+$0xFFFFF700] =	vst v37  }
0x6a: {  	vm11 =	vle.f32 v18, $5.000000000e+00;
	v11 =	vadd.f32 v61, v11;
	v42 =	vnsel vm4, $0x0, v1;
	[tilespmem:s20+$0xFFFFF780] =	vst v58  }
0x6b: {  	v43 =	vnsel vm5, $0x0, v1;
	v46 =	vnsel vm8, $0x0, v1;
	v52 =	vnsel vm14, $0x0, v1;
	[tilespmem:s20+$0xFFFFF800] =	vst v38  }
0x6c: {  	vm4 =	veq.s32 v3, $0x19;
	v53 =	vnsel vm15, $0x0, v1;
	vm5 =	veq.s32 v3, $0x1A;
	[tilespmem:s20+$0xFFFFF880] =	vst v5  }
0x6d: {  	v56 =	vnsel vm6, $0x0, v1;
	vm8 =	veq.s32 v3, $0x1D;
	v57 =	vnsel vm7, $0x0, v1;
	[tilespmem:s20+$0xFFFFF900] =	vst v6  }
0x6e: {  	v59 =	vnsel vm9, $0x0, v1;
	v60 =	vnsel vm10, $0x0, v1;
	v5 =	vadd.f32 v63, v8;
	[tilespmem:s20+$0xFFFFFA00] =	vst v7  }
0x6f: {  	vm14 =	veq.s32 v3, $0x22;
	v37 =	vnsel vm12, $0x0, v1;
	v6 =	vadd.f32 v36, v9;
	[tilespmem:s20+$0xFFFFF980] =	vst v11  }
0x70: {  	vm15 =	veq.s32 v3, $0x23;
	v38 =	vnsel vm13, $0x0, v1;
	v8 =	vadd.f32 v37, v15;
	[tilespmem:s20+$0xFFFFFA80] =	vst v5  }
0x71: {  	v2 =	vnsel vm11, $0x0, v2;
	v63 =	vnsel vm14, $0x0, v1;
	v7 =	vadd.f32 v38, v16;
	[tilespmem:s20+$0xFFFFFB00] =	vst v6  }
0x72: {  	vm12 =	veq.s32 v3, $0x15;
	vm13 =	veq.s32 v3, $0x16;
	v4 =	vadd.f32 v63, v4;
	[tilespmem:s20+$0xFFFFFB80] =	vst v8  }
0x73: {  	v54 =	vnsel vm4, $0x0, v1;
	v55 =	vnsel vm5, $0x0, v1;
	v5 =	vadd.f32 v40, v25;
	[tilespmem:s20+$0xFFFFFC00] =	vst v7  }
0x74: {  	v58 =	vnsel vm8, $0x0, v1;
	v50 =	vnsel vm12, $0x0, v1;
	v6 =	vadd.f32 v41, v28;
	[tilespmem:s20+$0x800] =	vst v4  }
0x75: {  	v51 =	vnsel vm13, $0x0, v1;
	vm13 =	veq.s32 v3, $0x21;
	v8 =	vadd.f32 v42, v29;
	[tilespmem:s20+$0xFFFFFC80] =	vst v5  }
0x76: {  	vm12 =	veq.s32 v3, $0x20;
	v62 =	vnsel vm13, $0x0, v1;
	v7 =	vadd.f32 v43, v30;
	[tilespmem:s20+$0xFFFFFD00] =	vst v6  }
0x77: {  	v61 =	vnsel vm12, $0x0, v1;
	v1 =	vnsel vm15, $0x0, v1;
	v3 =	vadd.f32 v62, v19;
	[tilespmem:s20+$0xFFFFFD80] =	vst v8  }
0x78: {  	v1 =	vadd.f32 v1, v2;
	[tilespmem:s20+$0xFFFFFE00] =	vst v7  }
0x79: {  	v5 =	vadd.f32 v44, v31;
	[tilespmem:s20+$0x780] =	vst v3  }
0x7a: {  	v6 =	vadd.f32 v45, v32;
	[tilespmem:s20+$0x880] =	vst v1  }
0x7b: {  	v8 =	vadd.f32 v46, v33;
	[tilespmem:s20+$0xFFFFFE80] =	vst v5  }
0x7c: {  	v7 =	vadd.f32 v47, v21;
	[tilespmem:s20+$0xFFFFFF00] =	vst v6  }
0x7d: {  	v5 =	vadd.f32 v48, v26;
	[tilespmem:s20+$0xFFFFFF80] =	vst v8  }
0x7e: {  	v6 =	vadd.f32 v49, v20;
	[tilespmem:s20+$0x0] =	vst v7  }
0x7f: {  	v8 =	vadd.f32 v50, v22;
	[tilespmem:s20+$0x80] =	vst v5  }
0x80: {  	v7 =	vadd.f32 v51, v35;
	[tilespmem:s20+$0x100] =	vst v6  }
0x81: {  	v5 =	vadd.f32 v52, v39;
	[tilespmem:s20+$0x180] =	vst v8  }
0x82: {  	v6 =	vadd.f32 v53, v34;
	[tilespmem:s20+$0x200] =	vst v7  }
0x83: {  	v8 =	vadd.f32 v54, v27;
	[tilespmem:s20+$0x280] =	vst v5  }
0x84: {  	v7 =	vadd.f32 v55, v23;
	[tilespmem:s20+$0x300] =	vst v6  }
0x85: {  	v5 =	vadd.f32 v56, v24;
	[tilespmem:s20+$0x380] =	vst v8  }
0x86: {  	v6 =	vadd.f32 v57, v14;
	[tilespmem:s20+$0x400] =	vst v7  }
0x87: {  	v8 =	vadd.f32 v58, v17;
	[tilespmem:s20+$0x480] =	vst v5  }
0x88: {  	v7 =	vadd.f32 v59, v13;
	[tilespmem:s20+$0x500] =	vst v6  }
0x89: {  	v5 =	vadd.f32 v60, v12;
	[tilespmem:s20+$0x580] =	vst v8  }
0x8a: {  	v6 =	vadd.f32 v61, v10;
	[tilespmem:s20+$0x600] =	vst v7  }
0x8b: {  	[tilespmem:s20+$0x680] =	vst v5  }
0x8c: {  	[tilespmem:s20+$0x700] =	vst v6  }
0x8d: {  	[hbm4b:s9+s11] =	stream.strided.scatter [tilespmem:s2], [sflag:$0x1], $0x1000, s12, s11, $0x38;
	[tilespmem:$0x1400] =	vst v63  }
0x8e: {  	_ = 	snop  }
0x8f: {  	[hbm4b:s17+s2] =	stream.linear.scatter [tilespmem:s13], [sflag:$0x1], $0x200, $0x38;
	[tilespmem:$0x1400] =	vst v63  }
0x90: {  	_ =	swait.ge [sflag:s14], $0x1200  }
0x91: {  	[sflag:s14] =	ssyncset.done $0x0  }
0x92: {  	[sflag:s14] =	ssyncadd.s32 $0xFFFFEE00  }
.LBB2_7:
0x93: {  	s18 =	sadd.s32 $0x1, s18  }
0x94: {  	p1 =	sne.s32 s18, s10  }
.Ltmp1:
0x95: {  	_ = 	snop;
	(pc) =	sbr.rel @!p1 .LBB2_8-.Ltmp1, $1  }
0x96: {  	_ =	sdelay $0x3  }
.LBB2_1:
0x97: {  	[tilespmem:s2], [sflag:$0x1] =	stream.strided.gather [hbm4b:s4+s11], $0x1000, s12, s11, $0x38;
	[tilespmem:$0x1400] =	vst v63  }
0x98: {  	_ = 	snop  }
0x99: {  	[tilespmem:s13], [sflag:$0x1] =	stream.linear.gather [hbm4b:s5+s2], $0x200, $0x38;
	[tilespmem:$0x1400] =	vst v63  }
0x9a: {  	_ =	swait.ge [sflag:s14], $0x1200  }
0x9b: {  	[sflag:s14] =	ssyncset.done $0x0  }
0x9c: {  	s19 =	simm.s32 $0x900;
	[sflag:s14] =	ssyncadd.s32 $0xFFFFEE00  }
0x9d: {  	v1 =	vld [tilespmem:s19+$0xFFFFF700];
	_ =	sdelay $0x1  }
0x9e: {  	v2 =	vld [tilespmem:s19+$0xFFFFF780];
	_ =	sdelay $0x1  }
0x9f: {  	v3 =	vld [tilespmem:s19+$0xFFFFF800]  }
0xa0: {  	v4 =	vadd.f32 $0.0e+00, v1  }
0xa1: {  	v5 =	vld [tilespmem:s19+$0xFFFFF880]  }
0xa2: {  	v4 =	vadd.f32 v2, v4  }
0xa3: {  	v6 =	vld [tilespmem:s19+$0xFFFFF900]  }
0xa4: {  	v7 =	vadd.f32 v3, v4  }
0xa5: {  	v8 =	vld [tilespmem:s19+$0xFFFFF980]  }
0xa6: {  	v9 =	vadd.f32 v5, v7  }
0xa7: {  	v10 =	vld [tilespmem:s19+$0xFFFFFA00]  }
0xa8: {  	v11 =	vadd.f32 v6, v9  }
0xa9: {  	v12 =	vld [tilespmem:s19+$0xFFFFFA80]  }
0xaa: {  	v13 =	vadd.f32 v8, v11  }
0xab: {  	v14 =	vld [tilespmem:s19+$0xFFFFFB00]  }
0xac: {  	v15 =	vadd.f32 v10, v13  }
0xad: {  	v16 =	vld [tilespmem:s19+$0xFFFFFB80]  }
0xae: {  	v17 =	vadd.f32 v12, v15  }
0xaf: {  	v18 =	vld [tilespmem:s19+$0xFFFFFC00]  }
0xb0: {  	v19 =	vadd.f32 v14, v17  }
0xb1: {  	v20 =	vld [tilespmem:s19+$0xFFFFFC80]  }
0xb2: {  	v21 =	vadd.f32 v16, v19  }
0xb3: {  	v23 =	vld [tilespmem:s19+$0xFFFFFD00]  }
0xb4: {  	v22 =	vadd.f32 v18, v21  }
0xb5: {  	v25 =	vld [tilespmem:s19+$0xFFFFFD80]  }
0xb6: {  	v24 =	vadd.f32 v20, v22  }
0xb7: {  	v26 =	vld [tilespmem:s19+$0xFFFFFE00]  }
0xb8: {  	v27 =	vadd.f32 v23, v24  }
0xb9: {  	v28 =	vld [tilespmem:s19+$0xFFFFFE80]  }
0xba: {  	v29 =	vadd.f32 v25, v27  }
0xbb: {  	v30 =	vld [tilespmem:s19+$0xFFFFFF00]  }
0xbc: {  	v31 =	vadd.f32 v26, v29  }
0xbd: {  	v38 =	vld [tilespmem:s19+$0xFFFFFF80]  }
0xbe: {  	v32 =	vadd.f32 v28, v31  }
0xbf: {  	v39 =	vld [tilespmem:s19+$0x0]  }
0xc0: {  	v40 =	vadd.f32 v30, v32  }
0xc1: {  	v41 =	vld [tilespmem:s19+$0x80]  }
0xc2: {  	v51 =	vimm.s32 $0x0;
	vm0 =	vle.f32 v4, $5.000000000e+00;
	v42 =	vadd.f32 v38, v40  }
0xc3: {  	v53 =	vimm.s32 $0x0;
	v55 =	vimm.s32 $0x0;
	v43 =	vld [tilespmem:s19+$0x100];
	v35 =	vnsel vm0, $0x0, v2  }
0xc4: {  	s20 =	sadd.s32 $0x0, s3;
	vm1 =	vle.f32 v7, $5.000000000e+00;
	vm0 =	vle.f32 v9, $5.000000000e+00;
	v44 =	vadd.f32 v39, v42  }
0xc5: {  	v56 =	vor.u32 s20, v0;
	v45 =	vld [tilespmem:s19+$0x180];
	v33 =	vnsel vm1, $0x0, v3;
	v36 =	vnsel vm0, $0x0, v5  }
0xc6: {  	vm1 =	vle.f32 v11, $5.000000000e+00;
	vm0 =	vle.f32 v13, $5.000000000e+00;
	v7 =	vadd.f32 v41, v44  }
0xc7: {  	v3 =	vld [tilespmem:s19+$0x200];
	v34 =	vnsel vm1, $0x0, v6;
	v37 =	vnsel vm0, $0x0, v8;
	vm1 =	vle.f32 v15, $5.000000000e+00  }
0xc8: {  	vm2 =	vle.f32 v17, $5.000000000e+00;
	vm0 =	vle.f32 v19, $5.000000000e+00;
	v9 =	vadd.f32 v43, v7  }
0xc9: {  	v11 =	vld [tilespmem:s19+$0x280];
	v2 =	vnsel vm1, $0x0, v10;
	v4 =	vnsel vm2, $0x0, v12;
	v5 =	vnsel vm0, $0x0, v14  }
0xca: {  	vm1 =	vle.f32 v21, $5.000000000e+00;
	vm0 =	vle.f32 v22, $5.000000000e+00;
	v13 =	vadd.f32 v45, v9  }
0xcb: {  	v8 =	vld [tilespmem:s19+$0x300];
	v6 =	vnsel vm1, $0x0, v16;
	v21 =	vnsel vm0, $0x0, v18;
	vm1 =	vle.f32 v24, $5.000000000e+00  }
0xcc: {  	vm2 =	vle.f32 v27, $5.000000000e+00;
	vm0 =	vle.f32 v29, $5.000000000e+00;
	v10 =	vadd.f32 v3, v13  }
0xcd: {  	v12 =	vld [tilespmem:s19+$0x380];
	v22 =	vnsel vm1, $0x0, v20;
	v24 =	vnsel vm2, $0x0, v23;
	v29 =	vnsel vm0, $0x0, v25  }
0xce: {  	vm1 =	vle.f32 v31, $5.000000000e+00;
	vm0 =	vle.f32 v32, $5.000000000e+00;
	v14 =	vadd.f32 v11, v10  }
0xcf: {  	v15 =	vld [tilespmem:s19+$0x400];
	v31 =	vnsel vm1, $0x0, v26;
	v32 =	vnsel vm0, $0x0, v28;
	vm1 =	vle.f32 v40, $5.000000000e+00  }
0xd0: {  	v30 =	vnsel vm1, $0x0, v30;
	vm0 =	vle.f32 v44, $5.000000000e+00;
	v16 =	vadd.f32 v8, v14  }
0xd1: {  	v17 =	vld [tilespmem:s19+$0x480];
	v28 =	vnsel vm0, $0x0, v39;
	vm0 =	vle.f32 v7, $5.000000000e+00;
	v7 =	vmulhi.u32 $0x38E38E39, v56  }
0xd2: {  	v27 =	vnsel vm0, $0x0, v41;
	vm0 =	vle.f32 v9, $5.000000000e+00;
	v18 =	vadd.f32 v12, v16  }
0xd3: {  	v23 =	vld [tilespmem:s19+$0x500];
	vm2 =	vle.f32 v42, $5.000000000e+00;
	v7 =	vshrl.u32 v7, $0x3;
	v20 =	vnsel vm0, $0x0, v43  }
0xd4: {  	v7 =	vmul.u32 $0x24, v7;
	vm0 =	vle.f32 v13, $5.000000000e+00;
	v57 =	vadd.f32 v15, v18  }
0xd5: {  	v58 =	vld [tilespmem:s19+$0x580];
	v26 =	vnsel vm2, $0x0, v38;
	v9 =	vimm.s32 $0x0;
	v25 =	vnsel vm0, $0x0, v45  }
0xd6: {  	v42 =	vsub.s32 v56, v7;
	v56 =	vimm.s32 $0x0;
	v59 =	vadd.f32 v17, v57  }
0xd7: {  	v13 =	vld [tilespmem:s19+$0x600];
	vm1 =	vle.f32 v10, $5.000000000e+00;
	vm2 =	veq.s32 v42, $0x1;
	vm13 =	veq.s32 v42, $0x3  }
0xd8: {  	vm12 =	veq.s32 v42, $0x5;
	vm14 =	veq.s32 v42, $0x6;
	v10 =	vadd.f32 v23, v59  }
0xd9: {  	vm15 =	veq.s32 v42, $0x7;
	vm10 =	veq.s32 v42, $0x8;
	v19 =	vnsel vm1, $0x0, v3;
	v3 =	vld [tilespmem:s19+$0x680]  }
0xda: {  	vm11 =	veq.s32 v42, $0x9;
	vm0 =	vle.f32 v14, $5.000000000e+00;
	v14 =	vadd.f32 v58, v10  }
0xdb: {  	v60 =	vld [tilespmem:s19+$0x700];
	vm9 =	veq.s32 v42, $0xA;
	vm8 =	veq.s32 v42, $0xB;
	vm5 =	veq.s32 v42, $0xC  }
0xdc: {  	v11 =	vnsel vm0, $0x0, v11;
	vm1 =	vle.f32 v16, $5.000000000e+00;
	v16 =	vadd.f32 v13, v14  }
0xdd: {  	vm0 =	veq.s32 v42, $0x2;
	v7 =	vnsel vm1, $0x0, v8;
	vm3 =	vle.f32 v18, $5.000000000e+00;
	v18 =	vld [tilespmem:s19+$0x780]  }
0xde: {  	v8 =	vnsel vm3, $0x0, v12;
	vm3 =	veq.s32 v42, $0x4;
	v12 =	vadd.f32 v3, v16  }
0xdf: {  	v61 =	vld [tilespmem:s19+$0x800];
	vm1 =	veq.s32 v42, $0x0;
	v9 =	vsel vm3, $0xFFFFFFFF, v9;
	vm3 =	vle.f32 v57, $5.000000000e+00  }
0xe0: {  	[tilespmem:$0x1FF30] =	vst v9;
	v9 =	vnsel vm3, $0x0, v15;
	vm3 =	vle.f32 v59, $5.000000000e+00;
	v62 =	vadd.f32 v60, v12  }
0xe1: {  	v63 =	vld [tilespmem:s19+$0x880];
	v57 =	vimm.s32 $0x0;
	v59 =	vimm.s32 $0x0;
	v15 =	vnsel vm3, $0x0, v17  }
0xe2: {  	vm4 =	vle.f32 v10, $5.000000000e+00;
	vm6 =	vle.f32 v14, $5.000000000e+00;
	v14 =	vadd.f32 v18, v62  }
0xe3: {  	v10 =	vnsel vm6, $0x0, v58;
	vm6 =	veq.s32 v42, $0xE;
	v58 =	vimm.s32 $0x0  }
0xe4: {  	vm3 =	vle.f32 v16, $5.000000000e+00;
	v16 =	vnsel vm4, $0x0, v23;
	v23 =	vadd.f32 v61, v14  }
0xe5: {  	vm4 =	veq.s32 v42, $0xD;
	vm7 =	vle.f32 v12, $5.000000000e+00;
	v12 =	vnsel vm3, $0x0, v13  }
0xe6: {  	v17 =	vnsel vm7, $0x0, v3;
	vm3 =	vle.f32 v62, $5.000000000e+00;
	v45 =	vadd.f32 v63, v23  }
0xe7: {  	vm7 =	veq.s32 v42, $0xF;
	v13 =	vnsel vm3, $0x0, v60;
	vm3 =	vle.f32 v14, $5.000000000e+00  }
0xe8: {  	v52 =	vld [tilespmem:$0x1FF30];
	v14 =	vnsel vm3, $0x0, v18;
	vm3 =	vle.f32 v23, $5.000000000e+00;
	v23 =	vsub.f32 $5.000000000e+00, v45  }
0xe9: {  	v62 =	vimm.s32 $0x0;
	v18 =	vnsel vm3, $0x0, v61;
	vm3 =	vle.f32 v45, $5.000000000e+00  }
0xea: {  	v3 =	vnsel vm3, $0x0, v63;
	vm3 =	vle.f32 v1, $5.000000000e+00;
	v23 =	vmax.f32 v23, $0.0e+00  }
0xeb: {  	v60 =	vimm.s32 $0x0;
	v1 =	vnsel vm3, $0x0, v1;
	v46 =	vnsel vm1, $0x0, v23  }
0xec: {  	v47 =	vnsel vm2, $0x0, v23;
	v48 =	vnsel vm0, $0x0, v23;
	vm0 =	veq.s32 v42, $0x13  }
0xed: {  	v1 =	vadd.f32 v46, v1;
	v39 =	vsel vm0, $0xFFFFFFFF, v51;
	vm0 =	vnez.u8 v52  }
0xee: {  	v38 =	vadd.f32 v48, v33;
	[tilespmem:$0x1FF20] =	vst v39;
	v33 =	vnsel vm0, $0x0, v23;
	vm0 =	veq.s32 v42, $0x14  }
0xef: {  	v49 =	vadd.f32 v47, v35;
	v39 =	vsel vm0, $0xFFFFFFFF, v53;
	vm0 =	veq.s32 v42, $0x15;
	[tilespmem:s19+$0xFFFFF700] =	vst v1  }
0xf0: {  	v54 =	vnsel vm12, $0x0, v23;
	[tilespmem:$0x1FF40] =	vst v39;
	v39 =	vsel vm0, $0xFFFFFFFF, v55;
	vm0 =	veq.s32 v42, $0x16  }
0xf1: {  	v33 =	vadd.f32 v33, v34;
	[tilespmem:s19+$0xFFFFF780] =	vst v49;
	v34 =	vsel vm0, $0xFFFFFFFF, v56;
	vm0 =	veq.s32 v42, $0x17  }
0xf2: {  	[tilespmem:$0x1FF60] =	vst v34;
	v34 =	vadd.f32 v54, v37;
	v37 =	vsel vm0, $0xFFFFFFFF, v57;
	vm0 =	veq.s32 v42, $0x18  }
0xf3: {  	v61 =	vimm.s32 $0x0;
	[tilespmem:$0x1FF70] =	vst v37;
	v37 =	vsel vm0, $0xFFFFFFFF, v58;
	vm0 =	veq.s32 v42, $0x19  }
0xf4: {  	v63 =	vimm.s32 $0x0;
	[tilespmem:$0x1FF80] =	vst v37;
	v37 =	vsel vm0, $0xFFFFFFFF, v59;
	vm0 =	veq.s32 v42, $0x1A  }
0xf5: {  	vm3 =	veq.s32 v42, $0x10;
	[tilespmem:$0x1FF90] =	vst v37;
	v37 =	vsel vm0, $0xFFFFFFFF, v60;
	vm0 =	veq.s32 v42, $0x1B  }
0xf6: {  	vm1 =	veq.s32 v42, $0x11;
	[tilespmem:$0x1FFA0] =	vst v37;
	v37 =	vsel vm0, $0xFFFFFFFF, v61;
	vm0 =	veq.s32 v42, $0x1C  }
0xf7: {  	vm2 =	veq.s32 v42, $0x12;
	[tilespmem:$0x1FFB0] =	vst v37;
	v37 =	vsel vm0, $0xFFFFFFFF, v62;
	vm0 =	veq.s32 v42, $0x1D  }
0xf8: {  	v1 =	vimm.s32 $0x0;
	[tilespmem:$0x1FFC0] =	vst v37;
	v37 =	vsel vm0, $0xFFFFFFFF, v63;
	vm0 =	veq.s32 v42, $0x1E  }
0xf9: {  	v50 =	vnsel vm13, $0x0, v23;
	vm13 =	veq.s32 v42, $0x22;
	[tilespmem:$0x1FF50] =	vst v39;
	v1 =	vsel vm0, $0xFFFFFFFF, v1  }
0xfa: {  	vm12 =	veq.s32 v42, $0x23;
	vm0 =	veq.s32 v42, $0x1F;
	[tilespmem:$0x1FFE0] =	vst v1;
	v1 =	vimm.s32 $0x0  }
0xfb: {  	s20 =	simm.s32 $0x910;
	v35 =	vadd.f32 v50, v36;
	v36 =	vnsel vm15, $0x0, v23;
	[tilespmem:$0x1FFD0] =	vst v37;
	v1 =	vsel vm0, $0xFFFFFFFF, v1  }
0xfc: {  	s21 =	simm.s32 $0x10;
	s22 =	simm.s32 $0x20;
	vm15 =	veq.s32 v42, $0x21;
	v39 =	vnsel vm14, $0x0, v23;
	vm14 =	veq.s32 v42, $0x20;
	[tilespmem:$0x1FFF0] =	vst v1;
	v1 =	vld [tilespmem:s20+$0xFFFFF700]  }
.LBB2_2:
0xfd: {  	v4 =	vadd.f32 v36, v4;
	v63 =	vnsel vm10, $0x0, v23;
	v40 =	vnsel vm11, $0x0, v23  }
0xfe: {  	v42 =	vnsel vm8, $0x0, v23;
	v45 =	vnsel vm4, $0x0, v23;
	v5 =	vadd.f32 v63, v5  }
0xff: {  	v37 =	vld [tilespmem:s20+$0xFFFFF780];
	v6 =	vadd.f32 v40, v6;
	[tilespmem:s19+$0xFFFFFA80] =	vst v4;
	v4 =	vadd.f32 v45, v29;
	v29 =	vnsel vm7, $0x0, v23  }
0x100: {  	v22 =	vadd.f32 v42, v22;
	[tilespmem:s19+$0xFFFFFB00] =	vst v5;
	v5 =	vadd.f32 v29, v32;
	v29 =	vnsel vm3, $0x0, v23  }
0x101: {  	v2 =	vadd.f32 v39, v2;
	[tilespmem:s19+$0xFFFFFB80] =	vst v6;
	v6 =	vadd.f32 v29, v30;
	v30 =	vnsel vm2, $0x0, v23  }
0x102: {  	v44 =	vnsel vm5, $0x0, v23;
	[tilespmem:s19+$0xFFFFFC80] =	vst v22;
	v46 =	vadd.f32 $0.0e+00, v1;
	v22 =	vadd.f32 v30, v28;
	v28 =	vld [tilespmem:$0x1FF20]  }
0x103: {  	[tilespmem:s19+$0xFFFFFA00] =	vst v2;
	v2 =	vadd.f32 v44, v24;
	v24 =	vnsel vm6, $0x0, v23  }
0x104: {  	[tilespmem:s19+$0xFFFFF800] =	vst v38;
	v24 =	vadd.f32 v24, v31;
	v31 =	vadd.f32 v37, v46  }
0x105: {  	v43 =	vld [tilespmem:s20+$0xFFFFF800]  }
0x106: {  	[tilespmem:s19+$0xFFFFF880] =	vst v35;
	vm0 =	vle.f32 v31, $5.000000000e+00  }
0x107: {  	v47 =	vld [tilespmem:s20+$0xFFFFF880];
	v49 =	vnsel vm0, $0x0, v37;
	vm0 =	vnez.u8 v28  }
0x108: {  	[tilespmem:s19+$0xFFFFFD80] =	vst v4;
	v4 =	vld [tilespmem:$0x1FF40];
	v28 =	vnsel vm0, $0x0, v23  }
0x109: {  	v41 =	vnsel vm9, $0x0, v23;
	[tilespmem:s19+$0xFFFFFD00] =	vst v2;
	v2 =	vadd.f32 v28, v27;
	v28 =	vld [tilespmem:$0x1FF50]  }
0x10a: {  	v21 =	vadd.f32 v41, v21;
	v31 =	vadd.f32 v43, v31  }
0x10b: {  	v29 =	vnsel vm1, $0x0, v23;
	[tilespmem:s19+$0xFFFFFE00] =	vst v24;
	v24 =	vld [tilespmem:$0x1FF60]  }
0x10c: {  	[tilespmem:s19+$0xFFFFFC00] =	vst v21;
	v21 =	vadd.f32 v29, v26;
	vm0 =	vle.f32 v31, $5.000000000e+00  }
0x10d: {  	[tilespmem:s19+$0xFFFFF900] =	vst v33;
	v29 =	vadd.f32 v47, v31;
	v50 =	vnsel vm0, $0x0, v43;
	vm0 =	vnez.u8 v4  }
0x10e: {  	v48 =	vld [tilespmem:s20+$0xFFFFF900];
	v4 =	vnsel vm0, $0x0, v23;
	vm0 =	vnez.u8 v28  }
0x10f: {  	[tilespmem:s19+$0xFFFFF980] =	vst v34;
	v28 =	vnsel vm0, $0x0, v23;
	vm0 =	vle.f32 v29, $5.000000000e+00  }
0x110: {  	v26 =	vld [tilespmem:s20+$0xFFFFF980];
	v51 =	vnsel vm0, $0x0, v47;
	vm0 =	vnez.u8 v24  }
0x111: {  	[tilespmem:s19+$0xFFFFFF80] =	vst v21;
	v21 =	vld [tilespmem:$0x1FF70];
	v24 =	vnsel vm0, $0x0, v23  }
0x112: {  	[tilespmem:s19+$0xFFFFFF00] =	vst v6;
	v6 =	vadd.f32 v24, v19;
	v24 =	vld [tilespmem:$0x1FF80]  }
0x113: {  	v27 =	vld [tilespmem:s20+$0xFFFFFA00];
	v29 =	vadd.f32 v48, v29  }
0x114: {  	v4 =	vadd.f32 v4, v20;
	[tilespmem:s19+$0x80] =	vst v2;
	v2 =	vld [tilespmem:$0x1FF90]  }
0x115: {  	[tilespmem:s19+$0xFFFFFE80] =	vst v5;
	v5 =	vadd.f32 v28, v25;
	vm0 =	vle.f32 v29, $5.000000000e+00  }
0x116: {  	[tilespmem:s19+$0x100] =	vst v4;
	v4 =	vld [tilespmem:$0x1FFA0];
	v25 =	vadd.f32 v26, v29;
	v52 =	vnsel vm0, $0x0, v48;
	vm0 =	vnez.u8 v21  }
0x117: {  	[tilespmem:s19+$0x180] =	vst v5;
	v5 =	vld [tilespmem:$0x1FFB0];
	v21 =	vnsel vm0, $0x0, v23;
	vm0 =	vnez.u8 v24  }
0x118: {  	v24 =	vnsel vm0, $0x0, v23;
	vm0 =	vle.f32 v25, $5.000000000e+00;
	v25 =	vadd.f32 v27, v25  }
0x119: {  	v53 =	vnsel vm0, $0x0, v26;
	vm0 =	vnez.u8 v2  }
0x11a: {  	v2 =	vnsel vm0, $0x0, v23;
	vm0 =	vle.f32 v25, $5.000000000e+00  }
0x11b: {  	v20 =	vld [tilespmem:s20+$0xFFFFFA80];
	v8 =	vadd.f32 v2, v8;
	v2 =	vnsel vm0, $0x0, v27;
	vm0 =	vnez.u8 v4  }
0x11c: {  	v11 =	vadd.f32 v21, v11;
	v4 =	vnsel vm0, $0x0, v23;
	vm0 =	vnez.u8 v5  }
0x11d: {  	v19 =	vld [tilespmem:s20+$0xFFFFFB00];
	v5 =	vnsel vm0, $0x0, v23  }
0x11e: {  	[tilespmem:s19+$0x280] =	vst v11;
	v11 =	vadd.f32 v5, v15;
	v5 =	vld [tilespmem:$0x1FFC0];
	_ =	sdelay $0x1  }
0x11f: {  	[tilespmem:s19+$0x0] =	vst v22;
	v22 =	vadd.f32 v20, v25;
	_ =	sdelay $0x1  }
0x120: {  	v7 =	vadd.f32 v24, v7;
	vm0 =	vle.f32 v22, $5.000000000e+00;
	v22 =	vadd.f32 v19, v22  }
0x121: {  	[tilespmem:s19+$0x200] =	vst v6;
	v6 =	vadd.f32 v4, v9;
	v4 =	vnsel vm0, $0x0, v20;
	vm0 =	vnez.u8 v5  }
0x122: {  	[tilespmem:s19+$0x380] =	vst v8;
	v8 =	vld [tilespmem:$0x1FFD0];
	v5 =	vnsel vm0, $0x0, v23;
	vm0 =	vle.f32 v22, $5.000000000e+00  }
0x123: {  	[tilespmem:s19+$0x300] =	vst v7;
	v7 =	vadd.f32 v5, v16;
	v5 =	vnsel vm0, $0x0, v19;
	v19 =	vld [tilespmem:$0x1FFE0];
	_ =	sdelay $0x3  }
0x124: {  	v21 =	vld [tilespmem:s20+$0xFFFFFB80];
	vm0 =	vnez.u8 v8  }
0x125: {  	v8 =	vnsel vm0, $0x0, v23;
	vm0 =	vnez.u8 v19  }
0x126: {  	v24 =	vld [tilespmem:s20+$0xFFFFFC00];
	v19 =	vnsel vm0, $0x0, v23  }
0x127: {  	[tilespmem:s19+$0x480] =	vst v11;
	v11 =	vadd.f32 v19, v12;
	v12 =	vld [tilespmem:$0x1FFF0]  }
0x128: {  	v9 =	vld [tilespmem:s20+$0xFFFFFC80]  }
0x129: {  	v15 =	vadd.f32 v21, v22  }
0x12a: {  	v16 =	vld [tilespmem:s20+$0xFFFFFD00];
	v8 =	vadd.f32 v8, v10  }
0x12b: {  	[tilespmem:s19+$0x400] =	vst v6;
	vm0 =	vle.f32 v15, $5.000000000e+00;
	v15 =	vadd.f32 v24, v15  }
0x12c: {  	v10 =	vld [tilespmem:s20+$0xFFFFFD80];
	[tilespmem:s19+$0x580] =	vst v8;
	v8 =	vnsel vm14, $0x0, v23;
	v6 =	vnsel vm0, $0x0, v21;
	vm0 =	vnez.u8 v12  }
0x12d: {  	v12 =	vnsel vm0, $0x0, v23;
	vm0 =	vle.f32 v15, $5.000000000e+00;
	v15 =	vadd.f32 v9, v15  }
0x12e: {  	[tilespmem:s19+$0x500] =	vst v7;
	v8 =	vadd.f32 v8, v13;
	v7 =	vadd.f32 v12, v17;
	v12 =	vld [tilespmem:s20+$0xFFFFFE00]  }
0x12f: {  	v21 =	vnsel vm0, $0x0, v24;
	vm0 =	vle.f32 v15, $5.000000000e+00;
	v15 =	vadd.f32 v16, v15  }
0x130: {  	[tilespmem:s19+$0x600] =	vst v11;
	v11 =	vnsel vm13, $0x0, v23;
	v17 =	vnsel vm15, $0x0, v23;
	v22 =	vnsel vm0, $0x0, v9;
	v9 =	vld [tilespmem:s20+$0xFFFFFE80]  }
0x131: {  	[tilespmem:s19+$0x680] =	vst v7;
	v7 =	vadd.f32 v17, v14;
	vm0 =	vle.f32 v15, $5.000000000e+00;
	v13 =	vadd.f32 v10, v15  }
0x132: {  	[tilespmem:s19+$0x700] =	vst v8;
	v8 =	vadd.f32 v11, v18;
	v11 =	vld [tilespmem:s20+$0xFFFFFF00];
	v24 =	vnsel vm0, $0x0, v16  }
0x133: {  	[tilespmem:s19+$0x780] =	vst v7;
	v7 =	vnsel vm12, $0x0, v23;
	vm0 =	vle.f32 v13, $5.000000000e+00;
	v13 =	vadd.f32 v12, v13  }
0x134: {  	v3 =	vadd.f32 v7, v3;
	v7 =	vld [tilespmem:s20+$0xFFFFFF80]  }
0x135: {  	[tilespmem:s19+$0x800] =	vst v8;
	v8 =	vadd.f32 v9, v13  }
0x136: {  	v29 =	vnsel vm0, $0x0, v10;
	vm0 =	vle.f32 v13, $5.000000000e+00;
	[tilespmem:s19+$0x880] =	vst v3;
	v3 =	vld [tilespmem:s20+$0x0]  }
0x137: {  	v31 =	vnsel vm0, $0x0, v12;
	vm0 =	vle.f32 v8, $5.000000000e+00;
	v8 =	vadd.f32 v11, v8  }
0x138: {  	v32 =	vnsel vm0, $0x0, v9;
	v9 =	vld [tilespmem:s20+$0x80]  }
0x139: {  	vm0 =	vle.f32 v8, $5.000000000e+00;
	v8 =	vadd.f32 v7, v8  }
0x13a: {  	v10 =	vld [tilespmem:s20+$0x100]  }
0x13b: {  	v30 =	vnsel vm0, $0x0, v11;
	vm0 =	vle.f32 v8, $5.000000000e+00;
	v8 =	vadd.f32 v3, v8  }
0x13c: {  	v26 =	vnsel vm0, $0x0, v7;
	v7 =	vld [tilespmem:s20+$0x180]  }
0x13d: {  	vm0 =	vle.f32 v8, $5.000000000e+00;
	v8 =	vadd.f32 v9, v8  }
0x13e: {  	v28 =	vnsel vm0, $0x0, v3;
	v3 =	vld [tilespmem:s20+$0x200]  }
0x13f: {  	vm0 =	vle.f32 v8, $5.000000000e+00;
	v8 =	vadd.f32 v10, v8  }
0x140: {  	v27 =	vnsel vm0, $0x0, v9;
	v9 =	vld [tilespmem:s20+$0x280]  }
0x141: {  	vm0 =	vle.f32 v8, $5.000000000e+00;
	v8 =	vadd.f32 v7, v8  }
0x142: {  	s23 =	sadd.s32 s21, s3;
	v20 =	vnsel vm0, $0x0, v10;
	v10 =	vld [tilespmem:s20+$0x300]  }
0x143: {  	v12 =	vor.u32 s23, v0;
	vm0 =	vle.f32 v8, $5.000000000e+00;
	v8 =	vadd.f32 v3, v8  }
0x144: {  	v25 =	vnsel vm0, $0x0, v7;
	v7 =	vmulhi.u32 $0x38E38E39, v12  }
0x145: {  	vm0 =	vle.f32 v8, $5.000000000e+00;
	v8 =	vadd.f32 v9, v8  }
0x146: {  	v19 =	vnsel vm0, $0x0, v3;
	v7 =	vshrl.u32 v7, $0x3  }
0x147: {  	v13 =	vld [tilespmem:s20+$0x380];
	vm0 =	vle.f32 v8, $5.000000000e+00;
	v8 =	vadd.f32 v10, v8;
	v7 =	vmul.u32 $0x24, v7;
	_ =	sdelay $0x1  }
0x148: {  	v3 =	vld [tilespmem:s20+$0x400];
	v11 =	vnsel vm0, $0x0, v9;
	vm0 =	vle.f32 v8, $5.000000000e+00;
	v54 =	vsub.s32 v12, v7  }
0x149: {  	v9 =	vimm.s32 $0x0;
	v7 =	vnsel vm0, $0x0, v10;
	vm0 =	veq.s32 v54, $0x0  }
0x14a: {  	v9 =	vsel vm0, $0xFFFFFFFF, v9  }
0x14b: {  	v8 =	vadd.f32 v13, v8;
	vm0 =	veq.s32 v54, $0x1;
	[tilespmem:$0x1FEA0] =	vst v9;
	v9 =	vimm.s32 $0x0  }
0x14c: {  	vm1 =	veq.s32 v54, $0x2;
	v9 =	vsel vm0, $0xFFFFFFFF, v9  }
0x14d: {  	vm0 =	vle.f32 v8, $5.000000000e+00;
	[tilespmem:$0x1FEB0] =	vst v9;
	v9 =	vadd.f32 v3, v8;
	v8 =	vimm.s32 $0x0  }
0x14e: {  	v14 =	vld [tilespmem:s20+$0x480];
	v8 =	vsel vm1, $0xFFFFFFFF, v8  }
0x14f: {  	[tilespmem:$0x1FEC0] =	vst v8;
	v8 =	vnsel vm0, $0x0, v13;
	vm0 =	veq.s32 v54, $0x3;
	v13 =	vimm.s32 $0x0  }
0x150: {  	v13 =	vsel vm0, $0xFFFFFFFF, v13  }
0x151: {  	vm0 =	veq.s32 v54, $0x4;
	[tilespmem:$0x1FED0] =	vst v13;
	v13 =	vimm.s32 $0x0  }
0x152: {  	v10 =	vld [tilespmem:s20+$0x500];
	vm1 =	vle.f32 v9, $5.000000000e+00;
	v13 =	vsel vm0, $0xFFFFFFFF, v13  }
0x153: {  	vm0 =	veq.s32 v54, $0x5;
	[tilespmem:$0x1FEE0] =	vst v13;
	v13 =	vadd.f32 v14, v9;
	v9 =	vimm.s32 $0x0  }
0x154: {  	v15 =	vimm.s32 $0x0;
	v12 =	vld [tilespmem:s20+$0x580];
	v9 =	vsel vm0, $0xFFFFFFFF, v9;
	vm0 =	veq.s32 v54, $0x6  }
0x155: {  	[tilespmem:$0x1FEF0] =	vst v9;
	v15 =	vsel vm0, $0xFFFFFFFF, v15  }
0x156: {  	v9 =	vnsel vm1, $0x0, v3;
	v3 =	vld [tilespmem:s20+$0x600];
	vm0 =	veq.s32 v54, $0x7;
	[tilespmem:$0x1FF00] =	vst v15;
	v15 =	vimm.s32 $0x0  }
0x157: {  	vm1 =	vle.f32 v13, $5.000000000e+00;
	v13 =	vadd.f32 v10, v13;
	v15 =	vsel vm0, $0xFFFFFFFF, v15  }
0x158: {  	[tilespmem:$0x1FF10] =	vst v15;
	v15 =	vnsel vm1, $0x0, v14;
	v14 =	vld [tilespmem:s20+$0x680]  }
0x159: {  	vm1 =	vle.f32 v13, $5.000000000e+00;
	v13 =	vadd.f32 v12, v13;
	_ =	sdelay $0x1  }
0x15a: {  	v16 =	vnsel vm1, $0x0, v10;
	vm1 =	vle.f32 v13, $5.000000000e+00;
	v13 =	vadd.f32 v3, v13  }
0x15b: {  	v17 =	vimm.s32 $0x0;
	vm0 =	veq.s32 v54, $0x13  }
0x15c: {  	v18 =	vld [tilespmem:s20+$0x700];
	v17 =	vsel vm0, $0xFFFFFFFF, v17;
	vm2 =	vle.f32 v13, $5.000000000e+00;
	v13 =	vadd.f32 v14, v13  }
0x15d: {  	vm12 =	veq.s32 v54, $0x14;
	[tilespmem:$0x1FF20] =	vst v17;
	v17 =	vimm.s32 $0x0  }
0x15e: {  	v23 =	vld [tilespmem:s20+$0x780];
	v17 =	vsel vm12, $0xFFFFFFFF, v17;
	vm0 =	vle.f32 v13, $5.000000000e+00  }
0x15f: {  	[tilespmem:$0x1FF40] =	vst v17;
	v17 =	vnsel vm0, $0x0, v14;
	vm0 =	veq.s32 v54, $0x15;
	v14 =	vimm.s32 $0x0  }
0x160: {  	v14 =	vsel vm0, $0xFFFFFFFF, v14  }
0x161: {  	v13 =	vadd.f32 v18, v13;
	vm0 =	veq.s32 v54, $0x16;
	[tilespmem:$0x1FF50] =	vst v14;
	v14 =	vimm.s32 $0x0  }
0x162: {  	vm12 =	veq.s32 v54, $0x17;
	v14 =	vsel vm0, $0xFFFFFFFF, v14  }
0x163: {  	vm0 =	vle.f32 v13, $5.000000000e+00;
	[tilespmem:$0x1FF60] =	vst v14;
	v14 =	vadd.f32 v23, v13;
	v13 =	vimm.s32 $0x0  }
0x164: {  	v10 =	vnsel vm1, $0x0, v12;
	v12 =	vnsel vm2, $0x0, v3;
	v3 =	vld [tilespmem:s20+$0x800];
	v13 =	vsel vm12, $0xFFFFFFFF, v13  }
0x165: {  	[tilespmem:$0x1FF70] =	vst v13;
	v13 =	vnsel vm0, $0x0, v18;
	vm0 =	veq.s32 v54, $0x18;
	v18 =	vimm.s32 $0x0  }
0x166: {  	v18 =	vsel vm0, $0xFFFFFFFF, v18  }
0x167: {  	vm0 =	veq.s32 v54, $0x19;
	[tilespmem:$0x1FF80] =	vst v18;
	v18 =	vimm.s32 $0x0  }
0x168: {  	vm12 =	veq.s32 v54, $0x1A;
	v18 =	vsel vm0, $0xFFFFFFFF, v18  }
0x169: {  	vm0 =	vle.f32 v14, $5.000000000e+00;
	[tilespmem:$0x1FF90] =	vst v18;
	v18 =	vadd.f32 v3, v14;
	v14 =	vimm.s32 $0x0  }
0x16a: {  	v55 =	vld [tilespmem:s20+$0x880];
	v14 =	vsel vm12, $0xFFFFFFFF, v14  }
0x16b: {  	[tilespmem:$0x1FFA0] =	vst v14;
	v14 =	vnsel vm0, $0x0, v23;
	vm0 =	veq.s32 v54, $0x1B;
	v23 =	vimm.s32 $0x0  }
0x16c: {  	v23 =	vsel vm0, $0xFFFFFFFF, v23  }
0x16d: {  	vm0 =	veq.s32 v54, $0x1C;
	[tilespmem:$0x1FFB0] =	vst v23;
	v23 =	vimm.s32 $0x0  }
0x16e: {  	vm12 =	veq.s32 v54, $0x1D;
	v23 =	vsel vm0, $0xFFFFFFFF, v23  }
0x16f: {  	vm0 =	vle.f32 v18, $5.000000000e+00;
	[tilespmem:$0x1FFC0] =	vst v23;
	v23 =	vadd.f32 v55, v18;
	v18 =	vimm.s32 $0x0  }
0x170: {  	v18 =	vsel vm12, $0xFFFFFFFF, v18  }
0x171: {  	v56 =	vld [tilespmem:$0x1FEA0];
	[tilespmem:$0x1FFD0] =	vst v18;
	v18 =	vnsel vm0, $0x0, v3;
	vm0 =	veq.s32 v54, $0x1E;
	v3 =	vimm.s32 $0x0  }
0x172: {  	v3 =	vsel vm0, $0xFFFFFFFF, v3  }
0x173: {  	vm0 =	veq.s32 v54, $0x1F;
	[tilespmem:$0x1FFE0] =	vst v3;
	v3 =	vimm.s32 $0x0  }
0x174: {  	v3 =	vsel vm0, $0xFFFFFFFF, v3;
	vm0 =	vle.f32 v23, $5.000000000e+00;
	v23 =	vsub.f32 $5.000000000e+00, v23  }
0x175: {  	[tilespmem:$0x1FFF0] =	vst v3;
	v3 =	vnsel vm0, $0x0, v55;
	vm0 =	vle.f32 v1, $5.000000000e+00  }
0x176: {  	v57 =	vld [tilespmem:$0x1FEB0];
	v23 =	vmax.f32 v23, $0.0e+00;
	v1 =	vnsel vm0, $0x0, v1;
	vm0 =	vnez.u8 v56  }
0x177: {  	vm10 =	veq.s32 v54, $0x8;
	vm11 =	veq.s32 v54, $0x9;
	v58 =	vld [tilespmem:$0x1FEC0];
	v38 =	vnsel vm0, $0x0, v23  }
0x178: {  	vm9 =	veq.s32 v54, $0xA;
	vm8 =	veq.s32 v54, $0xB;
	v59 =	vld [tilespmem:$0x1FED0];
	v1 =	vadd.f32 v38, v1  }
0x179: {  	s19 =	smov.u32 s20;
	vm5 =	veq.s32 v54, $0xC;
	vm4 =	veq.s32 v54, $0xD;
	vm6 =	veq.s32 v54, $0xE;
	v60 =	vld [tilespmem:$0x1FEE0]  }
0x17a: {  	vm7 =	veq.s32 v54, $0xF;
	vm3 =	veq.s32 v54, $0x10;
	vm14 =	veq.s32 v54, $0x20;
	[tilespmem:s19+$0xFFFFF700] =	vst v1;
	v1 =	vld [tilespmem:$0x1FEF0]  }
0x17b: {  	vm15 =	veq.s32 v54, $0x21;
	vm13 =	veq.s32 v54, $0x22;
	v62 =	vld [tilespmem:$0x1FF00];
	vm0 =	vnez.u8 v57  }
0x17c: {  	v63 =	vld [tilespmem:$0x1FF10];
	vm1 =	veq.s32 v54, $0x11;
	v39 =	vnsel vm0, $0x0, v23;
	vm0 =	vnez.u8 v58  }
0x17d: {  	p1 =	sne.s32 s22, $0x70;
	vm2 =	veq.s32 v54, $0x12;
	v33 =	vnsel vm0, $0x0, v23;
	vm0 =	vnez.u8 v59  }
.Ltmp2:
0x17e: {  	v38 =	vadd.f32 v33, v50;
	v33 =	vnsel vm0, $0x0, v23;
	vm0 =	vnez.u8 v60;
	(pc) =	sbr.rel @p1 .LBB2_2-.Ltmp2, $4  }
0x17f: {  	v39 =	vadd.f32 v39, v49;
	v34 =	vnsel vm0, $0x0, v23;
	vm0 =	vnez.u8 v1  }
0x180: {  	vm12 =	veq.s32 v54, $0x23;
	v61 =	vnsel vm0, $0x0, v23;
	vm0 =	vnez.u8 v62  }
0x181: {  	s20 =	sadd.s32 $0x10, s20;
	v35 =	vadd.f32 v33, v51;
	[tilespmem:s19+$0xFFFFF780] =	vst v39;
	v39 =	vnsel vm0, $0x0, v23;
	vm0 =	vnez.u8 v63  }
0x182: {  	s21 =	smov.u32 s22;
	s22 =	sadd.s32 $0x10, s22;
	v33 =	vadd.f32 v34, v52;
	v1 =	vld [tilespmem:s20+$0xFFFFF700];
	v34 =	vadd.f32 v61, v53;
	v36 =	vnsel vm0, $0x0, v23  }
0x183: {  	_ = 	snop  }
0x184: {  	v37 =	vld [tilespmem:s20+$0xFFFFF780]  }
0x185: {  	[tilespmem:s19+$0xFFFFF800] =	vst v38  }
0x186: {  	v38 =	vld [tilespmem:s20+$0xFFFFF800]  }
0x187: {  	[tilespmem:s19+$0xFFFFF880] =	vst v35;
	v49 =	vadd.f32 $0.0e+00, v1  }
0x188: {  	v40 =	vld [tilespmem:s20+$0xFFFFF880]  }
0x189: {  	[tilespmem:s19+$0xFFFFF900] =	vst v33;
	v33 =	vadd.f32 v37, v49  }
0x18a: {  	v35 =	vld [tilespmem:s20+$0xFFFFF900]  }
0x18b: {  	v2 =	vadd.f32 v39, v2;
	[tilespmem:s19+$0xFFFFF980] =	vst v34;
	v34 =	vadd.f32 v38, v33  }
0x18c: {  	v39 =	vld [tilespmem:s20+$0xFFFFF980]  }
0x18d: {  	v4 =	vadd.f32 v36, v4;
	[tilespmem:s19+$0xFFFFFA00] =	vst v2;
	v2 =	vadd.f32 v40, v34  }
0x18e: {  	v50 =	vnsel vm10, $0x0, v23;
	v41 =	vld [tilespmem:s20+$0xFFFFFA00]  }
0x18f: {  	v51 =	vnsel vm11, $0x0, v23;
	v5 =	vadd.f32 v50, v5;
	[tilespmem:s19+$0xFFFFFA80] =	vst v4;
	v36 =	vadd.f32 v35, v2  }
0x190: {  	v4 =	vadd.f32 v51, v6;
	v42 =	vld [tilespmem:s20+$0xFFFFFA80]  }
0x191: {  	v53 =	vnsel vm8, $0x0, v23;
	[tilespmem:s19+$0xFFFFFB00] =	vst v5;
	v43 =	vadd.f32 v39, v36  }
0x192: {  	v52 =	vnsel vm9, $0x0, v23;
	v44 =	vld [tilespmem:s20+$0xFFFFFB00];
	[tilespmem:s19+$0xFFFFFB80] =	vst v4;
	v4 =	vadd.f32 v53, v22  }
0x193: {  	v55 =	vnsel vm4, $0x0, v23;
	v61 =	vld [tilespmem:$0x1FF20];
	v5 =	vadd.f32 v52, v21;
	v21 =	vadd.f32 v41, v43  }
0x194: {  	v54 =	vnsel vm5, $0x0, v23;
	v45 =	vld [tilespmem:s20+$0xFFFFFB80];
	[tilespmem:s19+$0xFFFFFC80] =	vst v4;
	v4 =	vadd.f32 v55, v29  }
0x195: {  	v57 =	vnsel vm7, $0x0, v23;
	v62 =	vld [tilespmem:$0x1FF40];
	[tilespmem:s19+$0xFFFFFC00] =	vst v5;
	v5 =	vadd.f32 v54, v24;
	v22 =	vadd.f32 v42, v21  }
0x196: {  	v56 =	vnsel vm6, $0x0, v23;
	v46 =	vld [tilespmem:s20+$0xFFFFFC00];
	[tilespmem:s19+$0xFFFFFD80] =	vst v4;
	v4 =	vadd.f32 v57, v32  }
0x197: {  	v59 =	vnsel vm1, $0x0, v23;
	v63 =	vld [tilespmem:$0x1FF50];
	[tilespmem:s19+$0xFFFFFD00] =	vst v5;
	v5 =	vadd.f32 v56, v31;
	v24 =	vadd.f32 v44, v22  }
0x198: {  	v47 =	vld [tilespmem:s20+$0xFFFFFC80];
	[tilespmem:s19+$0xFFFFFE80] =	vst v4;
	v4 =	vadd.f32 v59, v26  }
0x199: {  	v58 =	vnsel vm3, $0x0, v23;
	vm0 =	vnez.u8 v61;
	v48 =	vld [tilespmem:s20+$0xFFFFFD00];
	[tilespmem:s19+$0xFFFFFE00] =	vst v5;
	v29 =	vadd.f32 v45, v24  }
0x19a: {  	v49 =	vld [tilespmem:s20+$0xFFFFFD80];
	v5 =	vadd.f32 v58, v30;
	[tilespmem:s19+$0xFFFFFF80] =	vst v4;
	v4 =	vnsel vm0, $0x0, v23  }
0x19b: {  	v58 =	vld [tilespmem:$0x1FFA0];
	v4 =	vadd.f32 v4, v27;
	v31 =	vadd.f32 v46, v29  }
0x19c: {  	v60 =	vnsel vm2, $0x0, v23;
	vm7 =	vnez.u8 v63;
	v50 =	vld [tilespmem:s20+$0xFFFFFE00]  }
0x19d: {  	vm8 =	vle.f32 v33, $5.000000000e+00;
	v59 =	vld [tilespmem:$0x1FFB0];
	[tilespmem:s19+$0x80] =	vst v4;
	v4 =	vnsel vm7, $0x0, v23;
	v32 =	vadd.f32 v47, v31  }
0x19e: {  	[tilespmem:s19+$0xFFFFFF00] =	vst v5;
	v5 =	vadd.f32 v60, v28;
	v28 =	vadd.f32 v4, v25;
	v4 =	vnsel vm8, $0x0, v37;
	v37 =	vld [tilespmem:$0x1FF60]  }
0x19f: {  	v51 =	vld [tilespmem:s20+$0xFFFFFE80];
	v30 =	vadd.f32 v48, v32  }
0x1a0: {  	vm6 =	vnez.u8 v62;
	v52 =	vld [tilespmem:s20+$0xFFFFFF00]  }
0x1a1: {  	v54 =	vld [tilespmem:s20+$0xFFFFFF80];
	[tilespmem:s19+$0x0] =	vst v5;
	v5 =	vnsel vm6, $0x0, v23;
	v26 =	vadd.f32 v49, v30  }
0x1a2: {  	v5 =	vadd.f32 v5, v20;
	vm7 =	vle.f32 v43, $5.000000000e+00;
	v43 =	vld [tilespmem:$0x1FF90]  }
0x1a3: {  	vm9 =	vle.f32 v34, $5.000000000e+00;
	v55 =	vld [tilespmem:s20+$0x0];
	vm10 =	vnez.u8 v37;
	v53 =	vadd.f32 v50, v26  }
0x1a4: {  	vm11 =	vle.f32 v2, $5.000000000e+00;
	[tilespmem:s19+$0x100] =	vst v5;
	v5 =	vnsel vm10, $0x0, v23;
	vm10 =	vnez.u8 v58;
	v58 =	vld [tilespmem:$0x1FFE0]  }
0x1a5: {  	v2 =	vadd.f32 v5, v19;
	v19 =	vnsel vm9, $0x0, v38;
	v38 =	vld [tilespmem:$0x1FF70];
	v27 =	vadd.f32 v51, v53  }
0x1a6: {  	vm5 =	vle.f32 v36, $5.000000000e+00;
	vm8 =	vle.f32 v21, $5.000000000e+00;
	v5 =	vnsel vm11, $0x0, v40;
	v40 =	vld [tilespmem:$0x1FF80]  }
0x1a7: {  	[tilespmem:s19+$0x180] =	vst v28;
	vm9 =	vnez.u8 v43;
	v28 =	vnsel vm10, $0x0, v23;
	v20 =	vadd.f32 v52, v27  }
0x1a8: {  	v56 =	vld [tilespmem:s20+$0x80];
	vm11 =	vnez.u8 v59;
	v57 =	vnsel vm9, $0x0, v23;
	v61 =	vadd.f32 v28, v9  }
0x1a9: {  	v62 =	vld [tilespmem:$0x1FFC0];
	v60 =	vnsel vm11, $0x0, v23;
	v21 =	vadd.f32 v57, v8;
	v33 =	vadd.f32 v54, v20  }
0x1aa: {  	v34 =	vld [tilespmem:s20+$0x100];
	[tilespmem:s19+$0x400] =	vst v61;
	vm11 =	vle.f32 v31, $5.000000000e+00;
	v61 =	vnsel vm15, $0x0, v23;
	vm9 =	vnez.u8 v58  }
0x1ab: {  	vm4 =	vnez.u8 v38;
	vm6 =	vnez.u8 v40;
	v37 =	vadd.f32 v55, v33  }
0x1ac: {  	v38 =	vld [tilespmem:s20+$0x180];
	v59 =	vnsel vm9, $0x0, v23;
	v6 =	vnsel vm4, $0x0, v23;
	v25 =	vnsel vm6, $0x0, v23  }
0x1ad: {  	[tilespmem:s19+$0x200] =	vst v2;
	vm4 =	vle.f32 v22, $5.000000000e+00;
	v11 =	vadd.f32 v6, v11;
	v2 =	vadd.f32 v56, v37  }
0x1ae: {  	vm6 =	vnez.u8 v62;
	v12 =	vadd.f32 v59, v12;
	v6 =	vnsel vm5, $0x0, v35;
	v35 =	vld [tilespmem:s20+$0x200]  }
0x1af: {  	v25 =	vadd.f32 v25, v7;
	v7 =	vnsel vm8, $0x0, v41;
	[tilespmem:s19+$0x280] =	vst v11;
	v36 =	vadd.f32 v34, v2  }
0x1b0: {  	v8 =	vnsel vm4, $0x0, v42;
	vm5 =	vle.f32 v24, $5.000000000e+00;
	v11 =	vnsel vm7, $0x0, v39;
	v39 =	vld [tilespmem:s20+$0x280]  }
0x1b1: {  	v63 =	vnsel vm6, $0x0, v23;
	v9 =	vnsel vm5, $0x0, v44;
	v44 =	vld [tilespmem:$0x1FFD0];
	[tilespmem:s19+$0x300] =	vst v25;
	v40 =	vadd.f32 v38, v36  }
0x1b2: {  	[tilespmem:s19+$0x380] =	vst v21;
	vm8 =	vle.f32 v29, $5.000000000e+00;
	vm15 =	vle.f32 v30, $5.000000000e+00;
	v21 =	vadd.f32 v63, v16;
	v41 =	vld [tilespmem:s20+$0x300]  }
0x1b3: {  	v62 =	vld [tilespmem:$0x1FFF0];
	v16 =	vnsel vm11, $0x0, v46;
	v28 =	vnsel vm15, $0x0, v48;
	v24 =	vadd.f32 v35, v40  }
0x1b4: {  	v42 =	vld [tilespmem:s20+$0x380];
	v25 =	vadd.f32 v60, v15;
	v15 =	vnsel vm8, $0x0, v45;
	v60 =	vnsel vm14, $0x0, v23  }
0x1b5: {  	vm14 =	vle.f32 v32, $5.000000000e+00;
	vm4 =	vle.f32 v26, $5.000000000e+00;
	v43 =	vadd.f32 v39, v24  }
0x1b6: {  	v26 =	vnsel vm12, $0x0, v23;
	v13 =	vadd.f32 v60, v13;
	vm7 =	vnez.u8 v44;
	v44 =	vld [tilespmem:s20+$0x400]  }
0x1b7: {  	v29 =	vnsel vm4, $0x0, v49;
	v3 =	vadd.f32 v26, v3;
	[tilespmem:s19+$0x480] =	vst v25;
	v45 =	vadd.f32 v41, v43  }
0x1b8: {  	vm10 =	vnez.u8 v62;
	v62 =	vnsel vm13, $0x0, v23;
	v46 =	vld [tilespmem:s20+$0x480];
	v57 =	vnsel vm7, $0x0, v23  }
0x1b9: {  	[tilespmem:s19+$0x500] =	vst v21;
	v63 =	vnsel vm10, $0x0, v23;
	v10 =	vadd.f32 v57, v10;
	v57 =	vadd.f32 v42, v45  }
0x1ba: {  	v58 =	vld [tilespmem:s20+$0x500];
	v25 =	vnsel vm14, $0x0, v47;
	v18 =	vadd.f32 v62, v18;
	v17 =	vadd.f32 v63, v17  }
0x1bb: {  	s21 =	sadd.s32 s21, s3;
	vm5 =	vle.f32 v53, $5.000000000e+00;
	v63 =	vadd.f32 v61, v14;
	[tilespmem:s19+$0x580] =	vst v10;
	v14 =	vadd.f32 v44, v57  }
0x1bc: {  	v30 =	vnsel vm5, $0x0, v50;
	v62 =	vor.u32 s21, v0;
	vm6 =	vle.f32 v27, $5.000000000e+00;
	v47 =	vld [tilespmem:s20+$0x580]  }
0x1bd: {  	[tilespmem:s19+$0x600] =	vst v12;
	v31 =	vnsel vm6, $0x0, v51;
	vm7 =	vle.f32 v20, $5.000000000e+00;
	v12 =	vadd.f32 v46, v14  }
0x1be: {  	v48 =	vld [tilespmem:s20+$0x600];
	v32 =	vnsel vm7, $0x0, v52;
	vm10 =	vle.f32 v2, $5.000000000e+00;
	v2 =	vmulhi.u32 $0x38E38E39, v62  }
0x1bf: {  	[tilespmem:s19+$0x680] =	vst v17;
	vm8 =	vle.f32 v33, $5.000000000e+00;
	vm9 =	vle.f32 v37, $5.000000000e+00;
	v53 =	vadd.f32 v58, v12  }
0x1c0: {  	[tilespmem:s19+$0x880] =	vst v3;
	v49 =	vld [tilespmem:s20+$0x680];
	v33 =	vnsel vm8, $0x0, v54;
	v21 =	vnsel vm9, $0x0, v55;
	v3 =	vshrl.u32 v2, $0x3  }
0x1c1: {  	[tilespmem:s19+$0x700] =	vst v13;
	vm11 =	vle.f32 v36, $5.000000000e+00;
	v3 =	vmul.u32 $0x24, v3;
	v13 =	vadd.f32 v47, v53  }
0x1c2: {  	v59 =	vld [tilespmem:s20+$0x700];
	v26 =	vnsel vm10, $0x0, v56;
	v20 =	vnsel vm11, $0x0, v34;
	vm12 =	vle.f32 v40, $5.000000000e+00  }
0x1c3: {  	[tilespmem:s19+$0x780] =	vst v63;
	v3 =	vsub.s32 v62, v3;
	vm13 =	vle.f32 v24, $5.000000000e+00;
	v60 =	vadd.f32 v48, v13  }
0x1c4: {  	v61 =	vld [tilespmem:s20+$0x780];
	v22 =	vnsel vm12, $0x0, v38;
	vm12 =	veq.s32 v3, $0x0;
	v35 =	vnsel vm13, $0x0, v35  }
0x1c5: {  	[tilespmem:s19+$0x800] =	vst v18;
	vm13 =	vle.f32 v1, $5.000000000e+00;
	vm14 =	vle.f32 v43, $5.000000000e+00;
	v63 =	vadd.f32 v49, v60  }
0x1c6: {  	v50 =	vld [tilespmem:s20+$0x800];
	v55 =	vnsel vm13, $0x0, v1;
	vm13 =	veq.s32 v3, $0xA;
	v39 =	vnsel vm14, $0x0, v39  }
0x1c7: {  	vm14 =	veq.s32 v3, $0x1;
	vm15 =	vle.f32 v45, $5.000000000e+00;
	v51 =	vadd.f32 v59, v63  }
0x1c8: {  	v2 =	vld [tilespmem:s20+$0x880];
	v34 =	vnsel vm15, $0x0, v41;
	vm15 =	veq.s32 v3, $0x2;
	vm4 =	vle.f32 v57, $5.000000000e+00  }
0x1c9: {  	vm5 =	vle.f32 v14, $5.000000000e+00;
	vm6 =	vle.f32 v12, $5.000000000e+00;
	v52 =	vadd.f32 v61, v51  }
0x1ca: {  	v27 =	vnsel vm4, $0x0, v42;
	v23 =	vnsel vm5, $0x0, v44;
	v24 =	vnsel vm6, $0x0, v46  }
0x1cb: {  	vm6 =	veq.s32 v3, $0x3;
	vm7 =	vle.f32 v53, $5.000000000e+00;
	v53 =	vadd.f32 v50, v52  }
0x1cc: {  	v14 =	vnsel vm7, $0x0, v58;
	vm7 =	veq.s32 v3, $0x4;
	vm8 =	vle.f32 v13, $5.000000000e+00  }
0x1cd: {  	v17 =	vnsel vm8, $0x0, v47;
	vm9 =	vle.f32 v60, $5.000000000e+00;
	v18 =	vadd.f32 v2, v53  }
0x1ce: {  	vm8 =	veq.s32 v3, $0x5;
	v13 =	vnsel vm9, $0x0, v48;
	vm9 =	veq.s32 v3, $0x6  }
0x1cf: {  	vm10 =	vle.f32 v63, $5.000000000e+00;
	vm11 =	vle.f32 v51, $5.000000000e+00;
	v54 =	vsub.f32 $5.000000000e+00, v18  }
0x1d0: {  	v12 =	vnsel vm10, $0x0, v49;
	vm10 =	veq.s32 v3, $0x7;
	v10 =	vnsel vm11, $0x0, v59  }
0x1d1: {  	vm11 =	veq.s32 v3, $0x8;
	vm4 =	vle.f32 v52, $5.000000000e+00;
	v1 =	vmax.f32 v54, $0.0e+00  }
0x1d2: {  	vm5 =	vle.f32 v53, $5.000000000e+00;
	v38 =	vnsel vm12, $0x0, v1;
	v56 =	vnsel vm14, $0x0, v1  }
0x1d3: {  	v57 =	vnsel vm15, $0x0, v1;
	v59 =	vnsel vm6, $0x0, v1;
	v60 =	vnsel vm7, $0x0, v1  }
0x1d4: {  	v62 =	vnsel vm9, $0x0, v1;
	v63 =	vnsel vm10, $0x0, v1;
	vm12 =	veq.s32 v3, $0x9  }
0x1d5: {  	v36 =	vnsel vm11, $0x0, v1;
	vm14 =	veq.s32 v3, $0xB;
	vm15 =	veq.s32 v3, $0xC  }
0x1d6: {  	vm6 =	veq.s32 v3, $0xF;
	vm7 =	veq.s32 v3, $0x10;
	vm9 =	veq.s32 v3, $0x12  }
0x1d7: {  	vm10 =	veq.s32 v3, $0x13;
	vm11 =	veq.s32 v3, $0x14;
	v37 =	vadd.f32 v38, v55  }
0x1d8: {  	v58 =	vadd.f32 v56, v4;
	v38 =	vadd.f32 v57, v19;
	v19 =	vnsel vm4, $0x0, v61  }
0x1d9: {  	v4 =	vnsel vm5, $0x0, v50;
	v5 =	vadd.f32 v59, v5;
	v61 =	vnsel vm8, $0x0, v1  }
0x1da: {  	v6 =	vadd.f32 v60, v6;
	v7 =	vadd.f32 v62, v7;
	v40 =	vnsel vm14, $0x0, v1  }
0x1db: {  	vm4 =	veq.s32 v3, $0xD;
	v41 =	vnsel vm15, $0x0, v1;
	vm5 =	veq.s32 v3, $0xE  }
0x1dc: {  	v44 =	vnsel vm6, $0x0, v1;
	vm8 =	veq.s32 v3, $0x11;
	v45 =	vnsel vm7, $0x0, v1  }
0x1dd: {  	v47 =	vnsel vm9, $0x0, v1;
	v48 =	vnsel vm10, $0x0, v1;
	v49 =	vnsel vm11, $0x0, v1  }
0x1de: {  	vm14 =	veq.s32 v3, $0x17;
	vm15 =	veq.s32 v3, $0x18;
	vm6 =	veq.s32 v3, $0x1B  }
0x1df: {  	vm7 =	veq.s32 v3, $0x1C;
	vm9 =	veq.s32 v3, $0x1E;
	vm10 =	veq.s32 v3, $0x1F;
	[tilespmem:s20+$0xFFFFF700] =	vst v37  }
0x1e0: {  	vm11 =	vle.f32 v18, $5.000000000e+00;
	v11 =	vadd.f32 v61, v11;
	v42 =	vnsel vm4, $0x0, v1;
	[tilespmem:s20+$0xFFFFF780] =	vst v58  }
0x1e1: {  	v43 =	vnsel vm5, $0x0, v1;
	v46 =	vnsel vm8, $0x0, v1;
	v52 =	vnsel vm14, $0x0, v1;
	[tilespmem:s20+$0xFFFFF800] =	vst v38  }
0x1e2: {  	vm4 =	veq.s32 v3, $0x19;
	v53 =	vnsel vm15, $0x0, v1;
	vm5 =	veq.s32 v3, $0x1A;
	[tilespmem:s20+$0xFFFFF880] =	vst v5  }
0x1e3: {  	v56 =	vnsel vm6, $0x0, v1;
	vm8 =	veq.s32 v3, $0x1D;
	v57 =	vnsel vm7, $0x0, v1;
	[tilespmem:s20+$0xFFFFF900] =	vst v6  }
0x1e4: {  	v59 =	vnsel vm9, $0x0, v1;
	v60 =	vnsel vm10, $0x0, v1;
	v5 =	vadd.f32 v63, v8;
	[tilespmem:s20+$0xFFFFFA00] =	vst v7  }
0x1e5: {  	vm14 =	veq.s32 v3, $0x22;
	v37 =	vnsel vm12, $0x0, v1;
	v6 =	vadd.f32 v36, v9;
	[tilespmem:s20+$0xFFFFF980] =	vst v11  }
0x1e6: {  	vm15 =	veq.s32 v3, $0x23;
	v38 =	vnsel vm13, $0x0, v1;
	v8 =	vadd.f32 v37, v15;
	[tilespmem:s20+$0xFFFFFA80] =	vst v5  }
0x1e7: {  	v2 =	vnsel vm11, $0x0, v2;
	v63 =	vnsel vm14, $0x0, v1;
	v7 =	vadd.f32 v38, v16;
	[tilespmem:s20+$0xFFFFFB00] =	vst v6  }
0x1e8: {  	vm12 =	veq.s32 v3, $0x15;
	vm13 =	veq.s32 v3, $0x16;
	v4 =	vadd.f32 v63, v4;
	[tilespmem:s20+$0xFFFFFB80] =	vst v8  }
0x1e9: {  	v54 =	vnsel vm4, $0x0, v1;
	v55 =	vnsel vm5, $0x0, v1;
	v5 =	vadd.f32 v40, v25;
	[tilespmem:s20+$0xFFFFFC00] =	vst v7  }
0x1ea: {  	v58 =	vnsel vm8, $0x0, v1;
	v50 =	vnsel vm12, $0x0, v1;
	v6 =	vadd.f32 v41, v28;
	[tilespmem:s20+$0x800] =	vst v4  }
0x1eb: {  	v51 =	vnsel vm13, $0x0, v1;
	vm13 =	veq.s32 v3, $0x21;
	v8 =	vadd.f32 v42, v29;
	[tilespmem:s20+$0xFFFFFC80] =	vst v5  }
0x1ec: {  	vm12 =	veq.s32 v3, $0x20;
	v62 =	vnsel vm13, $0x0, v1;
	v7 =	vadd.f32 v43, v30;
	[tilespmem:s20+$0xFFFFFD00] =	vst v6  }
0x1ed: {  	v61 =	vnsel vm12, $0x0, v1;
	v1 =	vnsel vm15, $0x0, v1;
	v3 =	vadd.f32 v62, v19;
	[tilespmem:s20+$0xFFFFFD80] =	vst v8  }
0x1ee: {  	v1 =	vadd.f32 v1, v2;
	[tilespmem:s20+$0xFFFFFE00] =	vst v7  }
0x1ef: {  	v5 =	vadd.f32 v44, v31;
	[tilespmem:s20+$0x780] =	vst v3  }
0x1f0: {  	v6 =	vadd.f32 v45, v32;
	[tilespmem:s20+$0x880] =	vst v1  }
0x1f1: {  	v8 =	vadd.f32 v46, v33;
	[tilespmem:s20+$0xFFFFFE80] =	vst v5  }
0x1f2: {  	v7 =	vadd.f32 v47, v21;
	[tilespmem:s20+$0xFFFFFF00] =	vst v6  }
0x1f3: {  	v5 =	vadd.f32 v48, v26;
	[tilespmem:s20+$0xFFFFFF80] =	vst v8  }
0x1f4: {  	v6 =	vadd.f32 v49, v20;
	[tilespmem:s20+$0x0] =	vst v7  }
0x1f5: {  	v8 =	vadd.f32 v50, v22;
	[tilespmem:s20+$0x80] =	vst v5  }
0x1f6: {  	v7 =	vadd.f32 v51, v35;
	[tilespmem:s20+$0x100] =	vst v6  }
0x1f7: {  	v5 =	vadd.f32 v52, v39;
	[tilespmem:s20+$0x180] =	vst v8  }
0x1f8: {  	v6 =	vadd.f32 v53, v34;
	[tilespmem:s20+$0x200] =	vst v7  }
0x1f9: {  	v8 =	vadd.f32 v54, v27;
	[tilespmem:s20+$0x280] =	vst v5  }
0x1fa: {  	v7 =	vadd.f32 v55, v23;
	[tilespmem:s20+$0x300] =	vst v6  }
0x1fb: {  	v5 =	vadd.f32 v56, v24;
	[tilespmem:s20+$0x380] =	vst v8  }
0x1fc: {  	v6 =	vadd.f32 v57, v14;
	[tilespmem:s20+$0x400] =	vst v7  }
0x1fd: {  	v8 =	vadd.f32 v58, v17;
	[tilespmem:s20+$0x480] =	vst v5  }
0x1fe: {  	v7 =	vadd.f32 v59, v13;
	[tilespmem:s20+$0x500] =	vst v6  }
0x1ff: {  	v5 =	vadd.f32 v60, v12;
	[tilespmem:s20+$0x580] =	vst v8  }
0x200: {  	v6 =	vadd.f32 v61, v10;
	[tilespmem:s20+$0x600] =	vst v7  }
0x201: {  	[tilespmem:s20+$0x680] =	vst v5  }
0x202: {  	[tilespmem:s20+$0x700] =	vst v6  }
0x203: {  	[hbm4b:s6+s11] =	stream.strided.scatter [tilespmem:s2], [sflag:$0x1], $0x1000, s12, s11, $0x38;
	[tilespmem:$0x1400] =	vst v63  }
.Ltmp3:
0x204: {  	_ = 	snop;
	(pc) =	sbr.rel @p0 .LBB2_7-.Ltmp3, $4  }
0x205: {  	[hbm4b:s15+s2] =	stream.linear.scatter [tilespmem:s13], [sflag:$0x1], $0x200, $0x38;
	[tilespmem:$0x1400] =	vst v63  }
0x206: {  	_ =	swait.ge [sflag:s14], $0x1200  }
0x207: {  	[sflag:s14] =	ssyncset.done $0x0  }
0x208: {  	[sflag:s14] =	ssyncadd.s32 $0xFFFFEE00  }
0x209: {  	s19 =	simm.s32 $0x0  }
0x20a: {  	[tilespmem:s19], [sflag:$0x1] =	stream.strided.gather [hbm4b:s8+s11], $0x1000, s12, s11, $0x38;
	[tilespmem:$0x1400] =	vst v63  }
0x20b: {  	_ = 	snop  }
0x20c: {  	[tilespmem:s13], [sflag:$0x1] =	stream.linear.gather [hbm4b:s16+s19], $0x200, $0x38;
	[tilespmem:$0x1400] =	vst v63  }
0x20d: {  	_ =	swait.ge [sflag:s14], $0x1200  }
0x20e: {  	[sflag:s14] =	ssyncset.done $0x0  }
0x20f: {  	s19 =	simm.s32 $0x900;
	[sflag:s14] =	ssyncadd.s32 $0xFFFFEE00  }
0x210: {  	v1 =	vld [tilespmem:s19+$0xFFFFF700];
	_ =	sdelay $0x1  }
0x211: {  	v2 =	vld [tilespmem:s19+$0xFFFFF780];
	_ =	sdelay $0x1  }
0x212: {  	v3 =	vld [tilespmem:s19+$0xFFFFF800]  }
0x213: {  	v4 =	vadd.f32 $0.0e+00, v1  }
0x214: {  	v5 =	vld [tilespmem:s19+$0xFFFFF880]  }
0x215: {  	v4 =	vadd.f32 v2, v4  }
0x216: {  	v6 =	vld [tilespmem:s19+$0xFFFFF900]  }
0x217: {  	v7 =	vadd.f32 v3, v4  }
0x218: {  	v8 =	vld [tilespmem:s19+$0xFFFFF980]  }
0x219: {  	v9 =	vadd.f32 v5, v7  }
0x21a: {  	v10 =	vld [tilespmem:s19+$0xFFFFFA00]  }
0x21b: {  	v11 =	vadd.f32 v6, v9  }
0x21c: {  	v12 =	vld [tilespmem:s19+$0xFFFFFA80]  }
0x21d: {  	v13 =	vadd.f32 v8, v11  }
0x21e: {  	v14 =	vld [tilespmem:s19+$0xFFFFFB00]  }
0x21f: {  	v15 =	vadd.f32 v10, v13  }
0x220: {  	v16 =	vld [tilespmem:s19+$0xFFFFFB80]  }
0x221: {  	v17 =	vadd.f32 v12, v15  }
0x222: {  	v18 =	vld [tilespmem:s19+$0xFFFFFC00]  }
0x223: {  	v19 =	vadd.f32 v14, v17  }
0x224: {  	v20 =	vld [tilespmem:s19+$0xFFFFFC80]  }
0x225: {  	v21 =	vadd.f32 v16, v19  }
0x226: {  	v23 =	vld [tilespmem:s19+$0xFFFFFD00]  }
0x227: {  	v22 =	vadd.f32 v18, v21  }
0x228: {  	v25 =	vld [tilespmem:s19+$0xFFFFFD80]  }
0x229: {  	v24 =	vadd.f32 v20, v22  }
0x22a: {  	v26 =	vld [tilespmem:s19+$0xFFFFFE00]  }
0x22b: {  	v27 =	vadd.f32 v23, v24  }
0x22c: {  	v28 =	vld [tilespmem:s19+$0xFFFFFE80]  }
0x22d: {  	v29 =	vadd.f32 v25, v27  }
0x22e: {  	v30 =	vld [tilespmem:s19+$0xFFFFFF00]  }
0x22f: {  	v31 =	vadd.f32 v26, v29  }
0x230: {  	v38 =	vld [tilespmem:s19+$0xFFFFFF80]  }
0x231: {  	v32 =	vadd.f32 v28, v31  }
0x232: {  	v39 =	vld [tilespmem:s19+$0x0]  }
0x233: {  	v40 =	vadd.f32 v30, v32  }
0x234: {  	v41 =	vld [tilespmem:s19+$0x80]  }
0x235: {  	v51 =	vimm.s32 $0x0;
	vm0 =	vle.f32 v4, $5.000000000e+00;
	v42 =	vadd.f32 v38, v40  }
0x236: {  	v53 =	vimm.s32 $0x0;
	v55 =	vimm.s32 $0x0;
	v43 =	vld [tilespmem:s19+$0x100];
	v35 =	vnsel vm0, $0x0, v2  }
0x237: {  	s20 =	sadd.s32 $0x0, s7;
	vm1 =	vle.f32 v7, $5.000000000e+00;
	vm0 =	vle.f32 v9, $5.000000000e+00;
	v44 =	vadd.f32 v39, v42  }
0x238: {  	v56 =	vor.u32 s20, v0;
	v45 =	vld [tilespmem:s19+$0x180];
	v33 =	vnsel vm1, $0x0, v3;
	v36 =	vnsel vm0, $0x0, v5  }
0x239: {  	vm1 =	vle.f32 v11, $5.000000000e+00;
	vm0 =	vle.f32 v13, $5.000000000e+00;
	v7 =	vadd.f32 v41, v44  }
0x23a: {  	v3 =	vld [tilespmem:s19+$0x200];
	v34 =	vnsel vm1, $0x0, v6;
	v37 =	vnsel vm0, $0x0, v8;
	vm1 =	vle.f32 v15, $5.000000000e+00  }
0x23b: {  	vm2 =	vle.f32 v17, $5.000000000e+00;
	vm0 =	vle.f32 v19, $5.000000000e+00;
	v9 =	vadd.f32 v43, v7  }
0x23c: {  	v11 =	vld [tilespmem:s19+$0x280];
	v2 =	vnsel vm1, $0x0, v10;
	v4 =	vnsel vm2, $0x0, v12;
	v5 =	vnsel vm0, $0x0, v14  }
0x23d: {  	vm1 =	vle.f32 v21, $5.000000000e+00;
	vm0 =	vle.f32 v22, $5.000000000e+00;
	v13 =	vadd.f32 v45, v9  }
0x23e: {  	v8 =	vld [tilespmem:s19+$0x300];
	v6 =	vnsel vm1, $0x0, v16;
	v21 =	vnsel vm0, $0x0, v18;
	vm1 =	vle.f32 v24, $5.000000000e+00  }
0x23f: {  	vm2 =	vle.f32 v27, $5.000000000e+00;
	vm0 =	vle.f32 v29, $5.000000000e+00;
	v10 =	vadd.f32 v3, v13  }
0x240: {  	v12 =	vld [tilespmem:s19+$0x380];
	v22 =	vnsel vm1, $0x0, v20;
	v24 =	vnsel vm2, $0x0, v23;
	v29 =	vnsel vm0, $0x0, v25  }
0x241: {  	vm1 =	vle.f32 v31, $5.000000000e+00;
	vm0 =	vle.f32 v32, $5.000000000e+00;
	v14 =	vadd.f32 v11, v10  }
0x242: {  	v15 =	vld [tilespmem:s19+$0x400];
	v31 =	vnsel vm1, $0x0, v26;
	v32 =	vnsel vm0, $0x0, v28;
	vm1 =	vle.f32 v40, $5.000000000e+00  }
0x243: {  	v30 =	vnsel vm1, $0x0, v30;
	vm0 =	vle.f32 v44, $5.000000000e+00;
	v16 =	vadd.f32 v8, v14  }
0x244: {  	v17 =	vld [tilespmem:s19+$0x480];
	v28 =	vnsel vm0, $0x0, v39;
	vm0 =	vle.f32 v7, $5.000000000e+00;
	v7 =	vmulhi.u32 $0x38E38E39, v56  }
0x245: {  	v27 =	vnsel vm0, $0x0, v41;
	vm0 =	vle.f32 v9, $5.000000000e+00;
	v18 =	vadd.f32 v12, v16  }
0x246: {  	v23 =	vld [tilespmem:s19+$0x500];
	vm2 =	vle.f32 v42, $5.000000000e+00;
	v7 =	vshrl.u32 v7, $0x3;
	v20 =	vnsel vm0, $0x0, v43  }
0x247: {  	v7 =	vmul.u32 $0x24, v7;
	vm0 =	vle.f32 v13, $5.000000000e+00;
	v57 =	vadd.f32 v15, v18  }
0x248: {  	v58 =	vld [tilespmem:s19+$0x580];
	v26 =	vnsel vm2, $0x0, v38;
	v9 =	vimm.s32 $0x0;
	v25 =	vnsel vm0, $0x0, v45  }
0x249: {  	v42 =	vsub.s32 v56, v7;
	v56 =	vimm.s32 $0x0;
	v59 =	vadd.f32 v17, v57  }
0x24a: {  	v13 =	vld [tilespmem:s19+$0x600];
	vm1 =	vle.f32 v10, $5.000000000e+00;
	vm2 =	veq.s32 v42, $0x1;
	vm13 =	veq.s32 v42, $0x3  }
0x24b: {  	vm12 =	veq.s32 v42, $0x5;
	vm14 =	veq.s32 v42, $0x6;
	v10 =	vadd.f32 v23, v59  }
0x24c: {  	vm15 =	veq.s32 v42, $0x7;
	vm10 =	veq.s32 v42, $0x8;
	v19 =	vnsel vm1, $0x0, v3;
	v3 =	vld [tilespmem:s19+$0x680]  }
0x24d: {  	vm11 =	veq.s32 v42, $0x9;
	vm0 =	vle.f32 v14, $5.000000000e+00;
	v14 =	vadd.f32 v58, v10  }
0x24e: {  	v60 =	vld [tilespmem:s19+$0x700];
	vm9 =	veq.s32 v42, $0xA;
	vm8 =	veq.s32 v42, $0xB;
	vm5 =	veq.s32 v42, $0xC  }
0x24f: {  	v11 =	vnsel vm0, $0x0, v11;
	vm1 =	vle.f32 v16, $5.000000000e+00;
	v16 =	vadd.f32 v13, v14  }
0x250: {  	vm0 =	veq.s32 v42, $0x2;
	v7 =	vnsel vm1, $0x0, v8;
	vm3 =	vle.f32 v18, $5.000000000e+00;
	v18 =	vld [tilespmem:s19+$0x780]  }
0x251: {  	v8 =	vnsel vm3, $0x0, v12;
	vm3 =	veq.s32 v42, $0x4;
	v12 =	vadd.f32 v3, v16  }
0x252: {  	v61 =	vld [tilespmem:s19+$0x800];
	vm1 =	veq.s32 v42, $0x0;
	v9 =	vsel vm3, $0xFFFFFFFF, v9;
	vm3 =	vle.f32 v57, $5.000000000e+00  }
0x253: {  	[tilespmem:$0x1FDD0] =	vst v9;
	v9 =	vnsel vm3, $0x0, v15;
	vm3 =	vle.f32 v59, $5.000000000e+00;
	v62 =	vadd.f32 v60, v12  }
0x254: {  	v63 =	vld [tilespmem:s19+$0x880];
	v57 =	vimm.s32 $0x0;
	v59 =	vimm.s32 $0x0;
	v15 =	vnsel vm3, $0x0, v17  }
0x255: {  	vm4 =	vle.f32 v10, $5.000000000e+00;
	vm6 =	vle.f32 v14, $5.000000000e+00;
	v14 =	vadd.f32 v18, v62  }
0x256: {  	v10 =	vnsel vm6, $0x0, v58;
	vm6 =	veq.s32 v42, $0xE;
	v58 =	vimm.s32 $0x0  }
0x257: {  	vm3 =	vle.f32 v16, $5.000000000e+00;
	v16 =	vnsel vm4, $0x0, v23;
	v23 =	vadd.f32 v61, v14  }
0x258: {  	vm4 =	veq.s32 v42, $0xD;
	vm7 =	vle.f32 v12, $5.000000000e+00;
	v12 =	vnsel vm3, $0x0, v13  }
0x259: {  	v17 =	vnsel vm7, $0x0, v3;
	vm3 =	vle.f32 v62, $5.000000000e+00;
	v45 =	vadd.f32 v63, v23  }
0x25a: {  	vm7 =	veq.s32 v42, $0xF;
	v13 =	vnsel vm3, $0x0, v60;
	vm3 =	vle.f32 v14, $5.000000000e+00  }
0x25b: {  	v52 =	vld [tilespmem:$0x1FDD0];
	v14 =	vnsel vm3, $0x0, v18;
	vm3 =	vle.f32 v23, $5.000000000e+00;
	v23 =	vsub.f32 $5.000000000e+00, v45  }
0x25c: {  	v62 =	vimm.s32 $0x0;
	v18 =	vnsel vm3, $0x0, v61;
	vm3 =	vle.f32 v45, $5.000000000e+00  }
0x25d: {  	v3 =	vnsel vm3, $0x0, v63;
	vm3 =	vle.f32 v1, $5.000000000e+00;
	v23 =	vmax.f32 v23, $0.0e+00  }
0x25e: {  	v60 =	vimm.s32 $0x0;
	v1 =	vnsel vm3, $0x0, v1;
	v46 =	vnsel vm1, $0x0, v23  }
0x25f: {  	v47 =	vnsel vm2, $0x0, v23;
	v48 =	vnsel vm0, $0x0, v23;
	vm0 =	veq.s32 v42, $0x13  }
0x260: {  	v1 =	vadd.f32 v46, v1;
	v39 =	vsel vm0, $0xFFFFFFFF, v51;
	vm0 =	vnez.u8 v52  }
0x261: {  	v38 =	vadd.f32 v48, v33;
	[tilespmem:$0x1FDC0] =	vst v39;
	v33 =	vnsel vm0, $0x0, v23;
	vm0 =	veq.s32 v42, $0x14  }
0x262: {  	v49 =	vadd.f32 v47, v35;
	v39 =	vsel vm0, $0xFFFFFFFF, v53;
	vm0 =	veq.s32 v42, $0x15;
	[tilespmem:s19+$0xFFFFF700] =	vst v1  }
0x263: {  	v54 =	vnsel vm12, $0x0, v23;
	[tilespmem:$0x1FDE0] =	vst v39;
	v39 =	vsel vm0, $0xFFFFFFFF, v55;
	vm0 =	veq.s32 v42, $0x16  }
0x264: {  	v33 =	vadd.f32 v33, v34;
	[tilespmem:s19+$0xFFFFF780] =	vst v49;
	v34 =	vsel vm0, $0xFFFFFFFF, v56;
	vm0 =	veq.s32 v42, $0x17  }
0x265: {  	[tilespmem:$0x1FE00] =	vst v34;
	v34 =	vadd.f32 v54, v37;
	v37 =	vsel vm0, $0xFFFFFFFF, v57;
	vm0 =	veq.s32 v42, $0x18  }
0x266: {  	v61 =	vimm.s32 $0x0;
	[tilespmem:$0x1FE10] =	vst v37;
	v37 =	vsel vm0, $0xFFFFFFFF, v58;
	vm0 =	veq.s32 v42, $0x19  }
0x267: {  	v63 =	vimm.s32 $0x0;
	[tilespmem:$0x1FE20] =	vst v37;
	v37 =	vsel vm0, $0xFFFFFFFF, v59;
	vm0 =	veq.s32 v42, $0x1A  }
0x268: {  	vm3 =	veq.s32 v42, $0x10;
	[tilespmem:$0x1FE30] =	vst v37;
	v37 =	vsel vm0, $0xFFFFFFFF, v60;
	vm0 =	veq.s32 v42, $0x1B  }
0x269: {  	vm1 =	veq.s32 v42, $0x11;
	[tilespmem:$0x1FE40] =	vst v37;
	v37 =	vsel vm0, $0xFFFFFFFF, v61;
	vm0 =	veq.s32 v42, $0x1C  }
0x26a: {  	vm2 =	veq.s32 v42, $0x12;
	[tilespmem:$0x1FE50] =	vst v37;
	v37 =	vsel vm0, $0xFFFFFFFF, v62;
	vm0 =	veq.s32 v42, $0x1D  }
0x26b: {  	v1 =	vimm.s32 $0x0;
	[tilespmem:$0x1FE60] =	vst v37;
	v37 =	vsel vm0, $0xFFFFFFFF, v63;
	vm0 =	veq.s32 v42, $0x1E  }
0x26c: {  	v50 =	vnsel vm13, $0x0, v23;
	vm13 =	veq.s32 v42, $0x22;
	[tilespmem:$0x1FDF0] =	vst v39;
	v1 =	vsel vm0, $0xFFFFFFFF, v1  }
0x26d: {  	vm12 =	veq.s32 v42, $0x23;
	vm0 =	veq.s32 v42, $0x1F;
	[tilespmem:$0x1FE80] =	vst v1;
	v1 =	vimm.s32 $0x0  }
0x26e: {  	s20 =	simm.s32 $0x910;
	v35 =	vadd.f32 v50, v36;
	v36 =	vnsel vm15, $0x0, v23;
	[tilespmem:$0x1FE70] =	vst v37;
	v1 =	vsel vm0, $0xFFFFFFFF, v1  }
0x26f: {  	s21 =	simm.s32 $0x10;
	s22 =	simm.s32 $0x20;
	vm15 =	veq.s32 v42, $0x21;
	v39 =	vnsel vm14, $0x0, v23;
	vm14 =	veq.s32 v42, $0x20;
	[tilespmem:$0x1FE90] =	vst v1;
	v1 =	vld [tilespmem:s20+$0xFFFFF700]  }
.LBB2_5:
0x270: {  	v4 =	vadd.f32 v36, v4;
	v63 =	vnsel vm10, $0x0, v23;
	v40 =	vnsel vm11, $0x0, v23  }
0x271: {  	v42 =	vnsel vm8, $0x0, v23;
	v45 =	vnsel vm4, $0x0, v23;
	v5 =	vadd.f32 v63, v5  }
0x272: {  	v37 =	vld [tilespmem:s20+$0xFFFFF780];
	v6 =	vadd.f32 v40, v6;
	[tilespmem:s19+$0xFFFFFA80] =	vst v4;
	v4 =	vadd.f32 v45, v29;
	v29 =	vnsel vm7, $0x0, v23  }
0x273: {  	v22 =	vadd.f32 v42, v22;
	[tilespmem:s19+$0xFFFFFB00] =	vst v5;
	v5 =	vadd.f32 v29, v32;
	v29 =	vnsel vm3, $0x0, v23  }
0x274: {  	v2 =	vadd.f32 v39, v2;
	[tilespmem:s19+$0xFFFFFB80] =	vst v6;
	v6 =	vadd.f32 v29, v30;
	v30 =	vnsel vm2, $0x0, v23  }
0x275: {  	v44 =	vnsel vm5, $0x0, v23;
	v46 =	vadd.f32 $0.0e+00, v1;
	[tilespmem:s19+$0xFFFFFC80] =	vst v22;
	v22 =	vadd.f32 v30, v28;
	v28 =	vld [tilespmem:$0x1FDC0]  }
0x276: {  	[tilespmem:s19+$0xFFFFFA00] =	vst v2;
	v2 =	vadd.f32 v44, v24;
	v24 =	vnsel vm6, $0x0, v23  }
0x277: {  	[tilespmem:s19+$0xFFFFF800] =	vst v38;
	v24 =	vadd.f32 v24, v31;
	v31 =	vadd.f32 v37, v46  }
0x278: {  	v43 =	vld [tilespmem:s20+$0xFFFFF800]  }
0x279: {  	[tilespmem:s19+$0xFFFFF880] =	vst v35;
	vm0 =	vle.f32 v31, $5.000000000e+00  }
0x27a: {  	v47 =	vld [tilespmem:s20+$0xFFFFF880];
	v49 =	vnsel vm0, $0x0, v37;
	vm0 =	vnez.u8 v28  }
0x27b: {  	[tilespmem:s19+$0xFFFFFD80] =	vst v4;
	v4 =	vld [tilespmem:$0x1FDE0];
	v28 =	vnsel vm0, $0x0, v23  }
0x27c: {  	v41 =	vnsel vm9, $0x0, v23;
	[tilespmem:s19+$0xFFFFFD00] =	vst v2;
	v2 =	vadd.f32 v28, v27;
	v28 =	vld [tilespmem:$0x1FDF0]  }
0x27d: {  	v21 =	vadd.f32 v41, v21;
	v31 =	vadd.f32 v43, v31  }
0x27e: {  	v29 =	vnsel vm1, $0x0, v23;
	[tilespmem:s19+$0xFFFFFE00] =	vst v24;
	v24 =	vld [tilespmem:$0x1FE00]  }
0x27f: {  	[tilespmem:s19+$0xFFFFFC00] =	vst v21;
	v21 =	vadd.f32 v29, v26;
	vm0 =	vle.f32 v31, $5.000000000e+00  }
0x280: {  	[tilespmem:s19+$0xFFFFF900] =	vst v33;
	v29 =	vadd.f32 v47, v31;
	v50 =	vnsel vm0, $0x0, v43;
	vm0 =	vnez.u8 v4  }
0x281: {  	v48 =	vld [tilespmem:s20+$0xFFFFF900];
	v4 =	vnsel vm0, $0x0, v23;
	vm0 =	vnez.u8 v28  }
0x282: {  	[tilespmem:s19+$0xFFFFF980] =	vst v34;
	v28 =	vnsel vm0, $0x0, v23;
	vm0 =	vle.f32 v29, $5.000000000e+00  }
0x283: {  	v26 =	vld [tilespmem:s20+$0xFFFFF980];
	v51 =	vnsel vm0, $0x0, v47;
	vm0 =	vnez.u8 v24  }
0x284: {  	[tilespmem:s19+$0xFFFFFF80] =	vst v21;
	v21 =	vld [tilespmem:$0x1FE10];
	v24 =	vnsel vm0, $0x0, v23  }
0x285: {  	[tilespmem:s19+$0xFFFFFF00] =	vst v6;
	v6 =	vadd.f32 v24, v19;
	v24 =	vld [tilespmem:$0x1FE20]  }
0x286: {  	v27 =	vld [tilespmem:s20+$0xFFFFFA00];
	v29 =	vadd.f32 v48, v29  }
0x287: {  	v4 =	vadd.f32 v4, v20;
	[tilespmem:s19+$0x80] =	vst v2;
	v2 =	vld [tilespmem:$0x1FE30]  }
0x288: {  	[tilespmem:s19+$0xFFFFFE80] =	vst v5;
	v5 =	vadd.f32 v28, v25;
	vm0 =	vle.f32 v29, $5.000000000e+00  }
0x289: {  	[tilespmem:s19+$0x100] =	vst v4;
	v4 =	vld [tilespmem:$0x1FE40];
	v25 =	vadd.f32 v26, v29;
	v52 =	vnsel vm0, $0x0, v48;
	vm0 =	vnez.u8 v21  }
0x28a: {  	[tilespmem:s19+$0x180] =	vst v5;
	v5 =	vld [tilespmem:$0x1FE50];
	v21 =	vnsel vm0, $0x0, v23;
	vm0 =	vnez.u8 v24  }
0x28b: {  	v24 =	vnsel vm0, $0x0, v23;
	vm0 =	vle.f32 v25, $5.000000000e+00;
	v25 =	vadd.f32 v27, v25  }
0x28c: {  	v53 =	vnsel vm0, $0x0, v26;
	vm0 =	vnez.u8 v2  }
0x28d: {  	v2 =	vnsel vm0, $0x0, v23;
	vm0 =	vle.f32 v25, $5.000000000e+00  }
0x28e: {  	v20 =	vld [tilespmem:s20+$0xFFFFFA80];
	v8 =	vadd.f32 v2, v8;
	v2 =	vnsel vm0, $0x0, v27;
	vm0 =	vnez.u8 v4  }
0x28f: {  	v11 =	vadd.f32 v21, v11;
	v4 =	vnsel vm0, $0x0, v23;
	vm0 =	vnez.u8 v5  }
0x290: {  	v19 =	vld [tilespmem:s20+$0xFFFFFB00];
	v5 =	vnsel vm0, $0x0, v23  }
0x291: {  	[tilespmem:s19+$0x280] =	vst v11;
	v11 =	vadd.f32 v5, v15;
	v5 =	vld [tilespmem:$0x1FE60];
	_ =	sdelay $0x1  }
0x292: {  	[tilespmem:s19+$0x0] =	vst v22;
	v22 =	vadd.f32 v20, v25;
	_ =	sdelay $0x1  }
0x293: {  	v7 =	vadd.f32 v24, v7;
	vm0 =	vle.f32 v22, $5.000000000e+00;
	v22 =	vadd.f32 v19, v22  }
0x294: {  	[tilespmem:s19+$0x200] =	vst v6;
	v6 =	vadd.f32 v4, v9;
	v4 =	vnsel vm0, $0x0, v20;
	vm0 =	vnez.u8 v5  }
0x295: {  	[tilespmem:s19+$0x380] =	vst v8;
	v8 =	vld [tilespmem:$0x1FE70];
	v5 =	vnsel vm0, $0x0, v23;
	vm0 =	vle.f32 v22, $5.000000000e+00  }
0x296: {  	[tilespmem:s19+$0x300] =	vst v7;
	v7 =	vadd.f32 v5, v16;
	v5 =	vnsel vm0, $0x0, v19;
	v19 =	vld [tilespmem:$0x1FE80];
	_ =	sdelay $0x3  }
0x297: {  	v21 =	vld [tilespmem:s20+$0xFFFFFB80];
	vm0 =	vnez.u8 v8  }
0x298: {  	v8 =	vnsel vm0, $0x0, v23;
	vm0 =	vnez.u8 v19  }
0x299: {  	v24 =	vld [tilespmem:s20+$0xFFFFFC00];
	v19 =	vnsel vm0, $0x0, v23  }
0x29a: {  	[tilespmem:s19+$0x480] =	vst v11;
	v11 =	vadd.f32 v19, v12;
	v12 =	vld [tilespmem:$0x1FE90]  }
0x29b: {  	v9 =	vld [tilespmem:s20+$0xFFFFFC80]  }
0x29c: {  	v15 =	vadd.f32 v21, v22  }
0x29d: {  	v16 =	vld [tilespmem:s20+$0xFFFFFD00];
	v8 =	vadd.f32 v8, v10  }
0x29e: {  	[tilespmem:s19+$0x400] =	vst v6;
	vm0 =	vle.f32 v15, $5.000000000e+00;
	v15 =	vadd.f32 v24, v15  }
0x29f: {  	v10 =	vld [tilespmem:s20+$0xFFFFFD80];
	[tilespmem:s19+$0x580] =	vst v8;
	v8 =	vnsel vm14, $0x0, v23;
	v6 =	vnsel vm0, $0x0, v21;
	vm0 =	vnez.u8 v12  }
0x2a0: {  	v12 =	vnsel vm0, $0x0, v23;
	vm0 =	vle.f32 v15, $5.000000000e+00;
	v15 =	vadd.f32 v9, v15  }
0x2a1: {  	[tilespmem:s19+$0x500] =	vst v7;
	v8 =	vadd.f32 v8, v13;
	v7 =	vadd.f32 v12, v17;
	v12 =	vld [tilespmem:s20+$0xFFFFFE00]  }
0x2a2: {  	v21 =	vnsel vm0, $0x0, v24;
	vm0 =	vle.f32 v15, $5.000000000e+00;
	v15 =	vadd.f32 v16, v15  }
0x2a3: {  	[tilespmem:s19+$0x600] =	vst v11;
	v11 =	vnsel vm13, $0x0, v23;
	v17 =	vnsel vm15, $0x0, v23;
	v22 =	vnsel vm0, $0x0, v9;
	v9 =	vld [tilespmem:s20+$0xFFFFFE80]  }
0x2a4: {  	[tilespmem:s19+$0x680] =	vst v7;
	v7 =	vadd.f32 v17, v14;
	vm0 =	vle.f32 v15, $5.000000000e+00;
	v13 =	vadd.f32 v10, v15  }
0x2a5: {  	[tilespmem:s19+$0x700] =	vst v8;
	v8 =	vadd.f32 v11, v18;
	v11 =	vld [tilespmem:s20+$0xFFFFFF00];
	v24 =	vnsel vm0, $0x0, v16  }
0x2a6: {  	[tilespmem:s19+$0x780] =	vst v7;
	v7 =	vnsel vm12, $0x0, v23;
	vm0 =	vle.f32 v13, $5.000000000e+00;
	v13 =	vadd.f32 v12, v13  }
0x2a7: {  	v3 =	vadd.f32 v7, v3;
	v7 =	vld [tilespmem:s20+$0xFFFFFF80]  }
0x2a8: {  	[tilespmem:s19+$0x800] =	vst v8;
	v8 =	vadd.f32 v9, v13  }
0x2a9: {  	v29 =	vnsel vm0, $0x0, v10;
	vm0 =	vle.f32 v13, $5.000000000e+00;
	[tilespmem:s19+$0x880] =	vst v3;
	v3 =	vld [tilespmem:s20+$0x0]  }
0x2aa: {  	v31 =	vnsel vm0, $0x0, v12;
	vm0 =	vle.f32 v8, $5.000000000e+00;
	v8 =	vadd.f32 v11, v8  }
0x2ab: {  	v32 =	vnsel vm0, $0x0, v9;
	v9 =	vld [tilespmem:s20+$0x80]  }
0x2ac: {  	vm0 =	vle.f32 v8, $5.000000000e+00;
	v8 =	vadd.f32 v7, v8  }
0x2ad: {  	v10 =	vld [tilespmem:s20+$0x100]  }
0x2ae: {  	v30 =	vnsel vm0, $0x0, v11;
	vm0 =	vle.f32 v8, $5.000000000e+00;
	v8 =	vadd.f32 v3, v8  }
0x2af: {  	v26 =	vnsel vm0, $0x0, v7;
	v7 =	vld [tilespmem:s20+$0x180]  }
0x2b0: {  	vm0 =	vle.f32 v8, $5.000000000e+00;
	v8 =	vadd.f32 v9, v8  }
0x2b1: {  	v28 =	vnsel vm0, $0x0, v3;
	v3 =	vld [tilespmem:s20+$0x200]  }
0x2b2: {  	vm0 =	vle.f32 v8, $5.000000000e+00;
	v8 =	vadd.f32 v10, v8  }
0x2b3: {  	v27 =	vnsel vm0, $0x0, v9;
	v9 =	vld [tilespmem:s20+$0x280]  }
0x2b4: {  	vm0 =	vle.f32 v8, $5.000000000e+00;
	v8 =	vadd.f32 v7, v8  }
0x2b5: {  	s23 =	sadd.s32 s21, s7;
	v20 =	vnsel vm0, $0x0, v10;
	v10 =	vld [tilespmem:s20+$0x300]  }
0x2b6: {  	v12 =	vor.u32 s23, v0;
	vm0 =	vle.f32 v8, $5.000000000e+00;
	v8 =	vadd.f32 v3, v8  }
0x2b7: {  	v25 =	vnsel vm0, $0x0, v7;
	v7 =	vmulhi.u32 $0x38E38E39, v12  }
0x2b8: {  	vm0 =	vle.f32 v8, $5.000000000e+00;
	v8 =	vadd.f32 v9, v8  }
0x2b9: {  	v19 =	vnsel vm0, $0x0, v3;
	v7 =	vshrl.u32 v7, $0x3  }
0x2ba: {  	v13 =	vld [tilespmem:s20+$0x380];
	vm0 =	vle.f32 v8, $5.000000000e+00;
	v8 =	vadd.f32 v10, v8;
	v7 =	vmul.u32 $0x24, v7;
	_ =	sdelay $0x1  }
0x2bb: {  	v3 =	vld [tilespmem:s20+$0x400];
	v11 =	vnsel vm0, $0x0, v9;
	vm0 =	vle.f32 v8, $5.000000000e+00;
	v54 =	vsub.s32 v12, v7  }
0x2bc: {  	v9 =	vimm.s32 $0x0;
	v7 =	vnsel vm0, $0x0, v10;
	vm0 =	veq.s32 v54, $0x0  }
0x2bd: {  	v9 =	vsel vm0, $0xFFFFFFFF, v9  }
0x2be: {  	v8 =	vadd.f32 v13, v8;
	vm0 =	veq.s32 v54, $0x1;
	[tilespmem:$0x1FD40] =	vst v9;
	v9 =	vimm.s32 $0x0  }
0x2bf: {  	vm1 =	veq.s32 v54, $0x2;
	v9 =	vsel vm0, $0xFFFFFFFF, v9  }
0x2c0: {  	vm0 =	vle.f32 v8, $5.000000000e+00;
	[tilespmem:$0x1FD50] =	vst v9;
	v9 =	vadd.f32 v3, v8;
	v8 =	vimm.s32 $0x0  }
0x2c1: {  	v14 =	vld [tilespmem:s20+$0x480];
	v8 =	vsel vm1, $0xFFFFFFFF, v8  }
0x2c2: {  	[tilespmem:$0x1FD60] =	vst v8;
	v8 =	vnsel vm0, $0x0, v13;
	vm0 =	veq.s32 v54, $0x3;
	v13 =	vimm.s32 $0x0  }
0x2c3: {  	v13 =	vsel vm0, $0xFFFFFFFF, v13  }
0x2c4: {  	vm0 =	veq.s32 v54, $0x4;
	[tilespmem:$0x1FD70] =	vst v13;
	v13 =	vimm.s32 $0x0  }
0x2c5: {  	v10 =	vld [tilespmem:s20+$0x500];
	vm1 =	vle.f32 v9, $5.000000000e+00;
	v13 =	vsel vm0, $0xFFFFFFFF, v13  }
0x2c6: {  	vm0 =	veq.s32 v54, $0x5;
	[tilespmem:$0x1FD80] =	vst v13;
	v13 =	vadd.f32 v14, v9;
	v9 =	vimm.s32 $0x0  }
0x2c7: {  	v15 =	vimm.s32 $0x0;
	v12 =	vld [tilespmem:s20+$0x580];
	v9 =	vsel vm0, $0xFFFFFFFF, v9;
	vm0 =	veq.s32 v54, $0x6  }
0x2c8: {  	[tilespmem:$0x1FD90] =	vst v9;
	v15 =	vsel vm0, $0xFFFFFFFF, v15  }
0x2c9: {  	v9 =	vnsel vm1, $0x0, v3;
	v3 =	vld [tilespmem:s20+$0x600];
	vm0 =	veq.s32 v54, $0x7;
	[tilespmem:$0x1FDA0] =	vst v15;
	v15 =	vimm.s32 $0x0  }
0x2ca: {  	vm1 =	vle.f32 v13, $5.000000000e+00;
	v13 =	vadd.f32 v10, v13;
	v15 =	vsel vm0, $0xFFFFFFFF, v15  }
0x2cb: {  	[tilespmem:$0x1FDB0] =	vst v15;
	v15 =	vnsel vm1, $0x0, v14;
	v14 =	vld [tilespmem:s20+$0x680]  }
0x2cc: {  	vm1 =	vle.f32 v13, $5.000000000e+00;
	v13 =	vadd.f32 v12, v13;
	_ =	sdelay $0x1  }
0x2cd: {  	v16 =	vnsel vm1, $0x0, v10;
	vm1 =	vle.f32 v13, $5.000000000e+00;
	v13 =	vadd.f32 v3, v13  }
0x2ce: {  	v17 =	vimm.s32 $0x0;
	vm0 =	veq.s32 v54, $0x13  }
0x2cf: {  	v18 =	vld [tilespmem:s20+$0x700];
	v17 =	vsel vm0, $0xFFFFFFFF, v17;
	vm2 =	vle.f32 v13, $5.000000000e+00;
	v13 =	vadd.f32 v14, v13  }
0x2d0: {  	vm12 =	veq.s32 v54, $0x14;
	[tilespmem:$0x1FDC0] =	vst v17;
	v17 =	vimm.s32 $0x0  }
0x2d1: {  	v23 =	vld [tilespmem:s20+$0x780];
	v17 =	vsel vm12, $0xFFFFFFFF, v17;
	vm0 =	vle.f32 v13, $5.000000000e+00  }
0x2d2: {  	[tilespmem:$0x1FDE0] =	vst v17;
	v17 =	vnsel vm0, $0x0, v14;
	vm0 =	veq.s32 v54, $0x15;
	v14 =	vimm.s32 $0x0  }
0x2d3: {  	v14 =	vsel vm0, $0xFFFFFFFF, v14  }
0x2d4: {  	v13 =	vadd.f32 v18, v13;
	vm0 =	veq.s32 v54, $0x16;
	[tilespmem:$0x1FDF0] =	vst v14;
	v14 =	vimm.s32 $0x0  }
0x2d5: {  	vm12 =	veq.s32 v54, $0x17;
	v14 =	vsel vm0, $0xFFFFFFFF, v14  }
0x2d6: {  	vm0 =	vle.f32 v13, $5.000000000e+00;
	[tilespmem:$0x1FE00] =	vst v14;
	v14 =	vadd.f32 v23, v13;
	v13 =	vimm.s32 $0x0  }
0x2d7: {  	v10 =	vnsel vm1, $0x0, v12;
	v12 =	vnsel vm2, $0x0, v3;
	v3 =	vld [tilespmem:s20+$0x800];
	v13 =	vsel vm12, $0xFFFFFFFF, v13  }
0x2d8: {  	[tilespmem:$0x1FE10] =	vst v13;
	v13 =	vnsel vm0, $0x0, v18;
	vm0 =	veq.s32 v54, $0x18;
	v18 =	vimm.s32 $0x0  }
0x2d9: {  	v18 =	vsel vm0, $0xFFFFFFFF, v18  }
0x2da: {  	vm0 =	veq.s32 v54, $0x19;
	[tilespmem:$0x1FE20] =	vst v18;
	v18 =	vimm.s32 $0x0  }
0x2db: {  	vm12 =	veq.s32 v54, $0x1A;
	v18 =	vsel vm0, $0xFFFFFFFF, v18  }
0x2dc: {  	vm0 =	vle.f32 v14, $5.000000000e+00;
	[tilespmem:$0x1FE30] =	vst v18;
	v18 =	vadd.f32 v3, v14;
	v14 =	vimm.s32 $0x0  }
0x2dd: {  	v55 =	vld [tilespmem:s20+$0x880];
	v14 =	vsel vm12, $0xFFFFFFFF, v14  }
0x2de: {  	[tilespmem:$0x1FE40] =	vst v14;
	v14 =	vnsel vm0, $0x0, v23;
	vm0 =	veq.s32 v54, $0x1B;
	v23 =	vimm.s32 $0x0  }
0x2df: {  	v23 =	vsel vm0, $0xFFFFFFFF, v23  }
0x2e0: {  	vm0 =	veq.s32 v54, $0x1C;
	[tilespmem:$0x1FE50] =	vst v23;
	v23 =	vimm.s32 $0x0  }
0x2e1: {  	vm12 =	veq.s32 v54, $0x1D;
	v23 =	vsel vm0, $0xFFFFFFFF, v23  }
0x2e2: {  	vm0 =	vle.f32 v18, $5.000000000e+00;
	[tilespmem:$0x1FE60] =	vst v23;
	v23 =	vadd.f32 v55, v18;
	v18 =	vimm.s32 $0x0  }
0x2e3: {  	v18 =	vsel vm12, $0xFFFFFFFF, v18  }
0x2e4: {  	v56 =	vld [tilespmem:$0x1FD40];
	[tilespmem:$0x1FE70] =	vst v18;
	v18 =	vnsel vm0, $0x0, v3;
	vm0 =	veq.s32 v54, $0x1E;
	v3 =	vimm.s32 $0x0  }
0x2e5: {  	v3 =	vsel vm0, $0xFFFFFFFF, v3  }
0x2e6: {  	vm0 =	veq.s32 v54, $0x1F;
	[tilespmem:$0x1FE80] =	vst v3;
	v3 =	vimm.s32 $0x0  }
0x2e7: {  	v3 =	vsel vm0, $0xFFFFFFFF, v3;
	vm0 =	vle.f32 v23, $5.000000000e+00;
	v23 =	vsub.f32 $5.000000000e+00, v23  }
0x2e8: {  	[tilespmem:$0x1FE90] =	vst v3;
	v3 =	vnsel vm0, $0x0, v55;
	vm0 =	vle.f32 v1, $5.000000000e+00  }
0x2e9: {  	v57 =	vld [tilespmem:$0x1FD50];
	v23 =	vmax.f32 v23, $0.0e+00;
	v1 =	vnsel vm0, $0x0, v1;
	vm0 =	vnez.u8 v56  }
0x2ea: {  	vm10 =	veq.s32 v54, $0x8;
	vm11 =	veq.s32 v54, $0x9;
	v58 =	vld [tilespmem:$0x1FD60];
	v38 =	vnsel vm0, $0x0, v23  }
0x2eb: {  	vm9 =	veq.s32 v54, $0xA;
	vm8 =	veq.s32 v54, $0xB;
	v59 =	vld [tilespmem:$0x1FD70];
	v1 =	vadd.f32 v38, v1  }
0x2ec: {  	s19 =	smov.u32 s20;
	vm5 =	veq.s32 v54, $0xC;
	vm4 =	veq.s32 v54, $0xD;
	vm6 =	veq.s32 v54, $0xE;
	v60 =	vld [tilespmem:$0x1FD80]  }
0x2ed: {  	vm7 =	veq.s32 v54, $0xF;
	vm3 =	veq.s32 v54, $0x10;
	vm14 =	veq.s32 v54, $0x20;
	[tilespmem:s19+$0xFFFFF700] =	vst v1;
	v1 =	vld [tilespmem:$0x1FD90]  }
0x2ee: {  	vm15 =	veq.s32 v54, $0x21;
	vm13 =	veq.s32 v54, $0x22;
	v62 =	vld [tilespmem:$0x1FDA0];
	vm0 =	vnez.u8 v57  }
0x2ef: {  	v63 =	vld [tilespmem:$0x1FDB0];
	vm1 =	veq.s32 v54, $0x11;
	v39 =	vnsel vm0, $0x0, v23;
	vm0 =	vnez.u8 v58  }
0x2f0: {  	p1 =	sne.s32 s22, $0x70;
	vm2 =	veq.s32 v54, $0x12;
	v33 =	vnsel vm0, $0x0, v23;
	vm0 =	vnez.u8 v59  }
.Ltmp4:
0x2f1: {  	v38 =	vadd.f32 v33, v50;
	v33 =	vnsel vm0, $0x0, v23;
	vm0 =	vnez.u8 v60;
	(pc) =	sbr.rel @p1 .LBB2_5-.Ltmp4, $4  }
0x2f2: {  	v39 =	vadd.f32 v39, v49;
	v34 =	vnsel vm0, $0x0, v23;
	vm0 =	vnez.u8 v1  }
0x2f3: {  	vm12 =	veq.s32 v54, $0x23;
	v61 =	vnsel vm0, $0x0, v23;
	vm0 =	vnez.u8 v62  }
0x2f4: {  	s20 =	sadd.s32 $0x10, s20;
	v35 =	vadd.f32 v33, v51;
	[tilespmem:s19+$0xFFFFF780] =	vst v39;
	v39 =	vnsel vm0, $0x0, v23;
	vm0 =	vnez.u8 v63  }
0x2f5: {  	s21 =	smov.u32 s22;
	s22 =	sadd.s32 $0x10, s22;
	v33 =	vadd.f32 v34, v52;
	v1 =	vld [tilespmem:s20+$0xFFFFF700];
	v34 =	vadd.f32 v61, v53;
	v36 =	vnsel vm0, $0x0, v23  }
.Ltmp5:
0x2f6: {  	_ = 	snop;
	(pc) =	sbr.rel .LBB2_6-.Ltmp5, $1  }
0x2f7: {  	_ =	sdelay $0x3  }
.LBB2_8:
0x2f8: {  	_ =	sfence.sel $0x180000  }
0x2f9: {  	[bflag:$0x0] =	sbarrier.arrive $0xFFFF  }
0x2fa: {  	p0 =	sne.s32 s1, $0x0;
	_ =	strace $0x90000047  }
0x2fb: {  	s0 =	sadd.s32 @!p0 $0x100000, s0;
	[bflag:$0x2] =	sbarrier.arrive $0xFFFF  }
0x2fc: {  	[sflag:s0] =	ssyncadd.tile.s32 @!p0 $0x1;
	_ =	shalt  }
.Lfunc_end2:
_tile_overlayer_lowered:
.L_overlay_start_2:
0x2fd: {  	(tag) =	ssettag $0x2  }
0x2fe: {  	s0 =	rddreg [dreg:$0x0];
	s2 =	stileid.u32  }
0x2ff: {  	s1 =	rddreg [dreg:$0x1];
	p0 =	sne.s32 s2, $0x0  }
0x300: {  	s3 =	rddreg [dreg:$0x2];
	[bflag:$0x3] =	sbarrier.arrive $0xFFFF;
	s2 =	simm.s32 @!p0 $0x1C02  }
0x301: {  	[timem:s3], [sflag:s2] =	dma.local @!p0 [hbm:s0], s1  }
0x302: {  	s0 =	simm.s32 @!p0 $0x2  }
0x303: {  	_ =	swait.ge @!p0 [sflag:s0], s1  }
0x304: {  	s1 =	ssub.s32 @!p0 $0x0, s1;
	[sflag:s0] =	ssyncset.done @!p0 $0x0  }
0x305: {  	[sflag:s0] =	ssyncadd.s32 @!p0 s1  }
0x306: {  	[bflag:$0x3] =	sbarrier.arrive $0xFFFF  }
0x307: {  	_ =	shalt  }

</sc_bundles>
